<compile_context>
chip_gen: v7x
topology: tpu7x:2x2x1
jax: 0.10.2.dev20260603
libtpu: 0.0.44.dev20260713+nightly
codegen_flags: <defaults>
</compile_context>

<pallas_src>
import functools

import jax
import jax.numpy as jnp
from jax import lax
from jax.experimental import pallas as pl
from jax.experimental.pallas import tpu as pltpu
from jax.experimental.pallas import tpu_sc as plsc

Q = 1024
D = 128
NK = 100000
KB = 2048
NB = 49
NKP = NB * KB
G = 128
NGB = KB // G
NG = NKP // G
K_SEL = 10

NC, NS = 2, 16
NW = NC * NS
RPW = Q // NW

KG = 16
PAD_GROUP = NK // G + 1

BIGF = 3.0e38


def _cdist_body(x_ref_blk, X_blk, s_out, m_out):
    j = pl.program_id(0)
    ones = (lax.broadcasted_iota(jnp.int32, (1, D), 1) >= 0).astype(
        jnp.float32)
    QC = 1024
    mins = []
    for t in range(NGB):
        Yt = x_ref_blk[pl.ds(t * G, G), :]
        y2 = lax.dot_general(ones, Yt * Yt, (((1,), (1,)), ((), ())),
                             preferred_element_type=jnp.float32)
        col = (j * NGB + t) * G + lax.broadcasted_iota(jnp.int32, (1, G), 1)
        pad = col >= NK
        mt_parts = []
        for qc in range(Q // QC):
            Xc = X_blk[pl.ds(qc * QC, QC), :]
            xy = lax.dot_general(Xc, Yt, (((1,), (1,)), ((), ())),
                                 preferred_element_type=jnp.float32)
            st = y2 - 2.0 * xy
            st = jnp.where(pad, BIGF, st)
            sp = pltpu.bitcast(st.astype(jnp.bfloat16), jnp.int32)
            s_out[pl.ds(qc * (QC // 16), QC // 16), t, :, :] = sp.reshape(
                QC // 16, 8, G)
            mt_parts.append(jnp.min(st, axis=1, keepdims=True))
        mins.append(jnp.concatenate(mt_parts, axis=0))
    m_out[...] = jnp.concatenate(mins, axis=1).reshape(1, Q, NGB)


def _select_groups_body(m_ref, idx_out):
    M = m_ref[...]
    giota = lax.broadcasted_iota(jnp.int32, (Q, NG), 1)
    row = lax.broadcasted_iota(jnp.int32, (Q, 1), 0)
    cols = []
    for _ in range(K_SEL):
        m = jnp.min(M, axis=1, keepdims=True)
        eq = M == m
        gidx = jnp.min(jnp.where(eq, giota, jnp.int32(2**30)), axis=1,
                       keepdims=True)
        cols.append((row // 16) * (NG * 8) + gidx * 8 + (row // 2) % 8)
        M = jnp.where(giota == gidx, BIGF, M)
    pad_col = (row // 16) * (NG * 8) + PAD_GROUP * 8 + (row // 2) % 8
    cols.extend([pad_col] * (KG - K_SEL))
    idx_out[...] = jnp.concatenate(cols, axis=1)


def _gather_body(s_tab, idx_hbm, out_hbm, idx_v, rows_v, sem):
    wid = lax.axis_index("s") * NC + lax.axis_index("c")
    base = wid * RPW
    pltpu.sync_copy(idx_hbm.at[pl.ds(base, RPW)], idx_v)
    for c0 in range(0, RPW, 16):
        handles = [
            pltpu.async_copy(s_tab.at[idx_v.at[c0 + i]],
                             rows_v.at[c0 + i], sem)
            for i in range(16)
        ]
        for h in handles:
            h.wait()
    pltpu.sync_copy(rows_v, out_hbm.at[pl.ds(base, RPW)])


def _kth_body(cand_ref, X_ref, out_ref):
    u = cand_ref[...]
    odd = lax.broadcasted_iota(jnp.int32, (Q, 1), 0) % 2 == 1
    bits = jnp.where(odd, (u >> 16) << 16, u << 16)
    vals = lax.bitcast_convert_type(bits, jnp.float32)
    krem = jnp.full((Q, 1), K_SEL, jnp.int32)
    ans = jnp.zeros((Q, 1), jnp.float32)
    for _ in range(K_SEL):
        m = jnp.min(vals, axis=1, keepdims=True)
        eq = vals == m
        cnt = jnp.sum(eq.astype(jnp.int32), axis=1, keepdims=True)
        hit = (krem >= 1) & (krem <= cnt)
        ans = jnp.where(hit, m, ans)
        krem = krem - cnt
        vals = jnp.where(eq, BIGF, vals)
    Xb = X_ref[...]
    x2 = jnp.sum(Xb * Xb, axis=1, keepdims=True)
    out_ref[...] = jnp.sqrt(jnp.maximum(ans + x2, 1e-12))


def kernel(X, x_ref):
    s_tab, M = pl.pallas_call(
        _cdist_body,
        grid=(NB,),
        in_specs=[
            pl.BlockSpec((KB, D), lambda j: (j, 0)),
            pl.BlockSpec((Q, D), lambda j: (0, 0)),
        ],
        out_specs=[
            pl.BlockSpec((Q // 16, NGB, 8, G), lambda j: (0, j, 0, 0)),
            pl.BlockSpec((1, Q, NGB), lambda j: (j, 0, 0)),
        ],
        out_shape=[
            jax.ShapeDtypeStruct((Q // 16, NG, 8, G), jnp.int32),
            jax.ShapeDtypeStruct((NB, Q, NGB), jnp.float32),
        ],
    )(x_ref, X)
    s_tab = s_tab.reshape(Q // 2 * NG, G)
    M = M.transpose(1, 0, 2).reshape(Q, NG)

    idx = pl.pallas_call(
        _select_groups_body,
        out_shape=jax.ShapeDtypeStruct((Q, KG), jnp.int32),
    )(M)

    mesh = plsc.VectorSubcoreMesh(core_axis_name="c", subcore_axis_name="s")
    gather = functools.partial(
        pl.kernel,
        out_type=jax.ShapeDtypeStruct((Q, KG, G), jnp.int32),
        mesh=mesh,
        scratch_types=[
            pltpu.VMEM((RPW, KG), jnp.int32),
            pltpu.VMEM((RPW, KG, G), jnp.int32),
            pltpu.SemaphoreType.DMA,
        ],
    )(_gather_body)
    cand = gather(s_tab, idx)

    out = pl.pallas_call(
        _kth_body,
        out_shape=jax.ShapeDtypeStruct((Q, 1), jnp.float32),
    )(cand.reshape(Q, KG * G), X)
    return out.reshape(Q)

# --- scband reference (transcript-rebuilt; emitter-appended) ---
"""Pipeline reference for scband-knntorch-75419625717855 (READ-ONLY COPY).

The authoritative reference and input builder live on the scoring server;
editing this copy changes nothing except your own understanding.
"""

import jax, jax.numpy as jnp
import numpy as np

K_NN = 10  # from init_kwargs k=10, non-ensemble

def setup_inputs(seed: int = 0) -> dict:
    key = jax.random.key(seed)
    k1, k2 = jax.random.split(key)
    X = jax.random.normal(k1, (1024, 128), dtype=jnp.float32)
    x_ref = jax.random.normal(k2, (100000, 128), dtype=jnp.float32)  # fitted reference set (self.x_ref)
    return {"X": X, "x_ref": x_ref}

def _cdist(X, Y):
    # Euclidean distance matrix, matching torch.cdist(X, Y) (p=2)
    x2 = jnp.sum(X * X, axis=1, keepdims=True)
    y2 = jnp.sum(Y * Y, axis=1)[None, :]
    d2 = x2 + y2 - 2.0 * (X @ Y.T)
    return jnp.sqrt(jnp.maximum(d2, 1e-12))

def reference(X, x_ref):
    # K = torch.cdist(X, self.x_ref)  (kernel is None)
    D = _cdist(X, x_ref)
    # bot_k = torch.topk(K, max(ks), dim=1, largest=False) -> ascending smallest distances
    neg_vals, _ = jax.lax.top_k(-D, K_NN)
    bot_k = -neg_vals  # sorted ascending, shape [Q, K_NN]
    # all_knn_dists = values[:, ks - 1]; non-ensemble -> [:, 0] of the single-k selection
    knn_dists = bot_k[:, K_NN - 1]
    return knn_dists

if __name__ == "__main__":
    import jax
    _d = setup_inputs()
    print(jax.jit(kernel)(*tuple(_d.values())))

</pallas_src>

<mosaic_0001>
#map = affine_map<(d0, d1) -> (0, 0)>
#map1 = affine_map<(d0, d1) -> (0, 0, 0)>
module attributes {stable_mosaic.version = 14 : i64} {
  func.func @_gather_body(%arg0: i32, %arg1: i32, %arg2: memref<401408x128xi32, #tpu.memory_space<hbm>>, %arg3: memref<1024x16xi32, #tpu.memory_space<hbm>>, %arg4: memref<1024x16x128xi32, #tpu.memory_space<hbm>>, %arg5: memref<32x16xi32, #tpu.memory_space<vmem>>, %arg6: memref<32x16x128xi32, #tpu.memory_space<vmem>>, %arg7: memref<!tpu.dma_semaphore, #tpu.memory_space<semaphore_mem>>) attributes {dimension_semantics = [#tpu.dimension_semantics<core_parallel>, #tpu.dimension_semantics<subcore_parallel>], iteration_bounds = array<i64: 2, 16>, scalar_prefetch = 0 : i64, scratch_operands = 3 : i64, tpu.core_type = #tpu.core_type<sc_vector_subcore>, window_params = [{transform_indices = #map}, {transform_indices = #map}, {transform_indices = #map1}]} {
    %mul3A = arith.constant 2 : i32
    %mul3A_0 = arith.muli %arg1, %mul3A : i32
    %add3A = arith.addi %mul3A_0, %arg0 : i32
    %mul3A_1 = arith.constant 32 : i32
    %mul3A_2 = arith.muli %add3A, %mul3A_1 : i32
    "tpu.region"() ({
      %run_scoped3A = tpu.sem_alloc : memref<!tpu.dma_semaphore, #tpu.memory_space<semaphore_mem>>
      %dma_start3A_769 = arith.constant 0 : i32
      %dma_start3A_770 = tpu.memref_slice %arg3[%mul3A_2, %dma_start3A_769] : memref<1024x16xi32, #tpu.memory_space<hbm>> -> memref<32x16xi32, #tpu.memory_space<hbm>>
      %dma_start3A_771 = arith.constant 0 : i32
      %dma_start3A_772 = tpu.memref_slice %arg3[%mul3A_2, %dma_start3A_771] : memref<1024x16xi32, #tpu.memory_space<hbm>> -> memref<32x16xi32, #tpu.memory_space<hbm>>
      tpu.enqueue_dma source(%dma_start3A_772 : memref<32x16xi32, #tpu.memory_space<hbm>>) target(%arg5 : memref<32x16xi32, #tpu.memory_space<vmem>>) target_semaphore(%run_scoped3A : memref<!tpu.dma_semaphore, #tpu.memory_space<semaphore_mem>>)
      %dma_wait3A_773 = arith.constant 0 : i32
      %dma_wait3A_774 = tpu.memref_slice %arg3[%mul3A_2, %dma_wait3A_773] : memref<1024x16xi32, #tpu.memory_space<hbm>> -> memref<32x16xi32, #tpu.memory_space<hbm>>
      %dma_wait3A_775 = arith.constant 0 : i32
      %dma_wait3A_776 = tpu.memref_slice %arg3[%mul3A_2, %dma_wait3A_775] : memref<1024x16xi32, #tpu.memory_space<hbm>> -> memref<32x16xi32, #tpu.memory_space<hbm>>
      tpu.wait_dma2 semaphore(%run_scoped3A : memref<!tpu.dma_semaphore, #tpu.memory_space<semaphore_mem>>) src(%dma_wait3A_776 : memref<32x16xi32, #tpu.memory_space<hbm>>) dst(%arg5 : memref<32x16xi32, #tpu.memory_space<vmem>>)
      tpu.yield
    }) : () -> ()
    %dma_start3A = arith.constant 0 : i32
    %dma_start3A_3 = arith.constant 0 : i32
    %dma_start3A_4 = arith.constant 0 : i32
    %dma_start3A_5 = arith.constant 0 : i32
    %dma_start3A_6 = tpu.memref_slice %arg6[%dma_start3A_3, %dma_start3A_4, %dma_start3A_5] : memref<32x16x128xi32, #tpu.memory_space<vmem>> -> memref<1x16x128xi32, #tpu.memory_space<vmem>>
    %dma_start3A_7 = tpu.memref_squeeze %dma_start3A_6 : memref<1x16x128xi32, #tpu.memory_space<vmem>> -> memref<16x128xi32, #tpu.memory_space<vmem>>
    %dma_start3A_8 = arith.constant 0 : i32
    %dma_start3A_9 = tpu.memref_slice %arg5[%dma_start3A, %dma_start3A_8] : memref<32x16xi32, #tpu.memory_space<vmem>> -> memref<1x16xi32, #tpu.memory_space<vmem>>
    %dma_start3A_10 = tpu.memref_squeeze %dma_start3A_9 : memref<1x16xi32, #tpu.memory_space<vmem>> -> memref<16xi32, #tpu.memory_space<vmem>>
    %dma_start3A_11 = arith.constant 0 : i32
    %dma_start3A_12 = arith.constant 0 : i32
    %dma_start3A_13 = tpu.memref_slice %arg2[%dma_start3A_11, %dma_start3A_12] : memref<401408x128xi32, #tpu.memory_space<hbm>> -> memref<401408x128xi32, #tpu.memory_space<hbm>>
    tpu.enqueue_indirect_dma source(%dma_start3A_13 : memref<401408x128xi32, #tpu.memory_space<hbm>>) target(%dma_start3A_7 : memref<16x128xi32, #tpu.memory_space<vmem>>) offsets(%dma_start3A_10 : memref<16xi32, #tpu.memory_space<vmem>>) semaphore(%arg7 : memref<!tpu.dma_semaphore, #tpu.memory_space<semaphore_mem>>)
    %dma_start3A_14 = arith.constant 1 : i32
    %dma_start3A_15 = arith.constant 1 : i32
    %dma_start3A_16 = arith.constant 0 : i32
    %dma_start3A_17 = arith.constant 0 : i32
    %dma_start3A_18 = tpu.memref_slice %arg6[%dma_start3A_15, %dma_start3A_16, %dma_start3A_17] : memref<32x16x128xi32, #tpu.memory_space<vmem>> -> memref<1x16x128xi32, #tpu.memory_space<vmem>>
    %dma_start3A_19 = tpu.memref_squeeze %dma_start3A_18 : memref<1x16x128xi32, #tpu.memory_space<vmem>> -> memref<16x128xi32, #tpu.memory_space<vmem>>
    %dma_start3A_20 = arith.constant 0 : i32
    %dma_start3A_21 = tpu.memref_slice %arg5[%dma_start3A_14, %dma_start3A_20] : memref<32x16xi32, #tpu.memory_space<vmem>> -> memref<1x16xi32, #tpu.memory_space<vmem>>
    %dma_start3A_22 = tpu.memref_squeeze %dma_start3A_21 : memref<1x16xi32, #tpu.memory_space<vmem>> -> memref<16xi32, #tpu.memory_space<vmem>>
    %dma_start3A_23 = arith.constant 0 : i32
    %dma_start3A_24 = arith.constant 0 : i32
    %dma_start3A_25 = tpu.memref_slice %arg2[%dma_start3A_23, %dma_start3A_24] : memref<401408x128xi32, #tpu.memory_space<hbm>> -> memref<401408x128xi32, #tpu.memory_space<hbm>>
    tpu.enqueue_indirect_dma source(%dma_start3A_25 : memref<401408x128xi32, #tpu.memory_space<hbm>>) target(%dma_start3A_19 : memref<16x128xi32, #tpu.memory_space<vmem>>) offsets(%dma_start3A_22 : memref<16xi32, #tpu.memory_space<vmem>>) semaphore(%arg7 : memref<!tpu.dma_semaphore, #tpu.memory_space<semaphore_mem>>)
    %dma_start3A_26 = arith.constant 2 : i32
    %dma_start3A_27 = arith.constant 2 : i32
    %dma_start3A_28 = arith.constant 0 : i32
    %dma_start3A_29 = arith.constant 0 : i32
    %dma_start3A_30 = tpu.memref_slice %arg6[%dma_start3A_27, %dma_start3A_28, %dma_start3A_29] : memref<32x16x128xi32, #tpu.memory_space<vmem>> -> memref<1x16x128xi32, #tpu.memory_space<vmem>>
    %dma_start3A_31 = tpu.memref_squeeze %dma_start3A_30 : memref<1x16x128xi32, #tpu.memory_space<vmem>> -> memref<16x128xi32, #tpu.memory_space<vmem>>
    %dma_start3A_32 = arith.constant 0 : i32
    %dma_start3A_33 = tpu.memref_slice %arg5[%dma_start3A_26, %dma_start3A_32] : memref<32x16xi32, #tpu.memory_space<vmem>> -> memref<1x16xi32, #tpu.memory_space<vmem>>
    %dma_start3A_34 = tpu.memref_squeeze %dma_start3A_33 : memref<1x16xi32, #tpu.memory_space<vmem>> -> memref<16xi32, #tpu.memory_space<vmem>>
    %dma_start3A_35 = arith.constant 0 : i32
    %dma_start3A_36 = arith.constant 0 : i32
    %dma_start3A_37 = tpu.memref_slice %arg2[%dma_start3A_35, %dma_start3A_36] : memref<401408x128xi32, #tpu.memory_space<hbm>> -> memref<401408x128xi32, #tpu.memory_space<hbm>>
    tpu.enqueue_indirect_dma source(%dma_start3A_37 : memref<401408x128xi32, #tpu.memory_space<hbm>>) target(%dma_start3A_31 : memref<16x128xi32, #tpu.memory_space<vmem>>) offsets(%dma_start3A_34 : memref<16xi32, #tpu.memory_space<vmem>>) semaphore(%arg7 : memref<!tpu.dma_semaphore, #tpu.memory_space<semaphore_mem>>)
    %dma_start3A_38 = arith.constant 3 : i32
    %dma_start3A_39 = arith.constant 3 : i32
    %dma_start3A_40 = arith.constant 0 : i32
    %dma_start3A_41 = arith.constant 0 : i32
    %dma_start3A_42 = tpu.memref_slice %arg6[%dma_start3A_39, %dma_start3A_40, %dma_start3A_41] : memref<32x16x128xi32, #tpu.memory_space<vmem>> -> memref<1x16x128xi32, #tpu.memory_space<vmem>>
    %dma_start3A_43 = tpu.memref_squeeze %dma_start3A_42 : memref<1x16x128xi32, #tpu.memory_space<vmem>> -> memref<16x128xi32, #tpu.memory_space<vmem>>
    %dma_start3A_44 = arith.constant 0 : i32
    %dma_start3A_45 = tpu.memref_slice %arg5[%dma_start3A_38, %dma_start3A_44] : memref<32x16xi32, #tpu.memory_space<vmem>> -> memref<1x16xi32, #tpu.memory_space<vmem>>
    %dma_start3A_46 = tpu.memref_squeeze %dma_start3A_45 : memref<1x16xi32, #tpu.memory_space<vmem>> -> memref<16xi32, #tpu.memory_space<vmem>>
    %dma_start3A_47 = arith.constant 0 : i32
    %dma_start3A_48 = arith.constant 0 : i32
    %dma_start3A_49 = tpu.memref_slice %arg2[%dma_start3A_47, %dma_start3A_48] : memref<401408x128xi32, #tpu.memory_space<hbm>> -> memref<401408x128xi32, #tpu.memory_space<hbm>>
    tpu.enqueue_indirect_dma source(%dma_start3A_49 : memref<401408x128xi32, #tpu.memory_space<hbm>>) target(%dma_start3A_43 : memref<16x128xi32, #tpu.memory_space<vmem>>) offsets(%dma_start3A_46 : memref<16xi32, #tpu.memory_space<vmem>>) semaphore(%arg7 : memref<!tpu.dma_semaphore, #tpu.memory_space<semaphore_mem>>)
    %dma_start3A_50 = arith.constant 4 : i32
    %dma_start3A_51 = arith.constant 4 : i32
    %dma_start3A_52 = arith.constant 0 : i32
    %dma_start3A_53 = arith.constant 0 : i32
    %dma_start3A_54 = tpu.memref_slice %arg6[%dma_start3A_51, %dma_start3A_52, %dma_start3A_53] : memref<32x16x128xi32, #tpu.memory_space<vmem>> -> memref<1x16x128xi32, #tpu.memory_space<vmem>>
    %dma_start3A_55 = tpu.memref_squeeze %dma_start3A_54 : memref<1x16x128xi32, #tpu.memory_space<vmem>> -> memref<16x128xi32, #tpu.memory_space<vmem>>
    %dma_start3A_56 = arith.constant 0 : i32
    %dma_start3A_57 = tpu.memref_slice %arg5[%dma_start3A_50, %dma_start3A_56] : memref<32x16xi32, #tpu.memory_space<vmem>> -> memref<1x16xi32, #tpu.memory_space<vmem>>
    %dma_start3A_58 = tpu.memref_squeeze %dma_start3A_57 : memref<1x16xi32, #tpu.memory_space<vmem>> -> memref<16xi32, #tpu.memory_space<vmem>>
    %dma_start3A_59 = arith.constant 0 : i32
    %dma_start3A_60 = arith.constant 0 : i32
    %dma_start3A_61 = tpu.memref_slice %arg2[%dma_start3A_59, %dma_start3A_60] : memref<401408x128xi32, #tpu.memory_space<hbm>> -> memref<401408x128xi32, #tpu.memory_space<hbm>>
    tpu.enqueue_indirect_dma source(%dma_start3A_61 : memref<401408x128xi32, #tpu.memory_space<hbm>>) target(%dma_start3A_55 : memref<16x128xi32, #tpu.memory_space<vmem>>) offsets(%dma_start3A_58 : memref<16xi32, #tpu.memory_space<vmem>>) semaphore(%arg7 : memref<!tpu.dma_semaphore, #tpu.memory_space<semaphore_mem>>)
    %dma_start3A_62 = arith.constant 5 : i32
    %dma_start3A_63 = arith.constant 5 : i32
    %dma_start3A_64 = arith.constant 0 : i32
    %dma_start3A_65 = arith.constant 0 : i32
    %dma_start3A_66 = tpu.memref_slice %arg6[%dma_start3A_63, %dma_start3A_64, %dma_start3A_65] : memref<32x16x128xi32, #tpu.memory_space<vmem>> -> memref<1x16x128xi32, #tpu.memory_space<vmem>>
    %dma_start3A_67 = tpu.memref_squeeze %dma_start3A_66 : memref<1x16x128xi32, #tpu.memory_space<vmem>> -> memref<16x128xi32, #tpu.memory_space<vmem>>
    %dma_start3A_68 = arith.constant 0 : i32
    %dma_start3A_69 = tpu.memref_slice %arg5[%dma_start3A_62, %dma_start3A_68] : memref<32x16xi32, #tpu.memory_space<vmem>> -> memref<1x16xi32, #tpu.memory_space<vmem>>
    %dma_start3A_70 = tpu.memref_squeeze %dma_start3A_69 : memref<1x16xi32, #tpu.memory_space<vmem>> -> memref<16xi32, #tpu.memory_space<vmem>>
    %dma_start3A_71 = arith.constant 0 : i32
    %dma_start3A_72 = arith.constant 0 : i32
    %dma_start3A_73 = tpu.memref_slice %arg2[%dma_start3A_71, %dma_start3A_72] : memref<401408x128xi32, #tpu.memory_space<hbm>> -> memref<401408x128xi32, #tpu.memory_space<hbm>>
    tpu.enqueue_indirect_dma source(%dma_start3A_73 : memref<401408x128xi32, #tpu.memory_space<hbm>>) target(%dma_start3A_67 : memref<16x128xi32, #tpu.memory_space<vmem>>) offsets(%dma_start3A_70 : memref<16xi32, #tpu.memory_space<vmem>>) semaphore(%arg7 : memref<!tpu.dma_semaphore, #tpu.memory_space<semaphore_mem>>)
    %dma_start3A_74 = arith.constant 6 : i32
    %dma_start3A_75 = arith.constant 6 : i32
    %dma_start3A_76 = arith.constant 0 : i32
    %dma_start3A_77 = arith.constant 0 : i32
    %dma_start3A_78 = tpu.memref_slice %arg6[%dma_start3A_75, %dma_start3A_76, %dma_start3A_77] : memref<32x16x128xi32, #tpu.memory_space<vmem>> -> memref<1x16x128xi32, #tpu.memory_space<vmem>>
    %dma_start3A_79 = tpu.memref_squeeze %dma_start3A_78 : memref<1x16x128xi32, #tpu.memory_space<vmem>> -> memref<16x128xi32, #tpu.memory_space<vmem>>
    %dma_start3A_80 = arith.constant 0 : i32
    %dma_start3A_81 = tpu.memref_slice %arg5[%dma_start3A_74, %dma_start3A_80] : memref<32x16xi32, #tpu.memory_space<vmem>> -> memref<1x16xi32, #tpu.memory_space<vmem>>
    %dma_start3A_82 = tpu.memref_squeeze %dma_start3A_81 : memref<1x16xi32, #tpu.memory_space<vmem>> -> memref<16xi32, #tpu.memory_space<vmem>>
    %dma_start3A_83 = arith.constant 0 : i32
    %dma_start3A_84 = arith.constant 0 : i32
    %dma_start3A_85 = tpu.memref_slice %arg2[%dma_start3A_83, %dma_start3A_84] : memref<401408x128xi32, #tpu.memory_space<hbm>> -> memref<401408x128xi32, #tpu.memory_space<hbm>>
    tpu.enqueue_indirect_dma source(%dma_start3A_85 : memref<401408x128xi32, #tpu.memory_space<hbm>>) target(%dma_start3A_79 : memref<16x128xi32, #tpu.memory_space<vmem>>) offsets(%dma_start3A_82 : memref<16xi32, #tpu.memory_space<vmem>>) semaphore(%arg7 : memref<!tpu.dma_semaphore, #tpu.memory_space<semaphore_mem>>)
    %dma_start3A_86 = arith.constant 7 : i32
    %dma_start3A_87 = arith.constant 7 : i32
    %dma_start3A_88 = arith.constant 0 : i32
    %dma_start3A_89 = arith.constant 0 : i32
    %dma_start3A_90 = tpu.memref_slice %arg6[%dma_start3A_87, %dma_start3A_88, %dma_start3A_89] : memref<32x16x128xi32, #tpu.memory_space<vmem>> -> memref<1x16x128xi32, #tpu.memory_space<vmem>>
    %dma_start3A_91 = tpu.memref_squeeze %dma_start3A_90 : memref<1x16x128xi32, #tpu.memory_space<vmem>> -> memref<16x128xi32, #tpu.memory_space<vmem>>
    %dma_start3A_92 = arith.constant 0 : i32
    %dma_start3A_93 = tpu.memref_slice %arg5[%dma_start3A_86, %dma_start3A_92] : memref<32x16xi32, #tpu.memory_space<vmem>> -> memref<1x16xi32, #tpu.memory_space<vmem>>
    %dma_start3A_94 = tpu.memref_squeeze %dma_start3A_93 : memref<1x16xi32, #tpu.memory_space<vmem>> -> memref<16xi32, #tpu.memory_space<vmem>>
    %dma_start3A_95 = arith.constant 0 : i32
    %dma_start3A_96 = arith.constant 0 : i32
    %dma_start3A_97 = tpu.memref_slice %arg2[%dma_start3A_95, %dma_start3A_96] : memref<401408x128xi32, #tpu.memory_space<hbm>> -> memref<401408x128xi32, #tpu.memory_space<hbm>>
    tpu.enqueue_indirect_dma source(%dma_start3A_97 : memref<401408x128xi32, #tpu.memory_space<hbm>>) target(%dma_start3A_91 : memref<16x128xi32, #tpu.memory_space<vmem>>) offsets(%dma_start3A_94 : memref<16xi32, #tpu.memory_space<vmem>>) semaphore(%arg7 : memref<!tpu.dma_semaphore, #tpu.memory_space<semaphore_mem>>)
    %dma_start3A_98 = arith.constant 8 : i32
    %dma_start3A_99 = arith.constant 8 : i32
    %dma_start3A_100 = arith.constant 0 : i32
    %dma_start3A_101 = arith.constant 0 : i32
    %dma_start3A_102 = tpu.memref_slice %arg6[%dma_start3A_99, %dma_start3A_100, %dma_start3A_101] : memref<32x16x128xi32, #tpu.memory_space<vmem>> -> memref<1x16x128xi32, #tpu.memory_space<vmem>>
    %dma_start3A_103 = tpu.memref_squeeze %dma_start3A_102 : memref<1x16x128xi32, #tpu.memory_space<vmem>> -> memref<16x128xi32, #tpu.memory_space<vmem>>
    %dma_start3A_104 = arith.constant 0 : i32
    %dma_start3A_105 = tpu.memref_slice %arg5[%dma_start3A_98, %dma_start3A_104] : memref<32x16xi32, #tpu.memory_space<vmem>> -> memref<1x16xi32, #tpu.memory_space<vmem>>
    %dma_start3A_106 = tpu.memref_squeeze %dma_start3A_105 : memref<1x16xi32, #tpu.memory_space<vmem>> -> memref<16xi32, #tpu.memory_space<vmem>>
    %dma_start3A_107 = arith.constant 0 : i32
    %dma_start3A_108 = arith.constant 0 : i32
    %dma_start3A_109 = tpu.memref_slice %arg2[%dma_start3A_107, %dma_start3A_108] : memref<401408x128xi32, #tpu.memory_space<hbm>> -> memref<401408x128xi32, #tpu.memory_space<hbm>>
    tpu.enqueue_indirect_dma source(%dma_start3A_109 : memref<401408x128xi32, #tpu.memory_space<hbm>>) target(%dma_start3A_103 : memref<16x128xi32, #tpu.memory_space<vmem>>) offsets(%dma_start3A_106 : memref<16xi32, #tpu.memory_space<vmem>>) semaphore(%arg7 : memref<!tpu.dma_semaphore, #tpu.memory_space<semaphore_mem>>)
    %dma_start3A_110 = arith.constant 9 : i32
    %dma_start3A_111 = arith.constant 9 : i32
    %dma_start3A_112 = arith.constant 0 : i32
    %dma_start3A_113 = arith.constant 0 : i32
    %dma_start3A_114 = tpu.memref_slice %arg6[%dma_start3A_111, %dma_start3A_112, %dma_start3A_113] : memref<32x16x128xi32, #tpu.memory_space<vmem>> -> memref<1x16x128xi32, #tpu.memory_space<vmem>>
    %dma_start3A_115 = tpu.memref_squeeze %dma_start3A_114 : memref<1x16x128xi32, #tpu.memory_space<vmem>> -> memref<16x128xi32, #tpu.memory_space<vmem>>
    %dma_start3A_116 = arith.constant 0 : i32
    %dma_start3A_117 = tpu.memref_slice %arg5[%dma_start3A_110, %dma_start3A_116] : memref<32x16xi32, #tpu.memory_space<vmem>> -> memref<1x16xi32, #tpu.memory_space<vmem>>
    %dma_start3A_118 = tpu.memref_squeeze %dma_start3A_117 : memref<1x16xi32, #tpu.memory_space<vmem>> -> memref<16xi32, #tpu.memory_space<vmem>>
    %dma_start3A_119 = arith.constant 0 : i32
    %dma_start3A_120 = arith.constant 0 : i32
    %dma_start3A_121 = tpu.memref_slice %arg2[%dma_start3A_119, %dma_start3A_120] : memref<401408x128xi32, #tpu.memory_space<hbm>> -> memref<401408x128xi32, #tpu.memory_space<hbm>>
    tpu.enqueue_indirect_dma source(%dma_start3A_121 : memref<401408x128xi32, #tpu.memory_space<hbm>>) target(%dma_start3A_115 : memref<16x128xi32, #tpu.memory_space<vmem>>) offsets(%dma_start3A_118 : memref<16xi32, #tpu.memory_space<vmem>>) semaphore(%arg7 : memref<!tpu.dma_semaphore, #tpu.memory_space<semaphore_mem>>)
    %dma_start3A_122 = arith.constant 10 : i32
    %dma_start3A_123 = arith.constant 10 : i32
    %dma_start3A_124 = arith.constant 0 : i32
    %dma_start3A_125 = arith.constant 0 : i32
    %dma_start3A_126 = tpu.memref_slice %arg6[%dma_start3A_123, %dma_start3A_124, %dma_start3A_125] : memref<32x16x128xi32, #tpu.memory_space<vmem>> -> memref<1x16x128xi32, #tpu.memory_space<vmem>>
    %dma_start3A_127 = tpu.memref_squeeze %dma_start3A_126 : memref<1x16x128xi32, #tpu.memory_space<vmem>> -> memref<16x128xi32, #tpu.memory_space<vmem>>
    %dma_start3A_128 = arith.constant 0 : i32
    %dma_start3A_129 = tpu.memref_slice %arg5[%dma_start3A_122, %dma_start3A_128] : memref<32x16xi32, #tpu.memory_space<vmem>> -> memref<1x16xi32, #tpu.memory_space<vmem>>
    %dma_start3A_130 = tpu.memref_squeeze %dma_start3A_129 : memref<1x16xi32, #tpu.memory_space<vmem>> -> memref<16xi32, #tpu.memory_space<vmem>>
    %dma_start3A_131 = arith.constant 0 : i32
    %dma_start3A_132 = arith.constant 0 : i32
    %dma_start3A_133 = tpu.memref_slice %arg2[%dma_start3A_131, %dma_start3A_132] : memref<401408x128xi32, #tpu.memory_space<hbm>> -> memref<401408x128xi32, #tpu.memory_space<hbm>>
    tpu.enqueue_indirect_dma source(%dma_start3A_133 : memref<401408x128xi32, #tpu.memory_space<hbm>>) target(%dma_start3A_127 : memref<16x128xi32, #tpu.memory_space<vmem>>) offsets(%dma_start3A_130 : memref<16xi32, #tpu.memory_space<vmem>>) semaphore(%arg7 : memref<!tpu.dma_semaphore, #tpu.memory_space<semaphore_mem>>)
    %dma_start3A_134 = arith.constant 11 : i32
    %dma_start3A_135 = arith.constant 11 : i32
    %dma_start3A_136 = arith.constant 0 : i32
    %dma_start3A_137 = arith.constant 0 : i32
    %dma_start3A_138 = tpu.memref_slice %arg6[%dma_start3A_135, %dma_start3A_136, %dma_start3A_137] : memref<32x16x128xi32, #tpu.memory_space<vmem>> -> memref<1x16x128xi32, #tpu.memory_space<vmem>>
    %dma_start3A_139 = tpu.memref_squeeze %dma_start3A_138 : memref<1x16x128xi32, #tpu.memory_space<vmem>> -> memref<16x128xi32, #tpu.memory_space<vmem>>
    %dma_start3A_140 = arith.constant 0 : i32
    %dma_start3A_141 = tpu.memref_slice %arg5[%dma_start3A_134, %dma_start3A_140] : memref<32x16xi32, #tpu.memory_space<vmem>> -> memref<1x16xi32, #tpu.memory_space<vmem>>
    %dma_start3A_142 = tpu.memref_squeeze %dma_start3A_141 : memref<1x16xi32, #tpu.memory_space<vmem>> -> memref<16xi32, #tpu.memory_space<vmem>>
    %dma_start3A_143 = arith.constant 0 : i32
    %dma_start3A_144 = arith.constant 0 : i32
    %dma_start3A_145 = tpu.memref_slice %arg2[%dma_start3A_143, %dma_start3A_144] : memref<401408x128xi32, #tpu.memory_space<hbm>> -> memref<401408x128xi32, #tpu.memory_space<hbm>>
    tpu.enqueue_indirect_dma source(%dma_start3A_145 : memref<401408x128xi32, #tpu.memory_space<hbm>>) target(%dma_start3A_139 : memref<16x128xi32, #tpu.memory_space<vmem>>) offsets(%dma_start3A_142 : memref<16xi32, #tpu.memory_space<vmem>>) semaphore(%arg7 : memref<!tpu.dma_semaphore, #tpu.memory_space<semaphore_mem>>)
    %dma_start3A_146 = arith.constant 12 : i32
    %dma_start3A_147 = arith.constant 12 : i32
    %dma_start3A_148 = arith.constant 0 : i32
    %dma_start3A_149 = arith.constant 0 : i32
    %dma_start3A_150 = tpu.memref_slice %arg6[%dma_start3A_147, %dma_start3A_148, %dma_start3A_149] : memref<32x16x128xi32, #tpu.memory_space<vmem>> -> memref<1x16x128xi32, #tpu.memory_space<vmem>>
    %dma_start3A_151 = tpu.memref_squeeze %dma_start3A_150 : memref<1x16x128xi32, #tpu.memory_space<vmem>> -> memref<16x128xi32, #tpu.memory_space<vmem>>
    %dma_start3A_152 = arith.constant 0 : i32
    %dma_start3A_153 = tpu.memref_slice %arg5[%dma_start3A_146, %dma_start3A_152] : memref<32x16xi32, #tpu.memory_space<vmem>> -> memref<1x16xi32, #tpu.memory_space<vmem>>
    %dma_start3A_154 = tpu.memref_squeeze %dma_start3A_153 : memref<1x16xi32, #tpu.memory_space<vmem>> -> memref<16xi32, #tpu.memory_space<vmem>>
    %dma_start3A_155 = arith.constant 0 : i32
    %dma_start3A_156 = arith.constant 0 : i32
    %dma_start3A_157 = tpu.memref_slice %arg2[%dma_start3A_155, %dma_start3A_156] : memref<401408x128xi32, #tpu.memory_space<hbm>> -> memref<401408x128xi32, #tpu.memory_space<hbm>>
    tpu.enqueue_indirect_dma source(%dma_start3A_157 : memref<401408x128xi32, #tpu.memory_space<hbm>>) target(%dma_start3A_151 : memref<16x128xi32, #tpu.memory_space<vmem>>) offsets(%dma_start3A_154 : memref<16xi32, #tpu.memory_space<vmem>>) semaphore(%arg7 : memref<!tpu.dma_semaphore, #tpu.memory_space<semaphore_mem>>)
    %dma_start3A_158 = arith.constant 13 : i32
    %dma_start3A_159 = arith.constant 13 : i32
    %dma_start3A_160 = arith.constant 0 : i32
    %dma_start3A_161 = arith.constant 0 : i32
    %dma_start3A_162 = tpu.memref_slice %arg6[%dma_start3A_159, %dma_start3A_160, %dma_start3A_161] : memref<32x16x128xi32, #tpu.memory_space<vmem>> -> memref<1x16x128xi32, #tpu.memory_space<vmem>>
    %dma_start3A_163 = tpu.memref_squeeze %dma_start3A_162 : memref<1x16x128xi32, #tpu.memory_space<vmem>> -> memref<16x128xi32, #tpu.memory_space<vmem>>
    %dma_start3A_164 = arith.constant 0 : i32
    %dma_start3A_165 = tpu.memref_slice %arg5[%dma_start3A_158, %dma_start3A_164] : memref<32x16xi32, #tpu.memory_space<vmem>> -> memref<1x16xi32, #tpu.memory_space<vmem>>
    %dma_start3A_166 = tpu.memref_squeeze %dma_start3A_165 : memref<1x16xi32, #tpu.memory_space<vmem>> -> memref<16xi32, #tpu.memory_space<vmem>>
    %dma_start3A_167 = arith.constant 0 : i32
    %dma_start3A_168 = arith.constant 0 : i32
    %dma_start3A_169 = tpu.memref_slice %arg2[%dma_start3A_167, %dma_start3A_168] : memref<401408x128xi32, #tpu.memory_space<hbm>> -> memref<401408x128xi32, #tpu.memory_space<hbm>>
    tpu.enqueue_indirect_dma source(%dma_start3A_169 : memref<401408x128xi32, #tpu.memory_space<hbm>>) target(%dma_start3A_163 : memref<16x128xi32, #tpu.memory_space<vmem>>) offsets(%dma_start3A_166 : memref<16xi32, #tpu.memory_space<vmem>>) semaphore(%arg7 : memref<!tpu.dma_semaphore, #tpu.memory_space<semaphore_mem>>)
    %dma_start3A_170 = arith.constant 14 : i32
    %dma_start3A_171 = arith.constant 14 : i32
    %dma_start3A_172 = arith.constant 0 : i32
    %dma_start3A_173 = arith.constant 0 : i32
    %dma_start3A_174 = tpu.memref_slice %arg6[%dma_start3A_171, %dma_start3A_172, %dma_start3A_173] : memref<32x16x128xi32, #tpu.memory_space<vmem>> -> memref<1x16x128xi32, #tpu.memory_space<vmem>>
    %dma_start3A_175 = tpu.memref_squeeze %dma_start3A_174 : memref<1x16x128xi32, #tpu.memory_space<vmem>> -> memref<16x128xi32, #tpu.memory_space<vmem>>
    %dma_start3A_176 = arith.constant 0 : i32
    %dma_start3A_177 = tpu.memref_slice %arg5[%dma_start3A_170, %dma_start3A_176] : memref<32x16xi32, #tpu.memory_space<vmem>> -> memref<1x16xi32, #tpu.memory_space<vmem>>
    %dma_start3A_178 = tpu.memref_squeeze %dma_start3A_177 : memref<1x16xi32, #tpu.memory_space<vmem>> -> memref<16xi32, #tpu.memory_space<vmem>>
    %dma_start3A_179 = arith.constant 0 : i32
    %dma_start3A_180 = arith.constant 0 : i32
    %dma_start3A_181 = tpu.memref_slice %arg2[%dma_start3A_179, %dma_start3A_180] : memref<401408x128xi32, #tpu.memory_space<hbm>> -> memref<401408x128xi32, #tpu.memory_space<hbm>>
    tpu.enqueue_indirect_dma source(%dma_start3A_181 : memref<401408x128xi32, #tpu.memory_space<hbm>>) target(%dma_start3A_175 : memref<16x128xi32, #tpu.memory_space<vmem>>) offsets(%dma_start3A_178 : memref<16xi32, #tpu.memory_space<vmem>>) semaphore(%arg7 : memref<!tpu.dma_semaphore, #tpu.memory_space<semaphore_mem>>)
    %dma_start3A_182 = arith.constant 15 : i32
    %dma_start3A_183 = arith.constant 15 : i32
    %dma_start3A_184 = arith.constant 0 : i32
    %dma_start3A_185 = arith.constant 0 : i32
    %dma_start3A_186 = tpu.memref_slice %arg6[%dma_start3A_183, %dma_start3A_184, %dma_start3A_185] : memref<32x16x128xi32, #tpu.memory_space<vmem>> -> memref<1x16x128xi32, #tpu.memory_space<vmem>>
    %dma_start3A_187 = tpu.memref_squeeze %dma_start3A_186 : memref<1x16x128xi32, #tpu.memory_space<vmem>> -> memref<16x128xi32, #tpu.memory_space<vmem>>
    %dma_start3A_188 = arith.constant 0 : i32
    %dma_start3A_189 = tpu.memref_slice %arg5[%dma_start3A_182, %dma_start3A_188] : memref<32x16xi32, #tpu.memory_space<vmem>> -> memref<1x16xi32, #tpu.memory_space<vmem>>
    %dma_start3A_190 = tpu.memref_squeeze %dma_start3A_189 : memref<1x16xi32, #tpu.memory_space<vmem>> -> memref<16xi32, #tpu.memory_space<vmem>>
    %dma_start3A_191 = arith.constant 0 : i32
    %dma_start3A_192 = arith.constant 0 : i32
    %dma_start3A_193 = tpu.memref_slice %arg2[%dma_start3A_191, %dma_start3A_192] : memref<401408x128xi32, #tpu.memory_space<hbm>> -> memref<401408x128xi32, #tpu.memory_space<hbm>>
    tpu.enqueue_indirect_dma source(%dma_start3A_193 : memref<401408x128xi32, #tpu.memory_space<hbm>>) target(%dma_start3A_187 : memref<16x128xi32, #tpu.memory_space<vmem>>) offsets(%dma_start3A_190 : memref<16xi32, #tpu.memory_space<vmem>>) semaphore(%arg7 : memref<!tpu.dma_semaphore, #tpu.memory_space<semaphore_mem>>)
    %dma_wait3A = arith.constant 0 : i32
    %dma_wait3A_194 = arith.constant 0 : i32
    %dma_wait3A_195 = arith.constant 0 : i32
    %dma_wait3A_196 = arith.constant 0 : i32
    %dma_wait3A_197 = tpu.memref_slice %arg6[%dma_wait3A_194, %dma_wait3A_195, %dma_wait3A_196] : memref<32x16x128xi32, #tpu.memory_space<vmem>> -> memref<1x16x128xi32, #tpu.memory_space<vmem>>
    %dma_wait3A_198 = tpu.memref_squeeze %dma_wait3A_197 : memref<1x16x128xi32, #tpu.memory_space<vmem>> -> memref<16x128xi32, #tpu.memory_space<vmem>>
    %dma_wait3A_199 = arith.constant 0 : i32
    %dma_wait3A_200 = tpu.memref_slice %arg5[%dma_wait3A, %dma_wait3A_199] : memref<32x16xi32, #tpu.memory_space<vmem>> -> memref<1x16xi32, #tpu.memory_space<vmem>>
    %dma_wait3A_201 = tpu.memref_squeeze %dma_wait3A_200 : memref<1x16xi32, #tpu.memory_space<vmem>> -> memref<16xi32, #tpu.memory_space<vmem>>
    %dma_wait3A_202 = arith.constant 0 : i32
    %dma_wait3A_203 = arith.constant 0 : i32
    %dma_wait3A_204 = tpu.memref_slice %arg2[%dma_wait3A_202, %dma_wait3A_203] : memref<401408x128xi32, #tpu.memory_space<hbm>> -> memref<401408x128xi32, #tpu.memory_space<hbm>>
    tpu.wait_indirect_dma semaphore(%arg7 : memref<!tpu.dma_semaphore, #tpu.memory_space<semaphore_mem>>) src(%dma_wait3A_204 : memref<401408x128xi32, #tpu.memory_space<hbm>>) dst(%dma_wait3A_198 : memref<16x128xi32, #tpu.memory_space<vmem>>)
    %dma_wait3A_205 = arith.constant 1 : i32
    %dma_wait3A_206 = arith.constant 1 : i32
    %dma_wait3A_207 = arith.constant 0 : i32
    %dma_wait3A_208 = arith.constant 0 : i32
    %dma_wait3A_209 = tpu.memref_slice %arg6[%dma_wait3A_206, %dma_wait3A_207, %dma_wait3A_208] : memref<32x16x128xi32, #tpu.memory_space<vmem>> -> memref<1x16x128xi32, #tpu.memory_space<vmem>>
    %dma_wait3A_210 = tpu.memref_squeeze %dma_wait3A_209 : memref<1x16x128xi32, #tpu.memory_space<vmem>> -> memref<16x128xi32, #tpu.memory_space<vmem>>
    %dma_wait3A_211 = arith.constant 0 : i32
    %dma_wait3A_212 = tpu.memref_slice %arg5[%dma_wait3A_205, %dma_wait3A_211] : memref<32x16xi32, #tpu.memory_space<vmem>> -> memref<1x16xi32, #tpu.memory_space<vmem>>
    %dma_wait3A_213 = tpu.memref_squeeze %dma_wait3A_212 : memref<1x16xi32, #tpu.memory_space<vmem>> -> memref<16xi32, #tpu.memory_space<vmem>>
    %dma_wait3A_214 = arith.constant 0 : i32
    %dma_wait3A_215 = arith.constant 0 : i32
    %dma_wait3A_216 = tpu.memref_slice %arg2[%dma_wait3A_214, %dma_wait3A_215] : memref<401408x128xi32, #tpu.memory_space<hbm>> -> memref<401408x128xi32, #tpu.memory_space<hbm>>
    tpu.wait_indirect_dma semaphore(%arg7 : memref<!tpu.dma_semaphore, #tpu.memory_space<semaphore_mem>>) src(%dma_wait3A_216 : memref<401408x128xi32, #tpu.memory_space<hbm>>) dst(%dma_wait3A_210 : memref<16x128xi32, #tpu.memory_space<vmem>>)
    %dma_wait3A_217 = arith.constant 2 : i32
    %dma_wait3A_218 = arith.constant 2 : i32
    %dma_wait3A_219 = arith.constant 0 : i32
    %dma_wait3A_220 = arith.constant 0 : i32
    %dma_wait3A_221 = tpu.memref_slice %arg6[%dma_wait3A_218, %dma_wait3A_219, %dma_wait3A_220] : memref<32x16x128xi32, #tpu.memory_space<vmem>> -> memref<1x16x128xi32, #tpu.memory_space<vmem>>
    %dma_wait3A_222 = tpu.memref_squeeze %dma_wait3A_221 : memref<1x16x128xi32, #tpu.memory_space<vmem>> -> memref<16x128xi32, #tpu.memory_space<vmem>>
    %dma_wait3A_223 = arith.constant 0 : i32
    %dma_wait3A_224 = tpu.memref_slice %arg5[%dma_wait3A_217, %dma_wait3A_223] : memref<32x16xi32, #tpu.memory_space<vmem>> -> memref<1x16xi32, #tpu.memory_space<vmem>>
    %dma_wait3A_225 = tpu.memref_squeeze %dma_wait3A_224 : memref<1x16xi32, #tpu.memory_space<vmem>> -> memref<16xi32, #tpu.memory_space<vmem>>
    %dma_wait3A_226 = arith.constant 0 : i32
    %dma_wait3A_227 = arith.constant 0 : i32
    %dma_wait3A_228 = tpu.memref_slice %arg2[%dma_wait3A_226, %dma_wait3A_227] : memref<401408x128xi32, #tpu.memory_space<hbm>> -> memref<401408x128xi32, #tpu.memory_space<hbm>>
    tpu.wait_indirect_dma semaphore(%arg7 : memref<!tpu.dma_semaphore, #tpu.memory_space<semaphore_mem>>) src(%dma_wait3A_228 : memref<401408x128xi32, #tpu.memory_space<hbm>>) dst(%dma_wait3A_222 : memref<16x128xi32, #tpu.memory_space<vmem>>)
    %dma_wait3A_229 = arith.constant 3 : i32
    %dma_wait3A_230 = arith.constant 3 : i32
    %dma_wait3A_231 = arith.constant 0 : i32
    %dma_wait3A_232 = arith.constant 0 : i32
    %dma_wait3A_233 = tpu.memref_slice %arg6[%dma_wait3A_230, %dma_wait3A_231, %dma_wait3A_232] : memref<32x16x128xi32, #tpu.memory_space<vmem>> -> memref<1x16x128xi32, #tpu.memory_space<vmem>>
    %dma_wait3A_234 = tpu.memref_squeeze %dma_wait3A_233 : memref<1x16x128xi32, #tpu.memory_space<vmem>> -> memref<16x128xi32, #tpu.memory_space<vmem>>
    %dma_wait3A_235 = arith.constant 0 : i32
    %dma_wait3A_236 = tpu.memref_slice %arg5[%dma_wait3A_229, %dma_wait3A_235] : memref<32x16xi32, #tpu.memory_space<vmem>> -> memref<1x16xi32, #tpu.memory_space<vmem>>
    %dma_wait3A_237 = tpu.memref_squeeze %dma_wait3A_236 : memref<1x16xi32, #tpu.memory_space<vmem>> -> memref<16xi32, #tpu.memory_space<vmem>>
    %dma_wait3A_238 = arith.constant 0 : i32
    %dma_wait3A_239 = arith.constant 0 : i32
    %dma_wait3A_240 = tpu.memref_slice %arg2[%dma_wait3A_238, %dma_wait3A_239] : memref<401408x128xi32, #tpu.memory_space<hbm>> -> memref<401408x128xi32, #tpu.memory_space<hbm>>
    tpu.wait_indirect_dma semaphore(%arg7 : memref<!tpu.dma_semaphore, #tpu.memory_space<semaphore_mem>>) src(%dma_wait3A_240 : memref<401408x128xi32, #tpu.memory_space<hbm>>) dst(%dma_wait3A_234 : memref<16x128xi32, #tpu.memory_space<vmem>>)
    %dma_wait3A_241 = arith.constant 4 : i32
    %dma_wait3A_242 = arith.constant 4 : i32
    %dma_wait3A_243 = arith.constant 0 : i32
    %dma_wait3A_244 = arith.constant 0 : i32
    %dma_wait3A_245 = tpu.memref_slice %arg6[%dma_wait3A_242, %dma_wait3A_243, %dma_wait3A_244] : memref<32x16x128xi32, #tpu.memory_space<vmem>> -> memref<1x16x128xi32, #tpu.memory_space<vmem>>
    %dma_wait3A_246 = tpu.memref_squeeze %dma_wait3A_245 : memref<1x16x128xi32, #tpu.memory_space<vmem>> -> memref<16x128xi32, #tpu.memory_space<vmem>>
    %dma_wait3A_247 = arith.constant 0 : i32
    %dma_wait3A_248 = tpu.memref_slice %arg5[%dma_wait3A_241, %dma_wait3A_247] : memref<32x16xi32, #tpu.memory_space<vmem>> -> memref<1x16xi32, #tpu.memory_space<vmem>>
    %dma_wait3A_249 = tpu.memref_squeeze %dma_wait3A_248 : memref<1x16xi32, #tpu.memory_space<vmem>> -> memref<16xi32, #tpu.memory_space<vmem>>
    %dma_wait3A_250 = arith.constant 0 : i32
    %dma_wait3A_251 = arith.constant 0 : i32
    %dma_wait3A_252 = tpu.memref_slice %arg2[%dma_wait3A_250, %dma_wait3A_251] : memref<401408x128xi32, #tpu.memory_space<hbm>> -> memref<401408x128xi32, #tpu.memory_space<hbm>>
    tpu.wait_indirect_dma semaphore(%arg7 : memref<!tpu.dma_semaphore, #tpu.memory_space<semaphore_mem>>) src(%dma_wait3A_252 : memref<401408x128xi32, #tpu.memory_space<hbm>>) dst(%dma_wait3A_246 : memref<16x128xi32, #tpu.memory_space<vmem>>)
    %dma_wait3A_253 = arith.constant 5 : i32
    %dma_wait3A_254 = arith.constant 5 : i32
    %dma_wait3A_255 = arith.constant 0 : i32
    %dma_wait3A_256 = arith.constant 0 : i32
    %dma_wait3A_257 = tpu.memref_slice %arg6[%dma_wait3A_254, %dma_wait3A_255, %dma_wait3A_256] : memref<32x16x128xi32, #tpu.memory_space<vmem>> -> memref<1x16x128xi32, #tpu.memory_space<vmem>>
    %dma_wait3A_258 = tpu.memref_squeeze %dma_wait3A_257 : memref<1x16x128xi32, #tpu.memory_space<vmem>> -> memref<16x128xi32, #tpu.memory_space<vmem>>
    %dma_wait3A_259 = arith.constant 0 : i32
    %dma_wait3A_260 = tpu.memref_slice %arg5[%dma_wait3A_253, %dma_wait3A_259] : memref<32x16xi32, #tpu.memory_space<vmem>> -> memref<1x16xi32, #tpu.memory_space<vmem>>
    %dma_wait3A_261 = tpu.memref_squeeze %dma_wait3A_260 : memref<1x16xi32, #tpu.memory_space<vmem>> -> memref<16xi32, #tpu.memory_space<vmem>>
    %dma_wait3A_262 = arith.constant 0 : i32
    %dma_wait3A_263 = arith.constant 0 : i32
    %dma_wait3A_264 = tpu.memref_slice %arg2[%dma_wait3A_262, %dma_wait3A_263] : memref<401408x128xi32, #tpu.memory_space<hbm>> -> memref<401408x128xi32, #tpu.memory_space<hbm>>
    tpu.wait_indirect_dma semaphore(%arg7 : memref<!tpu.dma_semaphore, #tpu.memory_space<semaphore_mem>>) src(%dma_wait3A_264 : memref<401408x128xi32, #tpu.memory_space<hbm>>) dst(%dma_wait3A_258 : memref<16x128xi32, #tpu.memory_space<vmem>>)
    %dma_wait3A_265 = arith.constant 6 : i32
    %dma_wait3A_266 = arith.constant 6 : i32
    %dma_wait3A_267 = arith.constant 0 : i32
    %dma_wait3A_268 = arith.constant 0 : i32
    %dma_wait3A_269 = tpu.memref_slice %arg6[%dma_wait3A_266, %dma_wait3A_267, %dma_wait3A_268] : memref<32x16x128xi32, #tpu.memory_space<vmem>> -> memref<1x16x128xi32, #tpu.memory_space<vmem>>
    %dma_wait3A_270 = tpu.memref_squeeze %dma_wait3A_269 : memref<1x16x128xi32, #tpu.memory_space<vmem>> -> memref<16x128xi32, #tpu.memory_space<vmem>>
    %dma_wait3A_271 = arith.constant 0 : i32
    %dma_wait3A_272 = tpu.memref_slice %arg5[%dma_wait3A_265, %dma_wait3A_271] : memref<32x16xi32, #tpu.memory_space<vmem>> -> memref<1x16xi32, #tpu.memory_space<vmem>>
    %dma_wait3A_273 = tpu.memref_squeeze %dma_wait3A_272 : memref<1x16xi32, #tpu.memory_space<vmem>> -> memref<16xi32, #tpu.memory_space<vmem>>
    %dma_wait3A_274 = arith.constant 0 : i32
    %dma_wait3A_275 = arith.constant 0 : i32
    %dma_wait3A_276 = tpu.memref_slice %arg2[%dma_wait3A_274, %dma_wait3A_275] : memref<401408x128xi32, #tpu.memory_space<hbm>> -> memref<401408x128xi32, #tpu.memory_space<hbm>>
    tpu.wait_indirect_dma semaphore(%arg7 : memref<!tpu.dma_semaphore, #tpu.memory_space<semaphore_mem>>) src(%dma_wait3A_276 : memref<401408x128xi32, #tpu.memory_space<hbm>>) dst(%dma_wait3A_270 : memref<16x128xi32, #tpu.memory_space<vmem>>)
    %dma_wait3A_277 = arith.constant 7 : i32
    %dma_wait3A_278 = arith.constant 7 : i32
    %dma_wait3A_279 = arith.constant 0 : i32
    %dma_wait3A_280 = arith.constant 0 : i32
    %dma_wait3A_281 = tpu.memref_slice %arg6[%dma_wait3A_278, %dma_wait3A_279, %dma_wait3A_280] : memref<32x16x128xi32, #tpu.memory_space<vmem>> -> memref<1x16x128xi32, #tpu.memory_space<vmem>>
    %dma_wait3A_282 = tpu.memref_squeeze %dma_wait3A_281 : memref<1x16x128xi32, #tpu.memory_space<vmem>> -> memref<16x128xi32, #tpu.memory_space<vmem>>
    %dma_wait3A_283 = arith.constant 0 : i32
    %dma_wait3A_284 = tpu.memref_slice %arg5[%dma_wait3A_277, %dma_wait3A_283] : memref<32x16xi32, #tpu.memory_space<vmem>> -> memref<1x16xi32, #tpu.memory_space<vmem>>
    %dma_wait3A_285 = tpu.memref_squeeze %dma_wait3A_284 : memref<1x16xi32, #tpu.memory_space<vmem>> -> memref<16xi32, #tpu.memory_space<vmem>>
    %dma_wait3A_286 = arith.constant 0 : i32
    %dma_wait3A_287 = arith.constant 0 : i32
    %dma_wait3A_288 = tpu.memref_slice %arg2[%dma_wait3A_286, %dma_wait3A_287] : memref<401408x128xi32, #tpu.memory_space<hbm>> -> memref<401408x128xi32, #tpu.memory_space<hbm>>
    tpu.wait_indirect_dma semaphore(%arg7 : memref<!tpu.dma_semaphore, #tpu.memory_space<semaphore_mem>>) src(%dma_wait3A_288 : memref<401408x128xi32, #tpu.memory_space<hbm>>) dst(%dma_wait3A_282 : memref<16x128xi32, #tpu.memory_space<vmem>>)
    %dma_wait3A_289 = arith.constant 8 : i32
    %dma_wait3A_290 = arith.constant 8 : i32
    %dma_wait3A_291 = arith.constant 0 : i32
    %dma_wait3A_292 = arith.constant 0 : i32
    %dma_wait3A_293 = tpu.memref_slice %arg6[%dma_wait3A_290, %dma_wait3A_291, %dma_wait3A_292] : memref<32x16x128xi32, #tpu.memory_space<vmem>> -> memref<1x16x128xi32, #tpu.memory_space<vmem>>
    %dma_wait3A_294 = tpu.memref_squeeze %dma_wait3A_293 : memref<1x16x128xi32, #tpu.memory_space<vmem>> -> memref<16x128xi32, #tpu.memory_space<vmem>>
    %dma_wait3A_295 = arith.constant 0 : i32
    %dma_wait3A_296 = tpu.memref_slice %arg5[%dma_wait3A_289, %dma_wait3A_295] : memref<32x16xi32, #tpu.memory_space<vmem>> -> memref<1x16xi32, #tpu.memory_space<vmem>>
    %dma_wait3A_297 = tpu.memref_squeeze %dma_wait3A_296 : memref<1x16xi32, #tpu.memory_space<vmem>> -> memref<16xi32, #tpu.memory_space<vmem>>
    %dma_wait3A_298 = arith.constant 0 : i32
    %dma_wait3A_299 = arith.constant 0 : i32
    %dma_wait3A_300 = tpu.memref_slice %arg2[%dma_wait3A_298, %dma_wait3A_299] : memref<401408x128xi32, #tpu.memory_space<hbm>> -> memref<401408x128xi32, #tpu.memory_space<hbm>>
    tpu.wait_indirect_dma semaphore(%arg7 : memref<!tpu.dma_semaphore, #tpu.memory_space<semaphore_mem>>) src(%dma_wait3A_300 : memref<401408x128xi32, #tpu.memory_space<hbm>>) dst(%dma_wait3A_294 : memref<16x128xi32, #tpu.memory_space<vmem>>)
    %dma_wait3A_301 = arith.constant 9 : i32
    %dma_wait3A_302 = arith.constant 9 : i32
    %dma_wait3A_303 = arith.constant 0 : i32
    %dma_wait3A_304 = arith.constant 0 : i32
    %dma_wait3A_305 = tpu.memref_slice %arg6[%dma_wait3A_302, %dma_wait3A_303, %dma_wait3A_304] : memref<32x16x128xi32, #tpu.memory_space<vmem>> -> memref<1x16x128xi32, #tpu.memory_space<vmem>>
    %dma_wait3A_306 = tpu.memref_squeeze %dma_wait3A_305 : memref<1x16x128xi32, #tpu.memory_space<vmem>> -> memref<16x128xi32, #tpu.memory_space<vmem>>
    %dma_wait3A_307 = arith.constant 0 : i32
    %dma_wait3A_308 = tpu.memref_slice %arg5[%dma_wait3A_301, %dma_wait3A_307] : memref<32x16xi32, #tpu.memory_space<vmem>> -> memref<1x16xi32, #tpu.memory_space<vmem>>
    %dma_wait3A_309 = tpu.memref_squeeze %dma_wait3A_308 : memref<1x16xi32, #tpu.memory_space<vmem>> -> memref<16xi32, #tpu.memory_space<vmem>>
    %dma_wait3A_310 = arith.constant 0 : i32
    %dma_wait3A_311 = arith.constant 0 : i32
    %dma_wait3A_312 = tpu.memref_slice %arg2[%dma_wait3A_310, %dma_wait3A_311] : memref<401408x128xi32, #tpu.memory_space<hbm>> -> memref<401408x128xi32, #tpu.memory_space<hbm>>
    tpu.wait_indirect_dma semaphore(%arg7 : memref<!tpu.dma_semaphore, #tpu.memory_space<semaphore_mem>>) src(%dma_wait3A_312 : memref<401408x128xi32, #tpu.memory_space<hbm>>) dst(%dma_wait3A_306 : memref<16x128xi32, #tpu.memory_space<vmem>>)
    %dma_wait3A_313 = arith.constant 10 : i32
    %dma_wait3A_314 = arith.constant 10 : i32
    %dma_wait3A_315 = arith.constant 0 : i32
    %dma_wait3A_316 = arith.constant 0 : i32
    %dma_wait3A_317 = tpu.memref_slice %arg6[%dma_wait3A_314, %dma_wait3A_315, %dma_wait3A_316] : memref<32x16x128xi32, #tpu.memory_space<vmem>> -> memref<1x16x128xi32, #tpu.memory_space<vmem>>
    %dma_wait3A_318 = tpu.memref_squeeze %dma_wait3A_317 : memref<1x16x128xi32, #tpu.memory_space<vmem>> -> memref<16x128xi32, #tpu.memory_space<vmem>>
    %dma_wait3A_319 = arith.constant 0 : i32
    %dma_wait3A_320 = tpu.memref_slice %arg5[%dma_wait3A_313, %dma_wait3A_319] : memref<32x16xi32, #tpu.memory_space<vmem>> -> memref<1x16xi32, #tpu.memory_space<vmem>>
    %dma_wait3A_321 = tpu.memref_squeeze %dma_wait3A_320 : memref<1x16xi32, #tpu.memory_space<vmem>> -> memref<16xi32, #tpu.memory_space<vmem>>
    %dma_wait3A_322 = arith.constant 0 : i32
    %dma_wait3A_323 = arith.constant 0 : i32
    %dma_wait3A_324 = tpu.memref_slice %arg2[%dma_wait3A_322, %dma_wait3A_323] : memref<401408x128xi32, #tpu.memory_space<hbm>> -> memref<401408x128xi32, #tpu.memory_space<hbm>>
    tpu.wait_indirect_dma semaphore(%arg7 : memref<!tpu.dma_semaphore, #tpu.memory_space<semaphore_mem>>) src(%dma_wait3A_324 : memref<401408x128xi32, #tpu.memory_space<hbm>>) dst(%dma_wait3A_318 : memref<16x128xi32, #tpu.memory_space<vmem>>)
    %dma_wait3A_325 = arith.constant 11 : i32
    %dma_wait3A_326 = arith.constant 11 : i32
    %dma_wait3A_327 = arith.constant 0 : i32
    %dma_wait3A_328 = arith.constant 0 : i32
    %dma_wait3A_329 = tpu.memref_slice %arg6[%dma_wait3A_326, %dma_wait3A_327, %dma_wait3A_328] : memref<32x16x128xi32, #tpu.memory_space<vmem>> -> memref<1x16x128xi32, #tpu.memory_space<vmem>>
    %dma_wait3A_330 = tpu.memref_squeeze %dma_wait3A_329 : memref<1x16x128xi32, #tpu.memory_space<vmem>> -> memref<16x128xi32, #tpu.memory_space<vmem>>
    %dma_wait3A_331 = arith.constant 0 : i32
    %dma_wait3A_332 = tpu.memref_slice %arg5[%dma_wait3A_325, %dma_wait3A_331] : memref<32x16xi32, #tpu.memory_space<vmem>> -> memref<1x16xi32, #tpu.memory_space<vmem>>
    %dma_wait3A_333 = tpu.memref_squeeze %dma_wait3A_332 : memref<1x16xi32, #tpu.memory_space<vmem>> -> memref<16xi32, #tpu.memory_space<vmem>>
    %dma_wait3A_334 = arith.constant 0 : i32
    %dma_wait3A_335 = arith.constant 0 : i32
    %dma_wait3A_336 = tpu.memref_slice %arg2[%dma_wait3A_334, %dma_wait3A_335] : memref<401408x128xi32, #tpu.memory_space<hbm>> -> memref<401408x128xi32, #tpu.memory_space<hbm>>
    tpu.wait_indirect_dma semaphore(%arg7 : memref<!tpu.dma_semaphore, #tpu.memory_space<semaphore_mem>>) src(%dma_wait3A_336 : memref<401408x128xi32, #tpu.memory_space<hbm>>) dst(%dma_wait3A_330 : memref<16x128xi32, #tpu.memory_space<vmem>>)
    %dma_wait3A_337 = arith.constant 12 : i32
    %dma_wait3A_338 = arith.constant 12 : i32
    %dma_wait3A_339 = arith.constant 0 : i32
    %dma_wait3A_340 = arith.constant 0 : i32
    %dma_wait3A_341 = tpu.memref_slice %arg6[%dma_wait3A_338, %dma_wait3A_339, %dma_wait3A_340] : memref<32x16x128xi32, #tpu.memory_space<vmem>> -> memref<1x16x128xi32, #tpu.memory_space<vmem>>
    %dma_wait3A_342 = tpu.memref_squeeze %dma_wait3A_341 : memref<1x16x128xi32, #tpu.memory_space<vmem>> -> memref<16x128xi32, #tpu.memory_space<vmem>>
    %dma_wait3A_343 = arith.constant 0 : i32
    %dma_wait3A_344 = tpu.memref_slice %arg5[%dma_wait3A_337, %dma_wait3A_343] : memref<32x16xi32, #tpu.memory_space<vmem>> -> memref<1x16xi32, #tpu.memory_space<vmem>>
    %dma_wait3A_345 = tpu.memref_squeeze %dma_wait3A_344 : memref<1x16xi32, #tpu.memory_space<vmem>> -> memref<16xi32, #tpu.memory_space<vmem>>
    %dma_wait3A_346 = arith.constant 0 : i32
    %dma_wait3A_347 = arith.constant 0 : i32
    %dma_wait3A_348 = tpu.memref_slice %arg2[%dma_wait3A_346, %dma_wait3A_347] : memref<401408x128xi32, #tpu.memory_space<hbm>> -> memref<401408x128xi32, #tpu.memory_space<hbm>>
    tpu.wait_indirect_dma semaphore(%arg7 : memref<!tpu.dma_semaphore, #tpu.memory_space<semaphore_mem>>) src(%dma_wait3A_348 : memref<401408x128xi32, #tpu.memory_space<hbm>>) dst(%dma_wait3A_342 : memref<16x128xi32, #tpu.memory_space<vmem>>)
    %dma_wait3A_349 = arith.constant 13 : i32
    %dma_wait3A_350 = arith.constant 13 : i32
    %dma_wait3A_351 = arith.constant 0 : i32
    %dma_wait3A_352 = arith.constant 0 : i32
    %dma_wait3A_353 = tpu.memref_slice %arg6[%dma_wait3A_350, %dma_wait3A_351, %dma_wait3A_352] : memref<32x16x128xi32, #tpu.memory_space<vmem>> -> memref<1x16x128xi32, #tpu.memory_space<vmem>>
    %dma_wait3A_354 = tpu.memref_squeeze %dma_wait3A_353 : memref<1x16x128xi32, #tpu.memory_space<vmem>> -> memref<16x128xi32, #tpu.memory_space<vmem>>
    %dma_wait3A_355 = arith.constant 0 : i32
    %dma_wait3A_356 = tpu.memref_slice %arg5[%dma_wait3A_349, %dma_wait3A_355] : memref<32x16xi32, #tpu.memory_space<vmem>> -> memref<1x16xi32, #tpu.memory_space<vmem>>
    %dma_wait3A_357 = tpu.memref_squeeze %dma_wait3A_356 : memref<1x16xi32, #tpu.memory_space<vmem>> -> memref<16xi32, #tpu.memory_space<vmem>>
    %dma_wait3A_358 = arith.constant 0 : i32
    %dma_wait3A_359 = arith.constant 0 : i32
    %dma_wait3A_360 = tpu.memref_slice %arg2[%dma_wait3A_358, %dma_wait3A_359] : memref<401408x128xi32, #tpu.memory_space<hbm>> -> memref<401408x128xi32, #tpu.memory_space<hbm>>
    tpu.wait_indirect_dma semaphore(%arg7 : memref<!tpu.dma_semaphore, #tpu.memory_space<semaphore_mem>>) src(%dma_wait3A_360 : memref<401408x128xi32, #tpu.memory_space<hbm>>) dst(%dma_wait3A_354 : memref<16x128xi32, #tpu.memory_space<vmem>>)
    %dma_wait3A_361 = arith.constant 14 : i32
    %dma_wait3A_362 = arith.constant 14 : i32
    %dma_wait3A_363 = arith.constant 0 : i32
    %dma_wait3A_364 = arith.constant 0 : i32
    %dma_wait3A_365 = tpu.memref_slice %arg6[%dma_wait3A_362, %dma_wait3A_363, %dma_wait3A_364] : memref<32x16x128xi32, #tpu.memory_space<vmem>> -> memref<1x16x128xi32, #tpu.memory_space<vmem>>
    %dma_wait3A_366 = tpu.memref_squeeze %dma_wait3A_365 : memref<1x16x128xi32, #tpu.memory_space<vmem>> -> memref<16x128xi32, #tpu.memory_space<vmem>>
    %dma_wait3A_367 = arith.constant 0 : i32
    %dma_wait3A_368 = tpu.memref_slice %arg5[%dma_wait3A_361, %dma_wait3A_367] : memref<32x16xi32, #tpu.memory_space<vmem>> -> memref<1x16xi32, #tpu.memory_space<vmem>>
    %dma_wait3A_369 = tpu.memref_squeeze %dma_wait3A_368 : memref<1x16xi32, #tpu.memory_space<vmem>> -> memref<16xi32, #tpu.memory_space<vmem>>
    %dma_wait3A_370 = arith.constant 0 : i32
    %dma_wait3A_371 = arith.constant 0 : i32
    %dma_wait3A_372 = tpu.memref_slice %arg2[%dma_wait3A_370, %dma_wait3A_371] : memref<401408x128xi32, #tpu.memory_space<hbm>> -> memref<401408x128xi32, #tpu.memory_space<hbm>>
    tpu.wait_indirect_dma semaphore(%arg7 : memref<!tpu.dma_semaphore, #tpu.memory_space<semaphore_mem>>) src(%dma_wait3A_372 : memref<401408x128xi32, #tpu.memory_space<hbm>>) dst(%dma_wait3A_366 : memref<16x128xi32, #tpu.memory_space<vmem>>)
    %dma_wait3A_373 = arith.constant 15 : i32
    %dma_wait3A_374 = arith.constant 15 : i32
    %dma_wait3A_375 = arith.constant 0 : i32
    %dma_wait3A_376 = arith.constant 0 : i32
    %dma_wait3A_377 = tpu.memref_slice %arg6[%dma_wait3A_374, %dma_wait3A_375, %dma_wait3A_376] : memref<32x16x128xi32, #tpu.memory_space<vmem>> -> memref<1x16x128xi32, #tpu.memory_space<vmem>>
    %dma_wait3A_378 = tpu.memref_squeeze %dma_wait3A_377 : memref<1x16x128xi32, #tpu.memory_space<vmem>> -> memref<16x128xi32, #tpu.memory_space<vmem>>
    %dma_wait3A_379 = arith.constant 0 : i32
    %dma_wait3A_380 = tpu.memref_slice %arg5[%dma_wait3A_373, %dma_wait3A_379] : memref<32x16xi32, #tpu.memory_space<vmem>> -> memref<1x16xi32, #tpu.memory_space<vmem>>
    %dma_wait3A_381 = tpu.memref_squeeze %dma_wait3A_380 : memref<1x16xi32, #tpu.memory_space<vmem>> -> memref<16xi32, #tpu.memory_space<vmem>>
    %dma_wait3A_382 = arith.constant 0 : i32
    %dma_wait3A_383 = arith.constant 0 : i32
    %dma_wait3A_384 = tpu.memref_slice %arg2[%dma_wait3A_382, %dma_wait3A_383] : memref<401408x128xi32, #tpu.memory_space<hbm>> -> memref<401408x128xi32, #tpu.memory_space<hbm>>
    tpu.wait_indirect_dma semaphore(%arg7 : memref<!tpu.dma_semaphore, #tpu.memory_space<semaphore_mem>>) src(%dma_wait3A_384 : memref<401408x128xi32, #tpu.memory_space<hbm>>) dst(%dma_wait3A_378 : memref<16x128xi32, #tpu.memory_space<vmem>>)
    %dma_start3A_385 = arith.constant 16 : i32
    %dma_start3A_386 = arith.constant 16 : i32
    %dma_start3A_387 = arith.constant 0 : i32
    %dma_start3A_388 = arith.constant 0 : i32
    %dma_start3A_389 = tpu.memref_slice %arg6[%dma_start3A_386, %dma_start3A_387, %dma_start3A_388] : memref<32x16x128xi32, #tpu.memory_space<vmem>> -> memref<1x16x128xi32, #tpu.memory_space<vmem>>
    %dma_start3A_390 = tpu.memref_squeeze %dma_start3A_389 : memref<1x16x128xi32, #tpu.memory_space<vmem>> -> memref<16x128xi32, #tpu.memory_space<vmem>>
    %dma_start3A_391 = arith.constant 0 : i32
    %dma_start3A_392 = tpu.memref_slice %arg5[%dma_start3A_385, %dma_start3A_391] : memref<32x16xi32, #tpu.memory_space<vmem>> -> memref<1x16xi32, #tpu.memory_space<vmem>>
    %dma_start3A_393 = tpu.memref_squeeze %dma_start3A_392 : memref<1x16xi32, #tpu.memory_space<vmem>> -> memref<16xi32, #tpu.memory_space<vmem>>
    %dma_start3A_394 = arith.constant 0 : i32
    %dma_start3A_395 = arith.constant 0 : i32
    %dma_start3A_396 = tpu.memref_slice %arg2[%dma_start3A_394, %dma_start3A_395] : memref<401408x128xi32, #tpu.memory_space<hbm>> -> memref<401408x128xi32, #tpu.memory_space<hbm>>
    tpu.enqueue_indirect_dma source(%dma_start3A_396 : memref<401408x128xi32, #tpu.memory_space<hbm>>) target(%dma_start3A_390 : memref<16x128xi32, #tpu.memory_space<vmem>>) offsets(%dma_start3A_393 : memref<16xi32, #tpu.memory_space<vmem>>) semaphore(%arg7 : memref<!tpu.dma_semaphore, #tpu.memory_space<semaphore_mem>>)
    %dma_start3A_397 = arith.constant 17 : i32
    %dma_start3A_398 = arith.constant 17 : i32
    %dma_start3A_399 = arith.constant 0 : i32
    %dma_start3A_400 = arith.constant 0 : i32
    %dma_start3A_401 = tpu.memref_slice %arg6[%dma_start3A_398, %dma_start3A_399, %dma_start3A_400] : memref<32x16x128xi32, #tpu.memory_space<vmem>> -> memref<1x16x128xi32, #tpu.memory_space<vmem>>
    %dma_start3A_402 = tpu.memref_squeeze %dma_start3A_401 : memref<1x16x128xi32, #tpu.memory_space<vmem>> -> memref<16x128xi32, #tpu.memory_space<vmem>>
    %dma_start3A_403 = arith.constant 0 : i32
    %dma_start3A_404 = tpu.memref_slice %arg5[%dma_start3A_397, %dma_start3A_403] : memref<32x16xi32, #tpu.memory_space<vmem>> -> memref<1x16xi32, #tpu.memory_space<vmem>>
    %dma_start3A_405 = tpu.memref_squeeze %dma_start3A_404 : memref<1x16xi32, #tpu.memory_space<vmem>> -> memref<16xi32, #tpu.memory_space<vmem>>
    %dma_start3A_406 = arith.constant 0 : i32
    %dma_start3A_407 = arith.constant 0 : i32
    %dma_start3A_408 = tpu.memref_slice %arg2[%dma_start3A_406, %dma_start3A_407] : memref<401408x128xi32, #tpu.memory_space<hbm>> -> memref<401408x128xi32, #tpu.memory_space<hbm>>
    tpu.enqueue_indirect_dma source(%dma_start3A_408 : memref<401408x128xi32, #tpu.memory_space<hbm>>) target(%dma_start3A_402 : memref<16x128xi32, #tpu.memory_space<vmem>>) offsets(%dma_start3A_405 : memref<16xi32, #tpu.memory_space<vmem>>) semaphore(%arg7 : memref<!tpu.dma_semaphore, #tpu.memory_space<semaphore_mem>>)
    %dma_start3A_409 = arith.constant 18 : i32
    %dma_start3A_410 = arith.constant 18 : i32
    %dma_start3A_411 = arith.constant 0 : i32
    %dma_start3A_412 = arith.constant 0 : i32
    %dma_start3A_413 = tpu.memref_slice %arg6[%dma_start3A_410, %dma_start3A_411, %dma_start3A_412] : memref<32x16x128xi32, #tpu.memory_space<vmem>> -> memref<1x16x128xi32, #tpu.memory_space<vmem>>
    %dma_start3A_414 = tpu.memref_squeeze %dma_start3A_413 : memref<1x16x128xi32, #tpu.memory_space<vmem>> -> memref<16x128xi32, #tpu.memory_space<vmem>>
    %dma_start3A_415 = arith.constant 0 : i32
    %dma_start3A_416 = tpu.memref_slice %arg5[%dma_start3A_409, %dma_start3A_415] : memref<32x16xi32, #tpu.memory_space<vmem>> -> memref<1x16xi32, #tpu.memory_space<vmem>>
    %dma_start3A_417 = tpu.memref_squeeze %dma_start3A_416 : memref<1x16xi32, #tpu.memory_space<vmem>> -> memref<16xi32, #tpu.memory_space<vmem>>
    %dma_start3A_418 = arith.constant 0 : i32
    %dma_start3A_419 = arith.constant 0 : i32
    %dma_start3A_420 = tpu.memref_slice %arg2[%dma_start3A_418, %dma_start3A_419] : memref<401408x128xi32, #tpu.memory_space<hbm>> -> memref<401408x128xi32, #tpu.memory_space<hbm>>
    tpu.enqueue_indirect_dma source(%dma_start3A_420 : memref<401408x128xi32, #tpu.memory_space<hbm>>) target(%dma_start3A_414 : memref<16x128xi32, #tpu.memory_space<vmem>>) offsets(%dma_start3A_417 : memref<16xi32, #tpu.memory_space<vmem>>) semaphore(%arg7 : memref<!tpu.dma_semaphore, #tpu.memory_space<semaphore_mem>>)
    %dma_start3A_421 = arith.constant 19 : i32
    %dma_start3A_422 = arith.constant 19 : i32
    %dma_start3A_423 = arith.constant 0 : i32
    %dma_start3A_424 = arith.constant 0 : i32
    %dma_start3A_425 = tpu.memref_slice %arg6[%dma_start3A_422, %dma_start3A_423, %dma_start3A_424] : memref<32x16x128xi32, #tpu.memory_space<vmem>> -> memref<1x16x128xi32, #tpu.memory_space<vmem>>
    %dma_start3A_426 = tpu.memref_squeeze %dma_start3A_425 : memref<1x16x128xi32, #tpu.memory_space<vmem>> -> memref<16x128xi32, #tpu.memory_space<vmem>>
    %dma_start3A_427 = arith.constant 0 : i32
    %dma_start3A_428 = tpu.memref_slice %arg5[%dma_start3A_421, %dma_start3A_427] : memref<32x16xi32, #tpu.memory_space<vmem>> -> memref<1x16xi32, #tpu.memory_space<vmem>>
    %dma_start3A_429 = tpu.memref_squeeze %dma_start3A_428 : memref<1x16xi32, #tpu.memory_space<vmem>> -> memref<16xi32, #tpu.memory_space<vmem>>
    %dma_start3A_430 = arith.constant 0 : i32
    %dma_start3A_431 = arith.constant 0 : i32
    %dma_start3A_432 = tpu.memref_slice %arg2[%dma_start3A_430, %dma_start3A_431] : memref<401408x128xi32, #tpu.memory_space<hbm>> -> memref<401408x128xi32, #tpu.memory_space<hbm>>
    tpu.enqueue_indirect_dma source(%dma_start3A_432 : memref<401408x128xi32, #tpu.memory_space<hbm>>) target(%dma_start3A_426 : memref<16x128xi32, #tpu.memory_space<vmem>>) offsets(%dma_start3A_429 : memref<16xi32, #tpu.memory_space<vmem>>) semaphore(%arg7 : memref<!tpu.dma_semaphore, #tpu.memory_space<semaphore_mem>>)
    %dma_start3A_433 = arith.constant 20 : i32
    %dma_start3A_434 = arith.constant 20 : i32
    %dma_start3A_435 = arith.constant 0 : i32
    %dma_start3A_436 = arith.constant 0 : i32
    %dma_start3A_437 = tpu.memref_slice %arg6[%dma_start3A_434, %dma_start3A_435, %dma_start3A_436] : memref<32x16x128xi32, #tpu.memory_space<vmem>> -> memref<1x16x128xi32, #tpu.memory_space<vmem>>
    %dma_start3A_438 = tpu.memref_squeeze %dma_start3A_437 : memref<1x16x128xi32, #tpu.memory_space<vmem>> -> memref<16x128xi32, #tpu.memory_space<vmem>>
    %dma_start3A_439 = arith.constant 0 : i32
    %dma_start3A_440 = tpu.memref_slice %arg5[%dma_start3A_433, %dma_start3A_439] : memref<32x16xi32, #tpu.memory_space<vmem>> -> memref<1x16xi32, #tpu.memory_space<vmem>>
    %dma_start3A_441 = tpu.memref_squeeze %dma_start3A_440 : memref<1x16xi32, #tpu.memory_space<vmem>> -> memref<16xi32, #tpu.memory_space<vmem>>
    %dma_start3A_442 = arith.constant 0 : i32
    %dma_start3A_443 = arith.constant 0 : i32
    %dma_start3A_444 = tpu.memref_slice %arg2[%dma_start3A_442, %dma_start3A_443] : memref<401408x128xi32, #tpu.memory_space<hbm>> -> memref<401408x128xi32, #tpu.memory_space<hbm>>
    tpu.enqueue_indirect_dma source(%dma_start3A_444 : memref<401408x128xi32, #tpu.memory_space<hbm>>) target(%dma_start3A_438 : memref<16x128xi32, #tpu.memory_space<vmem>>) offsets(%dma_start3A_441 : memref<16xi32, #tpu.memory_space<vmem>>) semaphore(%arg7 : memref<!tpu.dma_semaphore, #tpu.memory_space<semaphore_mem>>)
    %dma_start3A_445 = arith.constant 21 : i32
    %dma_start3A_446 = arith.constant 21 : i32
    %dma_start3A_447 = arith.constant 0 : i32
    %dma_start3A_448 = arith.constant 0 : i32
    %dma_start3A_449 = tpu.memref_slice %arg6[%dma_start3A_446, %dma_start3A_447, %dma_start3A_448] : memref<32x16x128xi32, #tpu.memory_space<vmem>> -> memref<1x16x128xi32, #tpu.memory_space<vmem>>
    %dma_start3A_450 = tpu.memref_squeeze %dma_start3A_449 : memref<1x16x128xi32, #tpu.memory_space<vmem>> -> memref<16x128xi32, #tpu.memory_space<vmem>>
    %dma_start3A_451 = arith.constant 0 : i32
    %dma_start3A_452 = tpu.memref_slice %arg5[%dma_start3A_445, %dma_start3A_451] : memref<32x16xi32, #tpu.memory_space<vmem>> -> memref<1x16xi32, #tpu.memory_space<vmem>>
    %dma_start3A_453 = tpu.memref_squeeze %dma_start3A_452 : memref<1x16xi32, #tpu.memory_space<vmem>> -> memref<16xi32, #tpu.memory_space<vmem>>
    %dma_start3A_454 = arith.constant 0 : i32
    %dma_start3A_455 = arith.constant 0 : i32
    %dma_start3A_456 = tpu.memref_slice %arg2[%dma_start3A_454, %dma_start3A_455] : memref<401408x128xi32, #tpu.memory_space<hbm>> -> memref<401408x128xi32, #tpu.memory_space<hbm>>
    tpu.enqueue_indirect_dma source(%dma_start3A_456 : memref<401408x128xi32, #tpu.memory_space<hbm>>) target(%dma_start3A_450 : memref<16x128xi32, #tpu.memory_space<vmem>>) offsets(%dma_start3A_453 : memref<16xi32, #tpu.memory_space<vmem>>) semaphore(%arg7 : memref<!tpu.dma_semaphore, #tpu.memory_space<semaphore_mem>>)
    %dma_start3A_457 = arith.constant 22 : i32
    %dma_start3A_458 = arith.constant 22 : i32
    %dma_start3A_459 = arith.constant 0 : i32
    %dma_start3A_460 = arith.constant 0 : i32
    %dma_start3A_461 = tpu.memref_slice %arg6[%dma_start3A_458, %dma_start3A_459, %dma_start3A_460] : memref<32x16x128xi32, #tpu.memory_space<vmem>> -> memref<1x16x128xi32, #tpu.memory_space<vmem>>
    %dma_start3A_462 = tpu.memref_squeeze %dma_start3A_461 : memref<1x16x128xi32, #tpu.memory_space<vmem>> -> memref<16x128xi32, #tpu.memory_space<vmem>>
    %dma_start3A_463 = arith.constant 0 : i32
    %dma_start3A_464 = tpu.memref_slice %arg5[%dma_start3A_457, %dma_start3A_463] : memref<32x16xi32, #tpu.memory_space<vmem>> -> memref<1x16xi32, #tpu.memory_space<vmem>>
    %dma_start3A_465 = tpu.memref_squeeze %dma_start3A_464 : memref<1x16xi32, #tpu.memory_space<vmem>> -> memref<16xi32, #tpu.memory_space<vmem>>
    %dma_start3A_466 = arith.constant 0 : i32
    %dma_start3A_467 = arith.constant 0 : i32
    %dma_start3A_468 = tpu.memref_slice %arg2[%dma_start3A_466, %dma_start3A_467] : memref<401408x128xi32, #tpu.memory_space<hbm>> -> memref<401408x128xi32, #tpu.memory_space<hbm>>
    tpu.enqueue_indirect_dma source(%dma_start3A_468 : memref<401408x128xi32, #tpu.memory_space<hbm>>) target(%dma_start3A_462 : memref<16x128xi32, #tpu.memory_space<vmem>>) offsets(%dma_start3A_465 : memref<16xi32, #tpu.memory_space<vmem>>) semaphore(%arg7 : memref<!tpu.dma_semaphore, #tpu.memory_space<semaphore_mem>>)
    %dma_start3A_469 = arith.constant 23 : i32
    %dma_start3A_470 = arith.constant 23 : i32
    %dma_start3A_471 = arith.constant 0 : i32
    %dma_start3A_472 = arith.constant 0 : i32
    %dma_start3A_473 = tpu.memref_slice %arg6[%dma_start3A_470, %dma_start3A_471, %dma_start3A_472] : memref<32x16x128xi32, #tpu.memory_space<vmem>> -> memref<1x16x128xi32, #tpu.memory_space<vmem>>
    %dma_start3A_474 = tpu.memref_squeeze %dma_start3A_473 : memref<1x16x128xi32, #tpu.memory_space<vmem>> -> memref<16x128xi32, #tpu.memory_space<vmem>>
    %dma_start3A_475 = arith.constant 0 : i32
    %dma_start3A_476 = tpu.memref_slice %arg5[%dma_start3A_469, %dma_start3A_475] : memref<32x16xi32, #tpu.memory_space<vmem>> -> memref<1x16xi32, #tpu.memory_space<vmem>>
    %dma_start3A_477 = tpu.memref_squeeze %dma_start3A_476 : memref<1x16xi32, #tpu.memory_space<vmem>> -> memref<16xi32, #tpu.memory_space<vmem>>
    %dma_start3A_478 = arith.constant 0 : i32
    %dma_start3A_479 = arith.constant 0 : i32
    %dma_start3A_480 = tpu.memref_slice %arg2[%dma_start3A_478, %dma_start3A_479] : memref<401408x128xi32, #tpu.memory_space<hbm>> -> memref<401408x128xi32, #tpu.memory_space<hbm>>
    tpu.enqueue_indirect_dma source(%dma_start3A_480 : memref<401408x128xi32, #tpu.memory_space<hbm>>) target(%dma_start3A_474 : memref<16x128xi32, #tpu.memory_space<vmem>>) offsets(%dma_start3A_477 : memref<16xi32, #tpu.memory_space<vmem>>) semaphore(%arg7 : memref<!tpu.dma_semaphore, #tpu.memory_space<semaphore_mem>>)
    %dma_start3A_481 = arith.constant 24 : i32
    %dma_start3A_482 = arith.constant 24 : i32
    %dma_start3A_483 = arith.constant 0 : i32
    %dma_start3A_484 = arith.constant 0 : i32
    %dma_start3A_485 = tpu.memref_slice %arg6[%dma_start3A_482, %dma_start3A_483, %dma_start3A_484] : memref<32x16x128xi32, #tpu.memory_space<vmem>> -> memref<1x16x128xi32, #tpu.memory_space<vmem>>
    %dma_start3A_486 = tpu.memref_squeeze %dma_start3A_485 : memref<1x16x128xi32, #tpu.memory_space<vmem>> -> memref<16x128xi32, #tpu.memory_space<vmem>>
    %dma_start3A_487 = arith.constant 0 : i32
    %dma_start3A_488 = tpu.memref_slice %arg5[%dma_start3A_481, %dma_start3A_487] : memref<32x16xi32, #tpu.memory_space<vmem>> -> memref<1x16xi32, #tpu.memory_space<vmem>>
    %dma_start3A_489 = tpu.memref_squeeze %dma_start3A_488 : memref<1x16xi32, #tpu.memory_space<vmem>> -> memref<16xi32, #tpu.memory_space<vmem>>
    %dma_start3A_490 = arith.constant 0 : i32
    %dma_start3A_491 = arith.constant 0 : i32
    %dma_start3A_492 = tpu.memref_slice %arg2[%dma_start3A_490, %dma_start3A_491] : memref<401408x128xi32, #tpu.memory_space<hbm>> -> memref<401408x128xi32, #tpu.memory_space<hbm>>
    tpu.enqueue_indirect_dma source(%dma_start3A_492 : memref<401408x128xi32, #tpu.memory_space<hbm>>) target(%dma_start3A_486 : memref<16x128xi32, #tpu.memory_space<vmem>>) offsets(%dma_start3A_489 : memref<16xi32, #tpu.memory_space<vmem>>) semaphore(%arg7 : memref<!tpu.dma_semaphore, #tpu.memory_space<semaphore_mem>>)
    %dma_start3A_493 = arith.constant 25 : i32
    %dma_start3A_494 = arith.constant 25 : i32
    %dma_start3A_495 = arith.constant 0 : i32
    %dma_start3A_496 = arith.constant 0 : i32
    %dma_start3A_497 = tpu.memref_slice %arg6[%dma_start3A_494, %dma_start3A_495, %dma_start3A_496] : memref<32x16x128xi32, #tpu.memory_space<vmem>> -> memref<1x16x128xi32, #tpu.memory_space<vmem>>
    %dma_start3A_498 = tpu.memref_squeeze %dma_start3A_497 : memref<1x16x128xi32, #tpu.memory_space<vmem>> -> memref<16x128xi32, #tpu.memory_space<vmem>>
    %dma_start3A_499 = arith.constant 0 : i32
    %dma_start3A_500 = tpu.memref_slice %arg5[%dma_start3A_493, %dma_start3A_499] : memref<32x16xi32, #tpu.memory_space<vmem>> -> memref<1x16xi32, #tpu.memory_space<vmem>>
    %dma_start3A_501 = tpu.memref_squeeze %dma_start3A_500 : memref<1x16xi32, #tpu.memory_space<vmem>> -> memref<16xi32, #tpu.memory_space<vmem>>
    %dma_start3A_502 = arith.constant 0 : i32
    %dma_start3A_503 = arith.constant 0 : i32
    %dma_start3A_504 = tpu.memref_slice %arg2[%dma_start3A_502, %dma_start3A_503] : memref<401408x128xi32, #tpu.memory_space<hbm>> -> memref<401408x128xi32, #tpu.memory_space<hbm>>
    tpu.enqueue_indirect_dma source(%dma_start3A_504 : memref<401408x128xi32, #tpu.memory_space<hbm>>) target(%dma_start3A_498 : memref<16x128xi32, #tpu.memory_space<vmem>>) offsets(%dma_start3A_501 : memref<16xi32, #tpu.memory_space<vmem>>) semaphore(%arg7 : memref<!tpu.dma_semaphore, #tpu.memory_space<semaphore_mem>>)
    %dma_start3A_505 = arith.constant 26 : i32
    %dma_start3A_506 = arith.constant 26 : i32
    %dma_start3A_507 = arith.constant 0 : i32
    %dma_start3A_508 = arith.constant 0 : i32
    %dma_start3A_509 = tpu.memref_slice %arg6[%dma_start3A_506, %dma_start3A_507, %dma_start3A_508] : memref<32x16x128xi32, #tpu.memory_space<vmem>> -> memref<1x16x128xi32, #tpu.memory_space<vmem>>
    %dma_start3A_510 = tpu.memref_squeeze %dma_start3A_509 : memref<1x16x128xi32, #tpu.memory_space<vmem>> -> memref<16x128xi32, #tpu.memory_space<vmem>>
    %dma_start3A_511 = arith.constant 0 : i32
    %dma_start3A_512 = tpu.memref_slice %arg5[%dma_start3A_505, %dma_start3A_511] : memref<32x16xi32, #tpu.memory_space<vmem>> -> memref<1x16xi32, #tpu.memory_space<vmem>>
    %dma_start3A_513 = tpu.memref_squeeze %dma_start3A_512 : memref<1x16xi32, #tpu.memory_space<vmem>> -> memref<16xi32, #tpu.memory_space<vmem>>
    %dma_start3A_514 = arith.constant 0 : i32
    %dma_start3A_515 = arith.constant 0 : i32
    %dma_start3A_516 = tpu.memref_slice %arg2[%dma_start3A_514, %dma_start3A_515] : memref<401408x128xi32, #tpu.memory_space<hbm>> -> memref<401408x128xi32, #tpu.memory_space<hbm>>
    tpu.enqueue_indirect_dma source(%dma_start3A_516 : memref<401408x128xi32, #tpu.memory_space<hbm>>) target(%dma_start3A_510 : memref<16x128xi32, #tpu.memory_space<vmem>>) offsets(%dma_start3A_513 : memref<16xi32, #tpu.memory_space<vmem>>) semaphore(%arg7 : memref<!tpu.dma_semaphore, #tpu.memory_space<semaphore_mem>>)
    %dma_start3A_517 = arith.constant 27 : i32
    %dma_start3A_518 = arith.constant 27 : i32
    %dma_start3A_519 = arith.constant 0 : i32
    %dma_start3A_520 = arith.constant 0 : i32
    %dma_start3A_521 = tpu.memref_slice %arg6[%dma_start3A_518, %dma_start3A_519, %dma_start3A_520] : memref<32x16x128xi32, #tpu.memory_space<vmem>> -> memref<1x16x128xi32, #tpu.memory_space<vmem>>
    %dma_start3A_522 = tpu.memref_squeeze %dma_start3A_521 : memref<1x16x128xi32, #tpu.memory_space<vmem>> -> memref<16x128xi32, #tpu.memory_space<vmem>>
    %dma_start3A_523 = arith.constant 0 : i32
    %dma_start3A_524 = tpu.memref_slice %arg5[%dma_start3A_517, %dma_start3A_523] : memref<32x16xi32, #tpu.memory_space<vmem>> -> memref<1x16xi32, #tpu.memory_space<vmem>>
    %dma_start3A_525 = tpu.memref_squeeze %dma_start3A_524 : memref<1x16xi32, #tpu.memory_space<vmem>> -> memref<16xi32, #tpu.memory_space<vmem>>
    %dma_start3A_526 = arith.constant 0 : i32
    %dma_start3A_527 = arith.constant 0 : i32
    %dma_start3A_528 = tpu.memref_slice %arg2[%dma_start3A_526, %dma_start3A_527] : memref<401408x128xi32, #tpu.memory_space<hbm>> -> memref<401408x128xi32, #tpu.memory_space<hbm>>
    tpu.enqueue_indirect_dma source(%dma_start3A_528 : memref<401408x128xi32, #tpu.memory_space<hbm>>) target(%dma_start3A_522 : memref<16x128xi32, #tpu.memory_space<vmem>>) offsets(%dma_start3A_525 : memref<16xi32, #tpu.memory_space<vmem>>) semaphore(%arg7 : memref<!tpu.dma_semaphore, #tpu.memory_space<semaphore_mem>>)
    %dma_start3A_529 = arith.constant 28 : i32
    %dma_start3A_530 = arith.constant 28 : i32
    %dma_start3A_531 = arith.constant 0 : i32
    %dma_start3A_532 = arith.constant 0 : i32
    %dma_start3A_533 = tpu.memref_slice %arg6[%dma_start3A_530, %dma_start3A_531, %dma_start3A_532] : memref<32x16x128xi32, #tpu.memory_space<vmem>> -> memref<1x16x128xi32, #tpu.memory_space<vmem>>
    %dma_start3A_534 = tpu.memref_squeeze %dma_start3A_533 : memref<1x16x128xi32, #tpu.memory_space<vmem>> -> memref<16x128xi32, #tpu.memory_space<vmem>>
    %dma_start3A_535 = arith.constant 0 : i32
    %dma_start3A_536 = tpu.memref_slice %arg5[%dma_start3A_529, %dma_start3A_535] : memref<32x16xi32, #tpu.memory_space<vmem>> -> memref<1x16xi32, #tpu.memory_space<vmem>>
    %dma_start3A_537 = tpu.memref_squeeze %dma_start3A_536 : memref<1x16xi32, #tpu.memory_space<vmem>> -> memref<16xi32, #tpu.memory_space<vmem>>
    %dma_start3A_538 = arith.constant 0 : i32
    %dma_start3A_539 = arith.constant 0 : i32
    %dma_start3A_540 = tpu.memref_slice %arg2[%dma_start3A_538, %dma_start3A_539] : memref<401408x128xi32, #tpu.memory_space<hbm>> -> memref<401408x128xi32, #tpu.memory_space<hbm>>
    tpu.enqueue_indirect_dma source(%dma_start3A_540 : memref<401408x128xi32, #tpu.memory_space<hbm>>) target(%dma_start3A_534 : memref<16x128xi32, #tpu.memory_space<vmem>>) offsets(%dma_start3A_537 : memref<16xi32, #tpu.memory_space<vmem>>) semaphore(%arg7 : memref<!tpu.dma_semaphore, #tpu.memory_space<semaphore_mem>>)
    %dma_start3A_541 = arith.constant 29 : i32
    %dma_start3A_542 = arith.constant 29 : i32
    %dma_start3A_543 = arith.constant 0 : i32
    %dma_start3A_544 = arith.constant 0 : i32
    %dma_start3A_545 = tpu.memref_slice %arg6[%dma_start3A_542, %dma_start3A_543, %dma_start3A_544] : memref<32x16x128xi32, #tpu.memory_space<vmem>> -> memref<1x16x128xi32, #tpu.memory_space<vmem>>
    %dma_start3A_546 = tpu.memref_squeeze %dma_start3A_545 : memref<1x16x128xi32, #tpu.memory_space<vmem>> -> memref<16x128xi32, #tpu.memory_space<vmem>>
    %dma_start3A_547 = arith.constant 0 : i32
    %dma_start3A_548 = tpu.memref_slice %arg5[%dma_start3A_541, %dma_start3A_547] : memref<32x16xi32, #tpu.memory_space<vmem>> -> memref<1x16xi32, #tpu.memory_space<vmem>>
    %dma_start3A_549 = tpu.memref_squeeze %dma_start3A_548 : memref<1x16xi32, #tpu.memory_space<vmem>> -> memref<16xi32, #tpu.memory_space<vmem>>
    %dma_start3A_550 = arith.constant 0 : i32
    %dma_start3A_551 = arith.constant 0 : i32
    %dma_start3A_552 = tpu.memref_slice %arg2[%dma_start3A_550, %dma_start3A_551] : memref<401408x128xi32, #tpu.memory_space<hbm>> -> memref<401408x128xi32, #tpu.memory_space<hbm>>
    tpu.enqueue_indirect_dma source(%dma_start3A_552 : memref<401408x128xi32, #tpu.memory_space<hbm>>) target(%dma_start3A_546 : memref<16x128xi32, #tpu.memory_space<vmem>>) offsets(%dma_start3A_549 : memref<16xi32, #tpu.memory_space<vmem>>) semaphore(%arg7 : memref<!tpu.dma_semaphore, #tpu.memory_space<semaphore_mem>>)
    %dma_start3A_553 = arith.constant 30 : i32
    %dma_start3A_554 = arith.constant 30 : i32
    %dma_start3A_555 = arith.constant 0 : i32
    %dma_start3A_556 = arith.constant 0 : i32
    %dma_start3A_557 = tpu.memref_slice %arg6[%dma_start3A_554, %dma_start3A_555, %dma_start3A_556] : memref<32x16x128xi32, #tpu.memory_space<vmem>> -> memref<1x16x128xi32, #tpu.memory_space<vmem>>
    %dma_start3A_558 = tpu.memref_squeeze %dma_start3A_557 : memref<1x16x128xi32, #tpu.memory_space<vmem>> -> memref<16x128xi32, #tpu.memory_space<vmem>>
    %dma_start3A_559 = arith.constant 0 : i32
    %dma_start3A_560 = tpu.memref_slice %arg5[%dma_start3A_553, %dma_start3A_559] : memref<32x16xi32, #tpu.memory_space<vmem>> -> memref<1x16xi32, #tpu.memory_space<vmem>>
    %dma_start3A_561 = tpu.memref_squeeze %dma_start3A_560 : memref<1x16xi32, #tpu.memory_space<vmem>> -> memref<16xi32, #tpu.memory_space<vmem>>
    %dma_start3A_562 = arith.constant 0 : i32
    %dma_start3A_563 = arith.constant 0 : i32
    %dma_start3A_564 = tpu.memref_slice %arg2[%dma_start3A_562, %dma_start3A_563] : memref<401408x128xi32, #tpu.memory_space<hbm>> -> memref<401408x128xi32, #tpu.memory_space<hbm>>
    tpu.enqueue_indirect_dma source(%dma_start3A_564 : memref<401408x128xi32, #tpu.memory_space<hbm>>) target(%dma_start3A_558 : memref<16x128xi32, #tpu.memory_space<vmem>>) offsets(%dma_start3A_561 : memref<16xi32, #tpu.memory_space<vmem>>) semaphore(%arg7 : memref<!tpu.dma_semaphore, #tpu.memory_space<semaphore_mem>>)
    %dma_start3A_565 = arith.constant 31 : i32
    %dma_start3A_566 = arith.constant 31 : i32
    %dma_start3A_567 = arith.constant 0 : i32
    %dma_start3A_568 = arith.constant 0 : i32
    %dma_start3A_569 = tpu.memref_slice %arg6[%dma_start3A_566, %dma_start3A_567, %dma_start3A_568] : memref<32x16x128xi32, #tpu.memory_space<vmem>> -> memref<1x16x128xi32, #tpu.memory_space<vmem>>
    %dma_start3A_570 = tpu.memref_squeeze %dma_start3A_569 : memref<1x16x128xi32, #tpu.memory_space<vmem>> -> memref<16x128xi32, #tpu.memory_space<vmem>>
    %dma_start3A_571 = arith.constant 0 : i32
    %dma_start3A_572 = tpu.memref_slice %arg5[%dma_start3A_565, %dma_start3A_571] : memref<32x16xi32, #tpu.memory_space<vmem>> -> memref<1x16xi32, #tpu.memory_space<vmem>>
    %dma_start3A_573 = tpu.memref_squeeze %dma_start3A_572 : memref<1x16xi32, #tpu.memory_space<vmem>> -> memref<16xi32, #tpu.memory_space<vmem>>
    %dma_start3A_574 = arith.constant 0 : i32
    %dma_start3A_575 = arith.constant 0 : i32
    %dma_start3A_576 = tpu.memref_slice %arg2[%dma_start3A_574, %dma_start3A_575] : memref<401408x128xi32, #tpu.memory_space<hbm>> -> memref<401408x128xi32, #tpu.memory_space<hbm>>
    tpu.enqueue_indirect_dma source(%dma_start3A_576 : memref<401408x128xi32, #tpu.memory_space<hbm>>) target(%dma_start3A_570 : memref<16x128xi32, #tpu.memory_space<vmem>>) offsets(%dma_start3A_573 : memref<16xi32, #tpu.memory_space<vmem>>) semaphore(%arg7 : memref<!tpu.dma_semaphore, #tpu.memory_space<semaphore_mem>>)
    %dma_wait3A_577 = arith.constant 16 : i32
    %dma_wait3A_578 = arith.constant 16 : i32
    %dma_wait3A_579 = arith.constant 0 : i32
    %dma_wait3A_580 = arith.constant 0 : i32
    %dma_wait3A_581 = tpu.memref_slice %arg6[%dma_wait3A_578, %dma_wait3A_579, %dma_wait3A_580] : memref<32x16x128xi32, #tpu.memory_space<vmem>> -> memref<1x16x128xi32, #tpu.memory_space<vmem>>
    %dma_wait3A_582 = tpu.memref_squeeze %dma_wait3A_581 : memref<1x16x128xi32, #tpu.memory_space<vmem>> -> memref<16x128xi32, #tpu.memory_space<vmem>>
    %dma_wait3A_583 = arith.constant 0 : i32
    %dma_wait3A_584 = tpu.memref_slice %arg5[%dma_wait3A_577, %dma_wait3A_583] : memref<32x16xi32, #tpu.memory_space<vmem>> -> memref<1x16xi32, #tpu.memory_space<vmem>>
    %dma_wait3A_585 = tpu.memref_squeeze %dma_wait3A_584 : memref<1x16xi32, #tpu.memory_space<vmem>> -> memref<16xi32, #tpu.memory_space<vmem>>
    %dma_wait3A_586 = arith.constant 0 : i32
    %dma_wait3A_587 = arith.constant 0 : i32
    %dma_wait3A_588 = tpu.memref_slice %arg2[%dma_wait3A_586, %dma_wait3A_587] : memref<401408x128xi32, #tpu.memory_space<hbm>> -> memref<401408x128xi32, #tpu.memory_space<hbm>>
    tpu.wait_indirect_dma semaphore(%arg7 : memref<!tpu.dma_semaphore, #tpu.memory_space<semaphore_mem>>) src(%dma_wait3A_588 : memref<401408x128xi32, #tpu.memory_space<hbm>>) dst(%dma_wait3A_582 : memref<16x128xi32, #tpu.memory_space<vmem>>)
    %dma_wait3A_589 = arith.constant 17 : i32
    %dma_wait3A_590 = arith.constant 17 : i32
    %dma_wait3A_591 = arith.constant 0 : i32
    %dma_wait3A_592 = arith.constant 0 : i32
    %dma_wait3A_593 = tpu.memref_slice %arg6[%dma_wait3A_590, %dma_wait3A_591, %dma_wait3A_592] : memref<32x16x128xi32, #tpu.memory_space<vmem>> -> memref<1x16x128xi32, #tpu.memory_space<vmem>>
    %dma_wait3A_594 = tpu.memref_squeeze %dma_wait3A_593 : memref<1x16x128xi32, #tpu.memory_space<vmem>> -> memref<16x128xi32, #tpu.memory_space<vmem>>
    %dma_wait3A_595 = arith.constant 0 : i32
    %dma_wait3A_596 = tpu.memref_slice %arg5[%dma_wait3A_589, %dma_wait3A_595] : memref<32x16xi32, #tpu.memory_space<vmem>> -> memref<1x16xi32, #tpu.memory_space<vmem>>
    %dma_wait3A_597 = tpu.memref_squeeze %dma_wait3A_596 : memref<1x16xi32, #tpu.memory_space<vmem>> -> memref<16xi32, #tpu.memory_space<vmem>>
    %dma_wait3A_598 = arith.constant 0 : i32
    %dma_wait3A_599 = arith.constant 0 : i32
    %dma_wait3A_600 = tpu.memref_slice %arg2[%dma_wait3A_598, %dma_wait3A_599] : memref<401408x128xi32, #tpu.memory_space<hbm>> -> memref<401408x128xi32, #tpu.memory_space<hbm>>
    tpu.wait_indirect_dma semaphore(%arg7 : memref<!tpu.dma_semaphore, #tpu.memory_space<semaphore_mem>>) src(%dma_wait3A_600 : memref<401408x128xi32, #tpu.memory_space<hbm>>) dst(%dma_wait3A_594 : memref<16x128xi32, #tpu.memory_space<vmem>>)
    %dma_wait3A_601 = arith.constant 18 : i32
    %dma_wait3A_602 = arith.constant 18 : i32
    %dma_wait3A_603 = arith.constant 0 : i32
    %dma_wait3A_604 = arith.constant 0 : i32
    %dma_wait3A_605 = tpu.memref_slice %arg6[%dma_wait3A_602, %dma_wait3A_603, %dma_wait3A_604] : memref<32x16x128xi32, #tpu.memory_space<vmem>> -> memref<1x16x128xi32, #tpu.memory_space<vmem>>
    %dma_wait3A_606 = tpu.memref_squeeze %dma_wait3A_605 : memref<1x16x128xi32, #tpu.memory_space<vmem>> -> memref<16x128xi32, #tpu.memory_space<vmem>>
    %dma_wait3A_607 = arith.constant 0 : i32
    %dma_wait3A_608 = tpu.memref_slice %arg5[%dma_wait3A_601, %dma_wait3A_607] : memref<32x16xi32, #tpu.memory_space<vmem>> -> memref<1x16xi32, #tpu.memory_space<vmem>>
    %dma_wait3A_609 = tpu.memref_squeeze %dma_wait3A_608 : memref<1x16xi32, #tpu.memory_space<vmem>> -> memref<16xi32, #tpu.memory_space<vmem>>
    %dma_wait3A_610 = arith.constant 0 : i32
    %dma_wait3A_611 = arith.constant 0 : i32
    %dma_wait3A_612 = tpu.memref_slice %arg2[%dma_wait3A_610, %dma_wait3A_611] : memref<401408x128xi32, #tpu.memory_space<hbm>> -> memref<401408x128xi32, #tpu.memory_space<hbm>>
    tpu.wait_indirect_dma semaphore(%arg7 : memref<!tpu.dma_semaphore, #tpu.memory_space<semaphore_mem>>) src(%dma_wait3A_612 : memref<401408x128xi32, #tpu.memory_space<hbm>>) dst(%dma_wait3A_606 : memref<16x128xi32, #tpu.memory_space<vmem>>)
    %dma_wait3A_613 = arith.constant 19 : i32
    %dma_wait3A_614 = arith.constant 19 : i32
    %dma_wait3A_615 = arith.constant 0 : i32
    %dma_wait3A_616 = arith.constant 0 : i32
    %dma_wait3A_617 = tpu.memref_slice %arg6[%dma_wait3A_614, %dma_wait3A_615, %dma_wait3A_616] : memref<32x16x128xi32, #tpu.memory_space<vmem>> -> memref<1x16x128xi32, #tpu.memory_space<vmem>>
    %dma_wait3A_618 = tpu.memref_squeeze %dma_wait3A_617 : memref<1x16x128xi32, #tpu.memory_space<vmem>> -> memref<16x128xi32, #tpu.memory_space<vmem>>
    %dma_wait3A_619 = arith.constant 0 : i32
    %dma_wait3A_620 = tpu.memref_slice %arg5[%dma_wait3A_613, %dma_wait3A_619] : memref<32x16xi32, #tpu.memory_space<vmem>> -> memref<1x16xi32, #tpu.memory_space<vmem>>
    %dma_wait3A_621 = tpu.memref_squeeze %dma_wait3A_620 : memref<1x16xi32, #tpu.memory_space<vmem>> -> memref<16xi32, #tpu.memory_space<vmem>>
    %dma_wait3A_622 = arith.constant 0 : i32
    %dma_wait3A_623 = arith.constant 0 : i32
    %dma_wait3A_624 = tpu.memref_slice %arg2[%dma_wait3A_622, %dma_wait3A_623] : memref<401408x128xi32, #tpu.memory_space<hbm>> -> memref<401408x128xi32, #tpu.memory_space<hbm>>
    tpu.wait_indirect_dma semaphore(%arg7 : memref<!tpu.dma_semaphore, #tpu.memory_space<semaphore_mem>>) src(%dma_wait3A_624 : memref<401408x128xi32, #tpu.memory_space<hbm>>) dst(%dma_wait3A_618 : memref<16x128xi32, #tpu.memory_space<vmem>>)
    %dma_wait3A_625 = arith.constant 20 : i32
    %dma_wait3A_626 = arith.constant 20 : i32
    %dma_wait3A_627 = arith.constant 0 : i32
    %dma_wait3A_628 = arith.constant 0 : i32
    %dma_wait3A_629 = tpu.memref_slice %arg6[%dma_wait3A_626, %dma_wait3A_627, %dma_wait3A_628] : memref<32x16x128xi32, #tpu.memory_space<vmem>> -> memref<1x16x128xi32, #tpu.memory_space<vmem>>
    %dma_wait3A_630 = tpu.memref_squeeze %dma_wait3A_629 : memref<1x16x128xi32, #tpu.memory_space<vmem>> -> memref<16x128xi32, #tpu.memory_space<vmem>>
    %dma_wait3A_631 = arith.constant 0 : i32
    %dma_wait3A_632 = tpu.memref_slice %arg5[%dma_wait3A_625, %dma_wait3A_631] : memref<32x16xi32, #tpu.memory_space<vmem>> -> memref<1x16xi32, #tpu.memory_space<vmem>>
    %dma_wait3A_633 = tpu.memref_squeeze %dma_wait3A_632 : memref<1x16xi32, #tpu.memory_space<vmem>> -> memref<16xi32, #tpu.memory_space<vmem>>
    %dma_wait3A_634 = arith.constant 0 : i32
    %dma_wait3A_635 = arith.constant 0 : i32
    %dma_wait3A_636 = tpu.memref_slice %arg2[%dma_wait3A_634, %dma_wait3A_635] : memref<401408x128xi32, #tpu.memory_space<hbm>> -> memref<401408x128xi32, #tpu.memory_space<hbm>>
    tpu.wait_indirect_dma semaphore(%arg7 : memref<!tpu.dma_semaphore, #tpu.memory_space<semaphore_mem>>) src(%dma_wait3A_636 : memref<401408x128xi32, #tpu.memory_space<hbm>>) dst(%dma_wait3A_630 : memref<16x128xi32, #tpu.memory_space<vmem>>)
    %dma_wait3A_637 = arith.constant 21 : i32
    %dma_wait3A_638 = arith.constant 21 : i32
    %dma_wait3A_639 = arith.constant 0 : i32
    %dma_wait3A_640 = arith.constant 0 : i32
    %dma_wait3A_641 = tpu.memref_slice %arg6[%dma_wait3A_638, %dma_wait3A_639, %dma_wait3A_640] : memref<32x16x128xi32, #tpu.memory_space<vmem>> -> memref<1x16x128xi32, #tpu.memory_space<vmem>>
    %dma_wait3A_642 = tpu.memref_squeeze %dma_wait3A_641 : memref<1x16x128xi32, #tpu.memory_space<vmem>> -> memref<16x128xi32, #tpu.memory_space<vmem>>
    %dma_wait3A_643 = arith.constant 0 : i32
    %dma_wait3A_644 = tpu.memref_slice %arg5[%dma_wait3A_637, %dma_wait3A_643] : memref<32x16xi32, #tpu.memory_space<vmem>> -> memref<1x16xi32, #tpu.memory_space<vmem>>
    %dma_wait3A_645 = tpu.memref_squeeze %dma_wait3A_644 : memref<1x16xi32, #tpu.memory_space<vmem>> -> memref<16xi32, #tpu.memory_space<vmem>>
    %dma_wait3A_646 = arith.constant 0 : i32
    %dma_wait3A_647 = arith.constant 0 : i32
    %dma_wait3A_648 = tpu.memref_slice %arg2[%dma_wait3A_646, %dma_wait3A_647] : memref<401408x128xi32, #tpu.memory_space<hbm>> -> memref<401408x128xi32, #tpu.memory_space<hbm>>
    tpu.wait_indirect_dma semaphore(%arg7 : memref<!tpu.dma_semaphore, #tpu.memory_space<semaphore_mem>>) src(%dma_wait3A_648 : memref<401408x128xi32, #tpu.memory_space<hbm>>) dst(%dma_wait3A_642 : memref<16x128xi32, #tpu.memory_space<vmem>>)
    %dma_wait3A_649 = arith.constant 22 : i32
    %dma_wait3A_650 = arith.constant 22 : i32
    %dma_wait3A_651 = arith.constant 0 : i32
    %dma_wait3A_652 = arith.constant 0 : i32
    %dma_wait3A_653 = tpu.memref_slice %arg6[%dma_wait3A_650, %dma_wait3A_651, %dma_wait3A_652] : memref<32x16x128xi32, #tpu.memory_space<vmem>> -> memref<1x16x128xi32, #tpu.memory_space<vmem>>
    %dma_wait3A_654 = tpu.memref_squeeze %dma_wait3A_653 : memref<1x16x128xi32, #tpu.memory_space<vmem>> -> memref<16x128xi32, #tpu.memory_space<vmem>>
    %dma_wait3A_655 = arith.constant 0 : i32
    %dma_wait3A_656 = tpu.memref_slice %arg5[%dma_wait3A_649, %dma_wait3A_655] : memref<32x16xi32, #tpu.memory_space<vmem>> -> memref<1x16xi32, #tpu.memory_space<vmem>>
    %dma_wait3A_657 = tpu.memref_squeeze %dma_wait3A_656 : memref<1x16xi32, #tpu.memory_space<vmem>> -> memref<16xi32, #tpu.memory_space<vmem>>
    %dma_wait3A_658 = arith.constant 0 : i32
    %dma_wait3A_659 = arith.constant 0 : i32
    %dma_wait3A_660 = tpu.memref_slice %arg2[%dma_wait3A_658, %dma_wait3A_659] : memref<401408x128xi32, #tpu.memory_space<hbm>> -> memref<401408x128xi32, #tpu.memory_space<hbm>>
    tpu.wait_indirect_dma semaphore(%arg7 : memref<!tpu.dma_semaphore, #tpu.memory_space<semaphore_mem>>) src(%dma_wait3A_660 : memref<401408x128xi32, #tpu.memory_space<hbm>>) dst(%dma_wait3A_654 : memref<16x128xi32, #tpu.memory_space<vmem>>)
    %dma_wait3A_661 = arith.constant 23 : i32
    %dma_wait3A_662 = arith.constant 23 : i32
    %dma_wait3A_663 = arith.constant 0 : i32
    %dma_wait3A_664 = arith.constant 0 : i32
    %dma_wait3A_665 = tpu.memref_slice %arg6[%dma_wait3A_662, %dma_wait3A_663, %dma_wait3A_664] : memref<32x16x128xi32, #tpu.memory_space<vmem>> -> memref<1x16x128xi32, #tpu.memory_space<vmem>>
    %dma_wait3A_666 = tpu.memref_squeeze %dma_wait3A_665 : memref<1x16x128xi32, #tpu.memory_space<vmem>> -> memref<16x128xi32, #tpu.memory_space<vmem>>
    %dma_wait3A_667 = arith.constant 0 : i32
    %dma_wait3A_668 = tpu.memref_slice %arg5[%dma_wait3A_661, %dma_wait3A_667] : memref<32x16xi32, #tpu.memory_space<vmem>> -> memref<1x16xi32, #tpu.memory_space<vmem>>
    %dma_wait3A_669 = tpu.memref_squeeze %dma_wait3A_668 : memref<1x16xi32, #tpu.memory_space<vmem>> -> memref<16xi32, #tpu.memory_space<vmem>>
    %dma_wait3A_670 = arith.constant 0 : i32
    %dma_wait3A_671 = arith.constant 0 : i32
    %dma_wait3A_672 = tpu.memref_slice %arg2[%dma_wait3A_670, %dma_wait3A_671] : memref<401408x128xi32, #tpu.memory_space<hbm>> -> memref<401408x128xi32, #tpu.memory_space<hbm>>
    tpu.wait_indirect_dma semaphore(%arg7 : memref<!tpu.dma_semaphore, #tpu.memory_space<semaphore_mem>>) src(%dma_wait3A_672 : memref<401408x128xi32, #tpu.memory_space<hbm>>) dst(%dma_wait3A_666 : memref<16x128xi32, #tpu.memory_space<vmem>>)
    %dma_wait3A_673 = arith.constant 24 : i32
    %dma_wait3A_674 = arith.constant 24 : i32
    %dma_wait3A_675 = arith.constant 0 : i32
    %dma_wait3A_676 = arith.constant 0 : i32
    %dma_wait3A_677 = tpu.memref_slice %arg6[%dma_wait3A_674, %dma_wait3A_675, %dma_wait3A_676] : memref<32x16x128xi32, #tpu.memory_space<vmem>> -> memref<1x16x128xi32, #tpu.memory_space<vmem>>
    %dma_wait3A_678 = tpu.memref_squeeze %dma_wait3A_677 : memref<1x16x128xi32, #tpu.memory_space<vmem>> -> memref<16x128xi32, #tpu.memory_space<vmem>>
    %dma_wait3A_679 = arith.constant 0 : i32
    %dma_wait3A_680 = tpu.memref_slice %arg5[%dma_wait3A_673, %dma_wait3A_679] : memref<32x16xi32, #tpu.memory_space<vmem>> -> memref<1x16xi32, #tpu.memory_space<vmem>>
    %dma_wait3A_681 = tpu.memref_squeeze %dma_wait3A_680 : memref<1x16xi32, #tpu.memory_space<vmem>> -> memref<16xi32, #tpu.memory_space<vmem>>
    %dma_wait3A_682 = arith.constant 0 : i32
    %dma_wait3A_683 = arith.constant 0 : i32
    %dma_wait3A_684 = tpu.memref_slice %arg2[%dma_wait3A_682, %dma_wait3A_683] : memref<401408x128xi32, #tpu.memory_space<hbm>> -> memref<401408x128xi32, #tpu.memory_space<hbm>>
    tpu.wait_indirect_dma semaphore(%arg7 : memref<!tpu.dma_semaphore, #tpu.memory_space<semaphore_mem>>) src(%dma_wait3A_684 : memref<401408x128xi32, #tpu.memory_space<hbm>>) dst(%dma_wait3A_678 : memref<16x128xi32, #tpu.memory_space<vmem>>)
    %dma_wait3A_685 = arith.constant 25 : i32
    %dma_wait3A_686 = arith.constant 25 : i32
    %dma_wait3A_687 = arith.constant 0 : i32
    %dma_wait3A_688 = arith.constant 0 : i32
    %dma_wait3A_689 = tpu.memref_slice %arg6[%dma_wait3A_686, %dma_wait3A_687, %dma_wait3A_688] : memref<32x16x128xi32, #tpu.memory_space<vmem>> -> memref<1x16x128xi32, #tpu.memory_space<vmem>>
    %dma_wait3A_690 = tpu.memref_squeeze %dma_wait3A_689 : memref<1x16x128xi32, #tpu.memory_space<vmem>> -> memref<16x128xi32, #tpu.memory_space<vmem>>
    %dma_wait3A_691 = arith.constant 0 : i32
    %dma_wait3A_692 = tpu.memref_slice %arg5[%dma_wait3A_685, %dma_wait3A_691] : memref<32x16xi32, #tpu.memory_space<vmem>> -> memref<1x16xi32, #tpu.memory_space<vmem>>
    %dma_wait3A_693 = tpu.memref_squeeze %dma_wait3A_692 : memref<1x16xi32, #tpu.memory_space<vmem>> -> memref<16xi32, #tpu.memory_space<vmem>>
    %dma_wait3A_694 = arith.constant 0 : i32
    %dma_wait3A_695 = arith.constant 0 : i32
    %dma_wait3A_696 = tpu.memref_slice %arg2[%dma_wait3A_694, %dma_wait3A_695] : memref<401408x128xi32, #tpu.memory_space<hbm>> -> memref<401408x128xi32, #tpu.memory_space<hbm>>
    tpu.wait_indirect_dma semaphore(%arg7 : memref<!tpu.dma_semaphore, #tpu.memory_space<semaphore_mem>>) src(%dma_wait3A_696 : memref<401408x128xi32, #tpu.memory_space<hbm>>) dst(%dma_wait3A_690 : memref<16x128xi32, #tpu.memory_space<vmem>>)
    %dma_wait3A_697 = arith.constant 26 : i32
    %dma_wait3A_698 = arith.constant 26 : i32
    %dma_wait3A_699 = arith.constant 0 : i32
    %dma_wait3A_700 = arith.constant 0 : i32
    %dma_wait3A_701 = tpu.memref_slice %arg6[%dma_wait3A_698, %dma_wait3A_699, %dma_wait3A_700] : memref<32x16x128xi32, #tpu.memory_space<vmem>> -> memref<1x16x128xi32, #tpu.memory_space<vmem>>
    %dma_wait3A_702 = tpu.memref_squeeze %dma_wait3A_701 : memref<1x16x128xi32, #tpu.memory_space<vmem>> -> memref<16x128xi32, #tpu.memory_space<vmem>>
    %dma_wait3A_703 = arith.constant 0 : i32
    %dma_wait3A_704 = tpu.memref_slice %arg5[%dma_wait3A_697, %dma_wait3A_703] : memref<32x16xi32, #tpu.memory_space<vmem>> -> memref<1x16xi32, #tpu.memory_space<vmem>>
    %dma_wait3A_705 = tpu.memref_squeeze %dma_wait3A_704 : memref<1x16xi32, #tpu.memory_space<vmem>> -> memref<16xi32, #tpu.memory_space<vmem>>
    %dma_wait3A_706 = arith.constant 0 : i32
    %dma_wait3A_707 = arith.constant 0 : i32
    %dma_wait3A_708 = tpu.memref_slice %arg2[%dma_wait3A_706, %dma_wait3A_707] : memref<401408x128xi32, #tpu.memory_space<hbm>> -> memref<401408x128xi32, #tpu.memory_space<hbm>>
    tpu.wait_indirect_dma semaphore(%arg7 : memref<!tpu.dma_semaphore, #tpu.memory_space<semaphore_mem>>) src(%dma_wait3A_708 : memref<401408x128xi32, #tpu.memory_space<hbm>>) dst(%dma_wait3A_702 : memref<16x128xi32, #tpu.memory_space<vmem>>)
    %dma_wait3A_709 = arith.constant 27 : i32
    %dma_wait3A_710 = arith.constant 27 : i32
    %dma_wait3A_711 = arith.constant 0 : i32
    %dma_wait3A_712 = arith.constant 0 : i32
    %dma_wait3A_713 = tpu.memref_slice %arg6[%dma_wait3A_710, %dma_wait3A_711, %dma_wait3A_712] : memref<32x16x128xi32, #tpu.memory_space<vmem>> -> memref<1x16x128xi32, #tpu.memory_space<vmem>>
    %dma_wait3A_714 = tpu.memref_squeeze %dma_wait3A_713 : memref<1x16x128xi32, #tpu.memory_space<vmem>> -> memref<16x128xi32, #tpu.memory_space<vmem>>
    %dma_wait3A_715 = arith.constant 0 : i32
    %dma_wait3A_716 = tpu.memref_slice %arg5[%dma_wait3A_709, %dma_wait3A_715] : memref<32x16xi32, #tpu.memory_space<vmem>> -> memref<1x16xi32, #tpu.memory_space<vmem>>
    %dma_wait3A_717 = tpu.memref_squeeze %dma_wait3A_716 : memref<1x16xi32, #tpu.memory_space<vmem>> -> memref<16xi32, #tpu.memory_space<vmem>>
    %dma_wait3A_718 = arith.constant 0 : i32
    %dma_wait3A_719 = arith.constant 0 : i32
    %dma_wait3A_720 = tpu.memref_slice %arg2[%dma_wait3A_718, %dma_wait3A_719] : memref<401408x128xi32, #tpu.memory_space<hbm>> -> memref<401408x128xi32, #tpu.memory_space<hbm>>
    tpu.wait_indirect_dma semaphore(%arg7 : memref<!tpu.dma_semaphore, #tpu.memory_space<semaphore_mem>>) src(%dma_wait3A_720 : memref<401408x128xi32, #tpu.memory_space<hbm>>) dst(%dma_wait3A_714 : memref<16x128xi32, #tpu.memory_space<vmem>>)
    %dma_wait3A_721 = arith.constant 28 : i32
    %dma_wait3A_722 = arith.constant 28 : i32
    %dma_wait3A_723 = arith.constant 0 : i32
    %dma_wait3A_724 = arith.constant 0 : i32
    %dma_wait3A_725 = tpu.memref_slice %arg6[%dma_wait3A_722, %dma_wait3A_723, %dma_wait3A_724] : memref<32x16x128xi32, #tpu.memory_space<vmem>> -> memref<1x16x128xi32, #tpu.memory_space<vmem>>
    %dma_wait3A_726 = tpu.memref_squeeze %dma_wait3A_725 : memref<1x16x128xi32, #tpu.memory_space<vmem>> -> memref<16x128xi32, #tpu.memory_space<vmem>>
    %dma_wait3A_727 = arith.constant 0 : i32
    %dma_wait3A_728 = tpu.memref_slice %arg5[%dma_wait3A_721, %dma_wait3A_727] : memref<32x16xi32, #tpu.memory_space<vmem>> -> memref<1x16xi32, #tpu.memory_space<vmem>>
    %dma_wait3A_729 = tpu.memref_squeeze %dma_wait3A_728 : memref<1x16xi32, #tpu.memory_space<vmem>> -> memref<16xi32, #tpu.memory_space<vmem>>
    %dma_wait3A_730 = arith.constant 0 : i32
    %dma_wait3A_731 = arith.constant 0 : i32
    %dma_wait3A_732 = tpu.memref_slice %arg2[%dma_wait3A_730, %dma_wait3A_731] : memref<401408x128xi32, #tpu.memory_space<hbm>> -> memref<401408x128xi32, #tpu.memory_space<hbm>>
    tpu.wait_indirect_dma semaphore(%arg7 : memref<!tpu.dma_semaphore, #tpu.memory_space<semaphore_mem>>) src(%dma_wait3A_732 : memref<401408x128xi32, #tpu.memory_space<hbm>>) dst(%dma_wait3A_726 : memref<16x128xi32, #tpu.memory_space<vmem>>)
    %dma_wait3A_733 = arith.constant 29 : i32
    %dma_wait3A_734 = arith.constant 29 : i32
    %dma_wait3A_735 = arith.constant 0 : i32
    %dma_wait3A_736 = arith.constant 0 : i32
    %dma_wait3A_737 = tpu.memref_slice %arg6[%dma_wait3A_734, %dma_wait3A_735, %dma_wait3A_736] : memref<32x16x128xi32, #tpu.memory_space<vmem>> -> memref<1x16x128xi32, #tpu.memory_space<vmem>>
    %dma_wait3A_738 = tpu.memref_squeeze %dma_wait3A_737 : memref<1x16x128xi32, #tpu.memory_space<vmem>> -> memref<16x128xi32, #tpu.memory_space<vmem>>
    %dma_wait3A_739 = arith.constant 0 : i32
    %dma_wait3A_740 = tpu.memref_slice %arg5[%dma_wait3A_733, %dma_wait3A_739] : memref<32x16xi32, #tpu.memory_space<vmem>> -> memref<1x16xi32, #tpu.memory_space<vmem>>
    %dma_wait3A_741 = tpu.memref_squeeze %dma_wait3A_740 : memref<1x16xi32, #tpu.memory_space<vmem>> -> memref<16xi32, #tpu.memory_space<vmem>>
    %dma_wait3A_742 = arith.constant 0 : i32
    %dma_wait3A_743 = arith.constant 0 : i32
    %dma_wait3A_744 = tpu.memref_slice %arg2[%dma_wait3A_742, %dma_wait3A_743] : memref<401408x128xi32, #tpu.memory_space<hbm>> -> memref<401408x128xi32, #tpu.memory_space<hbm>>
    tpu.wait_indirect_dma semaphore(%arg7 : memref<!tpu.dma_semaphore, #tpu.memory_space<semaphore_mem>>) src(%dma_wait3A_744 : memref<401408x128xi32, #tpu.memory_space<hbm>>) dst(%dma_wait3A_738 : memref<16x128xi32, #tpu.memory_space<vmem>>)
    %dma_wait3A_745 = arith.constant 30 : i32
    %dma_wait3A_746 = arith.constant 30 : i32
    %dma_wait3A_747 = arith.constant 0 : i32
    %dma_wait3A_748 = arith.constant 0 : i32
    %dma_wait3A_749 = tpu.memref_slice %arg6[%dma_wait3A_746, %dma_wait3A_747, %dma_wait3A_748] : memref<32x16x128xi32, #tpu.memory_space<vmem>> -> memref<1x16x128xi32, #tpu.memory_space<vmem>>
    %dma_wait3A_750 = tpu.memref_squeeze %dma_wait3A_749 : memref<1x16x128xi32, #tpu.memory_space<vmem>> -> memref<16x128xi32, #tpu.memory_space<vmem>>
    %dma_wait3A_751 = arith.constant 0 : i32
    %dma_wait3A_752 = tpu.memref_slice %arg5[%dma_wait3A_745, %dma_wait3A_751] : memref<32x16xi32, #tpu.memory_space<vmem>> -> memref<1x16xi32, #tpu.memory_space<vmem>>
    %dma_wait3A_753 = tpu.memref_squeeze %dma_wait3A_752 : memref<1x16xi32, #tpu.memory_space<vmem>> -> memref<16xi32, #tpu.memory_space<vmem>>
    %dma_wait3A_754 = arith.constant 0 : i32
    %dma_wait3A_755 = arith.constant 0 : i32
    %dma_wait3A_756 = tpu.memref_slice %arg2[%dma_wait3A_754, %dma_wait3A_755] : memref<401408x128xi32, #tpu.memory_space<hbm>> -> memref<401408x128xi32, #tpu.memory_space<hbm>>
    tpu.wait_indirect_dma semaphore(%arg7 : memref<!tpu.dma_semaphore, #tpu.memory_space<semaphore_mem>>) src(%dma_wait3A_756 : memref<401408x128xi32, #tpu.memory_space<hbm>>) dst(%dma_wait3A_750 : memref<16x128xi32, #tpu.memory_space<vmem>>)
    %dma_wait3A_757 = arith.constant 31 : i32
    %dma_wait3A_758 = arith.constant 31 : i32
    %dma_wait3A_759 = arith.constant 0 : i32
    %dma_wait3A_760 = arith.constant 0 : i32
    %dma_wait3A_761 = tpu.memref_slice %arg6[%dma_wait3A_758, %dma_wait3A_759, %dma_wait3A_760] : memref<32x16x128xi32, #tpu.memory_space<vmem>> -> memref<1x16x128xi32, #tpu.memory_space<vmem>>
    %dma_wait3A_762 = tpu.memref_squeeze %dma_wait3A_761 : memref<1x16x128xi32, #tpu.memory_space<vmem>> -> memref<16x128xi32, #tpu.memory_space<vmem>>
    %dma_wait3A_763 = arith.constant 0 : i32
    %dma_wait3A_764 = tpu.memref_slice %arg5[%dma_wait3A_757, %dma_wait3A_763] : memref<32x16xi32, #tpu.memory_space<vmem>> -> memref<1x16xi32, #tpu.memory_space<vmem>>
    %dma_wait3A_765 = tpu.memref_squeeze %dma_wait3A_764 : memref<1x16xi32, #tpu.memory_space<vmem>> -> memref<16xi32, #tpu.memory_space<vmem>>
    %dma_wait3A_766 = arith.constant 0 : i32
    %dma_wait3A_767 = arith.constant 0 : i32
    %dma_wait3A_768 = tpu.memref_slice %arg2[%dma_wait3A_766, %dma_wait3A_767] : memref<401408x128xi32, #tpu.memory_space<hbm>> -> memref<401408x128xi32, #tpu.memory_space<hbm>>
    tpu.wait_indirect_dma semaphore(%arg7 : memref<!tpu.dma_semaphore, #tpu.memory_space<semaphore_mem>>) src(%dma_wait3A_768 : memref<401408x128xi32, #tpu.memory_space<hbm>>) dst(%dma_wait3A_762 : memref<16x128xi32, #tpu.memory_space<vmem>>)
    "tpu.region"() ({
      %run_scoped3A = tpu.sem_alloc : memref<!tpu.dma_semaphore, #tpu.memory_space<semaphore_mem>>
      %dma_start3A_769 = arith.constant 0 : i32
      %dma_start3A_770 = arith.constant 0 : i32
      %dma_start3A_771 = tpu.memref_slice %arg4[%mul3A_2, %dma_start3A_769, %dma_start3A_770] : memref<1024x16x128xi32, #tpu.memory_space<hbm>> -> memref<32x16x128xi32, #tpu.memory_space<hbm>>
      %dma_start3A_772 = arith.constant 0 : i32
      %dma_start3A_773 = arith.constant 0 : i32
      %dma_start3A_774 = tpu.memref_slice %arg4[%mul3A_2, %dma_start3A_772, %dma_start3A_773] : memref<1024x16x128xi32, #tpu.memory_space<hbm>> -> memref<32x16x128xi32, #tpu.memory_space<hbm>>
      tpu.enqueue_dma source(%arg6 : memref<32x16x128xi32, #tpu.memory_space<vmem>>) target(%dma_start3A_774 : memref<32x16x128xi32, #tpu.memory_space<hbm>>) target_semaphore(%run_scoped3A : memref<!tpu.dma_semaphore, #tpu.memory_space<semaphore_mem>>)
      %dma_wait3A_775 = arith.constant 0 : i32
      %dma_wait3A_776 = arith.constant 0 : i32
      %dma_wait3A_777 = tpu.memref_slice %arg4[%mul3A_2, %dma_wait3A_775, %dma_wait3A_776] : memref<1024x16x128xi32, #tpu.memory_space<hbm>> -> memref<32x16x128xi32, #tpu.memory_space<hbm>>
      %dma_wait3A_778 = arith.constant 0 : i32
      %dma_wait3A_779 = arith.constant 0 : i32
      %dma_wait3A_780 = tpu.memref_slice %arg4[%mul3A_2, %dma_wait3A_778, %dma_wait3A_779] : memref<1024x16x128xi32, #tpu.memory_space<hbm>> -> memref<32x16x128xi32, #tpu.memory_space<hbm>>
      tpu.wait_dma2 semaphore(%run_scoped3A : memref<!tpu.dma_semaphore, #tpu.memory_space<semaphore_mem>>) src(%arg6 : memref<32x16x128xi32, #tpu.memory_space<vmem>>) dst(%dma_wait3A_780 : memref<32x16x128xi32, #tpu.memory_space<hbm>>)
      tpu.yield
    }) : () -> ()
    return
  }
}

module attributes {stable_mosaic.version = 14 : i64} {
  func.func @_cdist_body(%arg0: i32, %arg1: memref<2048x128xf32, #tpu.memory_space<vmem>>, %arg2: memref<1024x128xf32, #tpu.memory_space<vmem>>, %arg3: memref<64x16x8x128xi32, #tpu.memory_space<vmem>>, %arg4: memref<1x1024x16xf32, #tpu.memory_space<vmem>>) attributes {dimension_semantics = [#tpu.dimension_semantics<arbitrary>], iteration_bounds = array<i64: 49>, scalar_prefetch = 0 : i64, scratch_operands = 0 : i64, tpu.core_type = #tpu.core_type<tc>, window_params = [{transform_indices = @transform_0, window_bounds = array<i64: 2048, 128>}, {pipeline_mode = #tpu.pipeline_mode<synchronous>, transform_indices = @transform_1, window_bounds = array<i64: 1024, 128>}, {transform_indices = @transform_2, window_bounds = array<i64: 64, 16, 8, 128>}, {transform_indices = @transform_3, window_bounds = array<i64: 1, 1024, 16>}]} {
    %iota3A = tpu.iota {dimensions = array<i32: 1>} : vector<1x128xi32>
    %ge3A = arith.constant 0 : i32
    %ge3A_0 = vector.broadcast %ge3A : i32 to vector<1x128xi32>
    %ge3A_1 = arith.cmpi sge, %iota3A, %ge3A_0 : vector<1x128xi32>
    %convert_element_type3A = arith.extui %ge3A_1 : vector<1x128xi1> to vector<1x128xi32>
    %convert_element_type3A_2 = arith.sitofp %convert_element_type3A : vector<1x128xi32> to vector<1x128xf32>
    %get3A = arith.constant 0 : index
    %get3A_3 = arith.constant 0 : index
    %get3A_4 = vector.load %arg1[%get3A, %get3A_3] : memref<2048x128xf32, #tpu.memory_space<vmem>>, vector<128x128xf32>
    %mul3A = arith.mulf %get3A_4, %get3A_4 : vector<128x128xf32>
    %dot_general3A = arith.constant dense<0.000000e+00> : vector<1x128xf32>
    %dot_general3A_5 = tpu.matmul %convert_element_type3A_2, %mul3A, %dot_general3A {dimension_numbers = #tpu.dot_dimension_numbers<[1], [1], [0], [0], [0, 0, 1, 0], [], []>, transpose_lhs_hint = false} : vector<1x128xf32>, vector<128x128xf32>, vector<1x128xf32> -> vector<1x128xf32>
    %mul3A_6 = arith.constant 16 : i32
    %mul3A_7 = arith.muli %arg0, %mul3A_6 : i32
    %add3A = arith.constant 0 : i32
    %add3A_8 = arith.addi %mul3A_7, %add3A : i32
    %mul3A_9 = arith.constant 128 : i32
    %mul3A_10 = arith.muli %add3A_8, %mul3A_9 : i32
    %iota3A_11 = tpu.iota {dimensions = array<i32: 1>} : vector<1x128xi32>
    %add3A_12 = vector.broadcast %mul3A_10 : i32 to vector<1x128xi32>
    %add3A_13 = arith.addi %add3A_12, %iota3A_11 : vector<1x128xi32>
    %ge3A_14 = arith.constant 100000 : i32
    %ge3A_15 = vector.broadcast %ge3A_14 : i32 to vector<1x128xi32>
    %ge3A_16 = arith.cmpi sge, %add3A_13, %ge3A_15 : vector<1x128xi32>
    %get3A_17 = arith.constant 0 : index
    %get3A_18 = arith.constant 0 : index
    %get3A_19 = vector.load %arg2[%get3A_17, %get3A_18] : memref<1024x128xf32, #tpu.memory_space<vmem>>, vector<1024x128xf32>
    %dot_general3A_20 = arith.constant dense<0.000000e+00> : vector<1024x128xf32>
    %dot_general3A_21 = tpu.matmul %get3A_19, %get3A_4, %dot_general3A_20 {dimension_numbers = #tpu.dot_dimension_numbers<[1], [1], [0], [0], [0, 0, 1, 0], [], []>, transpose_lhs_hint = false} : vector<1024x128xf32>, vector<128x128xf32>, vector<1024x128xf32> -> vector<1024x128xf32>
    %mul3A_22 = arith.constant 2.000000e+00 : f32
    %mul3A_23 = vector.broadcast %mul3A_22 : f32 to vector<1024x128xf32>
    %mul3A_24 = arith.mulf %mul3A_23, %dot_general3A_21 : vector<1024x128xf32>
    %sub3A = vector.broadcast %dot_general3A_5 : vector<1x128xf32> to vector<1024x128xf32>
    %sub3A_25 = arith.subf %sub3A, %mul3A_24 : vector<1024x128xf32>
    %jit3A = arith.constant 3.000000e+38 : f32
    %broadcast_in_dim3A = vector.shape_cast %ge3A_16 : vector<1x128xi1> to vector<1x128xi1>
    %broadcast_in_dim3A_26 = vector.broadcast %broadcast_in_dim3A : vector<1x128xi1> to vector<1024x128xi1>
    %broadcast_in_dim3A_27 = vector.broadcast %jit3A : f32 to vector<1024x128xf32>
    %select_n3A = arith.select %broadcast_in_dim3A_26, %broadcast_in_dim3A_27, %sub3A_25 : vector<1024x128xi1>, vector<1024x128xf32>
    %convert_element_type3A_28 = arith.truncf %select_n3A : vector<1024x128xf32> to vector<1024x128xbf16>
    %bitcast3A = tpu.bitcast %convert_element_type3A_28 : vector<1024x128xbf16> -> vector<512x128xi32>
    %reshape3A = vector.shape_cast %bitcast3A : vector<512x128xi32> to vector<64x8x128xi32>
    %swap3A = arith.constant 0 : index
    %swap3A_29 = arith.constant 0 : index
    %swap3A_30 = arith.constant 0 : index
    %swap3A_31 = arith.constant 0 : index
    %swap3A_32 = vector.load %arg3[%swap3A, %swap3A_29, %swap3A_30, %swap3A_31] : memref<64x16x8x128xi32, #tpu.memory_space<vmem>>, vector<64x1x8x128xi32>
    %swap3A_33 = vector.shape_cast %swap3A_32 : vector<64x1x8x128xi32> to vector<64x8x128xi32>
    %swap3A_34 = vector.shape_cast %reshape3A : vector<64x8x128xi32> to vector<64x1x8x128xi32>
    tpu.vector_store %arg3[%swap3A, %swap3A_29, %swap3A_30, %swap3A_31], %swap3A_34 {strides = array<i32>} : memref<64x16x8x128xi32, #tpu.memory_space<vmem>>, vector<64x1x8x128xi32>,
    %reduce_min3A = arith.constant dense<0x7F800000> : vector<1024xf32>
    %reduce_min3A_35 = vector.multi_reduction <minimumf>, %select_n3A, %reduce_min3A [1] : vector<1024x128xf32> to vector<1024xf32>
    %broadcast_in_dim3A_36 = vector.shape_cast %reduce_min3A_35 : vector<1024xf32> to vector<1024x1xf32>
    %get3A_37 = arith.constant 128 : index
    %get3A_38 = arith.constant 0 : index
    %get3A_39 = vector.load %arg1[%get3A_37, %get3A_38] : memref<2048x128xf32, #tpu.memory_space<vmem>>, vector<128x128xf32>
    %mul3A_40 = arith.mulf %get3A_39, %get3A_39 : vector<128x128xf32>
    %dot_general3A_41 = arith.constant dense<0.000000e+00> : vector<1x128xf32>
    %dot_general3A_42 = tpu.matmul %convert_element_type3A_2, %mul3A_40, %dot_general3A_41 {dimension_numbers = #tpu.dot_dimension_numbers<[1], [1], [0], [0], [0, 0, 1, 0], [], []>, transpose_lhs_hint = false} : vector<1x128xf32>, vector<128x128xf32>, vector<1x128xf32> -> vector<1x128xf32>
    %mul3A_43 = arith.constant 16 : i32
    %mul3A_44 = arith.muli %arg0, %mul3A_43 : i32
    %add3A_45 = arith.constant 1 : i32
    %add3A_46 = arith.addi %mul3A_44, %add3A_45 : i32
    %mul3A_47 = arith.constant 128 : i32
    %mul3A_48 = arith.muli %add3A_46, %mul3A_47 : i32
    %iota3A_49 = tpu.iota {dimensions = array<i32: 1>} : vector<1x128xi32>
    %add3A_50 = vector.broadcast %mul3A_48 : i32 to vector<1x128xi32>
    %add3A_51 = arith.addi %add3A_50, %iota3A_49 : vector<1x128xi32>
    %ge3A_52 = arith.constant 100000 : i32
    %ge3A_53 = vector.broadcast %ge3A_52 : i32 to vector<1x128xi32>
    %ge3A_54 = arith.cmpi sge, %add3A_51, %ge3A_53 : vector<1x128xi32>
    %get3A_55 = arith.constant 0 : index
    %get3A_56 = arith.constant 0 : index
    %get3A_57 = vector.load %arg2[%get3A_55, %get3A_56] : memref<1024x128xf32, #tpu.memory_space<vmem>>, vector<1024x128xf32>
    %dot_general3A_58 = arith.constant dense<0.000000e+00> : vector<1024x128xf32>
    %dot_general3A_59 = tpu.matmul %get3A_57, %get3A_39, %dot_general3A_58 {dimension_numbers = #tpu.dot_dimension_numbers<[1], [1], [0], [0], [0, 0, 1, 0], [], []>, transpose_lhs_hint = false} : vector<1024x128xf32>, vector<128x128xf32>, vector<1024x128xf32> -> vector<1024x128xf32>
    %mul3A_60 = arith.constant 2.000000e+00 : f32
    %mul3A_61 = vector.broadcast %mul3A_60 : f32 to vector<1024x128xf32>
    %mul3A_62 = arith.mulf %mul3A_61, %dot_general3A_59 : vector<1024x128xf32>
    %sub3A_63 = vector.broadcast %dot_general3A_42 : vector<1x128xf32> to vector<1024x128xf32>
    %sub3A_64 = arith.subf %sub3A_63, %mul3A_62 : vector<1024x128xf32>
    %jit3A_65 = arith.constant 3.000000e+38 : f32
    %broadcast_in_dim3A_66 = vector.shape_cast %ge3A_54 : vector<1x128xi1> to vector<1x128xi1>
    %broadcast_in_dim3A_67 = vector.broadcast %broadcast_in_dim3A_66 : vector<1x128xi1> to vector<1024x128xi1>
    %broadcast_in_dim3A_68 = vector.broadcast %jit3A_65 : f32 to vector<1024x128xf32>
    %select_n3A_69 = arith.select %broadcast_in_dim3A_67, %broadcast_in_dim3A_68, %sub3A_64 : vector<1024x128xi1>, vector<1024x128xf32>
    %convert_element_type3A_70 = arith.truncf %select_n3A_69 : vector<1024x128xf32> to vector<1024x128xbf16>
    %bitcast3A_71 = tpu.bitcast %convert_element_type3A_70 : vector<1024x128xbf16> -> vector<512x128xi32>
    %reshape3A_72 = vector.shape_cast %bitcast3A_71 : vector<512x128xi32> to vector<64x8x128xi32>
    %swap3A_73 = arith.constant 0 : index
    %swap3A_74 = arith.constant 1 : index
    %swap3A_75 = arith.constant 0 : index
    %swap3A_76 = arith.constant 0 : index
    %swap3A_77 = vector.load %arg3[%swap3A_73, %swap3A_74, %swap3A_75, %swap3A_76] : memref<64x16x8x128xi32, #tpu.memory_space<vmem>>, vector<64x1x8x128xi32>
    %swap3A_78 = vector.shape_cast %swap3A_77 : vector<64x1x8x128xi32> to vector<64x8x128xi32>
    %swap3A_79 = vector.shape_cast %reshape3A_72 : vector<64x8x128xi32> to vector<64x1x8x128xi32>
    tpu.vector_store %arg3[%swap3A_73, %swap3A_74, %swap3A_75, %swap3A_76], %swap3A_79 {strides = array<i32>} : memref<64x16x8x128xi32, #tpu.memory_space<vmem>>, vector<64x1x8x128xi32>,
    %reduce_min3A_80 = arith.constant dense<0x7F800000> : vector<1024xf32>
    %reduce_min3A_81 = vector.multi_reduction <minimumf>, %select_n3A_69, %reduce_min3A_80 [1] : vector<1024x128xf32> to vector<1024xf32>
    %broadcast_in_dim3A_82 = vector.shape_cast %reduce_min3A_81 : vector<1024xf32> to vector<1024x1xf32>
    %get3A_83 = arith.constant 256 : index
    %get3A_84 = arith.constant 0 : index
    %get3A_85 = vector.load %arg1[%get3A_83, %get3A_84] : memref<2048x128xf32, #tpu.memory_space<vmem>>, vector<128x128xf32>
    %mul3A_86 = arith.mulf %get3A_85, %get3A_85 : vector<128x128xf32>
    %dot_general3A_87 = arith.constant dense<0.000000e+00> : vector<1x128xf32>
    %dot_general3A_88 = tpu.matmul %convert_element_type3A_2, %mul3A_86, %dot_general3A_87 {dimension_numbers = #tpu.dot_dimension_numbers<[1], [1], [0], [0], [0, 0, 1, 0], [], []>, transpose_lhs_hint = false} : vector<1x128xf32>, vector<128x128xf32>, vector<1x128xf32> -> vector<1x128xf32>
    %mul3A_89 = arith.constant 16 : i32
    %mul3A_90 = arith.muli %arg0, %mul3A_89 : i32
    %add3A_91 = arith.constant 2 : i32
    %add3A_92 = arith.addi %mul3A_90, %add3A_91 : i32
    %mul3A_93 = arith.constant 128 : i32
    %mul3A_94 = arith.muli %add3A_92, %mul3A_93 : i32
    %iota3A_95 = tpu.iota {dimensions = array<i32: 1>} : vector<1x128xi32>
    %add3A_96 = vector.broadcast %mul3A_94 : i32 to vector<1x128xi32>
    %add3A_97 = arith.addi %add3A_96, %iota3A_95 : vector<1x128xi32>
    %ge3A_98 = arith.constant 100000 : i32
    %ge3A_99 = vector.broadcast %ge3A_98 : i32 to vector<1x128xi32>
    %ge3A_100 = arith.cmpi sge, %add3A_97, %ge3A_99 : vector<1x128xi32>
    %get3A_101 = arith.constant 0 : index
    %get3A_102 = arith.constant 0 : index
    %get3A_103 = vector.load %arg2[%get3A_101, %get3A_102] : memref<1024x128xf32, #tpu.memory_space<vmem>>, vector<1024x128xf32>
    %dot_general3A_104 = arith.constant dense<0.000000e+00> : vector<1024x128xf32>
    %dot_general3A_105 = tpu.matmul %get3A_103, %get3A_85, %dot_general3A_104 {dimension_numbers = #tpu.dot_dimension_numbers<[1], [1], [0], [0], [0, 0, 1, 0], [], []>, transpose_lhs_hint = false} : vector<1024x128xf32>, vector<128x128xf32>, vector<1024x128xf32> -> vector<1024x128xf32>
    %mul3A_106 = arith.constant 2.000000e+00 : f32
    %mul3A_107 = vector.broadcast %mul3A_106 : f32 to vector<1024x128xf32>
    %mul3A_108 = arith.mulf %mul3A_107, %dot_general3A_105 : vector<1024x128xf32>
    %sub3A_109 = vector.broadcast %dot_general3A_88 : vector<1x128xf32> to vector<1024x128xf32>
    %sub3A_110 = arith.subf %sub3A_109, %mul3A_108 : vector<1024x128xf32>
    %jit3A_111 = arith.constant 3.000000e+38 : f32
    %broadcast_in_dim3A_112 = vector.shape_cast %ge3A_100 : vector<1x128xi1> to vector<1x128xi1>
    %broadcast_in_dim3A_113 = vector.broadcast %broadcast_in_dim3A_112 : vector<1x128xi1> to vector<1024x128xi1>
    %broadcast_in_dim3A_114 = vector.broadcast %jit3A_111 : f32 to vector<1024x128xf32>
    %select_n3A_115 = arith.select %broadcast_in_dim3A_113, %broadcast_in_dim3A_114, %sub3A_110 : vector<1024x128xi1>, vector<1024x128xf32>
    %convert_element_type3A_116 = arith.truncf %select_n3A_115 : vector<1024x128xf32> to vector<1024x128xbf16>
    %bitcast3A_117 = tpu.bitcast %convert_element_type3A_116 : vector<1024x128xbf16> -> vector<512x128xi32>
    %reshape3A_118 = vector.shape_cast %bitcast3A_117 : vector<512x128xi32> to vector<64x8x128xi32>
    %swap3A_119 = arith.constant 0 : index
    %swap3A_120 = arith.constant 2 : index
    %swap3A_121 = arith.constant 0 : index
    %swap3A_122 = arith.constant 0 : index
    %swap3A_123 = vector.load %arg3[%swap3A_119, %swap3A_120, %swap3A_121, %swap3A_122] : memref<64x16x8x128xi32, #tpu.memory_space<vmem>>, vector<64x1x8x128xi32>
    %swap3A_124 = vector.shape_cast %swap3A_123 : vector<64x1x8x128xi32> to vector<64x8x128xi32>
    %swap3A_125 = vector.shape_cast %reshape3A_118 : vector<64x8x128xi32> to vector<64x1x8x128xi32>
    tpu.vector_store %arg3[%swap3A_119, %swap3A_120, %swap3A_121, %swap3A_122], %swap3A_125 {strides = array<i32>} : memref<64x16x8x128xi32, #tpu.memory_space<vmem>>, vector<64x1x8x128xi32>,
    %reduce_min3A_126 = arith.constant dense<0x7F800000> : vector<1024xf32>
    %reduce_min3A_127 = vector.multi_reduction <minimumf>, %select_n3A_115, %reduce_min3A_126 [1] : vector<1024x128xf32> to vector<1024xf32>
    %broadcast_in_dim3A_128 = vector.shape_cast %reduce_min3A_127 : vector<1024xf32> to vector<1024x1xf32>
    %get3A_129 = arith.constant 384 : index
    %get3A_130 = arith.constant 0 : index
    %get3A_131 = vector.load %arg1[%get3A_129, %get3A_130] : memref<2048x128xf32, #tpu.memory_space<vmem>>, vector<128x128xf32>
    %mul3A_132 = arith.mulf %get3A_131, %get3A_131 : vector<128x128xf32>
    %dot_general3A_133 = arith.constant dense<0.000000e+00> : vector<1x128xf32>
    %dot_general3A_134 = tpu.matmul %convert_element_type3A_2, %mul3A_132, %dot_general3A_133 {dimension_numbers = #tpu.dot_dimension_numbers<[1], [1], [0], [0], [0, 0, 1, 0], [], []>, transpose_lhs_hint = false} : vector<1x128xf32>, vector<128x128xf32>, vector<1x128xf32> -> vector<1x128xf32>
    %mul3A_135 = arith.constant 16 : i32
    %mul3A_136 = arith.muli %arg0, %mul3A_135 : i32
    %add3A_137 = arith.constant 3 : i32
    %add3A_138 = arith.addi %mul3A_136, %add3A_137 : i32
    %mul3A_139 = arith.constant 128 : i32
    %mul3A_140 = arith.muli %add3A_138, %mul3A_139 : i32
    %iota3A_141 = tpu.iota {dimensions = array<i32: 1>} : vector<1x128xi32>
    %add3A_142 = vector.broadcast %mul3A_140 : i32 to vector<1x128xi32>
    %add3A_143 = arith.addi %add3A_142, %iota3A_141 : vector<1x128xi32>
    %ge3A_144 = arith.constant 100000 : i32
    %ge3A_145 = vector.broadcast %ge3A_144 : i32 to vector<1x128xi32>
    %ge3A_146 = arith.cmpi sge, %add3A_143, %ge3A_145 : vector<1x128xi32>
    %get3A_147 = arith.constant 0 : index
    %get3A_148 = arith.constant 0 : index
    %get3A_149 = vector.load %arg2[%get3A_147, %get3A_148] : memref<1024x128xf32, #tpu.memory_space<vmem>>, vector<1024x128xf32>
    %dot_general3A_150 = arith.constant dense<0.000000e+00> : vector<1024x128xf32>
    %dot_general3A_151 = tpu.matmul %get3A_149, %get3A_131, %dot_general3A_150 {dimension_numbers = #tpu.dot_dimension_numbers<[1], [1], [0], [0], [0, 0, 1, 0], [], []>, transpose_lhs_hint = false} : vector<1024x128xf32>, vector<128x128xf32>, vector<1024x128xf32> -> vector<1024x128xf32>
    %mul3A_152 = arith.constant 2.000000e+00 : f32
    %mul3A_153 = vector.broadcast %mul3A_152 : f32 to vector<1024x128xf32>
    %mul3A_154 = arith.mulf %mul3A_153, %dot_general3A_151 : vector<1024x128xf32>
    %sub3A_155 = vector.broadcast %dot_general3A_134 : vector<1x128xf32> to vector<1024x128xf32>
    %sub3A_156 = arith.subf %sub3A_155, %mul3A_154 : vector<1024x128xf32>
    %jit3A_157 = arith.constant 3.000000e+38 : f32
    %broadcast_in_dim3A_158 = vector.shape_cast %ge3A_146 : vector<1x128xi1> to vector<1x128xi1>
    %broadcast_in_dim3A_159 = vector.broadcast %broadcast_in_dim3A_158 : vector<1x128xi1> to vector<1024x128xi1>
    %broadcast_in_dim3A_160 = vector.broadcast %jit3A_157 : f32 to vector<1024x128xf32>
    %select_n3A_161 = arith.select %broadcast_in_dim3A_159, %broadcast_in_dim3A_160, %sub3A_156 : vector<1024x128xi1>, vector<1024x128xf32>
    %convert_element_type3A_162 = arith.truncf %select_n3A_161 : vector<1024x128xf32> to vector<1024x128xbf16>
    %bitcast3A_163 = tpu.bitcast %convert_element_type3A_162 : vector<1024x128xbf16> -> vector<512x128xi32>
    %reshape3A_164 = vector.shape_cast %bitcast3A_163 : vector<512x128xi32> to vector<64x8x128xi32>
    %swap3A_165 = arith.constant 0 : index
    %swap3A_166 = arith.constant 3 : index
    %swap3A_167 = arith.constant 0 : index
    %swap3A_168 = arith.constant 0 : index
    %swap3A_169 = vector.load %arg3[%swap3A_165, %swap3A_166, %swap3A_167, %swap3A_168] : memref<64x16x8x128xi32, #tpu.memory_space<vmem>>, vector<64x1x8x128xi32>
    %swap3A_170 = vector.shape_cast %swap3A_169 : vector<64x1x8x128xi32> to vector<64x8x128xi32>
    %swap3A_171 = vector.shape_cast %reshape3A_164 : vector<64x8x128xi32> to vector<64x1x8x128xi32>
    tpu.vector_store %arg3[%swap3A_165, %swap3A_166, %swap3A_167, %swap3A_168], %swap3A_171 {strides = array<i32>} : memref<64x16x8x128xi32, #tpu.memory_space<vmem>>, vector<64x1x8x128xi32>,
    %reduce_min3A_172 = arith.constant dense<0x7F800000> : vector<1024xf32>
    %reduce_min3A_173 = vector.multi_reduction <minimumf>, %select_n3A_161, %reduce_min3A_172 [1] : vector<1024x128xf32> to vector<1024xf32>
    %broadcast_in_dim3A_174 = vector.shape_cast %reduce_min3A_173 : vector<1024xf32> to vector<1024x1xf32>
    %get3A_175 = arith.constant 512 : index
    %get3A_176 = arith.constant 0 : index
    %get3A_177 = vector.load %arg1[%get3A_175, %get3A_176] : memref<2048x128xf32, #tpu.memory_space<vmem>>, vector<128x128xf32>
    %mul3A_178 = arith.mulf %get3A_177, %get3A_177 : vector<128x128xf32>
    %dot_general3A_179 = arith.constant dense<0.000000e+00> : vector<1x128xf32>
    %dot_general3A_180 = tpu.matmul %convert_element_type3A_2, %mul3A_178, %dot_general3A_179 {dimension_numbers = #tpu.dot_dimension_numbers<[1], [1], [0], [0], [0, 0, 1, 0], [], []>, transpose_lhs_hint = false} : vector<1x128xf32>, vector<128x128xf32>, vector<1x128xf32> -> vector<1x128xf32>
    %mul3A_181 = arith.constant 16 : i32
    %mul3A_182 = arith.muli %arg0, %mul3A_181 : i32
    %add3A_183 = arith.constant 4 : i32
    %add3A_184 = arith.addi %mul3A_182, %add3A_183 : i32
    %mul3A_185 = arith.constant 128 : i32
    %mul3A_186 = arith.muli %add3A_184, %mul3A_185 : i32
    %iota3A_187 = tpu.iota {dimensions = array<i32: 1>} : vector<1x128xi32>
    %add3A_188 = vector.broadcast %mul3A_186 : i32 to vector<1x128xi32>
    %add3A_189 = arith.addi %add3A_188, %iota3A_187 : vector<1x128xi32>
    %ge3A_190 = arith.constant 100000 : i32
    %ge3A_191 = vector.broadcast %ge3A_190 : i32 to vector<1x128xi32>
    %ge3A_192 = arith.cmpi sge, %add3A_189, %ge3A_191 : vector<1x128xi32>
    %get3A_193 = arith.constant 0 : index
    %get3A_194 = arith.constant 0 : index
    %get3A_195 = vector.load %arg2[%get3A_193, %get3A_194] : memref<1024x128xf32, #tpu.memory_space<vmem>>, vector<1024x128xf32>
    %dot_general3A_196 = arith.constant dense<0.000000e+00> : vector<1024x128xf32>
    %dot_general3A_197 = tpu.matmul %get3A_195, %get3A_177, %dot_general3A_196 {dimension_numbers = #tpu.dot_dimension_numbers<[1], [1], [0], [0], [0, 0, 1, 0], [], []>, transpose_lhs_hint = false} : vector<1024x128xf32>, vector<128x128xf32>, vector<1024x128xf32> -> vector<1024x128xf32>
    %mul3A_198 = arith.constant 2.000000e+00 : f32
    %mul3A_199 = vector.broadcast %mul3A_198 : f32 to vector<1024x128xf32>
    %mul3A_200 = arith.mulf %mul3A_199, %dot_general3A_197 : vector<1024x128xf32>
    %sub3A_201 = vector.broadcast %dot_general3A_180 : vector<1x128xf32> to vector<1024x128xf32>
    %sub3A_202 = arith.subf %sub3A_201, %mul3A_200 : vector<1024x128xf32>
    %jit3A_203 = arith.constant 3.000000e+38 : f32
    %broadcast_in_dim3A_204 = vector.shape_cast %ge3A_192 : vector<1x128xi1> to vector<1x128xi1>
    %broadcast_in_dim3A_205 = vector.broadcast %broadcast_in_dim3A_204 : vector<1x128xi1> to vector<1024x128xi1>
    %broadcast_in_dim3A_206 = vector.broadcast %jit3A_203 : f32 to vector<1024x128xf32>
    %select_n3A_207 = arith.select %broadcast_in_dim3A_205, %broadcast_in_dim3A_206, %sub3A_202 : vector<1024x128xi1>, vector<1024x128xf32>
    %convert_element_type3A_208 = arith.truncf %select_n3A_207 : vector<1024x128xf32> to vector<1024x128xbf16>
    %bitcast3A_209 = tpu.bitcast %convert_element_type3A_208 : vector<1024x128xbf16> -> vector<512x128xi32>
    %reshape3A_210 = vector.shape_cast %bitcast3A_209 : vector<512x128xi32> to vector<64x8x128xi32>
    %swap3A_211 = arith.constant 0 : index
    %swap3A_212 = arith.constant 4 : index
    %swap3A_213 = arith.constant 0 : index
    %swap3A_214 = arith.constant 0 : index
    %swap3A_215 = vector.load %arg3[%swap3A_211, %swap3A_212, %swap3A_213, %swap3A_214] : memref<64x16x8x128xi32, #tpu.memory_space<vmem>>, vector<64x1x8x128xi32>
    %swap3A_216 = vector.shape_cast %swap3A_215 : vector<64x1x8x128xi32> to vector<64x8x128xi32>
    %swap3A_217 = vector.shape_cast %reshape3A_210 : vector<64x8x128xi32> to vector<64x1x8x128xi32>
    tpu.vector_store %arg3[%swap3A_211, %swap3A_212, %swap3A_213, %swap3A_214], %swap3A_217 {strides = array<i32>} : memref<64x16x8x128xi32, #tpu.memory_space<vmem>>, vector<64x1x8x128xi32>,
    %reduce_min3A_218 = arith.constant dense<0x7F800000> : vector<1024xf32>
    %reduce_min3A_219 = vector.multi_reduction <minimumf>, %select_n3A_207, %reduce_min3A_218 [1] : vector<1024x128xf32> to vector<1024xf32>
    %broadcast_in_dim3A_220 = vector.shape_cast %reduce_min3A_219 : vector<1024xf32> to vector<1024x1xf32>
    %get3A_221 = arith.constant 640 : index
    %get3A_222 = arith.constant 0 : index
    %get3A_223 = vector.load %arg1[%get3A_221, %get3A_222] : memref<2048x128xf32, #tpu.memory_space<vmem>>, vector<128x128xf32>
    %mul3A_224 = arith.mulf %get3A_223, %get3A_223 : vector<128x128xf32>
    %dot_general3A_225 = arith.constant dense<0.000000e+00> : vector<1x128xf32>
    %dot_general3A_226 = tpu.matmul %convert_element_type3A_2, %mul3A_224, %dot_general3A_225 {dimension_numbers = #tpu.dot_dimension_numbers<[1], [1], [0], [0], [0, 0, 1, 0], [], []>, transpose_lhs_hint = false} : vector<1x128xf32>, vector<128x128xf32>, vector<1x128xf32> -> vector<1x128xf32>
    %mul3A_227 = arith.constant 16 : i32
    %mul3A_228 = arith.muli %arg0, %mul3A_227 : i32
    %add3A_229 = arith.constant 5 : i32
    %add3A_230 = arith.addi %mul3A_228, %add3A_229 : i32
    %mul3A_231 = arith.constant 128 : i32
    %mul3A_232 = arith.muli %add3A_230, %mul3A_231 : i32
    %iota3A_233 = tpu.iota {dimensions = array<i32: 1>} : vector<1x128xi32>
    %add3A_234 = vector.broadcast %mul3A_232 : i32 to vector<1x128xi32>
    %add3A_235 = arith.addi %add3A_234, %iota3A_233 : vector<1x128xi32>
    %ge3A_236 = arith.constant 100000 : i32
    %ge3A_237 = vector.broadcast %ge3A_236 : i32 to vector<1x128xi32>
    %ge3A_238 = arith.cmpi sge, %add3A_235, %ge3A_237 : vector<1x128xi32>
    %get3A_239 = arith.constant 0 : index
    %get3A_240 = arith.constant 0 : index
    %get3A_241 = vector.load %arg2[%get3A_239, %get3A_240] : memref<1024x128xf32, #tpu.memory_space<vmem>>, vector<1024x128xf32>
    %dot_general3A_242 = arith.constant dense<0.000000e+00> : vector<1024x128xf32>
    %dot_general3A_243 = tpu.matmul %get3A_241, %get3A_223, %dot_general3A_242 {dimension_numbers = #tpu.dot_dimension_numbers<[1], [1], [0], [0], [0, 0, 1, 0], [], []>, transpose_lhs_hint = false} : vector<1024x128xf32>, vector<128x128xf32>, vector<1024x128xf32> -> vector<1024x128xf32>
    %mul3A_244 = arith.constant 2.000000e+00 : f32
    %mul3A_245 = vector.broadcast %mul3A_244 : f32 to vector<1024x128xf32>
    %mul3A_246 = arith.mulf %mul3A_245, %dot_general3A_243 : vector<1024x128xf32>
    %sub3A_247 = vector.broadcast %dot_general3A_226 : vector<1x128xf32> to vector<1024x128xf32>
    %sub3A_248 = arith.subf %sub3A_247, %mul3A_246 : vector<1024x128xf32>
    %jit3A_249 = arith.constant 3.000000e+38 : f32
    %broadcast_in_dim3A_250 = vector.shape_cast %ge3A_238 : vector<1x128xi1> to vector<1x128xi1>
    %broadcast_in_dim3A_251 = vector.broadcast %broadcast_in_dim3A_250 : vector<1x128xi1> to vector<1024x128xi1>
    %broadcast_in_dim3A_252 = vector.broadcast %jit3A_249 : f32 to vector<1024x128xf32>
    %select_n3A_253 = arith.select %broadcast_in_dim3A_251, %broadcast_in_dim3A_252, %sub3A_248 : vector<1024x128xi1>, vector<1024x128xf32>
    %convert_element_type3A_254 = arith.truncf %select_n3A_253 : vector<1024x128xf32> to vector<1024x128xbf16>
    %bitcast3A_255 = tpu.bitcast %convert_element_type3A_254 : vector<1024x128xbf16> -> vector<512x128xi32>
    %reshape3A_256 = vector.shape_cast %bitcast3A_255 : vector<512x128xi32> to vector<64x8x128xi32>
    %swap3A_257 = arith.constant 0 : index
    %swap3A_258 = arith.constant 5 : index
    %swap3A_259 = arith.constant 0 : index
    %swap3A_260 = arith.constant 0 : index
    %swap3A_261 = vector.load %arg3[%swap3A_257, %swap3A_258, %swap3A_259, %swap3A_260] : memref<64x16x8x128xi32, #tpu.memory_space<vmem>>, vector<64x1x8x128xi32>
    %swap3A_262 = vector.shape_cast %swap3A_261 : vector<64x1x8x128xi32> to vector<64x8x128xi32>
    %swap3A_263 = vector.shape_cast %reshape3A_256 : vector<64x8x128xi32> to vector<64x1x8x128xi32>
    tpu.vector_store %arg3[%swap3A_257, %swap3A_258, %swap3A_259, %swap3A_260], %swap3A_263 {strides = array<i32>} : memref<64x16x8x128xi32, #tpu.memory_space<vmem>>, vector<64x1x8x128xi32>,
    %reduce_min3A_264 = arith.constant dense<0x7F800000> : vector<1024xf32>
    %reduce_min3A_265 = vector.multi_reduction <minimumf>, %select_n3A_253, %reduce_min3A_264 [1] : vector<1024x128xf32> to vector<1024xf32>
    %broadcast_in_dim3A_266 = vector.shape_cast %reduce_min3A_265 : vector<1024xf32> to vector<1024x1xf32>
    %get3A_267 = arith.constant 768 : index
    %get3A_268 = arith.constant 0 : index
    %get3A_269 = vector.load %arg1[%get3A_267, %get3A_268] : memref<2048x128xf32, #tpu.memory_space<vmem>>, vector<128x128xf32>
    %mul3A_270 = arith.mulf %get3A_269, %get3A_269 : vector<128x128xf32>
    %dot_general3A_271 = arith.constant dense<0.000000e+00> : vector<1x128xf32>
    %dot_general3A_272 = tpu.matmul %convert_element_type3A_2, %mul3A_270, %dot_general3A_271 {dimension_numbers = #tpu.dot_dimension_numbers<[1], [1], [0], [0], [0, 0, 1, 0], [], []>, transpose_lhs_hint = false} : vector<1x128xf32>, vector<128x128xf32>, vector<1x128xf32> -> vector<1x128xf32>
    %mul3A_273 = arith.constant 16 : i32
    %mul3A_274 = arith.muli %arg0, %mul3A_273 : i32
    %add3A_275 = arith.constant 6 : i32
    %add3A_276 = arith.addi %mul3A_274, %add3A_275 : i32
    %mul3A_277 = arith.constant 128 : i32
    %mul3A_278 = arith.muli %add3A_276, %mul3A_277 : i32
    %iota3A_279 = tpu.iota {dimensions = array<i32: 1>} : vector<1x128xi32>
    %add3A_280 = vector.broadcast %mul3A_278 : i32 to vector<1x128xi32>
    %add3A_281 = arith.addi %add3A_280, %iota3A_279 : vector<1x128xi32>
    %ge3A_282 = arith.constant 100000 : i32
    %ge3A_283 = vector.broadcast %ge3A_282 : i32 to vector<1x128xi32>
    %ge3A_284 = arith.cmpi sge, %add3A_281, %ge3A_283 : vector<1x128xi32>
    %get3A_285 = arith.constant 0 : index
    %get3A_286 = arith.constant 0 : index
    %get3A_287 = vector.load %arg2[%get3A_285, %get3A_286] : memref<1024x128xf32, #tpu.memory_space<vmem>>, vector<1024x128xf32>
    %dot_general3A_288 = arith.constant dense<0.000000e+00> : vector<1024x128xf32>
    %dot_general3A_289 = tpu.matmul %get3A_287, %get3A_269, %dot_general3A_288 {dimension_numbers = #tpu.dot_dimension_numbers<[1], [1], [0], [0], [0, 0, 1, 0], [], []>, transpose_lhs_hint = false} : vector<1024x128xf32>, vector<128x128xf32>, vector<1024x128xf32> -> vector<1024x128xf32>
    %mul3A_290 = arith.constant 2.000000e+00 : f32
    %mul3A_291 = vector.broadcast %mul3A_290 : f32 to vector<1024x128xf32>
    %mul3A_292 = arith.mulf %mul3A_291, %dot_general3A_289 : vector<1024x128xf32>
    %sub3A_293 = vector.broadcast %dot_general3A_272 : vector<1x128xf32> to vector<1024x128xf32>
    %sub3A_294 = arith.subf %sub3A_293, %mul3A_292 : vector<1024x128xf32>
    %jit3A_295 = arith.constant 3.000000e+38 : f32
    %broadcast_in_dim3A_296 = vector.shape_cast %ge3A_284 : vector<1x128xi1> to vector<1x128xi1>
    %broadcast_in_dim3A_297 = vector.broadcast %broadcast_in_dim3A_296 : vector<1x128xi1> to vector<1024x128xi1>
    %broadcast_in_dim3A_298 = vector.broadcast %jit3A_295 : f32 to vector<1024x128xf32>
    %select_n3A_299 = arith.select %broadcast_in_dim3A_297, %broadcast_in_dim3A_298, %sub3A_294 : vector<1024x128xi1>, vector<1024x128xf32>
    %convert_element_type3A_300 = arith.truncf %select_n3A_299 : vector<1024x128xf32> to vector<1024x128xbf16>
    %bitcast3A_301 = tpu.bitcast %convert_element_type3A_300 : vector<1024x128xbf16> -> vector<512x128xi32>
    %reshape3A_302 = vector.shape_cast %bitcast3A_301 : vector<512x128xi32> to vector<64x8x128xi32>
    %swap3A_303 = arith.constant 0 : index
    %swap3A_304 = arith.constant 6 : index
    %swap3A_305 = arith.constant 0 : index
    %swap3A_306 = arith.constant 0 : index
    %swap3A_307 = vector.load %arg3[%swap3A_303, %swap3A_304, %swap3A_305, %swap3A_306] : memref<64x16x8x128xi32, #tpu.memory_space<vmem>>, vector<64x1x8x128xi32>
    %swap3A_308 = vector.shape_cast %swap3A_307 : vector<64x1x8x128xi32> to vector<64x8x128xi32>
    %swap3A_309 = vector.shape_cast %reshape3A_302 : vector<64x8x128xi32> to vector<64x1x8x128xi32>
    tpu.vector_store %arg3[%swap3A_303, %swap3A_304, %swap3A_305, %swap3A_306], %swap3A_309 {strides = array<i32>} : memref<64x16x8x128xi32, #tpu.memory_space<vmem>>, vector<64x1x8x128xi32>,
    %reduce_min3A_310 = arith.constant dense<0x7F800000> : vector<1024xf32>
    %reduce_min3A_311 = vector.multi_reduction <minimumf>, %select_n3A_299, %reduce_min3A_310 [1] : vector<1024x128xf32> to vector<1024xf32>
    %broadcast_in_dim3A_312 = vector.shape_cast %reduce_min3A_311 : vector<1024xf32> to vector<1024x1xf32>
    %get3A_313 = arith.constant 896 : index
    %get3A_314 = arith.constant 0 : index
    %get3A_315 = vector.load %arg1[%get3A_313, %get3A_314] : memref<2048x128xf32, #tpu.memory_space<vmem>>, vector<128x128xf32>
    %mul3A_316 = arith.mulf %get3A_315, %get3A_315 : vector<128x128xf32>
    %dot_general3A_317 = arith.constant dense<0.000000e+00> : vector<1x128xf32>
    %dot_general3A_318 = tpu.matmul %convert_element_type3A_2, %mul3A_316, %dot_general3A_317 {dimension_numbers = #tpu.dot_dimension_numbers<[1], [1], [0], [0], [0, 0, 1, 0], [], []>, transpose_lhs_hint = false} : vector<1x128xf32>, vector<128x128xf32>, vector<1x128xf32> -> vector<1x128xf32>
    %mul3A_319 = arith.constant 16 : i32
    %mul3A_320 = arith.muli %arg0, %mul3A_319 : i32
    %add3A_321 = arith.constant 7 : i32
    %add3A_322 = arith.addi %mul3A_320, %add3A_321 : i32
    %mul3A_323 = arith.constant 128 : i32
    %mul3A_324 = arith.muli %add3A_322, %mul3A_323 : i32
    %iota3A_325 = tpu.iota {dimensions = array<i32: 1>} : vector<1x128xi32>
    %add3A_326 = vector.broadcast %mul3A_324 : i32 to vector<1x128xi32>
    %add3A_327 = arith.addi %add3A_326, %iota3A_325 : vector<1x128xi32>
    %ge3A_328 = arith.constant 100000 : i32
    %ge3A_329 = vector.broadcast %ge3A_328 : i32 to vector<1x128xi32>
    %ge3A_330 = arith.cmpi sge, %add3A_327, %ge3A_329 : vector<1x128xi32>
    %get3A_331 = arith.constant 0 : index
    %get3A_332 = arith.constant 0 : index
    %get3A_333 = vector.load %arg2[%get3A_331, %get3A_332] : memref<1024x128xf32, #tpu.memory_space<vmem>>, vector<1024x128xf32>
    %dot_general3A_334 = arith.constant dense<0.000000e+00> : vector<1024x128xf32>
    %dot_general3A_335 = tpu.matmul %get3A_333, %get3A_315, %dot_general3A_334 {dimension_numbers = #tpu.dot_dimension_numbers<[1], [1], [0], [0], [0, 0, 1, 0], [], []>, transpose_lhs_hint = false} : vector<1024x128xf32>, vector<128x128xf32>, vector<1024x128xf32> -> vector<1024x128xf32>
    %mul3A_336 = arith.constant 2.000000e+00 : f32
    %mul3A_337 = vector.broadcast %mul3A_336 : f32 to vector<1024x128xf32>
    %mul3A_338 = arith.mulf %mul3A_337, %dot_general3A_335 : vector<1024x128xf32>
    %sub3A_339 = vector.broadcast %dot_general3A_318 : vector<1x128xf32> to vector<1024x128xf32>
    %sub3A_340 = arith.subf %sub3A_339, %mul3A_338 : vector<1024x128xf32>
    %jit3A_341 = arith.constant 3.000000e+38 : f32
    %broadcast_in_dim3A_342 = vector.shape_cast %ge3A_330 : vector<1x128xi1> to vector<1x128xi1>
    %broadcast_in_dim3A_343 = vector.broadcast %broadcast_in_dim3A_342 : vector<1x128xi1> to vector<1024x128xi1>
    %broadcast_in_dim3A_344 = vector.broadcast %jit3A_341 : f32 to vector<1024x128xf32>
    %select_n3A_345 = arith.select %broadcast_in_dim3A_343, %broadcast_in_dim3A_344, %sub3A_340 : vector<1024x128xi1>, vector<1024x128xf32>
    %convert_element_type3A_346 = arith.truncf %select_n3A_345 : vector<1024x128xf32> to vector<1024x128xbf16>
    %bitcast3A_347 = tpu.bitcast %convert_element_type3A_346 : vector<1024x128xbf16> -> vector<512x128xi32>
    %reshape3A_348 = vector.shape_cast %bitcast3A_347 : vector<512x128xi32> to vector<64x8x128xi32>
    %swap3A_349 = arith.constant 0 : index
    %swap3A_350 = arith.constant 7 : index
    %swap3A_351 = arith.constant 0 : index
    %swap3A_352 = arith.constant 0 : index
    %swap3A_353 = vector.load %arg3[%swap3A_349, %swap3A_350, %swap3A_351, %swap3A_352] : memref<64x16x8x128xi32, #tpu.memory_space<vmem>>, vector<64x1x8x128xi32>
    %swap3A_354 = vector.shape_cast %swap3A_353 : vector<64x1x8x128xi32> to vector<64x8x128xi32>
    %swap3A_355 = vector.shape_cast %reshape3A_348 : vector<64x8x128xi32> to vector<64x1x8x128xi32>
    tpu.vector_store %arg3[%swap3A_349, %swap3A_350, %swap3A_351, %swap3A_352], %swap3A_355 {strides = array<i32>} : memref<64x16x8x128xi32, #tpu.memory_space<vmem>>, vector<64x1x8x128xi32>,
    %reduce_min3A_356 = arith.constant dense<0x7F800000> : vector<1024xf32>
    %reduce_min3A_357 = vector.multi_reduction <minimumf>, %select_n3A_345, %reduce_min3A_356 [1] : vector<1024x128xf32> to vector<1024xf32>
    %broadcast_in_dim3A_358 = vector.shape_cast %reduce_min3A_357 : vector<1024xf32> to vector<1024x1xf32>
    %get3A_359 = arith.constant 1024 : index
    %get3A_360 = arith.constant 0 : index
    %get3A_361 = vector.load %arg1[%get3A_359, %get3A_360] : memref<2048x128xf32, #tpu.memory_space<vmem>>, vector<128x128xf32>
    %mul3A_362 = arith.mulf %get3A_361, %get3A_361 : vector<128x128xf32>
    %dot_general3A_363 = arith.constant dense<0.000000e+00> : vector<1x128xf32>
    %dot_general3A_364 = tpu.matmul %convert_element_type3A_2, %mul3A_362, %dot_general3A_363 {dimension_numbers = #tpu.dot_dimension_numbers<[1], [1], [0], [0], [0, 0, 1, 0], [], []>, transpose_lhs_hint = false} : vector<1x128xf32>, vector<128x128xf32>, vector<1x128xf32> -> vector<1x128xf32>
    %mul3A_365 = arith.constant 16 : i32
    %mul3A_366 = arith.muli %arg0, %mul3A_365 : i32
    %add3A_367 = arith.constant 8 : i32
    %add3A_368 = arith.addi %mul3A_366, %add3A_367 : i32
    %mul3A_369 = arith.constant 128 : i32
    %mul3A_370 = arith.muli %add3A_368, %mul3A_369 : i32
    %iota3A_371 = tpu.iota {dimensions = array<i32: 1>} : vector<1x128xi32>
    %add3A_372 = vector.broadcast %mul3A_370 : i32 to vector<1x128xi32>
    %add3A_373 = arith.addi %add3A_372, %iota3A_371 : vector<1x128xi32>
    %ge3A_374 = arith.constant 100000 : i32
    %ge3A_375 = vector.broadcast %ge3A_374 : i32 to vector<1x128xi32>
    %ge3A_376 = arith.cmpi sge, %add3A_373, %ge3A_375 : vector<1x128xi32>
    %get3A_377 = arith.constant 0 : index
    %get3A_378 = arith.constant 0 : index
    %get3A_379 = vector.load %arg2[%get3A_377, %get3A_378] : memref<1024x128xf32, #tpu.memory_space<vmem>>, vector<1024x128xf32>
    %dot_general3A_380 = arith.constant dense<0.000000e+00> : vector<1024x128xf32>
    %dot_general3A_381 = tpu.matmul %get3A_379, %get3A_361, %dot_general3A_380 {dimension_numbers = #tpu.dot_dimension_numbers<[1], [1], [0], [0], [0, 0, 1, 0], [], []>, transpose_lhs_hint = false} : vector<1024x128xf32>, vector<128x128xf32>, vector<1024x128xf32> -> vector<1024x128xf32>
    %mul3A_382 = arith.constant 2.000000e+00 : f32
    %mul3A_383 = vector.broadcast %mul3A_382 : f32 to vector<1024x128xf32>
    %mul3A_384 = arith.mulf %mul3A_383, %dot_general3A_381 : vector<1024x128xf32>
    %sub3A_385 = vector.broadcast %dot_general3A_364 : vector<1x128xf32> to vector<1024x128xf32>
    %sub3A_386 = arith.subf %sub3A_385, %mul3A_384 : vector<1024x128xf32>
    %jit3A_387 = arith.constant 3.000000e+38 : f32
    %broadcast_in_dim3A_388 = vector.shape_cast %ge3A_376 : vector<1x128xi1> to vector<1x128xi1>
    %broadcast_in_dim3A_389 = vector.broadcast %broadcast_in_dim3A_388 : vector<1x128xi1> to vector<1024x128xi1>
    %broadcast_in_dim3A_390 = vector.broadcast %jit3A_387 : f32 to vector<1024x128xf32>
    %select_n3A_391 = arith.select %broadcast_in_dim3A_389, %broadcast_in_dim3A_390, %sub3A_386 : vector<1024x128xi1>, vector<1024x128xf32>
    %convert_element_type3A_392 = arith.truncf %select_n3A_391 : vector<1024x128xf32> to vector<1024x128xbf16>
    %bitcast3A_393 = tpu.bitcast %convert_element_type3A_392 : vector<1024x128xbf16> -> vector<512x128xi32>
    %reshape3A_394 = vector.shape_cast %bitcast3A_393 : vector<512x128xi32> to vector<64x8x128xi32>
    %swap3A_395 = arith.constant 0 : index
    %swap3A_396 = arith.constant 8 : index
    %swap3A_397 = arith.constant 0 : index
    %swap3A_398 = arith.constant 0 : index
    %swap3A_399 = vector.load %arg3[%swap3A_395, %swap3A_396, %swap3A_397, %swap3A_398] : memref<64x16x8x128xi32, #tpu.memory_space<vmem>>, vector<64x1x8x128xi32>
    %swap3A_400 = vector.shape_cast %swap3A_399 : vector<64x1x8x128xi32> to vector<64x8x128xi32>
    %swap3A_401 = vector.shape_cast %reshape3A_394 : vector<64x8x128xi32> to vector<64x1x8x128xi32>
    tpu.vector_store %arg3[%swap3A_395, %swap3A_396, %swap3A_397, %swap3A_398], %swap3A_401 {strides = array<i32>} : memref<64x16x8x128xi32, #tpu.memory_space<vmem>>, vector<64x1x8x128xi32>,
    %reduce_min3A_402 = arith.constant dense<0x7F800000> : vector<1024xf32>
    %reduce_min3A_403 = vector.multi_reduction <minimumf>, %select_n3A_391, %reduce_min3A_402 [1] : vector<1024x128xf32> to vector<1024xf32>
    %broadcast_in_dim3A_404 = vector.shape_cast %reduce_min3A_403 : vector<1024xf32> to vector<1024x1xf32>
    %get3A_405 = arith.constant 1152 : index
    %get3A_406 = arith.constant 0 : index
    %get3A_407 = vector.load %arg1[%get3A_405, %get3A_406] : memref<2048x128xf32, #tpu.memory_space<vmem>>, vector<128x128xf32>
    %mul3A_408 = arith.mulf %get3A_407, %get3A_407 : vector<128x128xf32>
    %dot_general3A_409 = arith.constant dense<0.000000e+00> : vector<1x128xf32>
    %dot_general3A_410 = tpu.matmul %convert_element_type3A_2, %mul3A_408, %dot_general3A_409 {dimension_numbers = #tpu.dot_dimension_numbers<[1], [1], [0], [0], [0, 0, 1, 0], [], []>, transpose_lhs_hint = false} : vector<1x128xf32>, vector<128x128xf32>, vector<1x128xf32> -> vector<1x128xf32>
    %mul3A_411 = arith.constant 16 : i32
    %mul3A_412 = arith.muli %arg0, %mul3A_411 : i32
    %add3A_413 = arith.constant 9 : i32
    %add3A_414 = arith.addi %mul3A_412, %add3A_413 : i32
    %mul3A_415 = arith.constant 128 : i32
    %mul3A_416 = arith.muli %add3A_414, %mul3A_415 : i32
    %iota3A_417 = tpu.iota {dimensions = array<i32: 1>} : vector<1x128xi32>
    %add3A_418 = vector.broadcast %mul3A_416 : i32 to vector<1x128xi32>
    %add3A_419 = arith.addi %add3A_418, %iota3A_417 : vector<1x128xi32>
    %ge3A_420 = arith.constant 100000 : i32
    %ge3A_421 = vector.broadcast %ge3A_420 : i32 to vector<1x128xi32>
    %ge3A_422 = arith.cmpi sge, %add3A_419, %ge3A_421 : vector<1x128xi32>
    %get3A_423 = arith.constant 0 : index
    %get3A_424 = arith.constant 0 : index
    %get3A_425 = vector.load %arg2[%get3A_423, %get3A_424] : memref<1024x128xf32, #tpu.memory_space<vmem>>, vector<1024x128xf32>
    %dot_general3A_426 = arith.constant dense<0.000000e+00> : vector<1024x128xf32>
    %dot_general3A_427 = tpu.matmul %get3A_425, %get3A_407, %dot_general3A_426 {dimension_numbers = #tpu.dot_dimension_numbers<[1], [1], [0], [0], [0, 0, 1, 0], [], []>, transpose_lhs_hint = false} : vector<1024x128xf32>, vector<128x128xf32>, vector<1024x128xf32> -> vector<1024x128xf32>
    %mul3A_428 = arith.constant 2.000000e+00 : f32
    %mul3A_429 = vector.broadcast %mul3A_428 : f32 to vector<1024x128xf32>
    %mul3A_430 = arith.mulf %mul3A_429, %dot_general3A_427 : vector<1024x128xf32>
    %sub3A_431 = vector.broadcast %dot_general3A_410 : vector<1x128xf32> to vector<1024x128xf32>
    %sub3A_432 = arith.subf %sub3A_431, %mul3A_430 : vector<1024x128xf32>
    %jit3A_433 = arith.constant 3.000000e+38 : f32
    %broadcast_in_dim3A_434 = vector.shape_cast %ge3A_422 : vector<1x128xi1> to vector<1x128xi1>
    %broadcast_in_dim3A_435 = vector.broadcast %broadcast_in_dim3A_434 : vector<1x128xi1> to vector<1024x128xi1>
    %broadcast_in_dim3A_436 = vector.broadcast %jit3A_433 : f32 to vector<1024x128xf32>
    %select_n3A_437 = arith.select %broadcast_in_dim3A_435, %broadcast_in_dim3A_436, %sub3A_432 : vector<1024x128xi1>, vector<1024x128xf32>
    %convert_element_type3A_438 = arith.truncf %select_n3A_437 : vector<1024x128xf32> to vector<1024x128xbf16>
    %bitcast3A_439 = tpu.bitcast %convert_element_type3A_438 : vector<1024x128xbf16> -> vector<512x128xi32>
    %reshape3A_440 = vector.shape_cast %bitcast3A_439 : vector<512x128xi32> to vector<64x8x128xi32>
    %swap3A_441 = arith.constant 0 : index
    %swap3A_442 = arith.constant 9 : index
    %swap3A_443 = arith.constant 0 : index
    %swap3A_444 = arith.constant 0 : index
    %swap3A_445 = vector.load %arg3[%swap3A_441, %swap3A_442, %swap3A_443, %swap3A_444] : memref<64x16x8x128xi32, #tpu.memory_space<vmem>>, vector<64x1x8x128xi32>
    %swap3A_446 = vector.shape_cast %swap3A_445 : vector<64x1x8x128xi32> to vector<64x8x128xi32>
    %swap3A_447 = vector.shape_cast %reshape3A_440 : vector<64x8x128xi32> to vector<64x1x8x128xi32>
    tpu.vector_store %arg3[%swap3A_441, %swap3A_442, %swap3A_443, %swap3A_444], %swap3A_447 {strides = array<i32>} : memref<64x16x8x128xi32, #tpu.memory_space<vmem>>, vector<64x1x8x128xi32>,
    %reduce_min3A_448 = arith.constant dense<0x7F800000> : vector<1024xf32>
    %reduce_min3A_449 = vector.multi_reduction <minimumf>, %select_n3A_437, %reduce_min3A_448 [1] : vector<1024x128xf32> to vector<1024xf32>
    %broadcast_in_dim3A_450 = vector.shape_cast %reduce_min3A_449 : vector<1024xf32> to vector<1024x1xf32>
    %get3A_451 = arith.constant 1280 : index
    %get3A_452 = arith.constant 0 : index
    %get3A_453 = vector.load %arg1[%get3A_451, %get3A_452] : memref<2048x128xf32, #tpu.memory_space<vmem>>, vector<128x128xf32>
    %mul3A_454 = arith.mulf %get3A_453, %get3A_453 : vector<128x128xf32>
    %dot_general3A_455 = arith.constant dense<0.000000e+00> : vector<1x128xf32>
    %dot_general3A_456 = tpu.matmul %convert_element_type3A_2, %mul3A_454, %dot_general3A_455 {dimension_numbers = #tpu.dot_dimension_numbers<[1], [1], [0], [0], [0, 0, 1, 0], [], []>, transpose_lhs_hint = false} : vector<1x128xf32>, vector<128x128xf32>, vector<1x128xf32> -> vector<1x128xf32>
    %mul3A_457 = arith.constant 16 : i32
    %mul3A_458 = arith.muli %arg0, %mul3A_457 : i32
    %add3A_459 = arith.constant 10 : i32
    %add3A_460 = arith.addi %mul3A_458, %add3A_459 : i32
    %mul3A_461 = arith.constant 128 : i32
    %mul3A_462 = arith.muli %add3A_460, %mul3A_461 : i32
    %iota3A_463 = tpu.iota {dimensions = array<i32: 1>} : vector<1x128xi32>
    %add3A_464 = vector.broadcast %mul3A_462 : i32 to vector<1x128xi32>
    %add3A_465 = arith.addi %add3A_464, %iota3A_463 : vector<1x128xi32>
    %ge3A_466 = arith.constant 100000 : i32
    %ge3A_467 = vector.broadcast %ge3A_466 : i32 to vector<1x128xi32>
    %ge3A_468 = arith.cmpi sge, %add3A_465, %ge3A_467 : vector<1x128xi32>
    %get3A_469 = arith.constant 0 : index
    %get3A_470 = arith.constant 0 : index
    %get3A_471 = vector.load %arg2[%get3A_469, %get3A_470] : memref<1024x128xf32, #tpu.memory_space<vmem>>, vector<1024x128xf32>
    %dot_general3A_472 = arith.constant dense<0.000000e+00> : vector<1024x128xf32>
    %dot_general3A_473 = tpu.matmul %get3A_471, %get3A_453, %dot_general3A_472 {dimension_numbers = #tpu.dot_dimension_numbers<[1], [1], [0], [0], [0, 0, 1, 0], [], []>, transpose_lhs_hint = false} : vector<1024x128xf32>, vector<128x128xf32>, vector<1024x128xf32> -> vector<1024x128xf32>
    %mul3A_474 = arith.constant 2.000000e+00 : f32
    %mul3A_475 = vector.broadcast %mul3A_474 : f32 to vector<1024x128xf32>
    %mul3A_476 = arith.mulf %mul3A_475, %dot_general3A_473 : vector<1024x128xf32>
    %sub3A_477 = vector.broadcast %dot_general3A_456 : vector<1x128xf32> to vector<1024x128xf32>
    %sub3A_478 = arith.subf %sub3A_477, %mul3A_476 : vector<1024x128xf32>
    %jit3A_479 = arith.constant 3.000000e+38 : f32
    %broadcast_in_dim3A_480 = vector.shape_cast %ge3A_468 : vector<1x128xi1> to vector<1x128xi1>
    %broadcast_in_dim3A_481 = vector.broadcast %broadcast_in_dim3A_480 : vector<1x128xi1> to vector<1024x128xi1>
    %broadcast_in_dim3A_482 = vector.broadcast %jit3A_479 : f32 to vector<1024x128xf32>
    %select_n3A_483 = arith.select %broadcast_in_dim3A_481, %broadcast_in_dim3A_482, %sub3A_478 : vector<1024x128xi1>, vector<1024x128xf32>
    %convert_element_type3A_484 = arith.truncf %select_n3A_483 : vector<1024x128xf32> to vector<1024x128xbf16>
    %bitcast3A_485 = tpu.bitcast %convert_element_type3A_484 : vector<1024x128xbf16> -> vector<512x128xi32>
    %reshape3A_486 = vector.shape_cast %bitcast3A_485 : vector<512x128xi32> to vector<64x8x128xi32>
    %swap3A_487 = arith.constant 0 : index
    %swap3A_488 = arith.constant 10 : index
    %swap3A_489 = arith.constant 0 : index
    %swap3A_490 = arith.constant 0 : index
    %swap3A_491 = vector.load %arg3[%swap3A_487, %swap3A_488, %swap3A_489, %swap3A_490] : memref<64x16x8x128xi32, #tpu.memory_space<vmem>>, vector<64x1x8x128xi32>
    %swap3A_492 = vector.shape_cast %swap3A_491 : vector<64x1x8x128xi32> to vector<64x8x128xi32>
    %swap3A_493 = vector.shape_cast %reshape3A_486 : vector<64x8x128xi32> to vector<64x1x8x128xi32>
    tpu.vector_store %arg3[%swap3A_487, %swap3A_488, %swap3A_489, %swap3A_490], %swap3A_493 {strides = array<i32>} : memref<64x16x8x128xi32, #tpu.memory_space<vmem>>, vector<64x1x8x128xi32>,
    %reduce_min3A_494 = arith.constant dense<0x7F800000> : vector<1024xf32>
    %reduce_min3A_495 = vector.multi_reduction <minimumf>, %select_n3A_483, %reduce_min3A_494 [1] : vector<1024x128xf32> to vector<1024xf32>
    %broadcast_in_dim3A_496 = vector.shape_cast %reduce_min3A_495 : vector<1024xf32> to vector<1024x1xf32>
    %get3A_497 = arith.constant 1408 : index
    %get3A_498 = arith.constant 0 : index
    %get3A_499 = vector.load %arg1[%get3A_497, %get3A_498] : memref<2048x128xf32, #tpu.memory_space<vmem>>, vector<128x128xf32>
    %mul3A_500 = arith.mulf %get3A_499, %get3A_499 : vector<128x128xf32>
    %dot_general3A_501 = arith.constant dense<0.000000e+00> : vector<1x128xf32>
    %dot_general3A_502 = tpu.matmul %convert_element_type3A_2, %mul3A_500, %dot_general3A_501 {dimension_numbers = #tpu.dot_dimension_numbers<[1], [1], [0], [0], [0, 0, 1, 0], [], []>, transpose_lhs_hint = false} : vector<1x128xf32>, vector<128x128xf32>, vector<1x128xf32> -> vector<1x128xf32>
    %mul3A_503 = arith.constant 16 : i32
    %mul3A_504 = arith.muli %arg0, %mul3A_503 : i32
    %add3A_505 = arith.constant 11 : i32
    %add3A_506 = arith.addi %mul3A_504, %add3A_505 : i32
    %mul3A_507 = arith.constant 128 : i32
    %mul3A_508 = arith.muli %add3A_506, %mul3A_507 : i32
    %iota3A_509 = tpu.iota {dimensions = array<i32: 1>} : vector<1x128xi32>
    %add3A_510 = vector.broadcast %mul3A_508 : i32 to vector<1x128xi32>
    %add3A_511 = arith.addi %add3A_510, %iota3A_509 : vector<1x128xi32>
    %ge3A_512 = arith.constant 100000 : i32
    %ge3A_513 = vector.broadcast %ge3A_512 : i32 to vector<1x128xi32>
    %ge3A_514 = arith.cmpi sge, %add3A_511, %ge3A_513 : vector<1x128xi32>
    %get3A_515 = arith.constant 0 : index
    %get3A_516 = arith.constant 0 : index
    %get3A_517 = vector.load %arg2[%get3A_515, %get3A_516] : memref<1024x128xf32, #tpu.memory_space<vmem>>, vector<1024x128xf32>
    %dot_general3A_518 = arith.constant dense<0.000000e+00> : vector<1024x128xf32>
    %dot_general3A_519 = tpu.matmul %get3A_517, %get3A_499, %dot_general3A_518 {dimension_numbers = #tpu.dot_dimension_numbers<[1], [1], [0], [0], [0, 0, 1, 0], [], []>, transpose_lhs_hint = false} : vector<1024x128xf32>, vector<128x128xf32>, vector<1024x128xf32> -> vector<1024x128xf32>
    %mul3A_520 = arith.constant 2.000000e+00 : f32
    %mul3A_521 = vector.broadcast %mul3A_520 : f32 to vector<1024x128xf32>
    %mul3A_522 = arith.mulf %mul3A_521, %dot_general3A_519 : vector<1024x128xf32>
    %sub3A_523 = vector.broadcast %dot_general3A_502 : vector<1x128xf32> to vector<1024x128xf32>
    %sub3A_524 = arith.subf %sub3A_523, %mul3A_522 : vector<1024x128xf32>
    %jit3A_525 = arith.constant 3.000000e+38 : f32
    %broadcast_in_dim3A_526 = vector.shape_cast %ge3A_514 : vector<1x128xi1> to vector<1x128xi1>
    %broadcast_in_dim3A_527 = vector.broadcast %broadcast_in_dim3A_526 : vector<1x128xi1> to vector<1024x128xi1>
    %broadcast_in_dim3A_528 = vector.broadcast %jit3A_525 : f32 to vector<1024x128xf32>
    %select_n3A_529 = arith.select %broadcast_in_dim3A_527, %broadcast_in_dim3A_528, %sub3A_524 : vector<1024x128xi1>, vector<1024x128xf32>
    %convert_element_type3A_530 = arith.truncf %select_n3A_529 : vector<1024x128xf32> to vector<1024x128xbf16>
    %bitcast3A_531 = tpu.bitcast %convert_element_type3A_530 : vector<1024x128xbf16> -> vector<512x128xi32>
    %reshape3A_532 = vector.shape_cast %bitcast3A_531 : vector<512x128xi32> to vector<64x8x128xi32>
    %swap3A_533 = arith.constant 0 : index
    %swap3A_534 = arith.constant 11 : index
    %swap3A_535 = arith.constant 0 : index
    %swap3A_536 = arith.constant 0 : index
    %swap3A_537 = vector.load %arg3[%swap3A_533, %swap3A_534, %swap3A_535, %swap3A_536] : memref<64x16x8x128xi32, #tpu.memory_space<vmem>>, vector<64x1x8x128xi32>
    %swap3A_538 = vector.shape_cast %swap3A_537 : vector<64x1x8x128xi32> to vector<64x8x128xi32>
    %swap3A_539 = vector.shape_cast %reshape3A_532 : vector<64x8x128xi32> to vector<64x1x8x128xi32>
    tpu.vector_store %arg3[%swap3A_533, %swap3A_534, %swap3A_535, %swap3A_536], %swap3A_539 {strides = array<i32>} : memref<64x16x8x128xi32, #tpu.memory_space<vmem>>, vector<64x1x8x128xi32>,
    %reduce_min3A_540 = arith.constant dense<0x7F800000> : vector<1024xf32>
    %reduce_min3A_541 = vector.multi_reduction <minimumf>, %select_n3A_529, %reduce_min3A_540 [1] : vector<1024x128xf32> to vector<1024xf32>
    %broadcast_in_dim3A_542 = vector.shape_cast %reduce_min3A_541 : vector<1024xf32> to vector<1024x1xf32>
    %get3A_543 = arith.constant 1536 : index
    %get3A_544 = arith.constant 0 : index
    %get3A_545 = vector.load %arg1[%get3A_543, %get3A_544] : memref<2048x128xf32, #tpu.memory_space<vmem>>, vector<128x128xf32>
    %mul3A_546 = arith.mulf %get3A_545, %get3A_545 : vector<128x128xf32>
    %dot_general3A_547 = arith.constant dense<0.000000e+00> : vector<1x128xf32>
    %dot_general3A_548 = tpu.matmul %convert_element_type3A_2, %mul3A_546, %dot_general3A_547 {dimension_numbers = #tpu.dot_dimension_numbers<[1], [1], [0], [0], [0, 0, 1, 0], [], []>, transpose_lhs_hint = false} : vector<1x128xf32>, vector<128x128xf32>, vector<1x128xf32> -> vector<1x128xf32>
    %mul3A_549 = arith.constant 16 : i32
    %mul3A_550 = arith.muli %arg0, %mul3A_549 : i32
    %add3A_551 = arith.constant 12 : i32
    %add3A_552 = arith.addi %mul3A_550, %add3A_551 : i32
    %mul3A_553 = arith.constant 128 : i32
    %mul3A_554 = arith.muli %add3A_552, %mul3A_553 : i32
    %iota3A_555 = tpu.iota {dimensions = array<i32: 1>} : vector<1x128xi32>
    %add3A_556 = vector.broadcast %mul3A_554 : i32 to vector<1x128xi32>
    %add3A_557 = arith.addi %add3A_556, %iota3A_555 : vector<1x128xi32>
    %ge3A_558 = arith.constant 100000 : i32
    %ge3A_559 = vector.broadcast %ge3A_558 : i32 to vector<1x128xi32>
    %ge3A_560 = arith.cmpi sge, %add3A_557, %ge3A_559 : vector<1x128xi32>
    %get3A_561 = arith.constant 0 : index
    %get3A_562 = arith.constant 0 : index
    %get3A_563 = vector.load %arg2[%get3A_561, %get3A_562] : memref<1024x128xf32, #tpu.memory_space<vmem>>, vector<1024x128xf32>
    %dot_general3A_564 = arith.constant dense<0.000000e+00> : vector<1024x128xf32>
    %dot_general3A_565 = tpu.matmul %get3A_563, %get3A_545, %dot_general3A_564 {dimension_numbers = #tpu.dot_dimension_numbers<[1], [1], [0], [0], [0, 0, 1, 0], [], []>, transpose_lhs_hint = false} : vector<1024x128xf32>, vector<128x128xf32>, vector<1024x128xf32> -> vector<1024x128xf32>
    %mul3A_566 = arith.constant 2.000000e+00 : f32
    %mul3A_567 = vector.broadcast %mul3A_566 : f32 to vector<1024x128xf32>
    %mul3A_568 = arith.mulf %mul3A_567, %dot_general3A_565 : vector<1024x128xf32>
    %sub3A_569 = vector.broadcast %dot_general3A_548 : vector<1x128xf32> to vector<1024x128xf32>
    %sub3A_570 = arith.subf %sub3A_569, %mul3A_568 : vector<1024x128xf32>
    %jit3A_571 = arith.constant 3.000000e+38 : f32
    %broadcast_in_dim3A_572 = vector.shape_cast %ge3A_560 : vector<1x128xi1> to vector<1x128xi1>
    %broadcast_in_dim3A_573 = vector.broadcast %broadcast_in_dim3A_572 : vector<1x128xi1> to vector<1024x128xi1>
    %broadcast_in_dim3A_574 = vector.broadcast %jit3A_571 : f32 to vector<1024x128xf32>
    %select_n3A_575 = arith.select %broadcast_in_dim3A_573, %broadcast_in_dim3A_574, %sub3A_570 : vector<1024x128xi1>, vector<1024x128xf32>
    %convert_element_type3A_576 = arith.truncf %select_n3A_575 : vector<1024x128xf32> to vector<1024x128xbf16>
    %bitcast3A_577 = tpu.bitcast %convert_element_type3A_576 : vector<1024x128xbf16> -> vector<512x128xi32>
    %reshape3A_578 = vector.shape_cast %bitcast3A_577 : vector<512x128xi32> to vector<64x8x128xi32>
    %swap3A_579 = arith.constant 0 : index
    %swap3A_580 = arith.constant 12 : index
    %swap3A_581 = arith.constant 0 : index
    %swap3A_582 = arith.constant 0 : index
    %swap3A_583 = vector.load %arg3[%swap3A_579, %swap3A_580, %swap3A_581, %swap3A_582] : memref<64x16x8x128xi32, #tpu.memory_space<vmem>>, vector<64x1x8x128xi32>
    %swap3A_584 = vector.shape_cast %swap3A_583 : vector<64x1x8x128xi32> to vector<64x8x128xi32>
    %swap3A_585 = vector.shape_cast %reshape3A_578 : vector<64x8x128xi32> to vector<64x1x8x128xi32>
    tpu.vector_store %arg3[%swap3A_579, %swap3A_580, %swap3A_581, %swap3A_582], %swap3A_585 {strides = array<i32>} : memref<64x16x8x128xi32, #tpu.memory_space<vmem>>, vector<64x1x8x128xi32>,
    %reduce_min3A_586 = arith.constant dense<0x7F800000> : vector<1024xf32>
    %reduce_min3A_587 = vector.multi_reduction <minimumf>, %select_n3A_575, %reduce_min3A_586 [1] : vector<1024x128xf32> to vector<1024xf32>
    %broadcast_in_dim3A_588 = vector.shape_cast %reduce_min3A_587 : vector<1024xf32> to vector<1024x1xf32>
    %get3A_589 = arith.constant 1664 : index
    %get3A_590 = arith.constant 0 : index
    %get3A_591 = vector.load %arg1[%get3A_589, %get3A_590] : memref<2048x128xf32, #tpu.memory_space<vmem>>, vector<128x128xf32>
    %mul3A_592 = arith.mulf %get3A_591, %get3A_591 : vector<128x128xf32>
    %dot_general3A_593 = arith.constant dense<0.000000e+00> : vector<1x128xf32>
    %dot_general3A_594 = tpu.matmul %convert_element_type3A_2, %mul3A_592, %dot_general3A_593 {dimension_numbers = #tpu.dot_dimension_numbers<[1], [1], [0], [0], [0, 0, 1, 0], [], []>, transpose_lhs_hint = false} : vector<1x128xf32>, vector<128x128xf32>, vector<1x128xf32> -> vector<1x128xf32>
    %mul3A_595 = arith.constant 16 : i32
    %mul3A_596 = arith.muli %arg0, %mul3A_595 : i32
    %add3A_597 = arith.constant 13 : i32
    %add3A_598 = arith.addi %mul3A_596, %add3A_597 : i32
    %mul3A_599 = arith.constant 128 : i32
    %mul3A_600 = arith.muli %add3A_598, %mul3A_599 : i32
    %iota3A_601 = tpu.iota {dimensions = array<i32: 1>} : vector<1x128xi32>
    %add3A_602 = vector.broadcast %mul3A_600 : i32 to vector<1x128xi32>
    %add3A_603 = arith.addi %add3A_602, %iota3A_601 : vector<1x128xi32>
    %ge3A_604 = arith.constant 100000 : i32
    %ge3A_605 = vector.broadcast %ge3A_604 : i32 to vector<1x128xi32>
    %ge3A_606 = arith.cmpi sge, %add3A_603, %ge3A_605 : vector<1x128xi32>
    %get3A_607 = arith.constant 0 : index
    %get3A_608 = arith.constant 0 : index
    %get3A_609 = vector.load %arg2[%get3A_607, %get3A_608] : memref<1024x128xf32, #tpu.memory_space<vmem>>, vector<1024x128xf32>
    %dot_general3A_610 = arith.constant dense<0.000000e+00> : vector<1024x128xf32>
    %dot_general3A_611 = tpu.matmul %get3A_609, %get3A_591, %dot_general3A_610 {dimension_numbers = #tpu.dot_dimension_numbers<[1], [1], [0], [0], [0, 0, 1, 0], [], []>, transpose_lhs_hint = false} : vector<1024x128xf32>, vector<128x128xf32>, vector<1024x128xf32> -> vector<1024x128xf32>
    %mul3A_612 = arith.constant 2.000000e+00 : f32
    %mul3A_613 = vector.broadcast %mul3A_612 : f32 to vector<1024x128xf32>
    %mul3A_614 = arith.mulf %mul3A_613, %dot_general3A_611 : vector<1024x128xf32>
    %sub3A_615 = vector.broadcast %dot_general3A_594 : vector<1x128xf32> to vector<1024x128xf32>
    %sub3A_616 = arith.subf %sub3A_615, %mul3A_614 : vector<1024x128xf32>
    %jit3A_617 = arith.constant 3.000000e+38 : f32
    %broadcast_in_dim3A_618 = vector.shape_cast %ge3A_606 : vector<1x128xi1> to vector<1x128xi1>
    %broadcast_in_dim3A_619 = vector.broadcast %broadcast_in_dim3A_618 : vector<1x128xi1> to vector<1024x128xi1>
    %broadcast_in_dim3A_620 = vector.broadcast %jit3A_617 : f32 to vector<1024x128xf32>
    %select_n3A_621 = arith.select %broadcast_in_dim3A_619, %broadcast_in_dim3A_620, %sub3A_616 : vector<1024x128xi1>, vector<1024x128xf32>
    %convert_element_type3A_622 = arith.truncf %select_n3A_621 : vector<1024x128xf32> to vector<1024x128xbf16>
    %bitcast3A_623 = tpu.bitcast %convert_element_type3A_622 : vector<1024x128xbf16> -> vector<512x128xi32>
    %reshape3A_624 = vector.shape_cast %bitcast3A_623 : vector<512x128xi32> to vector<64x8x128xi32>
    %swap3A_625 = arith.constant 0 : index
    %swap3A_626 = arith.constant 13 : index
    %swap3A_627 = arith.constant 0 : index
    %swap3A_628 = arith.constant 0 : index
    %swap3A_629 = vector.load %arg3[%swap3A_625, %swap3A_626, %swap3A_627, %swap3A_628] : memref<64x16x8x128xi32, #tpu.memory_space<vmem>>, vector<64x1x8x128xi32>
    %swap3A_630 = vector.shape_cast %swap3A_629 : vector<64x1x8x128xi32> to vector<64x8x128xi32>
    %swap3A_631 = vector.shape_cast %reshape3A_624 : vector<64x8x128xi32> to vector<64x1x8x128xi32>
    tpu.vector_store %arg3[%swap3A_625, %swap3A_626, %swap3A_627, %swap3A_628], %swap3A_631 {strides = array<i32>} : memref<64x16x8x128xi32, #tpu.memory_space<vmem>>, vector<64x1x8x128xi32>,
    %reduce_min3A_632 = arith.constant dense<0x7F800000> : vector<1024xf32>
    %reduce_min3A_633 = vector.multi_reduction <minimumf>, %select_n3A_621, %reduce_min3A_632 [1] : vector<1024x128xf32> to vector<1024xf32>
    %broadcast_in_dim3A_634 = vector.shape_cast %reduce_min3A_633 : vector<1024xf32> to vector<1024x1xf32>
    %get3A_635 = arith.constant 1792 : index
    %get3A_636 = arith.constant 0 : index
    %get3A_637 = vector.load %arg1[%get3A_635, %get3A_636] : memref<2048x128xf32, #tpu.memory_space<vmem>>, vector<128x128xf32>
    %mul3A_638 = arith.mulf %get3A_637, %get3A_637 : vector<128x128xf32>
    %dot_general3A_639 = arith.constant dense<0.000000e+00> : vector<1x128xf32>
    %dot_general3A_640 = tpu.matmul %convert_element_type3A_2, %mul3A_638, %dot_general3A_639 {dimension_numbers = #tpu.dot_dimension_numbers<[1], [1], [0], [0], [0, 0, 1, 0], [], []>, transpose_lhs_hint = false} : vector<1x128xf32>, vector<128x128xf32>, vector<1x128xf32> -> vector<1x128xf32>
    %mul3A_641 = arith.constant 16 : i32
    %mul3A_642 = arith.muli %arg0, %mul3A_641 : i32
    %add3A_643 = arith.constant 14 : i32
    %add3A_644 = arith.addi %mul3A_642, %add3A_643 : i32
    %mul3A_645 = arith.constant 128 : i32
    %mul3A_646 = arith.muli %add3A_644, %mul3A_645 : i32
    %iota3A_647 = tpu.iota {dimensions = array<i32: 1>} : vector<1x128xi32>
    %add3A_648 = vector.broadcast %mul3A_646 : i32 to vector<1x128xi32>
    %add3A_649 = arith.addi %add3A_648, %iota3A_647 : vector<1x128xi32>
    %ge3A_650 = arith.constant 100000 : i32
    %ge3A_651 = vector.broadcast %ge3A_650 : i32 to vector<1x128xi32>
    %ge3A_652 = arith.cmpi sge, %add3A_649, %ge3A_651 : vector<1x128xi32>
    %get3A_653 = arith.constant 0 : index
    %get3A_654 = arith.constant 0 : index
    %get3A_655 = vector.load %arg2[%get3A_653, %get3A_654] : memref<1024x128xf32, #tpu.memory_space<vmem>>, vector<1024x128xf32>
    %dot_general3A_656 = arith.constant dense<0.000000e+00> : vector<1024x128xf32>
    %dot_general3A_657 = tpu.matmul %get3A_655, %get3A_637, %dot_general3A_656 {dimension_numbers = #tpu.dot_dimension_numbers<[1], [1], [0], [0], [0, 0, 1, 0], [], []>, transpose_lhs_hint = false} : vector<1024x128xf32>, vector<128x128xf32>, vector<1024x128xf32> -> vector<1024x128xf32>
    %mul3A_658 = arith.constant 2.000000e+00 : f32
    %mul3A_659 = vector.broadcast %mul3A_658 : f32 to vector<1024x128xf32>
    %mul3A_660 = arith.mulf %mul3A_659, %dot_general3A_657 : vector<1024x128xf32>
    %sub3A_661 = vector.broadcast %dot_general3A_640 : vector<1x128xf32> to vector<1024x128xf32>
    %sub3A_662 = arith.subf %sub3A_661, %mul3A_660 : vector<1024x128xf32>
    %jit3A_663 = arith.constant 3.000000e+38 : f32
    %broadcast_in_dim3A_664 = vector.shape_cast %ge3A_652 : vector<1x128xi1> to vector<1x128xi1>
    %broadcast_in_dim3A_665 = vector.broadcast %broadcast_in_dim3A_664 : vector<1x128xi1> to vector<1024x128xi1>
    %broadcast_in_dim3A_666 = vector.broadcast %jit3A_663 : f32 to vector<1024x128xf32>
    %select_n3A_667 = arith.select %broadcast_in_dim3A_665, %broadcast_in_dim3A_666, %sub3A_662 : vector<1024x128xi1>, vector<1024x128xf32>
    %convert_element_type3A_668 = arith.truncf %select_n3A_667 : vector<1024x128xf32> to vector<1024x128xbf16>
    %bitcast3A_669 = tpu.bitcast %convert_element_type3A_668 : vector<1024x128xbf16> -> vector<512x128xi32>
    %reshape3A_670 = vector.shape_cast %bitcast3A_669 : vector<512x128xi32> to vector<64x8x128xi32>
    %swap3A_671 = arith.constant 0 : index
    %swap3A_672 = arith.constant 14 : index
    %swap3A_673 = arith.constant 0 : index
    %swap3A_674 = arith.constant 0 : index
    %swap3A_675 = vector.load %arg3[%swap3A_671, %swap3A_672, %swap3A_673, %swap3A_674] : memref<64x16x8x128xi32, #tpu.memory_space<vmem>>, vector<64x1x8x128xi32>
    %swap3A_676 = vector.shape_cast %swap3A_675 : vector<64x1x8x128xi32> to vector<64x8x128xi32>
    %swap3A_677 = vector.shape_cast %reshape3A_670 : vector<64x8x128xi32> to vector<64x1x8x128xi32>
    tpu.vector_store %arg3[%swap3A_671, %swap3A_672, %swap3A_673, %swap3A_674], %swap3A_677 {strides = array<i32>} : memref<64x16x8x128xi32, #tpu.memory_space<vmem>>, vector<64x1x8x128xi32>,
    %reduce_min3A_678 = arith.constant dense<0x7F800000> : vector<1024xf32>
    %reduce_min3A_679 = vector.multi_reduction <minimumf>, %select_n3A_667, %reduce_min3A_678 [1] : vector<1024x128xf32> to vector<1024xf32>
    %broadcast_in_dim3A_680 = vector.shape_cast %reduce_min3A_679 : vector<1024xf32> to vector<1024x1xf32>
    %get3A_681 = arith.constant 1920 : index
    %get3A_682 = arith.constant 0 : index
    %get3A_683 = vector.load %arg1[%get3A_681, %get3A_682] : memref<2048x128xf32, #tpu.memory_space<vmem>>, vector<128x128xf32>
    %mul3A_684 = arith.mulf %get3A_683, %get3A_683 : vector<128x128xf32>
    %dot_general3A_685 = arith.constant dense<0.000000e+00> : vector<1x128xf32>
    %dot_general3A_686 = tpu.matmul %convert_element_type3A_2, %mul3A_684, %dot_general3A_685 {dimension_numbers = #tpu.dot_dimension_numbers<[1], [1], [0], [0], [0, 0, 1, 0], [], []>, transpose_lhs_hint = false} : vector<1x128xf32>, vector<128x128xf32>, vector<1x128xf32> -> vector<1x128xf32>
    %mul3A_687 = arith.constant 16 : i32
    %mul3A_688 = arith.muli %arg0, %mul3A_687 : i32
    %add3A_689 = arith.constant 15 : i32
    %add3A_690 = arith.addi %mul3A_688, %add3A_689 : i32
    %mul3A_691 = arith.constant 128 : i32
    %mul3A_692 = arith.muli %add3A_690, %mul3A_691 : i32
    %iota3A_693 = tpu.iota {dimensions = array<i32: 1>} : vector<1x128xi32>
    %add3A_694 = vector.broadcast %mul3A_692 : i32 to vector<1x128xi32>
    %add3A_695 = arith.addi %add3A_694, %iota3A_693 : vector<1x128xi32>
    %ge3A_696 = arith.constant 100000 : i32
    %ge3A_697 = vector.broadcast %ge3A_696 : i32 to vector<1x128xi32>
    %ge3A_698 = arith.cmpi sge, %add3A_695, %ge3A_697 : vector<1x128xi32>
    %get3A_699 = arith.constant 0 : index
    %get3A_700 = arith.constant 0 : index
    %get3A_701 = vector.load %arg2[%get3A_699, %get3A_700] : memref<1024x128xf32, #tpu.memory_space<vmem>>, vector<1024x128xf32>
    %dot_general3A_702 = arith.constant dense<0.000000e+00> : vector<1024x128xf32>
    %dot_general3A_703 = tpu.matmul %get3A_701, %get3A_683, %dot_general3A_702 {dimension_numbers = #tpu.dot_dimension_numbers<[1], [1], [0], [0], [0, 0, 1, 0], [], []>, transpose_lhs_hint = false} : vector<1024x128xf32>, vector<128x128xf32>, vector<1024x128xf32> -> vector<1024x128xf32>
    %mul3A_704 = arith.constant 2.000000e+00 : f32
    %mul3A_705 = vector.broadcast %mul3A_704 : f32 to vector<1024x128xf32>
    %mul3A_706 = arith.mulf %mul3A_705, %dot_general3A_703 : vector<1024x128xf32>
    %sub3A_707 = vector.broadcast %dot_general3A_686 : vector<1x128xf32> to vector<1024x128xf32>
    %sub3A_708 = arith.subf %sub3A_707, %mul3A_706 : vector<1024x128xf32>
    %jit3A_709 = arith.constant 3.000000e+38 : f32
    %broadcast_in_dim3A_710 = vector.shape_cast %ge3A_698 : vector<1x128xi1> to vector<1x128xi1>
    %broadcast_in_dim3A_711 = vector.broadcast %broadcast_in_dim3A_710 : vector<1x128xi1> to vector<1024x128xi1>
    %broadcast_in_dim3A_712 = vector.broadcast %jit3A_709 : f32 to vector<1024x128xf32>
    %select_n3A_713 = arith.select %broadcast_in_dim3A_711, %broadcast_in_dim3A_712, %sub3A_708 : vector<1024x128xi1>, vector<1024x128xf32>
    %convert_element_type3A_714 = arith.truncf %select_n3A_713 : vector<1024x128xf32> to vector<1024x128xbf16>
    %bitcast3A_715 = tpu.bitcast %convert_element_type3A_714 : vector<1024x128xbf16> -> vector<512x128xi32>
    %reshape3A_716 = vector.shape_cast %bitcast3A_715 : vector<512x128xi32> to vector<64x8x128xi32>
    %swap3A_717 = arith.constant 0 : index
    %swap3A_718 = arith.constant 15 : index
    %swap3A_719 = arith.constant 0 : index
    %swap3A_720 = arith.constant 0 : index
    %swap3A_721 = vector.load %arg3[%swap3A_717, %swap3A_718, %swap3A_719, %swap3A_720] : memref<64x16x8x128xi32, #tpu.memory_space<vmem>>, vector<64x1x8x128xi32>
    %swap3A_722 = vector.shape_cast %swap3A_721 : vector<64x1x8x128xi32> to vector<64x8x128xi32>
    %swap3A_723 = vector.shape_cast %reshape3A_716 : vector<64x8x128xi32> to vector<64x1x8x128xi32>
    tpu.vector_store %arg3[%swap3A_717, %swap3A_718, %swap3A_719, %swap3A_720], %swap3A_723 {strides = array<i32>} : memref<64x16x8x128xi32, #tpu.memory_space<vmem>>, vector<64x1x8x128xi32>,
    %reduce_min3A_724 = arith.constant dense<0x7F800000> : vector<1024xf32>
    %reduce_min3A_725 = vector.multi_reduction <minimumf>, %select_n3A_713, %reduce_min3A_724 [1] : vector<1024x128xf32> to vector<1024xf32>
    %broadcast_in_dim3A_726 = vector.shape_cast %reduce_min3A_725 : vector<1024xf32> to vector<1024x1xf32>
    %concatenate3A = tpu.concatenate %broadcast_in_dim3A_36, %broadcast_in_dim3A_82, %broadcast_in_dim3A_128, %broadcast_in_dim3A_174, %broadcast_in_dim3A_220, %broadcast_in_dim3A_266, %broadcast_in_dim3A_312, %broadcast_in_dim3A_358, %broadcast_in_dim3A_404, %broadcast_in_dim3A_450, %broadcast_in_dim3A_496, %broadcast_in_dim3A_542, %broadcast_in_dim3A_588, %broadcast_in_dim3A_634, %broadcast_in_dim3A_680, %broadcast_in_dim3A_726 in 1 : vector<1024x1xf32>, vector<1024x1xf32>, vector<1024x1xf32>, vector<1024x1xf32>, vector<1024x1xf32>, vector<1024x1xf32>, vector<1024x1xf32>, vector<1024x1xf32>, vector<1024x1xf32>, vector<1024x1xf32>, vector<1024x1xf32>, vector<1024x1xf32>, vector<1024x1xf32>, vector<1024x1xf32>, vector<1024x1xf32>, vector<1024x1xf32> -> vector<1024x16xf32>
    %reshape3A_727 = vector.shape_cast %concatenate3A : vector<1024x16xf32> to vector<1x1024x16xf32>
    %swap3A_728 = arith.constant 0 : index
    %swap3A_729 = arith.constant 0 : index
    %swap3A_730 = arith.constant 0 : index
    %swap3A_731 = vector.load %arg4[%swap3A_728, %swap3A_729, %swap3A_730] : memref<1x1024x16xf32, #tpu.memory_space<vmem>>, vector<1x1024x16xf32>
    tpu.vector_store %arg4[%swap3A_728, %swap3A_729, %swap3A_730], %reshape3A_727 {strides = array<i32>} : memref<1x1024x16xf32, #tpu.memory_space<vmem>>, vector<1x1024x16xf32>,
    return
  }
  func.func @transform_0(%arg0: i32) -> (i32, i32) {
    %c0_i32 = arith.constant 0 : i32
    %c0_i32_0 = arith.constant 0 : i32
    return %arg0, %c0_i32 : i32, i32
  }
  func.func @transform_1(%arg0: i32) -> (i32, i32) {
    %c0_i32 = arith.constant 0 : i32
    %c0_i32_0 = arith.constant 0 : i32
    %c0_i32_1 = arith.constant 0 : i32
    return %c0_i32, %c0_i32_0 : i32, i32
  }
  func.func @transform_2(%arg0: i32) -> (i32, i32, i32, i32) {
    %c0_i32 = arith.constant 0 : i32
    %c0_i32_0 = arith.constant 0 : i32
    %c0_i32_1 = arith.constant 0 : i32
    %c0_i32_2 = arith.constant 0 : i32
    return %c0_i32, %arg0, %c0_i32_0, %c0_i32_1 : i32, i32, i32, i32
  }
  func.func @transform_3(%arg0: i32) -> (i32, i32, i32) {
    %c0_i32 = arith.constant 0 : i32
    %c0_i32_0 = arith.constant 0 : i32
    %c0_i32_1 = arith.constant 0 : i32
    return %arg0, %c0_i32, %c0_i32_0 : i32, i32, i32
  }
}

module attributes {stable_mosaic.version = 14 : i64} {
  func.func @_select_groups_body(%arg0: memref<1024x784xf32, #tpu.memory_space<vmem>>, %arg1: memref<1024x16xi32, #tpu.memory_space<vmem>>) attributes {dimension_semantics = [], scalar_prefetch = 0 : i64, scratch_operands = 0 : i64, tpu.core_type = #tpu.core_type<tc>} {
    %get3A = arith.constant 0 : index
    %get3A_0 = arith.constant 0 : index
    %get3A_1 = vector.load %arg0[%get3A, %get3A_0] : memref<1024x784xf32, #tpu.memory_space<vmem>>, vector<1024x784xf32>
    %iota3A = tpu.iota {dimensions = array<i32: 1>} : vector<1024x784xi32>
    %iota3A_2 = tpu.iota {dimensions = array<i32: 0>} : vector<1024x1xi32>
    %reduce_min3A = arith.constant dense<0x7F800000> : vector<1024xf32>
    %reduce_min3A_3 = vector.multi_reduction <minimumf>, %get3A_1, %reduce_min3A [1] : vector<1024x784xf32> to vector<1024xf32>
    %broadcast_in_dim3A = vector.shape_cast %reduce_min3A_3 : vector<1024xf32> to vector<1024x1xf32>
    %eq3A = vector.broadcast %broadcast_in_dim3A : vector<1024x1xf32> to vector<1024x784xf32>
    %eq3A_4 = arith.cmpf oeq, %get3A_1, %eq3A : vector<1024x784xf32>
    %jit3A = arith.constant 1073741824 : i32
    %broadcast_in_dim3A_5 = vector.broadcast %jit3A : i32 to vector<1024x784xi32>
    %select_n3A = arith.select %eq3A_4, %iota3A, %broadcast_in_dim3A_5 : vector<1024x784xi1>, vector<1024x784xi32>
    %reduce_min3A_6 = arith.constant dense<2147483647> : vector<1024xi32>
    %reduce_min3A_7 = vector.multi_reduction <minsi>, %select_n3A, %reduce_min3A_6 [1] : vector<1024x784xi32> to vector<1024xi32>
    %broadcast_in_dim3A_8 = vector.shape_cast %reduce_min3A_7 : vector<1024xi32> to vector<1024x1xi32>
    %jit3A_9 = arith.constant 16 : i32
    %div3A = vector.broadcast %jit3A_9 : i32 to vector<1024x1xi32>
    %div3A_10 = arith.divsi %iota3A_2, %div3A : vector<1024x1xi32>
    %sign3A = arith.constant 0 : i32
    %sign3A_11 = vector.broadcast %sign3A : i32 to vector<1024x1xi32>
    %sign3A_12 = arith.cmpi sgt, %iota3A_2, %sign3A_11 : vector<1024x1xi32>
    %sign3A_13 = arith.extui %sign3A_12 : vector<1024x1xi1> to vector<1024x1xi32>
    %sign3A_14 = arith.constant 0 : i32
    %sign3A_15 = vector.broadcast %sign3A_14 : i32 to vector<1024x1xi32>
    %sign3A_16 = arith.cmpi slt, %iota3A_2, %sign3A_15 : vector<1024x1xi32>
    %sign3A_17 = arith.extui %sign3A_16 : vector<1024x1xi1> to vector<1024x1xi32>
    %sign3A_18 = arith.subi %sign3A_13, %sign3A_17 : vector<1024x1xi32>
    %sign3A_19 = arith.constant 0 : i32
    %sign3A_20 = arith.cmpi sgt, %jit3A_9, %sign3A_19 : i32
    %sign3A_21 = arith.extui %sign3A_20 : i1 to i32
    %sign3A_22 = arith.constant 0 : i32
    %sign3A_23 = arith.cmpi slt, %jit3A_9, %sign3A_22 : i32
    %sign3A_24 = arith.extui %sign3A_23 : i1 to i32
    %sign3A_25 = arith.subi %sign3A_21, %sign3A_24 : i32
    %ne3A = vector.broadcast %sign3A_25 : i32 to vector<1024x1xi32>
    %ne3A_26 = arith.cmpi ne, %sign3A_18, %ne3A : vector<1024x1xi32>
    %rem3A = vector.broadcast %jit3A_9 : i32 to vector<1024x1xi32>
    %rem3A_27 = arith.remsi %iota3A_2, %rem3A : vector<1024x1xi32>
    %ne3A_28 = arith.constant 0 : i32
    %ne3A_29 = vector.broadcast %ne3A_28 : i32 to vector<1024x1xi32>
    %ne3A_30 = arith.cmpi ne, %rem3A_27, %ne3A_29 : vector<1024x1xi32>
    %and3A = arith.andi %ne3A_26, %ne3A_30 : vector<1024x1xi1>
    %sub3A = arith.constant 1 : i32
    %sub3A_31 = vector.broadcast %sub3A : i32 to vector<1024x1xi32>
    %sub3A_32 = arith.subi %div3A_10, %sub3A_31 : vector<1024x1xi32>
    %select_n3A_33 = arith.select %and3A, %sub3A_32, %div3A_10 : vector<1024x1xi1>, vector<1024x1xi32>
    %mul3A = arith.constant 6272 : i32
    %mul3A_34 = vector.broadcast %mul3A : i32 to vector<1024x1xi32>
    %mul3A_35 = arith.muli %select_n3A_33, %mul3A_34 : vector<1024x1xi32>
    %mul3A_36 = arith.constant 8 : i32
    %mul3A_37 = vector.broadcast %mul3A_36 : i32 to vector<1024x1xi32>
    %mul3A_38 = arith.muli %broadcast_in_dim3A_8, %mul3A_37 : vector<1024x1xi32>
    %add3A = arith.addi %mul3A_35, %mul3A_38 : vector<1024x1xi32>
    %jit3A_39 = arith.constant 2 : i32
    %div3A_40 = vector.broadcast %jit3A_39 : i32 to vector<1024x1xi32>
    %div3A_41 = arith.divsi %iota3A_2, %div3A_40 : vector<1024x1xi32>
    %sign3A_42 = arith.constant 0 : i32
    %sign3A_43 = vector.broadcast %sign3A_42 : i32 to vector<1024x1xi32>
    %sign3A_44 = arith.cmpi sgt, %iota3A_2, %sign3A_43 : vector<1024x1xi32>
    %sign3A_45 = arith.extui %sign3A_44 : vector<1024x1xi1> to vector<1024x1xi32>
    %sign3A_46 = arith.constant 0 : i32
    %sign3A_47 = vector.broadcast %sign3A_46 : i32 to vector<1024x1xi32>
    %sign3A_48 = arith.cmpi slt, %iota3A_2, %sign3A_47 : vector<1024x1xi32>
    %sign3A_49 = arith.extui %sign3A_48 : vector<1024x1xi1> to vector<1024x1xi32>
    %sign3A_50 = arith.subi %sign3A_45, %sign3A_49 : vector<1024x1xi32>
    %sign3A_51 = arith.constant 0 : i32
    %sign3A_52 = arith.cmpi sgt, %jit3A_39, %sign3A_51 : i32
    %sign3A_53 = arith.extui %sign3A_52 : i1 to i32
    %sign3A_54 = arith.constant 0 : i32
    %sign3A_55 = arith.cmpi slt, %jit3A_39, %sign3A_54 : i32
    %sign3A_56 = arith.extui %sign3A_55 : i1 to i32
    %sign3A_57 = arith.subi %sign3A_53, %sign3A_56 : i32
    %ne3A_58 = vector.broadcast %sign3A_57 : i32 to vector<1024x1xi32>
    %ne3A_59 = arith.cmpi ne, %sign3A_50, %ne3A_58 : vector<1024x1xi32>
    %rem3A_60 = vector.broadcast %jit3A_39 : i32 to vector<1024x1xi32>
    %rem3A_61 = arith.remsi %iota3A_2, %rem3A_60 : vector<1024x1xi32>
    %ne3A_62 = arith.constant 0 : i32
    %ne3A_63 = vector.broadcast %ne3A_62 : i32 to vector<1024x1xi32>
    %ne3A_64 = arith.cmpi ne, %rem3A_61, %ne3A_63 : vector<1024x1xi32>
    %and3A_65 = arith.andi %ne3A_59, %ne3A_64 : vector<1024x1xi1>
    %sub3A_66 = arith.constant 1 : i32
    %sub3A_67 = vector.broadcast %sub3A_66 : i32 to vector<1024x1xi32>
    %sub3A_68 = arith.subi %div3A_41, %sub3A_67 : vector<1024x1xi32>
    %select_n3A_69 = arith.select %and3A_65, %sub3A_68, %div3A_41 : vector<1024x1xi1>, vector<1024x1xi32>
    %jit3A_70 = arith.constant 8 : i32
    %eq3A_71 = arith.constant 0 : i32
    %eq3A_72 = arith.cmpi eq, %jit3A_70, %eq3A_71 : i32
    %jit3A_73 = arith.constant 1 : i32
    %select_n3A_74 = arith.select %eq3A_72, %jit3A_73, %jit3A_70 : i32
    %rem3A_75 = vector.broadcast %select_n3A_74 : i32 to vector<1024x1xi32>
    %rem3A_76 = arith.remsi %select_n3A_69, %rem3A_75 : vector<1024x1xi32>
    %ne3A_77 = arith.constant 0 : i32
    %ne3A_78 = vector.broadcast %ne3A_77 : i32 to vector<1024x1xi32>
    %ne3A_79 = arith.cmpi ne, %rem3A_76, %ne3A_78 : vector<1024x1xi32>
    %lt3A = arith.constant 0 : i32
    %lt3A_80 = vector.broadcast %lt3A : i32 to vector<1024x1xi32>
    %lt3A_81 = arith.cmpi slt, %rem3A_76, %lt3A_80 : vector<1024x1xi32>
    %lt3A_82 = arith.constant 0 : i32
    %lt3A_83 = arith.cmpi slt, %select_n3A_74, %lt3A_82 : i32
    %ne3A_84 = vector.broadcast %lt3A_83 : i1 to vector<1024x1xi1>
    %ne3A_85 = vector.broadcast %ne3A_84 : vector<1024x1xi1> to vector<1024x1xi1>
    %ne3A_86 = arith.xori %lt3A_81, %ne3A_85 : vector<1024x1xi1>
    %and3A_87 = arith.andi %ne3A_86, %ne3A_79 : vector<1024x1xi1>
    %add3A_88 = vector.broadcast %select_n3A_74 : i32 to vector<1024x1xi32>
    %add3A_89 = arith.addi %rem3A_76, %add3A_88 : vector<1024x1xi32>
    %select_n3A_90 = arith.select %and3A_87, %add3A_89, %rem3A_76 : vector<1024x1xi1>, vector<1024x1xi32>
    %add3A_91 = arith.addi %add3A, %select_n3A_90 : vector<1024x1xi32>
    %eq3A_92 = vector.broadcast %broadcast_in_dim3A_8 : vector<1024x1xi32> to vector<1024x784xi32>
    %eq3A_93 = arith.cmpi eq, %iota3A, %eq3A_92 : vector<1024x784xi32>
    %jit3A_94 = arith.constant 3.000000e+38 : f32
    %broadcast_in_dim3A_95 = vector.broadcast %jit3A_94 : f32 to vector<1024x784xf32>
    %select_n3A_96 = arith.select %eq3A_93, %broadcast_in_dim3A_95, %get3A_1 : vector<1024x784xi1>, vector<1024x784xf32>
    %reduce_min3A_97 = arith.constant dense<0x7F800000> : vector<1024xf32>
    %reduce_min3A_98 = vector.multi_reduction <minimumf>, %select_n3A_96, %reduce_min3A_97 [1] : vector<1024x784xf32> to vector<1024xf32>
    %broadcast_in_dim3A_99 = vector.shape_cast %reduce_min3A_98 : vector<1024xf32> to vector<1024x1xf32>
    %eq3A_100 = vector.broadcast %broadcast_in_dim3A_99 : vector<1024x1xf32> to vector<1024x784xf32>
    %eq3A_101 = arith.cmpf oeq, %select_n3A_96, %eq3A_100 : vector<1024x784xf32>
    %jit3A_102 = arith.constant 1073741824 : i32
    %broadcast_in_dim3A_103 = vector.broadcast %jit3A_102 : i32 to vector<1024x784xi32>
    %select_n3A_104 = arith.select %eq3A_101, %iota3A, %broadcast_in_dim3A_103 : vector<1024x784xi1>, vector<1024x784xi32>
    %reduce_min3A_105 = arith.constant dense<2147483647> : vector<1024xi32>
    %reduce_min3A_106 = vector.multi_reduction <minsi>, %select_n3A_104, %reduce_min3A_105 [1] : vector<1024x784xi32> to vector<1024xi32>
    %broadcast_in_dim3A_107 = vector.shape_cast %reduce_min3A_106 : vector<1024xi32> to vector<1024x1xi32>
    %jit3A_108 = arith.constant 16 : i32
    %div3A_109 = vector.broadcast %jit3A_108 : i32 to vector<1024x1xi32>
    %div3A_110 = arith.divsi %iota3A_2, %div3A_109 : vector<1024x1xi32>
    %sign3A_111 = arith.constant 0 : i32
    %sign3A_112 = vector.broadcast %sign3A_111 : i32 to vector<1024x1xi32>
    %sign3A_113 = arith.cmpi sgt, %iota3A_2, %sign3A_112 : vector<1024x1xi32>
    %sign3A_114 = arith.extui %sign3A_113 : vector<1024x1xi1> to vector<1024x1xi32>
    %sign3A_115 = arith.constant 0 : i32
    %sign3A_116 = vector.broadcast %sign3A_115 : i32 to vector<1024x1xi32>
    %sign3A_117 = arith.cmpi slt, %iota3A_2, %sign3A_116 : vector<1024x1xi32>
    %sign3A_118 = arith.extui %sign3A_117 : vector<1024x1xi1> to vector<1024x1xi32>
    %sign3A_119 = arith.subi %sign3A_114, %sign3A_118 : vector<1024x1xi32>
    %sign3A_120 = arith.constant 0 : i32
    %sign3A_121 = arith.cmpi sgt, %jit3A_108, %sign3A_120 : i32
    %sign3A_122 = arith.extui %sign3A_121 : i1 to i32
    %sign3A_123 = arith.constant 0 : i32
    %sign3A_124 = arith.cmpi slt, %jit3A_108, %sign3A_123 : i32
    %sign3A_125 = arith.extui %sign3A_124 : i1 to i32
    %sign3A_126 = arith.subi %sign3A_122, %sign3A_125 : i32
    %ne3A_127 = vector.broadcast %sign3A_126 : i32 to vector<1024x1xi32>
    %ne3A_128 = arith.cmpi ne, %sign3A_119, %ne3A_127 : vector<1024x1xi32>
    %rem3A_129 = vector.broadcast %jit3A_108 : i32 to vector<1024x1xi32>
    %rem3A_130 = arith.remsi %iota3A_2, %rem3A_129 : vector<1024x1xi32>
    %ne3A_131 = arith.constant 0 : i32
    %ne3A_132 = vector.broadcast %ne3A_131 : i32 to vector<1024x1xi32>
    %ne3A_133 = arith.cmpi ne, %rem3A_130, %ne3A_132 : vector<1024x1xi32>
    %and3A_134 = arith.andi %ne3A_128, %ne3A_133 : vector<1024x1xi1>
    %sub3A_135 = arith.constant 1 : i32
    %sub3A_136 = vector.broadcast %sub3A_135 : i32 to vector<1024x1xi32>
    %sub3A_137 = arith.subi %div3A_110, %sub3A_136 : vector<1024x1xi32>
    %select_n3A_138 = arith.select %and3A_134, %sub3A_137, %div3A_110 : vector<1024x1xi1>, vector<1024x1xi32>
    %mul3A_139 = arith.constant 6272 : i32
    %mul3A_140 = vector.broadcast %mul3A_139 : i32 to vector<1024x1xi32>
    %mul3A_141 = arith.muli %select_n3A_138, %mul3A_140 : vector<1024x1xi32>
    %mul3A_142 = arith.constant 8 : i32
    %mul3A_143 = vector.broadcast %mul3A_142 : i32 to vector<1024x1xi32>
    %mul3A_144 = arith.muli %broadcast_in_dim3A_107, %mul3A_143 : vector<1024x1xi32>
    %add3A_145 = arith.addi %mul3A_141, %mul3A_144 : vector<1024x1xi32>
    %jit3A_146 = arith.constant 2 : i32
    %div3A_147 = vector.broadcast %jit3A_146 : i32 to vector<1024x1xi32>
    %div3A_148 = arith.divsi %iota3A_2, %div3A_147 : vector<1024x1xi32>
    %sign3A_149 = arith.constant 0 : i32
    %sign3A_150 = vector.broadcast %sign3A_149 : i32 to vector<1024x1xi32>
    %sign3A_151 = arith.cmpi sgt, %iota3A_2, %sign3A_150 : vector<1024x1xi32>
    %sign3A_152 = arith.extui %sign3A_151 : vector<1024x1xi1> to vector<1024x1xi32>
    %sign3A_153 = arith.constant 0 : i32
    %sign3A_154 = vector.broadcast %sign3A_153 : i32 to vector<1024x1xi32>
    %sign3A_155 = arith.cmpi slt, %iota3A_2, %sign3A_154 : vector<1024x1xi32>
    %sign3A_156 = arith.extui %sign3A_155 : vector<1024x1xi1> to vector<1024x1xi32>
    %sign3A_157 = arith.subi %sign3A_152, %sign3A_156 : vector<1024x1xi32>
    %sign3A_158 = arith.constant 0 : i32
    %sign3A_159 = arith.cmpi sgt, %jit3A_146, %sign3A_158 : i32
    %sign3A_160 = arith.extui %sign3A_159 : i1 to i32
    %sign3A_161 = arith.constant 0 : i32
    %sign3A_162 = arith.cmpi slt, %jit3A_146, %sign3A_161 : i32
    %sign3A_163 = arith.extui %sign3A_162 : i1 to i32
    %sign3A_164 = arith.subi %sign3A_160, %sign3A_163 : i32
    %ne3A_165 = vector.broadcast %sign3A_164 : i32 to vector<1024x1xi32>
    %ne3A_166 = arith.cmpi ne, %sign3A_157, %ne3A_165 : vector<1024x1xi32>
    %rem3A_167 = vector.broadcast %jit3A_146 : i32 to vector<1024x1xi32>
    %rem3A_168 = arith.remsi %iota3A_2, %rem3A_167 : vector<1024x1xi32>
    %ne3A_169 = arith.constant 0 : i32
    %ne3A_170 = vector.broadcast %ne3A_169 : i32 to vector<1024x1xi32>
    %ne3A_171 = arith.cmpi ne, %rem3A_168, %ne3A_170 : vector<1024x1xi32>
    %and3A_172 = arith.andi %ne3A_166, %ne3A_171 : vector<1024x1xi1>
    %sub3A_173 = arith.constant 1 : i32
    %sub3A_174 = vector.broadcast %sub3A_173 : i32 to vector<1024x1xi32>
    %sub3A_175 = arith.subi %div3A_148, %sub3A_174 : vector<1024x1xi32>
    %select_n3A_176 = arith.select %and3A_172, %sub3A_175, %div3A_148 : vector<1024x1xi1>, vector<1024x1xi32>
    %jit3A_177 = arith.constant 8 : i32
    %eq3A_178 = arith.constant 0 : i32
    %eq3A_179 = arith.cmpi eq, %jit3A_177, %eq3A_178 : i32
    %jit3A_180 = arith.constant 1 : i32
    %select_n3A_181 = arith.select %eq3A_179, %jit3A_180, %jit3A_177 : i32
    %rem3A_182 = vector.broadcast %select_n3A_181 : i32 to vector<1024x1xi32>
    %rem3A_183 = arith.remsi %select_n3A_176, %rem3A_182 : vector<1024x1xi32>
    %ne3A_184 = arith.constant 0 : i32
    %ne3A_185 = vector.broadcast %ne3A_184 : i32 to vector<1024x1xi32>
    %ne3A_186 = arith.cmpi ne, %rem3A_183, %ne3A_185 : vector<1024x1xi32>
    %lt3A_187 = arith.constant 0 : i32
    %lt3A_188 = vector.broadcast %lt3A_187 : i32 to vector<1024x1xi32>
    %lt3A_189 = arith.cmpi slt, %rem3A_183, %lt3A_188 : vector<1024x1xi32>
    %lt3A_190 = arith.constant 0 : i32
    %lt3A_191 = arith.cmpi slt, %select_n3A_181, %lt3A_190 : i32
    %ne3A_192 = vector.broadcast %lt3A_191 : i1 to vector<1024x1xi1>
    %ne3A_193 = vector.broadcast %ne3A_192 : vector<1024x1xi1> to vector<1024x1xi1>
    %ne3A_194 = arith.xori %lt3A_189, %ne3A_193 : vector<1024x1xi1>
    %and3A_195 = arith.andi %ne3A_194, %ne3A_186 : vector<1024x1xi1>
    %add3A_196 = vector.broadcast %select_n3A_181 : i32 to vector<1024x1xi32>
    %add3A_197 = arith.addi %rem3A_183, %add3A_196 : vector<1024x1xi32>
    %select_n3A_198 = arith.select %and3A_195, %add3A_197, %rem3A_183 : vector<1024x1xi1>, vector<1024x1xi32>
    %add3A_199 = arith.addi %add3A_145, %select_n3A_198 : vector<1024x1xi32>
    %eq3A_200 = vector.broadcast %broadcast_in_dim3A_107 : vector<1024x1xi32> to vector<1024x784xi32>
    %eq3A_201 = arith.cmpi eq, %iota3A, %eq3A_200 : vector<1024x784xi32>
    %jit3A_202 = arith.constant 3.000000e+38 : f32
    %broadcast_in_dim3A_203 = vector.broadcast %jit3A_202 : f32 to vector<1024x784xf32>
    %select_n3A_204 = arith.select %eq3A_201, %broadcast_in_dim3A_203, %select_n3A_96 : vector<1024x784xi1>, vector<1024x784xf32>
    %reduce_min3A_205 = arith.constant dense<0x7F800000> : vector<1024xf32>
    %reduce_min3A_206 = vector.multi_reduction <minimumf>, %select_n3A_204, %reduce_min3A_205 [1] : vector<1024x784xf32> to vector<1024xf32>
    %broadcast_in_dim3A_207 = vector.shape_cast %reduce_min3A_206 : vector<1024xf32> to vector<1024x1xf32>
    %eq3A_208 = vector.broadcast %broadcast_in_dim3A_207 : vector<1024x1xf32> to vector<1024x784xf32>
    %eq3A_209 = arith.cmpf oeq, %select_n3A_204, %eq3A_208 : vector<1024x784xf32>
    %jit3A_210 = arith.constant 1073741824 : i32
    %broadcast_in_dim3A_211 = vector.broadcast %jit3A_210 : i32 to vector<1024x784xi32>
    %select_n3A_212 = arith.select %eq3A_209, %iota3A, %broadcast_in_dim3A_211 : vector<1024x784xi1>, vector<1024x784xi32>
    %reduce_min3A_213 = arith.constant dense<2147483647> : vector<1024xi32>
    %reduce_min3A_214 = vector.multi_reduction <minsi>, %select_n3A_212, %reduce_min3A_213 [1] : vector<1024x784xi32> to vector<1024xi32>
    %broadcast_in_dim3A_215 = vector.shape_cast %reduce_min3A_214 : vector<1024xi32> to vector<1024x1xi32>
    %jit3A_216 = arith.constant 16 : i32
    %div3A_217 = vector.broadcast %jit3A_216 : i32 to vector<1024x1xi32>
    %div3A_218 = arith.divsi %iota3A_2, %div3A_217 : vector<1024x1xi32>
    %sign3A_219 = arith.constant 0 : i32
    %sign3A_220 = vector.broadcast %sign3A_219 : i32 to vector<1024x1xi32>
    %sign3A_221 = arith.cmpi sgt, %iota3A_2, %sign3A_220 : vector<1024x1xi32>
    %sign3A_222 = arith.extui %sign3A_221 : vector<1024x1xi1> to vector<1024x1xi32>
    %sign3A_223 = arith.constant 0 : i32
    %sign3A_224 = vector.broadcast %sign3A_223 : i32 to vector<1024x1xi32>
    %sign3A_225 = arith.cmpi slt, %iota3A_2, %sign3A_224 : vector<1024x1xi32>
    %sign3A_226 = arith.extui %sign3A_225 : vector<1024x1xi1> to vector<1024x1xi32>
    %sign3A_227 = arith.subi %sign3A_222, %sign3A_226 : vector<1024x1xi32>
    %sign3A_228 = arith.constant 0 : i32
    %sign3A_229 = arith.cmpi sgt, %jit3A_216, %sign3A_228 : i32
    %sign3A_230 = arith.extui %sign3A_229 : i1 to i32
    %sign3A_231 = arith.constant 0 : i32
    %sign3A_232 = arith.cmpi slt, %jit3A_216, %sign3A_231 : i32
    %sign3A_233 = arith.extui %sign3A_232 : i1 to i32
    %sign3A_234 = arith.subi %sign3A_230, %sign3A_233 : i32
    %ne3A_235 = vector.broadcast %sign3A_234 : i32 to vector<1024x1xi32>
    %ne3A_236 = arith.cmpi ne, %sign3A_227, %ne3A_235 : vector<1024x1xi32>
    %rem3A_237 = vector.broadcast %jit3A_216 : i32 to vector<1024x1xi32>
    %rem3A_238 = arith.remsi %iota3A_2, %rem3A_237 : vector<1024x1xi32>
    %ne3A_239 = arith.constant 0 : i32
    %ne3A_240 = vector.broadcast %ne3A_239 : i32 to vector<1024x1xi32>
    %ne3A_241 = arith.cmpi ne, %rem3A_238, %ne3A_240 : vector<1024x1xi32>
    %and3A_242 = arith.andi %ne3A_236, %ne3A_241 : vector<1024x1xi1>
    %sub3A_243 = arith.constant 1 : i32
    %sub3A_244 = vector.broadcast %sub3A_243 : i32 to vector<1024x1xi32>
    %sub3A_245 = arith.subi %div3A_218, %sub3A_244 : vector<1024x1xi32>
    %select_n3A_246 = arith.select %and3A_242, %sub3A_245, %div3A_218 : vector<1024x1xi1>, vector<1024x1xi32>
    %mul3A_247 = arith.constant 6272 : i32
    %mul3A_248 = vector.broadcast %mul3A_247 : i32 to vector<1024x1xi32>
    %mul3A_249 = arith.muli %select_n3A_246, %mul3A_248 : vector<1024x1xi32>
    %mul3A_250 = arith.constant 8 : i32
    %mul3A_251 = vector.broadcast %mul3A_250 : i32 to vector<1024x1xi32>
    %mul3A_252 = arith.muli %broadcast_in_dim3A_215, %mul3A_251 : vector<1024x1xi32>
    %add3A_253 = arith.addi %mul3A_249, %mul3A_252 : vector<1024x1xi32>
    %jit3A_254 = arith.constant 2 : i32
    %div3A_255 = vector.broadcast %jit3A_254 : i32 to vector<1024x1xi32>
    %div3A_256 = arith.divsi %iota3A_2, %div3A_255 : vector<1024x1xi32>
    %sign3A_257 = arith.constant 0 : i32
    %sign3A_258 = vector.broadcast %sign3A_257 : i32 to vector<1024x1xi32>
    %sign3A_259 = arith.cmpi sgt, %iota3A_2, %sign3A_258 : vector<1024x1xi32>
    %sign3A_260 = arith.extui %sign3A_259 : vector<1024x1xi1> to vector<1024x1xi32>
    %sign3A_261 = arith.constant 0 : i32
    %sign3A_262 = vector.broadcast %sign3A_261 : i32 to vector<1024x1xi32>
    %sign3A_263 = arith.cmpi slt, %iota3A_2, %sign3A_262 : vector<1024x1xi32>
    %sign3A_264 = arith.extui %sign3A_263 : vector<1024x1xi1> to vector<1024x1xi32>
    %sign3A_265 = arith.subi %sign3A_260, %sign3A_264 : vector<1024x1xi32>
    %sign3A_266 = arith.constant 0 : i32
    %sign3A_267 = arith.cmpi sgt, %jit3A_254, %sign3A_266 : i32
    %sign3A_268 = arith.extui %sign3A_267 : i1 to i32
    %sign3A_269 = arith.constant 0 : i32
    %sign3A_270 = arith.cmpi slt, %jit3A_254, %sign3A_269 : i32
    %sign3A_271 = arith.extui %sign3A_270 : i1 to i32
    %sign3A_272 = arith.subi %sign3A_268, %sign3A_271 : i32
    %ne3A_273 = vector.broadcast %sign3A_272 : i32 to vector<1024x1xi32>
    %ne3A_274 = arith.cmpi ne, %sign3A_265, %ne3A_273 : vector<1024x1xi32>
    %rem3A_275 = vector.broadcast %jit3A_254 : i32 to vector<1024x1xi32>
    %rem3A_276 = arith.remsi %iota3A_2, %rem3A_275 : vector<1024x1xi32>
    %ne3A_277 = arith.constant 0 : i32
    %ne3A_278 = vector.broadcast %ne3A_277 : i32 to vector<1024x1xi32>
    %ne3A_279 = arith.cmpi ne, %rem3A_276, %ne3A_278 : vector<1024x1xi32>
    %and3A_280 = arith.andi %ne3A_274, %ne3A_279 : vector<1024x1xi1>
    %sub3A_281 = arith.constant 1 : i32
    %sub3A_282 = vector.broadcast %sub3A_281 : i32 to vector<1024x1xi32>
    %sub3A_283 = arith.subi %div3A_256, %sub3A_282 : vector<1024x1xi32>
    %select_n3A_284 = arith.select %and3A_280, %sub3A_283, %div3A_256 : vector<1024x1xi1>, vector<1024x1xi32>
    %jit3A_285 = arith.constant 8 : i32
    %eq3A_286 = arith.constant 0 : i32
    %eq3A_287 = arith.cmpi eq, %jit3A_285, %eq3A_286 : i32
    %jit3A_288 = arith.constant 1 : i32
    %select_n3A_289 = arith.select %eq3A_287, %jit3A_288, %jit3A_285 : i32
    %rem3A_290 = vector.broadcast %select_n3A_289 : i32 to vector<1024x1xi32>
    %rem3A_291 = arith.remsi %select_n3A_284, %rem3A_290 : vector<1024x1xi32>
    %ne3A_292 = arith.constant 0 : i32
    %ne3A_293 = vector.broadcast %ne3A_292 : i32 to vector<1024x1xi32>
    %ne3A_294 = arith.cmpi ne, %rem3A_291, %ne3A_293 : vector<1024x1xi32>
    %lt3A_295 = arith.constant 0 : i32
    %lt3A_296 = vector.broadcast %lt3A_295 : i32 to vector<1024x1xi32>
    %lt3A_297 = arith.cmpi slt, %rem3A_291, %lt3A_296 : vector<1024x1xi32>
    %lt3A_298 = arith.constant 0 : i32
    %lt3A_299 = arith.cmpi slt, %select_n3A_289, %lt3A_298 : i32
    %ne3A_300 = vector.broadcast %lt3A_299 : i1 to vector<1024x1xi1>
    %ne3A_301 = vector.broadcast %ne3A_300 : vector<1024x1xi1> to vector<1024x1xi1>
    %ne3A_302 = arith.xori %lt3A_297, %ne3A_301 : vector<1024x1xi1>
    %and3A_303 = arith.andi %ne3A_302, %ne3A_294 : vector<1024x1xi1>
    %add3A_304 = vector.broadcast %select_n3A_289 : i32 to vector<1024x1xi32>
    %add3A_305 = arith.addi %rem3A_291, %add3A_304 : vector<1024x1xi32>
    %select_n3A_306 = arith.select %and3A_303, %add3A_305, %rem3A_291 : vector<1024x1xi1>, vector<1024x1xi32>
    %add3A_307 = arith.addi %add3A_253, %select_n3A_306 : vector<1024x1xi32>
    %eq3A_308 = vector.broadcast %broadcast_in_dim3A_215 : vector<1024x1xi32> to vector<1024x784xi32>
    %eq3A_309 = arith.cmpi eq, %iota3A, %eq3A_308 : vector<1024x784xi32>
    %jit3A_310 = arith.constant 3.000000e+38 : f32
    %broadcast_in_dim3A_311 = vector.broadcast %jit3A_310 : f32 to vector<1024x784xf32>
    %select_n3A_312 = arith.select %eq3A_309, %broadcast_in_dim3A_311, %select_n3A_204 : vector<1024x784xi1>, vector<1024x784xf32>
    %reduce_min3A_313 = arith.constant dense<0x7F800000> : vector<1024xf32>
    %reduce_min3A_314 = vector.multi_reduction <minimumf>, %select_n3A_312, %reduce_min3A_313 [1] : vector<1024x784xf32> to vector<1024xf32>
    %broadcast_in_dim3A_315 = vector.shape_cast %reduce_min3A_314 : vector<1024xf32> to vector<1024x1xf32>
    %eq3A_316 = vector.broadcast %broadcast_in_dim3A_315 : vector<1024x1xf32> to vector<1024x784xf32>
    %eq3A_317 = arith.cmpf oeq, %select_n3A_312, %eq3A_316 : vector<1024x784xf32>
    %jit3A_318 = arith.constant 1073741824 : i32
    %broadcast_in_dim3A_319 = vector.broadcast %jit3A_318 : i32 to vector<1024x784xi32>
    %select_n3A_320 = arith.select %eq3A_317, %iota3A, %broadcast_in_dim3A_319 : vector<1024x784xi1>, vector<1024x784xi32>
    %reduce_min3A_321 = arith.constant dense<2147483647> : vector<1024xi32>
    %reduce_min3A_322 = vector.multi_reduction <minsi>, %select_n3A_320, %reduce_min3A_321 [1] : vector<1024x784xi32> to vector<1024xi32>
    %broadcast_in_dim3A_323 = vector.shape_cast %reduce_min3A_322 : vector<1024xi32> to vector<1024x1xi32>
    %jit3A_324 = arith.constant 16 : i32
    %div3A_325 = vector.broadcast %jit3A_324 : i32 to vector<1024x1xi32>
    %div3A_326 = arith.divsi %iota3A_2, %div3A_325 : vector<1024x1xi32>
    %sign3A_327 = arith.constant 0 : i32
    %sign3A_328 = vector.broadcast %sign3A_327 : i32 to vector<1024x1xi32>
    %sign3A_329 = arith.cmpi sgt, %iota3A_2, %sign3A_328 : vector<1024x1xi32>
    %sign3A_330 = arith.extui %sign3A_329 : vector<1024x1xi1> to vector<1024x1xi32>
    %sign3A_331 = arith.constant 0 : i32
    %sign3A_332 = vector.broadcast %sign3A_331 : i32 to vector<1024x1xi32>
    %sign3A_333 = arith.cmpi slt, %iota3A_2, %sign3A_332 : vector<1024x1xi32>
    %sign3A_334 = arith.extui %sign3A_333 : vector<1024x1xi1> to vector<1024x1xi32>
    %sign3A_335 = arith.subi %sign3A_330, %sign3A_334 : vector<1024x1xi32>
    %sign3A_336 = arith.constant 0 : i32
    %sign3A_337 = arith.cmpi sgt, %jit3A_324, %sign3A_336 : i32
    %sign3A_338 = arith.extui %sign3A_337 : i1 to i32
    %sign3A_339 = arith.constant 0 : i32
    %sign3A_340 = arith.cmpi slt, %jit3A_324, %sign3A_339 : i32
    %sign3A_341 = arith.extui %sign3A_340 : i1 to i32
    %sign3A_342 = arith.subi %sign3A_338, %sign3A_341 : i32
    %ne3A_343 = vector.broadcast %sign3A_342 : i32 to vector<1024x1xi32>
    %ne3A_344 = arith.cmpi ne, %sign3A_335, %ne3A_343 : vector<1024x1xi32>
    %rem3A_345 = vector.broadcast %jit3A_324 : i32 to vector<1024x1xi32>
    %rem3A_346 = arith.remsi %iota3A_2, %rem3A_345 : vector<1024x1xi32>
    %ne3A_347 = arith.constant 0 : i32
    %ne3A_348 = vector.broadcast %ne3A_347 : i32 to vector<1024x1xi32>
    %ne3A_349 = arith.cmpi ne, %rem3A_346, %ne3A_348 : vector<1024x1xi32>
    %and3A_350 = arith.andi %ne3A_344, %ne3A_349 : vector<1024x1xi1>
    %sub3A_351 = arith.constant 1 : i32
    %sub3A_352 = vector.broadcast %sub3A_351 : i32 to vector<1024x1xi32>
    %sub3A_353 = arith.subi %div3A_326, %sub3A_352 : vector<1024x1xi32>
    %select_n3A_354 = arith.select %and3A_350, %sub3A_353, %div3A_326 : vector<1024x1xi1>, vector<1024x1xi32>
    %mul3A_355 = arith.constant 6272 : i32
    %mul3A_356 = vector.broadcast %mul3A_355 : i32 to vector<1024x1xi32>
    %mul3A_357 = arith.muli %select_n3A_354, %mul3A_356 : vector<1024x1xi32>
    %mul3A_358 = arith.constant 8 : i32
    %mul3A_359 = vector.broadcast %mul3A_358 : i32 to vector<1024x1xi32>
    %mul3A_360 = arith.muli %broadcast_in_dim3A_323, %mul3A_359 : vector<1024x1xi32>
    %add3A_361 = arith.addi %mul3A_357, %mul3A_360 : vector<1024x1xi32>
    %jit3A_362 = arith.constant 2 : i32
    %div3A_363 = vector.broadcast %jit3A_362 : i32 to vector<1024x1xi32>
    %div3A_364 = arith.divsi %iota3A_2, %div3A_363 : vector<1024x1xi32>
    %sign3A_365 = arith.constant 0 : i32
    %sign3A_366 = vector.broadcast %sign3A_365 : i32 to vector<1024x1xi32>
    %sign3A_367 = arith.cmpi sgt, %iota3A_2, %sign3A_366 : vector<1024x1xi32>
    %sign3A_368 = arith.extui %sign3A_367 : vector<1024x1xi1> to vector<1024x1xi32>
    %sign3A_369 = arith.constant 0 : i32
    %sign3A_370 = vector.broadcast %sign3A_369 : i32 to vector<1024x1xi32>
    %sign3A_371 = arith.cmpi slt, %iota3A_2, %sign3A_370 : vector<1024x1xi32>
    %sign3A_372 = arith.extui %sign3A_371 : vector<1024x1xi1> to vector<1024x1xi32>
    %sign3A_373 = arith.subi %sign3A_368, %sign3A_372 : vector<1024x1xi32>
    %sign3A_374 = arith.constant 0 : i32
    %sign3A_375 = arith.cmpi sgt, %jit3A_362, %sign3A_374 : i32
    %sign3A_376 = arith.extui %sign3A_375 : i1 to i32
    %sign3A_377 = arith.constant 0 : i32
    %sign3A_378 = arith.cmpi slt, %jit3A_362, %sign3A_377 : i32
    %sign3A_379 = arith.extui %sign3A_378 : i1 to i32
    %sign3A_380 = arith.subi %sign3A_376, %sign3A_379 : i32
    %ne3A_381 = vector.broadcast %sign3A_380 : i32 to vector<1024x1xi32>
    %ne3A_382 = arith.cmpi ne, %sign3A_373, %ne3A_381 : vector<1024x1xi32>
    %rem3A_383 = vector.broadcast %jit3A_362 : i32 to vector<1024x1xi32>
    %rem3A_384 = arith.remsi %iota3A_2, %rem3A_383 : vector<1024x1xi32>
    %ne3A_385 = arith.constant 0 : i32
    %ne3A_386 = vector.broadcast %ne3A_385 : i32 to vector<1024x1xi32>
    %ne3A_387 = arith.cmpi ne, %rem3A_384, %ne3A_386 : vector<1024x1xi32>
    %and3A_388 = arith.andi %ne3A_382, %ne3A_387 : vector<1024x1xi1>
    %sub3A_389 = arith.constant 1 : i32
    %sub3A_390 = vector.broadcast %sub3A_389 : i32 to vector<1024x1xi32>
    %sub3A_391 = arith.subi %div3A_364, %sub3A_390 : vector<1024x1xi32>
    %select_n3A_392 = arith.select %and3A_388, %sub3A_391, %div3A_364 : vector<1024x1xi1>, vector<1024x1xi32>
    %jit3A_393 = arith.constant 8 : i32
    %eq3A_394 = arith.constant 0 : i32
    %eq3A_395 = arith.cmpi eq, %jit3A_393, %eq3A_394 : i32
    %jit3A_396 = arith.constant 1 : i32
    %select_n3A_397 = arith.select %eq3A_395, %jit3A_396, %jit3A_393 : i32
    %rem3A_398 = vector.broadcast %select_n3A_397 : i32 to vector<1024x1xi32>
    %rem3A_399 = arith.remsi %select_n3A_392, %rem3A_398 : vector<1024x1xi32>
    %ne3A_400 = arith.constant 0 : i32
    %ne3A_401 = vector.broadcast %ne3A_400 : i32 to vector<1024x1xi32>
    %ne3A_402 = arith.cmpi ne, %rem3A_399, %ne3A_401 : vector<1024x1xi32>
    %lt3A_403 = arith.constant 0 : i32
    %lt3A_404 = vector.broadcast %lt3A_403 : i32 to vector<1024x1xi32>
    %lt3A_405 = arith.cmpi slt, %rem3A_399, %lt3A_404 : vector<1024x1xi32>
    %lt3A_406 = arith.constant 0 : i32
    %lt3A_407 = arith.cmpi slt, %select_n3A_397, %lt3A_406 : i32
    %ne3A_408 = vector.broadcast %lt3A_407 : i1 to vector<1024x1xi1>
    %ne3A_409 = vector.broadcast %ne3A_408 : vector<1024x1xi1> to vector<1024x1xi1>
    %ne3A_410 = arith.xori %lt3A_405, %ne3A_409 : vector<1024x1xi1>
    %and3A_411 = arith.andi %ne3A_410, %ne3A_402 : vector<1024x1xi1>
    %add3A_412 = vector.broadcast %select_n3A_397 : i32 to vector<1024x1xi32>
    %add3A_413 = arith.addi %rem3A_399, %add3A_412 : vector<1024x1xi32>
    %select_n3A_414 = arith.select %and3A_411, %add3A_413, %rem3A_399 : vector<1024x1xi1>, vector<1024x1xi32>
    %add3A_415 = arith.addi %add3A_361, %select_n3A_414 : vector<1024x1xi32>
    %eq3A_416 = vector.broadcast %broadcast_in_dim3A_323 : vector<1024x1xi32> to vector<1024x784xi32>
    %eq3A_417 = arith.cmpi eq, %iota3A, %eq3A_416 : vector<1024x784xi32>
    %jit3A_418 = arith.constant 3.000000e+38 : f32
    %broadcast_in_dim3A_419 = vector.broadcast %jit3A_418 : f32 to vector<1024x784xf32>
    %select_n3A_420 = arith.select %eq3A_417, %broadcast_in_dim3A_419, %select_n3A_312 : vector<1024x784xi1>, vector<1024x784xf32>
    %reduce_min3A_421 = arith.constant dense<0x7F800000> : vector<1024xf32>
    %reduce_min3A_422 = vector.multi_reduction <minimumf>, %select_n3A_420, %reduce_min3A_421 [1] : vector<1024x784xf32> to vector<1024xf32>
    %broadcast_in_dim3A_423 = vector.shape_cast %reduce_min3A_422 : vector<1024xf32> to vector<1024x1xf32>
    %eq3A_424 = vector.broadcast %broadcast_in_dim3A_423 : vector<1024x1xf32> to vector<1024x784xf32>
    %eq3A_425 = arith.cmpf oeq, %select_n3A_420, %eq3A_424 : vector<1024x784xf32>
    %jit3A_426 = arith.constant 1073741824 : i32
    %broadcast_in_dim3A_427 = vector.broadcast %jit3A_426 : i32 to vector<1024x784xi32>
    %select_n3A_428 = arith.select %eq3A_425, %iota3A, %broadcast_in_dim3A_427 : vector<1024x784xi1>, vector<1024x784xi32>
    %reduce_min3A_429 = arith.constant dense<2147483647> : vector<1024xi32>
    %reduce_min3A_430 = vector.multi_reduction <minsi>, %select_n3A_428, %reduce_min3A_429 [1] : vector<1024x784xi32> to vector<1024xi32>
    %broadcast_in_dim3A_431 = vector.shape_cast %reduce_min3A_430 : vector<1024xi32> to vector<1024x1xi32>
    %jit3A_432 = arith.constant 16 : i32
    %div3A_433 = vector.broadcast %jit3A_432 : i32 to vector<1024x1xi32>
    %div3A_434 = arith.divsi %iota3A_2, %div3A_433 : vector<1024x1xi32>
    %sign3A_435 = arith.constant 0 : i32
    %sign3A_436 = vector.broadcast %sign3A_435 : i32 to vector<1024x1xi32>
    %sign3A_437 = arith.cmpi sgt, %iota3A_2, %sign3A_436 : vector<1024x1xi32>
    %sign3A_438 = arith.extui %sign3A_437 : vector<1024x1xi1> to vector<1024x1xi32>
    %sign3A_439 = arith.constant 0 : i32
    %sign3A_440 = vector.broadcast %sign3A_439 : i32 to vector<1024x1xi32>
    %sign3A_441 = arith.cmpi slt, %iota3A_2, %sign3A_440 : vector<1024x1xi32>
    %sign3A_442 = arith.extui %sign3A_441 : vector<1024x1xi1> to vector<1024x1xi32>
    %sign3A_443 = arith.subi %sign3A_438, %sign3A_442 : vector<1024x1xi32>
    %sign3A_444 = arith.constant 0 : i32
    %sign3A_445 = arith.cmpi sgt, %jit3A_432, %sign3A_444 : i32
    %sign3A_446 = arith.extui %sign3A_445 : i1 to i32
    %sign3A_447 = arith.constant 0 : i32
    %sign3A_448 = arith.cmpi slt, %jit3A_432, %sign3A_447 : i32
    %sign3A_449 = arith.extui %sign3A_448 : i1 to i32
    %sign3A_450 = arith.subi %sign3A_446, %sign3A_449 : i32
    %ne3A_451 = vector.broadcast %sign3A_450 : i32 to vector<1024x1xi32>
    %ne3A_452 = arith.cmpi ne, %sign3A_443, %ne3A_451 : vector<1024x1xi32>
    %rem3A_453 = vector.broadcast %jit3A_432 : i32 to vector<1024x1xi32>
    %rem3A_454 = arith.remsi %iota3A_2, %rem3A_453 : vector<1024x1xi32>
    %ne3A_455 = arith.constant 0 : i32
    %ne3A_456 = vector.broadcast %ne3A_455 : i32 to vector<1024x1xi32>
    %ne3A_457 = arith.cmpi ne, %rem3A_454, %ne3A_456 : vector<1024x1xi32>
    %and3A_458 = arith.andi %ne3A_452, %ne3A_457 : vector<1024x1xi1>
    %sub3A_459 = arith.constant 1 : i32
    %sub3A_460 = vector.broadcast %sub3A_459 : i32 to vector<1024x1xi32>
    %sub3A_461 = arith.subi %div3A_434, %sub3A_460 : vector<1024x1xi32>
    %select_n3A_462 = arith.select %and3A_458, %sub3A_461, %div3A_434 : vector<1024x1xi1>, vector<1024x1xi32>
    %mul3A_463 = arith.constant 6272 : i32
    %mul3A_464 = vector.broadcast %mul3A_463 : i32 to vector<1024x1xi32>
    %mul3A_465 = arith.muli %select_n3A_462, %mul3A_464 : vector<1024x1xi32>
    %mul3A_466 = arith.constant 8 : i32
    %mul3A_467 = vector.broadcast %mul3A_466 : i32 to vector<1024x1xi32>
    %mul3A_468 = arith.muli %broadcast_in_dim3A_431, %mul3A_467 : vector<1024x1xi32>
    %add3A_469 = arith.addi %mul3A_465, %mul3A_468 : vector<1024x1xi32>
    %jit3A_470 = arith.constant 2 : i32
    %div3A_471 = vector.broadcast %jit3A_470 : i32 to vector<1024x1xi32>
    %div3A_472 = arith.divsi %iota3A_2, %div3A_471 : vector<1024x1xi32>
    %sign3A_473 = arith.constant 0 : i32
    %sign3A_474 = vector.broadcast %sign3A_473 : i32 to vector<1024x1xi32>
    %sign3A_475 = arith.cmpi sgt, %iota3A_2, %sign3A_474 : vector<1024x1xi32>
    %sign3A_476 = arith.extui %sign3A_475 : vector<1024x1xi1> to vector<1024x1xi32>
    %sign3A_477 = arith.constant 0 : i32
    %sign3A_478 = vector.broadcast %sign3A_477 : i32 to vector<1024x1xi32>
    %sign3A_479 = arith.cmpi slt, %iota3A_2, %sign3A_478 : vector<1024x1xi32>
    %sign3A_480 = arith.extui %sign3A_479 : vector<1024x1xi1> to vector<1024x1xi32>
    %sign3A_481 = arith.subi %sign3A_476, %sign3A_480 : vector<1024x1xi32>
    %sign3A_482 = arith.constant 0 : i32
    %sign3A_483 = arith.cmpi sgt, %jit3A_470, %sign3A_482 : i32
    %sign3A_484 = arith.extui %sign3A_483 : i1 to i32
    %sign3A_485 = arith.constant 0 : i32
    %sign3A_486 = arith.cmpi slt, %jit3A_470, %sign3A_485 : i32
    %sign3A_487 = arith.extui %sign3A_486 : i1 to i32
    %sign3A_488 = arith.subi %sign3A_484, %sign3A_487 : i32
    %ne3A_489 = vector.broadcast %sign3A_488 : i32 to vector<1024x1xi32>
    %ne3A_490 = arith.cmpi ne, %sign3A_481, %ne3A_489 : vector<1024x1xi32>
    %rem3A_491 = vector.broadcast %jit3A_470 : i32 to vector<1024x1xi32>
    %rem3A_492 = arith.remsi %iota3A_2, %rem3A_491 : vector<1024x1xi32>
    %ne3A_493 = arith.constant 0 : i32
    %ne3A_494 = vector.broadcast %ne3A_493 : i32 to vector<1024x1xi32>
    %ne3A_495 = arith.cmpi ne, %rem3A_492, %ne3A_494 : vector<1024x1xi32>
    %and3A_496 = arith.andi %ne3A_490, %ne3A_495 : vector<1024x1xi1>
    %sub3A_497 = arith.constant 1 : i32
    %sub3A_498 = vector.broadcast %sub3A_497 : i32 to vector<1024x1xi32>
    %sub3A_499 = arith.subi %div3A_472, %sub3A_498 : vector<1024x1xi32>
    %select_n3A_500 = arith.select %and3A_496, %sub3A_499, %div3A_472 : vector<1024x1xi1>, vector<1024x1xi32>
    %jit3A_501 = arith.constant 8 : i32
    %eq3A_502 = arith.constant 0 : i32
    %eq3A_503 = arith.cmpi eq, %jit3A_501, %eq3A_502 : i32
    %jit3A_504 = arith.constant 1 : i32
    %select_n3A_505 = arith.select %eq3A_503, %jit3A_504, %jit3A_501 : i32
    %rem3A_506 = vector.broadcast %select_n3A_505 : i32 to vector<1024x1xi32>
    %rem3A_507 = arith.remsi %select_n3A_500, %rem3A_506 : vector<1024x1xi32>
    %ne3A_508 = arith.constant 0 : i32
    %ne3A_509 = vector.broadcast %ne3A_508 : i32 to vector<1024x1xi32>
    %ne3A_510 = arith.cmpi ne, %rem3A_507, %ne3A_509 : vector<1024x1xi32>
    %lt3A_511 = arith.constant 0 : i32
    %lt3A_512 = vector.broadcast %lt3A_511 : i32 to vector<1024x1xi32>
    %lt3A_513 = arith.cmpi slt, %rem3A_507, %lt3A_512 : vector<1024x1xi32>
    %lt3A_514 = arith.constant 0 : i32
    %lt3A_515 = arith.cmpi slt, %select_n3A_505, %lt3A_514 : i32
    %ne3A_516 = vector.broadcast %lt3A_515 : i1 to vector<1024x1xi1>
    %ne3A_517 = vector.broadcast %ne3A_516 : vector<1024x1xi1> to vector<1024x1xi1>
    %ne3A_518 = arith.xori %lt3A_513, %ne3A_517 : vector<1024x1xi1>
    %and3A_519 = arith.andi %ne3A_518, %ne3A_510 : vector<1024x1xi1>
    %add3A_520 = vector.broadcast %select_n3A_505 : i32 to vector<1024x1xi32>
    %add3A_521 = arith.addi %rem3A_507, %add3A_520 : vector<1024x1xi32>
    %select_n3A_522 = arith.select %and3A_519, %add3A_521, %rem3A_507 : vector<1024x1xi1>, vector<1024x1xi32>
    %add3A_523 = arith.addi %add3A_469, %select_n3A_522 : vector<1024x1xi32>
    %eq3A_524 = vector.broadcast %broadcast_in_dim3A_431 : vector<1024x1xi32> to vector<1024x784xi32>
    %eq3A_525 = arith.cmpi eq, %iota3A, %eq3A_524 : vector<1024x784xi32>
    %jit3A_526 = arith.constant 3.000000e+38 : f32
    %broadcast_in_dim3A_527 = vector.broadcast %jit3A_526 : f32 to vector<1024x784xf32>
    %select_n3A_528 = arith.select %eq3A_525, %broadcast_in_dim3A_527, %select_n3A_420 : vector<1024x784xi1>, vector<1024x784xf32>
    %reduce_min3A_529 = arith.constant dense<0x7F800000> : vector<1024xf32>
    %reduce_min3A_530 = vector.multi_reduction <minimumf>, %select_n3A_528, %reduce_min3A_529 [1] : vector<1024x784xf32> to vector<1024xf32>
    %broadcast_in_dim3A_531 = vector.shape_cast %reduce_min3A_530 : vector<1024xf32> to vector<1024x1xf32>
    %eq3A_532 = vector.broadcast %broadcast_in_dim3A_531 : vector<1024x1xf32> to vector<1024x784xf32>
    %eq3A_533 = arith.cmpf oeq, %select_n3A_528, %eq3A_532 : vector<1024x784xf32>
    %jit3A_534 = arith.constant 1073741824 : i32
    %broadcast_in_dim3A_535 = vector.broadcast %jit3A_534 : i32 to vector<1024x784xi32>
    %select_n3A_536 = arith.select %eq3A_533, %iota3A, %broadcast_in_dim3A_535 : vector<1024x784xi1>, vector<1024x784xi32>
    %reduce_min3A_537 = arith.constant dense<2147483647> : vector<1024xi32>
    %reduce_min3A_538 = vector.multi_reduction <minsi>, %select_n3A_536, %reduce_min3A_537 [1] : vector<1024x784xi32> to vector<1024xi32>
    %broadcast_in_dim3A_539 = vector.shape_cast %reduce_min3A_538 : vector<1024xi32> to vector<1024x1xi32>
    %jit3A_540 = arith.constant 16 : i32
    %div3A_541 = vector.broadcast %jit3A_540 : i32 to vector<1024x1xi32>
    %div3A_542 = arith.divsi %iota3A_2, %div3A_541 : vector<1024x1xi32>
    %sign3A_543 = arith.constant 0 : i32
    %sign3A_544 = vector.broadcast %sign3A_543 : i32 to vector<1024x1xi32>
    %sign3A_545 = arith.cmpi sgt, %iota3A_2, %sign3A_544 : vector<1024x1xi32>
    %sign3A_546 = arith.extui %sign3A_545 : vector<1024x1xi1> to vector<1024x1xi32>
    %sign3A_547 = arith.constant 0 : i32
    %sign3A_548 = vector.broadcast %sign3A_547 : i32 to vector<1024x1xi32>
    %sign3A_549 = arith.cmpi slt, %iota3A_2, %sign3A_548 : vector<1024x1xi32>
    %sign3A_550 = arith.extui %sign3A_549 : vector<1024x1xi1> to vector<1024x1xi32>
    %sign3A_551 = arith.subi %sign3A_546, %sign3A_550 : vector<1024x1xi32>
    %sign3A_552 = arith.constant 0 : i32
    %sign3A_553 = arith.cmpi sgt, %jit3A_540, %sign3A_552 : i32
    %sign3A_554 = arith.extui %sign3A_553 : i1 to i32
    %sign3A_555 = arith.constant 0 : i32
    %sign3A_556 = arith.cmpi slt, %jit3A_540, %sign3A_555 : i32
    %sign3A_557 = arith.extui %sign3A_556 : i1 to i32
    %sign3A_558 = arith.subi %sign3A_554, %sign3A_557 : i32
    %ne3A_559 = vector.broadcast %sign3A_558 : i32 to vector<1024x1xi32>
    %ne3A_560 = arith.cmpi ne, %sign3A_551, %ne3A_559 : vector<1024x1xi32>
    %rem3A_561 = vector.broadcast %jit3A_540 : i32 to vector<1024x1xi32>
    %rem3A_562 = arith.remsi %iota3A_2, %rem3A_561 : vector<1024x1xi32>
    %ne3A_563 = arith.constant 0 : i32
    %ne3A_564 = vector.broadcast %ne3A_563 : i32 to vector<1024x1xi32>
    %ne3A_565 = arith.cmpi ne, %rem3A_562, %ne3A_564 : vector<1024x1xi32>
    %and3A_566 = arith.andi %ne3A_560, %ne3A_565 : vector<1024x1xi1>
    %sub3A_567 = arith.constant 1 : i32
    %sub3A_568 = vector.broadcast %sub3A_567 : i32 to vector<1024x1xi32>
    %sub3A_569 = arith.subi %div3A_542, %sub3A_568 : vector<1024x1xi32>
    %select_n3A_570 = arith.select %and3A_566, %sub3A_569, %div3A_542 : vector<1024x1xi1>, vector<1024x1xi32>
    %mul3A_571 = arith.constant 6272 : i32
    %mul3A_572 = vector.broadcast %mul3A_571 : i32 to vector<1024x1xi32>
    %mul3A_573 = arith.muli %select_n3A_570, %mul3A_572 : vector<1024x1xi32>
    %mul3A_574 = arith.constant 8 : i32
    %mul3A_575 = vector.broadcast %mul3A_574 : i32 to vector<1024x1xi32>
    %mul3A_576 = arith.muli %broadcast_in_dim3A_539, %mul3A_575 : vector<1024x1xi32>
    %add3A_577 = arith.addi %mul3A_573, %mul3A_576 : vector<1024x1xi32>
    %jit3A_578 = arith.constant 2 : i32
    %div3A_579 = vector.broadcast %jit3A_578 : i32 to vector<1024x1xi32>
    %div3A_580 = arith.divsi %iota3A_2, %div3A_579 : vector<1024x1xi32>
    %sign3A_581 = arith.constant 0 : i32
    %sign3A_582 = vector.broadcast %sign3A_581 : i32 to vector<1024x1xi32>
    %sign3A_583 = arith.cmpi sgt, %iota3A_2, %sign3A_582 : vector<1024x1xi32>
    %sign3A_584 = arith.extui %sign3A_583 : vector<1024x1xi1> to vector<1024x1xi32>
    %sign3A_585 = arith.constant 0 : i32
    %sign3A_586 = vector.broadcast %sign3A_585 : i32 to vector<1024x1xi32>
    %sign3A_587 = arith.cmpi slt, %iota3A_2, %sign3A_586 : vector<1024x1xi32>
    %sign3A_588 = arith.extui %sign3A_587 : vector<1024x1xi1> to vector<1024x1xi32>
    %sign3A_589 = arith.subi %sign3A_584, %sign3A_588 : vector<1024x1xi32>
    %sign3A_590 = arith.constant 0 : i32
    %sign3A_591 = arith.cmpi sgt, %jit3A_578, %sign3A_590 : i32
    %sign3A_592 = arith.extui %sign3A_591 : i1 to i32
    %sign3A_593 = arith.constant 0 : i32
    %sign3A_594 = arith.cmpi slt, %jit3A_578, %sign3A_593 : i32
    %sign3A_595 = arith.extui %sign3A_594 : i1 to i32
    %sign3A_596 = arith.subi %sign3A_592, %sign3A_595 : i32
    %ne3A_597 = vector.broadcast %sign3A_596 : i32 to vector<1024x1xi32>
    %ne3A_598 = arith.cmpi ne, %sign3A_589, %ne3A_597 : vector<1024x1xi32>
    %rem3A_599 = vector.broadcast %jit3A_578 : i32 to vector<1024x1xi32>
    %rem3A_600 = arith.remsi %iota3A_2, %rem3A_599 : vector<1024x1xi32>
    %ne3A_601 = arith.constant 0 : i32
    %ne3A_602 = vector.broadcast %ne3A_601 : i32 to vector<1024x1xi32>
    %ne3A_603 = arith.cmpi ne, %rem3A_600, %ne3A_602 : vector<1024x1xi32>
    %and3A_604 = arith.andi %ne3A_598, %ne3A_603 : vector<1024x1xi1>
    %sub3A_605 = arith.constant 1 : i32
    %sub3A_606 = vector.broadcast %sub3A_605 : i32 to vector<1024x1xi32>
    %sub3A_607 = arith.subi %div3A_580, %sub3A_606 : vector<1024x1xi32>
    %select_n3A_608 = arith.select %and3A_604, %sub3A_607, %div3A_580 : vector<1024x1xi1>, vector<1024x1xi32>
    %jit3A_609 = arith.constant 8 : i32
    %eq3A_610 = arith.constant 0 : i32
    %eq3A_611 = arith.cmpi eq, %jit3A_609, %eq3A_610 : i32
    %jit3A_612 = arith.constant 1 : i32
    %select_n3A_613 = arith.select %eq3A_611, %jit3A_612, %jit3A_609 : i32
    %rem3A_614 = vector.broadcast %select_n3A_613 : i32 to vector<1024x1xi32>
    %rem3A_615 = arith.remsi %select_n3A_608, %rem3A_614 : vector<1024x1xi32>
    %ne3A_616 = arith.constant 0 : i32
    %ne3A_617 = vector.broadcast %ne3A_616 : i32 to vector<1024x1xi32>
    %ne3A_618 = arith.cmpi ne, %rem3A_615, %ne3A_617 : vector<1024x1xi32>
    %lt3A_619 = arith.constant 0 : i32
    %lt3A_620 = vector.broadcast %lt3A_619 : i32 to vector<1024x1xi32>
    %lt3A_621 = arith.cmpi slt, %rem3A_615, %lt3A_620 : vector<1024x1xi32>
    %lt3A_622 = arith.constant 0 : i32
    %lt3A_623 = arith.cmpi slt, %select_n3A_613, %lt3A_622 : i32
    %ne3A_624 = vector.broadcast %lt3A_623 : i1 to vector<1024x1xi1>
    %ne3A_625 = vector.broadcast %ne3A_624 : vector<1024x1xi1> to vector<1024x1xi1>
    %ne3A_626 = arith.xori %lt3A_621, %ne3A_625 : vector<1024x1xi1>
    %and3A_627 = arith.andi %ne3A_626, %ne3A_618 : vector<1024x1xi1>
    %add3A_628 = vector.broadcast %select_n3A_613 : i32 to vector<1024x1xi32>
    %add3A_629 = arith.addi %rem3A_615, %add3A_628 : vector<1024x1xi32>
    %select_n3A_630 = arith.select %and3A_627, %add3A_629, %rem3A_615 : vector<1024x1xi1>, vector<1024x1xi32>
    %add3A_631 = arith.addi %add3A_577, %select_n3A_630 : vector<1024x1xi32>
    %eq3A_632 = vector.broadcast %broadcast_in_dim3A_539 : vector<1024x1xi32> to vector<1024x784xi32>
    %eq3A_633 = arith.cmpi eq, %iota3A, %eq3A_632 : vector<1024x784xi32>
    %jit3A_634 = arith.constant 3.000000e+38 : f32
    %broadcast_in_dim3A_635 = vector.broadcast %jit3A_634 : f32 to vector<1024x784xf32>
    %select_n3A_636 = arith.select %eq3A_633, %broadcast_in_dim3A_635, %select_n3A_528 : vector<1024x784xi1>, vector<1024x784xf32>
    %reduce_min3A_637 = arith.constant dense<0x7F800000> : vector<1024xf32>
    %reduce_min3A_638 = vector.multi_reduction <minimumf>, %select_n3A_636, %reduce_min3A_637 [1] : vector<1024x784xf32> to vector<1024xf32>
    %broadcast_in_dim3A_639 = vector.shape_cast %reduce_min3A_638 : vector<1024xf32> to vector<1024x1xf32>
    %eq3A_640 = vector.broadcast %broadcast_in_dim3A_639 : vector<1024x1xf32> to vector<1024x784xf32>
    %eq3A_641 = arith.cmpf oeq, %select_n3A_636, %eq3A_640 : vector<1024x784xf32>
    %jit3A_642 = arith.constant 1073741824 : i32
    %broadcast_in_dim3A_643 = vector.broadcast %jit3A_642 : i32 to vector<1024x784xi32>
    %select_n3A_644 = arith.select %eq3A_641, %iota3A, %broadcast_in_dim3A_643 : vector<1024x784xi1>, vector<1024x784xi32>
    %reduce_min3A_645 = arith.constant dense<2147483647> : vector<1024xi32>
    %reduce_min3A_646 = vector.multi_reduction <minsi>, %select_n3A_644, %reduce_min3A_645 [1] : vector<1024x784xi32> to vector<1024xi32>
    %broadcast_in_dim3A_647 = vector.shape_cast %reduce_min3A_646 : vector<1024xi32> to vector<1024x1xi32>
    %jit3A_648 = arith.constant 16 : i32
    %div3A_649 = vector.broadcast %jit3A_648 : i32 to vector<1024x1xi32>
    %div3A_650 = arith.divsi %iota3A_2, %div3A_649 : vector<1024x1xi32>
    %sign3A_651 = arith.constant 0 : i32
    %sign3A_652 = vector.broadcast %sign3A_651 : i32 to vector<1024x1xi32>
    %sign3A_653 = arith.cmpi sgt, %iota3A_2, %sign3A_652 : vector<1024x1xi32>
    %sign3A_654 = arith.extui %sign3A_653 : vector<1024x1xi1> to vector<1024x1xi32>
    %sign3A_655 = arith.constant 0 : i32
    %sign3A_656 = vector.broadcast %sign3A_655 : i32 to vector<1024x1xi32>
    %sign3A_657 = arith.cmpi slt, %iota3A_2, %sign3A_656 : vector<1024x1xi32>
    %sign3A_658 = arith.extui %sign3A_657 : vector<1024x1xi1> to vector<1024x1xi32>
    %sign3A_659 = arith.subi %sign3A_654, %sign3A_658 : vector<1024x1xi32>
    %sign3A_660 = arith.constant 0 : i32
    %sign3A_661 = arith.cmpi sgt, %jit3A_648, %sign3A_660 : i32
    %sign3A_662 = arith.extui %sign3A_661 : i1 to i32
    %sign3A_663 = arith.constant 0 : i32
    %sign3A_664 = arith.cmpi slt, %jit3A_648, %sign3A_663 : i32
    %sign3A_665 = arith.extui %sign3A_664 : i1 to i32
    %sign3A_666 = arith.subi %sign3A_662, %sign3A_665 : i32
    %ne3A_667 = vector.broadcast %sign3A_666 : i32 to vector<1024x1xi32>
    %ne3A_668 = arith.cmpi ne, %sign3A_659, %ne3A_667 : vector<1024x1xi32>
    %rem3A_669 = vector.broadcast %jit3A_648 : i32 to vector<1024x1xi32>
    %rem3A_670 = arith.remsi %iota3A_2, %rem3A_669 : vector<1024x1xi32>
    %ne3A_671 = arith.constant 0 : i32
    %ne3A_672 = vector.broadcast %ne3A_671 : i32 to vector<1024x1xi32>
    %ne3A_673 = arith.cmpi ne, %rem3A_670, %ne3A_672 : vector<1024x1xi32>
    %and3A_674 = arith.andi %ne3A_668, %ne3A_673 : vector<1024x1xi1>
    %sub3A_675 = arith.constant 1 : i32
    %sub3A_676 = vector.broadcast %sub3A_675 : i32 to vector<1024x1xi32>
    %sub3A_677 = arith.subi %div3A_650, %sub3A_676 : vector<1024x1xi32>
    %select_n3A_678 = arith.select %and3A_674, %sub3A_677, %div3A_650 : vector<1024x1xi1>, vector<1024x1xi32>
    %mul3A_679 = arith.constant 6272 : i32
    %mul3A_680 = vector.broadcast %mul3A_679 : i32 to vector<1024x1xi32>
    %mul3A_681 = arith.muli %select_n3A_678, %mul3A_680 : vector<1024x1xi32>
    %mul3A_682 = arith.constant 8 : i32
    %mul3A_683 = vector.broadcast %mul3A_682 : i32 to vector<1024x1xi32>
    %mul3A_684 = arith.muli %broadcast_in_dim3A_647, %mul3A_683 : vector<1024x1xi32>
    %add3A_685 = arith.addi %mul3A_681, %mul3A_684 : vector<1024x1xi32>
    %jit3A_686 = arith.constant 2 : i32
    %div3A_687 = vector.broadcast %jit3A_686 : i32 to vector<1024x1xi32>
    %div3A_688 = arith.divsi %iota3A_2, %div3A_687 : vector<1024x1xi32>
    %sign3A_689 = arith.constant 0 : i32
    %sign3A_690 = vector.broadcast %sign3A_689 : i32 to vector<1024x1xi32>
    %sign3A_691 = arith.cmpi sgt, %iota3A_2, %sign3A_690 : vector<1024x1xi32>
    %sign3A_692 = arith.extui %sign3A_691 : vector<1024x1xi1> to vector<1024x1xi32>
    %sign3A_693 = arith.constant 0 : i32
    %sign3A_694 = vector.broadcast %sign3A_693 : i32 to vector<1024x1xi32>
    %sign3A_695 = arith.cmpi slt, %iota3A_2, %sign3A_694 : vector<1024x1xi32>
    %sign3A_696 = arith.extui %sign3A_695 : vector<1024x1xi1> to vector<1024x1xi32>
    %sign3A_697 = arith.subi %sign3A_692, %sign3A_696 : vector<1024x1xi32>
    %sign3A_698 = arith.constant 0 : i32
    %sign3A_699 = arith.cmpi sgt, %jit3A_686, %sign3A_698 : i32
    %sign3A_700 = arith.extui %sign3A_699 : i1 to i32
    %sign3A_701 = arith.constant 0 : i32
    %sign3A_702 = arith.cmpi slt, %jit3A_686, %sign3A_701 : i32
    %sign3A_703 = arith.extui %sign3A_702 : i1 to i32
    %sign3A_704 = arith.subi %sign3A_700, %sign3A_703 : i32
    %ne3A_705 = vector.broadcast %sign3A_704 : i32 to vector<1024x1xi32>
    %ne3A_706 = arith.cmpi ne, %sign3A_697, %ne3A_705 : vector<1024x1xi32>
    %rem3A_707 = vector.broadcast %jit3A_686 : i32 to vector<1024x1xi32>
    %rem3A_708 = arith.remsi %iota3A_2, %rem3A_707 : vector<1024x1xi32>
    %ne3A_709 = arith.constant 0 : i32
    %ne3A_710 = vector.broadcast %ne3A_709 : i32 to vector<1024x1xi32>
    %ne3A_711 = arith.cmpi ne, %rem3A_708, %ne3A_710 : vector<1024x1xi32>
    %and3A_712 = arith.andi %ne3A_706, %ne3A_711 : vector<1024x1xi1>
    %sub3A_713 = arith.constant 1 : i32
    %sub3A_714 = vector.broadcast %sub3A_713 : i32 to vector<1024x1xi32>
    %sub3A_715 = arith.subi %div3A_688, %sub3A_714 : vector<1024x1xi32>
    %select_n3A_716 = arith.select %and3A_712, %sub3A_715, %div3A_688 : vector<1024x1xi1>, vector<1024x1xi32>
    %jit3A_717 = arith.constant 8 : i32
    %eq3A_718 = arith.constant 0 : i32
    %eq3A_719 = arith.cmpi eq, %jit3A_717, %eq3A_718 : i32
    %jit3A_720 = arith.constant 1 : i32
    %select_n3A_721 = arith.select %eq3A_719, %jit3A_720, %jit3A_717 : i32
    %rem3A_722 = vector.broadcast %select_n3A_721 : i32 to vector<1024x1xi32>
    %rem3A_723 = arith.remsi %select_n3A_716, %rem3A_722 : vector<1024x1xi32>
    %ne3A_724 = arith.constant 0 : i32
    %ne3A_725 = vector.broadcast %ne3A_724 : i32 to vector<1024x1xi32>
    %ne3A_726 = arith.cmpi ne, %rem3A_723, %ne3A_725 : vector<1024x1xi32>
    %lt3A_727 = arith.constant 0 : i32
    %lt3A_728 = vector.broadcast %lt3A_727 : i32 to vector<1024x1xi32>
    %lt3A_729 = arith.cmpi slt, %rem3A_723, %lt3A_728 : vector<1024x1xi32>
    %lt3A_730 = arith.constant 0 : i32
    %lt3A_731 = arith.cmpi slt, %select_n3A_721, %lt3A_730 : i32
    %ne3A_732 = vector.broadcast %lt3A_731 : i1 to vector<1024x1xi1>
    %ne3A_733 = vector.broadcast %ne3A_732 : vector<1024x1xi1> to vector<1024x1xi1>
    %ne3A_734 = arith.xori %lt3A_729, %ne3A_733 : vector<1024x1xi1>
    %and3A_735 = arith.andi %ne3A_734, %ne3A_726 : vector<1024x1xi1>
    %add3A_736 = vector.broadcast %select_n3A_721 : i32 to vector<1024x1xi32>
    %add3A_737 = arith.addi %rem3A_723, %add3A_736 : vector<1024x1xi32>
    %select_n3A_738 = arith.select %and3A_735, %add3A_737, %rem3A_723 : vector<1024x1xi1>, vector<1024x1xi32>
    %add3A_739 = arith.addi %add3A_685, %select_n3A_738 : vector<1024x1xi32>
    %eq3A_740 = vector.broadcast %broadcast_in_dim3A_647 : vector<1024x1xi32> to vector<1024x784xi32>
    %eq3A_741 = arith.cmpi eq, %iota3A, %eq3A_740 : vector<1024x784xi32>
    %jit3A_742 = arith.constant 3.000000e+38 : f32
    %broadcast_in_dim3A_743 = vector.broadcast %jit3A_742 : f32 to vector<1024x784xf32>
    %select_n3A_744 = arith.select %eq3A_741, %broadcast_in_dim3A_743, %select_n3A_636 : vector<1024x784xi1>, vector<1024x784xf32>
    %reduce_min3A_745 = arith.constant dense<0x7F800000> : vector<1024xf32>
    %reduce_min3A_746 = vector.multi_reduction <minimumf>, %select_n3A_744, %reduce_min3A_745 [1] : vector<1024x784xf32> to vector<1024xf32>
    %broadcast_in_dim3A_747 = vector.shape_cast %reduce_min3A_746 : vector<1024xf32> to vector<1024x1xf32>
    %eq3A_748 = vector.broadcast %broadcast_in_dim3A_747 : vector<1024x1xf32> to vector<1024x784xf32>
    %eq3A_749 = arith.cmpf oeq, %select_n3A_744, %eq3A_748 : vector<1024x784xf32>
    %jit3A_750 = arith.constant 1073741824 : i32
    %broadcast_in_dim3A_751 = vector.broadcast %jit3A_750 : i32 to vector<1024x784xi32>
    %select_n3A_752 = arith.select %eq3A_749, %iota3A, %broadcast_in_dim3A_751 : vector<1024x784xi1>, vector<1024x784xi32>
    %reduce_min3A_753 = arith.constant dense<2147483647> : vector<1024xi32>
    %reduce_min3A_754 = vector.multi_reduction <minsi>, %select_n3A_752, %reduce_min3A_753 [1] : vector<1024x784xi32> to vector<1024xi32>
    %broadcast_in_dim3A_755 = vector.shape_cast %reduce_min3A_754 : vector<1024xi32> to vector<1024x1xi32>
    %jit3A_756 = arith.constant 16 : i32
    %div3A_757 = vector.broadcast %jit3A_756 : i32 to vector<1024x1xi32>
    %div3A_758 = arith.divsi %iota3A_2, %div3A_757 : vector<1024x1xi32>
    %sign3A_759 = arith.constant 0 : i32
    %sign3A_760 = vector.broadcast %sign3A_759 : i32 to vector<1024x1xi32>
    %sign3A_761 = arith.cmpi sgt, %iota3A_2, %sign3A_760 : vector<1024x1xi32>
    %sign3A_762 = arith.extui %sign3A_761 : vector<1024x1xi1> to vector<1024x1xi32>
    %sign3A_763 = arith.constant 0 : i32
    %sign3A_764 = vector.broadcast %sign3A_763 : i32 to vector<1024x1xi32>
    %sign3A_765 = arith.cmpi slt, %iota3A_2, %sign3A_764 : vector<1024x1xi32>
    %sign3A_766 = arith.extui %sign3A_765 : vector<1024x1xi1> to vector<1024x1xi32>
    %sign3A_767 = arith.subi %sign3A_762, %sign3A_766 : vector<1024x1xi32>
    %sign3A_768 = arith.constant 0 : i32
    %sign3A_769 = arith.cmpi sgt, %jit3A_756, %sign3A_768 : i32
    %sign3A_770 = arith.extui %sign3A_769 : i1 to i32
    %sign3A_771 = arith.constant 0 : i32
    %sign3A_772 = arith.cmpi slt, %jit3A_756, %sign3A_771 : i32
    %sign3A_773 = arith.extui %sign3A_772 : i1 to i32
    %sign3A_774 = arith.subi %sign3A_770, %sign3A_773 : i32
    %ne3A_775 = vector.broadcast %sign3A_774 : i32 to vector<1024x1xi32>
    %ne3A_776 = arith.cmpi ne, %sign3A_767, %ne3A_775 : vector<1024x1xi32>
    %rem3A_777 = vector.broadcast %jit3A_756 : i32 to vector<1024x1xi32>
    %rem3A_778 = arith.remsi %iota3A_2, %rem3A_777 : vector<1024x1xi32>
    %ne3A_779 = arith.constant 0 : i32
    %ne3A_780 = vector.broadcast %ne3A_779 : i32 to vector<1024x1xi32>
    %ne3A_781 = arith.cmpi ne, %rem3A_778, %ne3A_780 : vector<1024x1xi32>
    %and3A_782 = arith.andi %ne3A_776, %ne3A_781 : vector<1024x1xi1>
    %sub3A_783 = arith.constant 1 : i32
    %sub3A_784 = vector.broadcast %sub3A_783 : i32 to vector<1024x1xi32>
    %sub3A_785 = arith.subi %div3A_758, %sub3A_784 : vector<1024x1xi32>
    %select_n3A_786 = arith.select %and3A_782, %sub3A_785, %div3A_758 : vector<1024x1xi1>, vector<1024x1xi32>
    %mul3A_787 = arith.constant 6272 : i32
    %mul3A_788 = vector.broadcast %mul3A_787 : i32 to vector<1024x1xi32>
    %mul3A_789 = arith.muli %select_n3A_786, %mul3A_788 : vector<1024x1xi32>
    %mul3A_790 = arith.constant 8 : i32
    %mul3A_791 = vector.broadcast %mul3A_790 : i32 to vector<1024x1xi32>
    %mul3A_792 = arith.muli %broadcast_in_dim3A_755, %mul3A_791 : vector<1024x1xi32>
    %add3A_793 = arith.addi %mul3A_789, %mul3A_792 : vector<1024x1xi32>
    %jit3A_794 = arith.constant 2 : i32
    %div3A_795 = vector.broadcast %jit3A_794 : i32 to vector<1024x1xi32>
    %div3A_796 = arith.divsi %iota3A_2, %div3A_795 : vector<1024x1xi32>
    %sign3A_797 = arith.constant 0 : i32
    %sign3A_798 = vector.broadcast %sign3A_797 : i32 to vector<1024x1xi32>
    %sign3A_799 = arith.cmpi sgt, %iota3A_2, %sign3A_798 : vector<1024x1xi32>
    %sign3A_800 = arith.extui %sign3A_799 : vector<1024x1xi1> to vector<1024x1xi32>
    %sign3A_801 = arith.constant 0 : i32
    %sign3A_802 = vector.broadcast %sign3A_801 : i32 to vector<1024x1xi32>
    %sign3A_803 = arith.cmpi slt, %iota3A_2, %sign3A_802 : vector<1024x1xi32>
    %sign3A_804 = arith.extui %sign3A_803 : vector<1024x1xi1> to vector<1024x1xi32>
    %sign3A_805 = arith.subi %sign3A_800, %sign3A_804 : vector<1024x1xi32>
    %sign3A_806 = arith.constant 0 : i32
    %sign3A_807 = arith.cmpi sgt, %jit3A_794, %sign3A_806 : i32
    %sign3A_808 = arith.extui %sign3A_807 : i1 to i32
    %sign3A_809 = arith.constant 0 : i32
    %sign3A_810 = arith.cmpi slt, %jit3A_794, %sign3A_809 : i32
    %sign3A_811 = arith.extui %sign3A_810 : i1 to i32
    %sign3A_812 = arith.subi %sign3A_808, %sign3A_811 : i32
    %ne3A_813 = vector.broadcast %sign3A_812 : i32 to vector<1024x1xi32>
    %ne3A_814 = arith.cmpi ne, %sign3A_805, %ne3A_813 : vector<1024x1xi32>
    %rem3A_815 = vector.broadcast %jit3A_794 : i32 to vector<1024x1xi32>
    %rem3A_816 = arith.remsi %iota3A_2, %rem3A_815 : vector<1024x1xi32>
    %ne3A_817 = arith.constant 0 : i32
    %ne3A_818 = vector.broadcast %ne3A_817 : i32 to vector<1024x1xi32>
    %ne3A_819 = arith.cmpi ne, %rem3A_816, %ne3A_818 : vector<1024x1xi32>
    %and3A_820 = arith.andi %ne3A_814, %ne3A_819 : vector<1024x1xi1>
    %sub3A_821 = arith.constant 1 : i32
    %sub3A_822 = vector.broadcast %sub3A_821 : i32 to vector<1024x1xi32>
    %sub3A_823 = arith.subi %div3A_796, %sub3A_822 : vector<1024x1xi32>
    %select_n3A_824 = arith.select %and3A_820, %sub3A_823, %div3A_796 : vector<1024x1xi1>, vector<1024x1xi32>
    %jit3A_825 = arith.constant 8 : i32
    %eq3A_826 = arith.constant 0 : i32
    %eq3A_827 = arith.cmpi eq, %jit3A_825, %eq3A_826 : i32
    %jit3A_828 = arith.constant 1 : i32
    %select_n3A_829 = arith.select %eq3A_827, %jit3A_828, %jit3A_825 : i32
    %rem3A_830 = vector.broadcast %select_n3A_829 : i32 to vector<1024x1xi32>
    %rem3A_831 = arith.remsi %select_n3A_824, %rem3A_830 : vector<1024x1xi32>
    %ne3A_832 = arith.constant 0 : i32
    %ne3A_833 = vector.broadcast %ne3A_832 : i32 to vector<1024x1xi32>
    %ne3A_834 = arith.cmpi ne, %rem3A_831, %ne3A_833 : vector<1024x1xi32>
    %lt3A_835 = arith.constant 0 : i32
    %lt3A_836 = vector.broadcast %lt3A_835 : i32 to vector<1024x1xi32>
    %lt3A_837 = arith.cmpi slt, %rem3A_831, %lt3A_836 : vector<1024x1xi32>
    %lt3A_838 = arith.constant 0 : i32
    %lt3A_839 = arith.cmpi slt, %select_n3A_829, %lt3A_838 : i32
    %ne3A_840 = vector.broadcast %lt3A_839 : i1 to vector<1024x1xi1>
    %ne3A_841 = vector.broadcast %ne3A_840 : vector<1024x1xi1> to vector<1024x1xi1>
    %ne3A_842 = arith.xori %lt3A_837, %ne3A_841 : vector<1024x1xi1>
    %and3A_843 = arith.andi %ne3A_842, %ne3A_834 : vector<1024x1xi1>
    %add3A_844 = vector.broadcast %select_n3A_829 : i32 to vector<1024x1xi32>
    %add3A_845 = arith.addi %rem3A_831, %add3A_844 : vector<1024x1xi32>
    %select_n3A_846 = arith.select %and3A_843, %add3A_845, %rem3A_831 : vector<1024x1xi1>, vector<1024x1xi32>
    %add3A_847 = arith.addi %add3A_793, %select_n3A_846 : vector<1024x1xi32>
    %eq3A_848 = vector.broadcast %broadcast_in_dim3A_755 : vector<1024x1xi32> to vector<1024x784xi32>
    %eq3A_849 = arith.cmpi eq, %iota3A, %eq3A_848 : vector<1024x784xi32>
    %jit3A_850 = arith.constant 3.000000e+38 : f32
    %broadcast_in_dim3A_851 = vector.broadcast %jit3A_850 : f32 to vector<1024x784xf32>
    %select_n3A_852 = arith.select %eq3A_849, %broadcast_in_dim3A_851, %select_n3A_744 : vector<1024x784xi1>, vector<1024x784xf32>
    %reduce_min3A_853 = arith.constant dense<0x7F800000> : vector<1024xf32>
    %reduce_min3A_854 = vector.multi_reduction <minimumf>, %select_n3A_852, %reduce_min3A_853 [1] : vector<1024x784xf32> to vector<1024xf32>
    %broadcast_in_dim3A_855 = vector.shape_cast %reduce_min3A_854 : vector<1024xf32> to vector<1024x1xf32>
    %eq3A_856 = vector.broadcast %broadcast_in_dim3A_855 : vector<1024x1xf32> to vector<1024x784xf32>
    %eq3A_857 = arith.cmpf oeq, %select_n3A_852, %eq3A_856 : vector<1024x784xf32>
    %jit3A_858 = arith.constant 1073741824 : i32
    %broadcast_in_dim3A_859 = vector.broadcast %jit3A_858 : i32 to vector<1024x784xi32>
    %select_n3A_860 = arith.select %eq3A_857, %iota3A, %broadcast_in_dim3A_859 : vector<1024x784xi1>, vector<1024x784xi32>
    %reduce_min3A_861 = arith.constant dense<2147483647> : vector<1024xi32>
    %reduce_min3A_862 = vector.multi_reduction <minsi>, %select_n3A_860, %reduce_min3A_861 [1] : vector<1024x784xi32> to vector<1024xi32>
    %broadcast_in_dim3A_863 = vector.shape_cast %reduce_min3A_862 : vector<1024xi32> to vector<1024x1xi32>
    %jit3A_864 = arith.constant 16 : i32
    %div3A_865 = vector.broadcast %jit3A_864 : i32 to vector<1024x1xi32>
    %div3A_866 = arith.divsi %iota3A_2, %div3A_865 : vector<1024x1xi32>
    %sign3A_867 = arith.constant 0 : i32
    %sign3A_868 = vector.broadcast %sign3A_867 : i32 to vector<1024x1xi32>
    %sign3A_869 = arith.cmpi sgt, %iota3A_2, %sign3A_868 : vector<1024x1xi32>
    %sign3A_870 = arith.extui %sign3A_869 : vector<1024x1xi1> to vector<1024x1xi32>
    %sign3A_871 = arith.constant 0 : i32
    %sign3A_872 = vector.broadcast %sign3A_871 : i32 to vector<1024x1xi32>
    %sign3A_873 = arith.cmpi slt, %iota3A_2, %sign3A_872 : vector<1024x1xi32>
    %sign3A_874 = arith.extui %sign3A_873 : vector<1024x1xi1> to vector<1024x1xi32>
    %sign3A_875 = arith.subi %sign3A_870, %sign3A_874 : vector<1024x1xi32>
    %sign3A_876 = arith.constant 0 : i32
    %sign3A_877 = arith.cmpi sgt, %jit3A_864, %sign3A_876 : i32
    %sign3A_878 = arith.extui %sign3A_877 : i1 to i32
    %sign3A_879 = arith.constant 0 : i32
    %sign3A_880 = arith.cmpi slt, %jit3A_864, %sign3A_879 : i32
    %sign3A_881 = arith.extui %sign3A_880 : i1 to i32
    %sign3A_882 = arith.subi %sign3A_878, %sign3A_881 : i32
    %ne3A_883 = vector.broadcast %sign3A_882 : i32 to vector<1024x1xi32>
    %ne3A_884 = arith.cmpi ne, %sign3A_875, %ne3A_883 : vector<1024x1xi32>
    %rem3A_885 = vector.broadcast %jit3A_864 : i32 to vector<1024x1xi32>
    %rem3A_886 = arith.remsi %iota3A_2, %rem3A_885 : vector<1024x1xi32>
    %ne3A_887 = arith.constant 0 : i32
    %ne3A_888 = vector.broadcast %ne3A_887 : i32 to vector<1024x1xi32>
    %ne3A_889 = arith.cmpi ne, %rem3A_886, %ne3A_888 : vector<1024x1xi32>
    %and3A_890 = arith.andi %ne3A_884, %ne3A_889 : vector<1024x1xi1>
    %sub3A_891 = arith.constant 1 : i32
    %sub3A_892 = vector.broadcast %sub3A_891 : i32 to vector<1024x1xi32>
    %sub3A_893 = arith.subi %div3A_866, %sub3A_892 : vector<1024x1xi32>
    %select_n3A_894 = arith.select %and3A_890, %sub3A_893, %div3A_866 : vector<1024x1xi1>, vector<1024x1xi32>
    %mul3A_895 = arith.constant 6272 : i32
    %mul3A_896 = vector.broadcast %mul3A_895 : i32 to vector<1024x1xi32>
    %mul3A_897 = arith.muli %select_n3A_894, %mul3A_896 : vector<1024x1xi32>
    %mul3A_898 = arith.constant 8 : i32
    %mul3A_899 = vector.broadcast %mul3A_898 : i32 to vector<1024x1xi32>
    %mul3A_900 = arith.muli %broadcast_in_dim3A_863, %mul3A_899 : vector<1024x1xi32>
    %add3A_901 = arith.addi %mul3A_897, %mul3A_900 : vector<1024x1xi32>
    %jit3A_902 = arith.constant 2 : i32
    %div3A_903 = vector.broadcast %jit3A_902 : i32 to vector<1024x1xi32>
    %div3A_904 = arith.divsi %iota3A_2, %div3A_903 : vector<1024x1xi32>
    %sign3A_905 = arith.constant 0 : i32
    %sign3A_906 = vector.broadcast %sign3A_905 : i32 to vector<1024x1xi32>
    %sign3A_907 = arith.cmpi sgt, %iota3A_2, %sign3A_906 : vector<1024x1xi32>
    %sign3A_908 = arith.extui %sign3A_907 : vector<1024x1xi1> to vector<1024x1xi32>
    %sign3A_909 = arith.constant 0 : i32
    %sign3A_910 = vector.broadcast %sign3A_909 : i32 to vector<1024x1xi32>
    %sign3A_911 = arith.cmpi slt, %iota3A_2, %sign3A_910 : vector<1024x1xi32>
    %sign3A_912 = arith.extui %sign3A_911 : vector<1024x1xi1> to vector<1024x1xi32>
    %sign3A_913 = arith.subi %sign3A_908, %sign3A_912 : vector<1024x1xi32>
    %sign3A_914 = arith.constant 0 : i32
    %sign3A_915 = arith.cmpi sgt, %jit3A_902, %sign3A_914 : i32
    %sign3A_916 = arith.extui %sign3A_915 : i1 to i32
    %sign3A_917 = arith.constant 0 : i32
    %sign3A_918 = arith.cmpi slt, %jit3A_902, %sign3A_917 : i32
    %sign3A_919 = arith.extui %sign3A_918 : i1 to i32
    %sign3A_920 = arith.subi %sign3A_916, %sign3A_919 : i32
    %ne3A_921 = vector.broadcast %sign3A_920 : i32 to vector<1024x1xi32>
    %ne3A_922 = arith.cmpi ne, %sign3A_913, %ne3A_921 : vector<1024x1xi32>
    %rem3A_923 = vector.broadcast %jit3A_902 : i32 to vector<1024x1xi32>
    %rem3A_924 = arith.remsi %iota3A_2, %rem3A_923 : vector<1024x1xi32>
    %ne3A_925 = arith.constant 0 : i32
    %ne3A_926 = vector.broadcast %ne3A_925 : i32 to vector<1024x1xi32>
    %ne3A_927 = arith.cmpi ne, %rem3A_924, %ne3A_926 : vector<1024x1xi32>
    %and3A_928 = arith.andi %ne3A_922, %ne3A_927 : vector<1024x1xi1>
    %sub3A_929 = arith.constant 1 : i32
    %sub3A_930 = vector.broadcast %sub3A_929 : i32 to vector<1024x1xi32>
    %sub3A_931 = arith.subi %div3A_904, %sub3A_930 : vector<1024x1xi32>
    %select_n3A_932 = arith.select %and3A_928, %sub3A_931, %div3A_904 : vector<1024x1xi1>, vector<1024x1xi32>
    %jit3A_933 = arith.constant 8 : i32
    %eq3A_934 = arith.constant 0 : i32
    %eq3A_935 = arith.cmpi eq, %jit3A_933, %eq3A_934 : i32
    %jit3A_936 = arith.constant 1 : i32
    %select_n3A_937 = arith.select %eq3A_935, %jit3A_936, %jit3A_933 : i32
    %rem3A_938 = vector.broadcast %select_n3A_937 : i32 to vector<1024x1xi32>
    %rem3A_939 = arith.remsi %select_n3A_932, %rem3A_938 : vector<1024x1xi32>
    %ne3A_940 = arith.constant 0 : i32
    %ne3A_941 = vector.broadcast %ne3A_940 : i32 to vector<1024x1xi32>
    %ne3A_942 = arith.cmpi ne, %rem3A_939, %ne3A_941 : vector<1024x1xi32>
    %lt3A_943 = arith.constant 0 : i32
    %lt3A_944 = vector.broadcast %lt3A_943 : i32 to vector<1024x1xi32>
    %lt3A_945 = arith.cmpi slt, %rem3A_939, %lt3A_944 : vector<1024x1xi32>
    %lt3A_946 = arith.constant 0 : i32
    %lt3A_947 = arith.cmpi slt, %select_n3A_937, %lt3A_946 : i32
    %ne3A_948 = vector.broadcast %lt3A_947 : i1 to vector<1024x1xi1>
    %ne3A_949 = vector.broadcast %ne3A_948 : vector<1024x1xi1> to vector<1024x1xi1>
    %ne3A_950 = arith.xori %lt3A_945, %ne3A_949 : vector<1024x1xi1>
    %and3A_951 = arith.andi %ne3A_950, %ne3A_942 : vector<1024x1xi1>
    %add3A_952 = vector.broadcast %select_n3A_937 : i32 to vector<1024x1xi32>
    %add3A_953 = arith.addi %rem3A_939, %add3A_952 : vector<1024x1xi32>
    %select_n3A_954 = arith.select %and3A_951, %add3A_953, %rem3A_939 : vector<1024x1xi1>, vector<1024x1xi32>
    %add3A_955 = arith.addi %add3A_901, %select_n3A_954 : vector<1024x1xi32>
    %eq3A_956 = vector.broadcast %broadcast_in_dim3A_863 : vector<1024x1xi32> to vector<1024x784xi32>
    %eq3A_957 = arith.cmpi eq, %iota3A, %eq3A_956 : vector<1024x784xi32>
    %jit3A_958 = arith.constant 3.000000e+38 : f32
    %broadcast_in_dim3A_959 = vector.broadcast %jit3A_958 : f32 to vector<1024x784xf32>
    %select_n3A_960 = arith.select %eq3A_957, %broadcast_in_dim3A_959, %select_n3A_852 : vector<1024x784xi1>, vector<1024x784xf32>
    %reduce_min3A_961 = arith.constant dense<0x7F800000> : vector<1024xf32>
    %reduce_min3A_962 = vector.multi_reduction <minimumf>, %select_n3A_960, %reduce_min3A_961 [1] : vector<1024x784xf32> to vector<1024xf32>
    %broadcast_in_dim3A_963 = vector.shape_cast %reduce_min3A_962 : vector<1024xf32> to vector<1024x1xf32>
    %eq3A_964 = vector.broadcast %broadcast_in_dim3A_963 : vector<1024x1xf32> to vector<1024x784xf32>
    %eq3A_965 = arith.cmpf oeq, %select_n3A_960, %eq3A_964 : vector<1024x784xf32>
    %jit3A_966 = arith.constant 1073741824 : i32
    %broadcast_in_dim3A_967 = vector.broadcast %jit3A_966 : i32 to vector<1024x784xi32>
    %select_n3A_968 = arith.select %eq3A_965, %iota3A, %broadcast_in_dim3A_967 : vector<1024x784xi1>, vector<1024x784xi32>
    %reduce_min3A_969 = arith.constant dense<2147483647> : vector<1024xi32>
    %reduce_min3A_970 = vector.multi_reduction <minsi>, %select_n3A_968, %reduce_min3A_969 [1] : vector<1024x784xi32> to vector<1024xi32>
    %broadcast_in_dim3A_971 = vector.shape_cast %reduce_min3A_970 : vector<1024xi32> to vector<1024x1xi32>
    %jit3A_972 = arith.constant 16 : i32
    %div3A_973 = vector.broadcast %jit3A_972 : i32 to vector<1024x1xi32>
    %div3A_974 = arith.divsi %iota3A_2, %div3A_973 : vector<1024x1xi32>
    %sign3A_975 = arith.constant 0 : i32
    %sign3A_976 = vector.broadcast %sign3A_975 : i32 to vector<1024x1xi32>
    %sign3A_977 = arith.cmpi sgt, %iota3A_2, %sign3A_976 : vector<1024x1xi32>
    %sign3A_978 = arith.extui %sign3A_977 : vector<1024x1xi1> to vector<1024x1xi32>
    %sign3A_979 = arith.constant 0 : i32
    %sign3A_980 = vector.broadcast %sign3A_979 : i32 to vector<1024x1xi32>
    %sign3A_981 = arith.cmpi slt, %iota3A_2, %sign3A_980 : vector<1024x1xi32>
    %sign3A_982 = arith.extui %sign3A_981 : vector<1024x1xi1> to vector<1024x1xi32>
    %sign3A_983 = arith.subi %sign3A_978, %sign3A_982 : vector<1024x1xi32>
    %sign3A_984 = arith.constant 0 : i32
    %sign3A_985 = arith.cmpi sgt, %jit3A_972, %sign3A_984 : i32
    %sign3A_986 = arith.extui %sign3A_985 : i1 to i32
    %sign3A_987 = arith.constant 0 : i32
    %sign3A_988 = arith.cmpi slt, %jit3A_972, %sign3A_987 : i32
    %sign3A_989 = arith.extui %sign3A_988 : i1 to i32
    %sign3A_990 = arith.subi %sign3A_986, %sign3A_989 : i32
    %ne3A_991 = vector.broadcast %sign3A_990 : i32 to vector<1024x1xi32>
    %ne3A_992 = arith.cmpi ne, %sign3A_983, %ne3A_991 : vector<1024x1xi32>
    %rem3A_993 = vector.broadcast %jit3A_972 : i32 to vector<1024x1xi32>
    %rem3A_994 = arith.remsi %iota3A_2, %rem3A_993 : vector<1024x1xi32>
    %ne3A_995 = arith.constant 0 : i32
    %ne3A_996 = vector.broadcast %ne3A_995 : i32 to vector<1024x1xi32>
    %ne3A_997 = arith.cmpi ne, %rem3A_994, %ne3A_996 : vector<1024x1xi32>
    %and3A_998 = arith.andi %ne3A_992, %ne3A_997 : vector<1024x1xi1>
    %sub3A_999 = arith.constant 1 : i32
    %sub3A_1000 = vector.broadcast %sub3A_999 : i32 to vector<1024x1xi32>
    %sub3A_1001 = arith.subi %div3A_974, %sub3A_1000 : vector<1024x1xi32>
    %select_n3A_1002 = arith.select %and3A_998, %sub3A_1001, %div3A_974 : vector<1024x1xi1>, vector<1024x1xi32>
    %mul3A_1003 = arith.constant 6272 : i32
    %mul3A_1004 = vector.broadcast %mul3A_1003 : i32 to vector<1024x1xi32>
    %mul3A_1005 = arith.muli %select_n3A_1002, %mul3A_1004 : vector<1024x1xi32>
    %mul3A_1006 = arith.constant 8 : i32
    %mul3A_1007 = vector.broadcast %mul3A_1006 : i32 to vector<1024x1xi32>
    %mul3A_1008 = arith.muli %broadcast_in_dim3A_971, %mul3A_1007 : vector<1024x1xi32>
    %add3A_1009 = arith.addi %mul3A_1005, %mul3A_1008 : vector<1024x1xi32>
    %jit3A_1010 = arith.constant 2 : i32
    %div3A_1011 = vector.broadcast %jit3A_1010 : i32 to vector<1024x1xi32>
    %div3A_1012 = arith.divsi %iota3A_2, %div3A_1011 : vector<1024x1xi32>
    %sign3A_1013 = arith.constant 0 : i32
    %sign3A_1014 = vector.broadcast %sign3A_1013 : i32 to vector<1024x1xi32>
    %sign3A_1015 = arith.cmpi sgt, %iota3A_2, %sign3A_1014 : vector<1024x1xi32>
    %sign3A_1016 = arith.extui %sign3A_1015 : vector<1024x1xi1> to vector<1024x1xi32>
    %sign3A_1017 = arith.constant 0 : i32
    %sign3A_1018 = vector.broadcast %sign3A_1017 : i32 to vector<1024x1xi32>
    %sign3A_1019 = arith.cmpi slt, %iota3A_2, %sign3A_1018 : vector<1024x1xi32>
    %sign3A_1020 = arith.extui %sign3A_1019 : vector<1024x1xi1> to vector<1024x1xi32>
    %sign3A_1021 = arith.subi %sign3A_1016, %sign3A_1020 : vector<1024x1xi32>
    %sign3A_1022 = arith.constant 0 : i32
    %sign3A_1023 = arith.cmpi sgt, %jit3A_1010, %sign3A_1022 : i32
    %sign3A_1024 = arith.extui %sign3A_1023 : i1 to i32
    %sign3A_1025 = arith.constant 0 : i32
    %sign3A_1026 = arith.cmpi slt, %jit3A_1010, %sign3A_1025 : i32
    %sign3A_1027 = arith.extui %sign3A_1026 : i1 to i32
    %sign3A_1028 = arith.subi %sign3A_1024, %sign3A_1027 : i32
    %ne3A_1029 = vector.broadcast %sign3A_1028 : i32 to vector<1024x1xi32>
    %ne3A_1030 = arith.cmpi ne, %sign3A_1021, %ne3A_1029 : vector<1024x1xi32>
    %rem3A_1031 = vector.broadcast %jit3A_1010 : i32 to vector<1024x1xi32>
    %rem3A_1032 = arith.remsi %iota3A_2, %rem3A_1031 : vector<1024x1xi32>
    %ne3A_1033 = arith.constant 0 : i32
    %ne3A_1034 = vector.broadcast %ne3A_1033 : i32 to vector<1024x1xi32>
    %ne3A_1035 = arith.cmpi ne, %rem3A_1032, %ne3A_1034 : vector<1024x1xi32>
    %and3A_1036 = arith.andi %ne3A_1030, %ne3A_1035 : vector<1024x1xi1>
    %sub3A_1037 = arith.constant 1 : i32
    %sub3A_1038 = vector.broadcast %sub3A_1037 : i32 to vector<1024x1xi32>
    %sub3A_1039 = arith.subi %div3A_1012, %sub3A_1038 : vector<1024x1xi32>
    %select_n3A_1040 = arith.select %and3A_1036, %sub3A_1039, %div3A_1012 : vector<1024x1xi1>, vector<1024x1xi32>
    %jit3A_1041 = arith.constant 8 : i32
    %eq3A_1042 = arith.constant 0 : i32
    %eq3A_1043 = arith.cmpi eq, %jit3A_1041, %eq3A_1042 : i32
    %jit3A_1044 = arith.constant 1 : i32
    %select_n3A_1045 = arith.select %eq3A_1043, %jit3A_1044, %jit3A_1041 : i32
    %rem3A_1046 = vector.broadcast %select_n3A_1045 : i32 to vector<1024x1xi32>
    %rem3A_1047 = arith.remsi %select_n3A_1040, %rem3A_1046 : vector<1024x1xi32>
    %ne3A_1048 = arith.constant 0 : i32
    %ne3A_1049 = vector.broadcast %ne3A_1048 : i32 to vector<1024x1xi32>
    %ne3A_1050 = arith.cmpi ne, %rem3A_1047, %ne3A_1049 : vector<1024x1xi32>
    %lt3A_1051 = arith.constant 0 : i32
    %lt3A_1052 = vector.broadcast %lt3A_1051 : i32 to vector<1024x1xi32>
    %lt3A_1053 = arith.cmpi slt, %rem3A_1047, %lt3A_1052 : vector<1024x1xi32>
    %lt3A_1054 = arith.constant 0 : i32
    %lt3A_1055 = arith.cmpi slt, %select_n3A_1045, %lt3A_1054 : i32
    %ne3A_1056 = vector.broadcast %lt3A_1055 : i1 to vector<1024x1xi1>
    %ne3A_1057 = vector.broadcast %ne3A_1056 : vector<1024x1xi1> to vector<1024x1xi1>
    %ne3A_1058 = arith.xori %lt3A_1053, %ne3A_1057 : vector<1024x1xi1>
    %and3A_1059 = arith.andi %ne3A_1058, %ne3A_1050 : vector<1024x1xi1>
    %add3A_1060 = vector.broadcast %select_n3A_1045 : i32 to vector<1024x1xi32>
    %add3A_1061 = arith.addi %rem3A_1047, %add3A_1060 : vector<1024x1xi32>
    %select_n3A_1062 = arith.select %and3A_1059, %add3A_1061, %rem3A_1047 : vector<1024x1xi1>, vector<1024x1xi32>
    %add3A_1063 = arith.addi %add3A_1009, %select_n3A_1062 : vector<1024x1xi32>
    %jit3A_1064 = arith.constant 16 : i32
    %div3A_1065 = vector.broadcast %jit3A_1064 : i32 to vector<1024x1xi32>
    %div3A_1066 = arith.divsi %iota3A_2, %div3A_1065 : vector<1024x1xi32>
    %sign3A_1067 = arith.constant 0 : i32
    %sign3A_1068 = vector.broadcast %sign3A_1067 : i32 to vector<1024x1xi32>
    %sign3A_1069 = arith.cmpi sgt, %iota3A_2, %sign3A_1068 : vector<1024x1xi32>
    %sign3A_1070 = arith.extui %sign3A_1069 : vector<1024x1xi1> to vector<1024x1xi32>
    %sign3A_1071 = arith.constant 0 : i32
    %sign3A_1072 = vector.broadcast %sign3A_1071 : i32 to vector<1024x1xi32>
    %sign3A_1073 = arith.cmpi slt, %iota3A_2, %sign3A_1072 : vector<1024x1xi32>
    %sign3A_1074 = arith.extui %sign3A_1073 : vector<1024x1xi1> to vector<1024x1xi32>
    %sign3A_1075 = arith.subi %sign3A_1070, %sign3A_1074 : vector<1024x1xi32>
    %sign3A_1076 = arith.constant 0 : i32
    %sign3A_1077 = arith.cmpi sgt, %jit3A_1064, %sign3A_1076 : i32
    %sign3A_1078 = arith.extui %sign3A_1077 : i1 to i32
    %sign3A_1079 = arith.constant 0 : i32
    %sign3A_1080 = arith.cmpi slt, %jit3A_1064, %sign3A_1079 : i32
    %sign3A_1081 = arith.extui %sign3A_1080 : i1 to i32
    %sign3A_1082 = arith.subi %sign3A_1078, %sign3A_1081 : i32
    %ne3A_1083 = vector.broadcast %sign3A_1082 : i32 to vector<1024x1xi32>
    %ne3A_1084 = arith.cmpi ne, %sign3A_1075, %ne3A_1083 : vector<1024x1xi32>
    %rem3A_1085 = vector.broadcast %jit3A_1064 : i32 to vector<1024x1xi32>
    %rem3A_1086 = arith.remsi %iota3A_2, %rem3A_1085 : vector<1024x1xi32>
    %ne3A_1087 = arith.constant 0 : i32
    %ne3A_1088 = vector.broadcast %ne3A_1087 : i32 to vector<1024x1xi32>
    %ne3A_1089 = arith.cmpi ne, %rem3A_1086, %ne3A_1088 : vector<1024x1xi32>
    %and3A_1090 = arith.andi %ne3A_1084, %ne3A_1089 : vector<1024x1xi1>
    %sub3A_1091 = arith.constant 1 : i32
    %sub3A_1092 = vector.broadcast %sub3A_1091 : i32 to vector<1024x1xi32>
    %sub3A_1093 = arith.subi %div3A_1066, %sub3A_1092 : vector<1024x1xi32>
    %select_n3A_1094 = arith.select %and3A_1090, %sub3A_1093, %div3A_1066 : vector<1024x1xi1>, vector<1024x1xi32>
    %mul3A_1095 = arith.constant 6272 : i32
    %mul3A_1096 = vector.broadcast %mul3A_1095 : i32 to vector<1024x1xi32>
    %mul3A_1097 = arith.muli %select_n3A_1094, %mul3A_1096 : vector<1024x1xi32>
    %add3A_1098 = arith.constant 6256 : i32
    %add3A_1099 = vector.broadcast %add3A_1098 : i32 to vector<1024x1xi32>
    %add3A_1100 = arith.addi %mul3A_1097, %add3A_1099 : vector<1024x1xi32>
    %jit3A_1101 = arith.constant 2 : i32
    %div3A_1102 = vector.broadcast %jit3A_1101 : i32 to vector<1024x1xi32>
    %div3A_1103 = arith.divsi %iota3A_2, %div3A_1102 : vector<1024x1xi32>
    %sign3A_1104 = arith.constant 0 : i32
    %sign3A_1105 = vector.broadcast %sign3A_1104 : i32 to vector<1024x1xi32>
    %sign3A_1106 = arith.cmpi sgt, %iota3A_2, %sign3A_1105 : vector<1024x1xi32>
    %sign3A_1107 = arith.extui %sign3A_1106 : vector<1024x1xi1> to vector<1024x1xi32>
    %sign3A_1108 = arith.constant 0 : i32
    %sign3A_1109 = vector.broadcast %sign3A_1108 : i32 to vector<1024x1xi32>
    %sign3A_1110 = arith.cmpi slt, %iota3A_2, %sign3A_1109 : vector<1024x1xi32>
    %sign3A_1111 = arith.extui %sign3A_1110 : vector<1024x1xi1> to vector<1024x1xi32>
    %sign3A_1112 = arith.subi %sign3A_1107, %sign3A_1111 : vector<1024x1xi32>
    %sign3A_1113 = arith.constant 0 : i32
    %sign3A_1114 = arith.cmpi sgt, %jit3A_1101, %sign3A_1113 : i32
    %sign3A_1115 = arith.extui %sign3A_1114 : i1 to i32
    %sign3A_1116 = arith.constant 0 : i32
    %sign3A_1117 = arith.cmpi slt, %jit3A_1101, %sign3A_1116 : i32
    %sign3A_1118 = arith.extui %sign3A_1117 : i1 to i32
    %sign3A_1119 = arith.subi %sign3A_1115, %sign3A_1118 : i32
    %ne3A_1120 = vector.broadcast %sign3A_1119 : i32 to vector<1024x1xi32>
    %ne3A_1121 = arith.cmpi ne, %sign3A_1112, %ne3A_1120 : vector<1024x1xi32>
    %rem3A_1122 = vector.broadcast %jit3A_1101 : i32 to vector<1024x1xi32>
    %rem3A_1123 = arith.remsi %iota3A_2, %rem3A_1122 : vector<1024x1xi32>
    %ne3A_1124 = arith.constant 0 : i32
    %ne3A_1125 = vector.broadcast %ne3A_1124 : i32 to vector<1024x1xi32>
    %ne3A_1126 = arith.cmpi ne, %rem3A_1123, %ne3A_1125 : vector<1024x1xi32>
    %and3A_1127 = arith.andi %ne3A_1121, %ne3A_1126 : vector<1024x1xi1>
    %sub3A_1128 = arith.constant 1 : i32
    %sub3A_1129 = vector.broadcast %sub3A_1128 : i32 to vector<1024x1xi32>
    %sub3A_1130 = arith.subi %div3A_1103, %sub3A_1129 : vector<1024x1xi32>
    %select_n3A_1131 = arith.select %and3A_1127, %sub3A_1130, %div3A_1103 : vector<1024x1xi1>, vector<1024x1xi32>
    %jit3A_1132 = arith.constant 8 : i32
    %eq3A_1133 = arith.constant 0 : i32
    %eq3A_1134 = arith.cmpi eq, %jit3A_1132, %eq3A_1133 : i32
    %jit3A_1135 = arith.constant 1 : i32
    %select_n3A_1136 = arith.select %eq3A_1134, %jit3A_1135, %jit3A_1132 : i32
    %rem3A_1137 = vector.broadcast %select_n3A_1136 : i32 to vector<1024x1xi32>
    %rem3A_1138 = arith.remsi %select_n3A_1131, %rem3A_1137 : vector<1024x1xi32>
    %ne3A_1139 = arith.constant 0 : i32
    %ne3A_1140 = vector.broadcast %ne3A_1139 : i32 to vector<1024x1xi32>
    %ne3A_1141 = arith.cmpi ne, %rem3A_1138, %ne3A_1140 : vector<1024x1xi32>
    %lt3A_1142 = arith.constant 0 : i32
    %lt3A_1143 = vector.broadcast %lt3A_1142 : i32 to vector<1024x1xi32>
    %lt3A_1144 = arith.cmpi slt, %rem3A_1138, %lt3A_1143 : vector<1024x1xi32>
    %lt3A_1145 = arith.constant 0 : i32
    %lt3A_1146 = arith.cmpi slt, %select_n3A_1136, %lt3A_1145 : i32
    %ne3A_1147 = vector.broadcast %lt3A_1146 : i1 to vector<1024x1xi1>
    %ne3A_1148 = vector.broadcast %ne3A_1147 : vector<1024x1xi1> to vector<1024x1xi1>
    %ne3A_1149 = arith.xori %lt3A_1144, %ne3A_1148 : vector<1024x1xi1>
    %and3A_1150 = arith.andi %ne3A_1149, %ne3A_1141 : vector<1024x1xi1>
    %add3A_1151 = vector.broadcast %select_n3A_1136 : i32 to vector<1024x1xi32>
    %add3A_1152 = arith.addi %rem3A_1138, %add3A_1151 : vector<1024x1xi32>
    %select_n3A_1153 = arith.select %and3A_1150, %add3A_1152, %rem3A_1138 : vector<1024x1xi1>, vector<1024x1xi32>
    %add3A_1154 = arith.addi %add3A_1100, %select_n3A_1153 : vector<1024x1xi32>
    %concatenate3A = tpu.concatenate %add3A_91, %add3A_199, %add3A_307, %add3A_415, %add3A_523, %add3A_631, %add3A_739, %add3A_847, %add3A_955, %add3A_1063, %add3A_1154, %add3A_1154, %add3A_1154, %add3A_1154, %add3A_1154, %add3A_1154 in 1 : vector<1024x1xi32>, vector<1024x1xi32>, vector<1024x1xi32>, vector<1024x1xi32>, vector<1024x1xi32>, vector<1024x1xi32>, vector<1024x1xi32>, vector<1024x1xi32>, vector<1024x1xi32>, vector<1024x1xi32>, vector<1024x1xi32>, vector<1024x1xi32>, vector<1024x1xi32>, vector<1024x1xi32>, vector<1024x1xi32>, vector<1024x1xi32> -> vector<1024x16xi32>
    %swap3A = arith.constant 0 : index
    %swap3A_1155 = arith.constant 0 : index
    %swap3A_1156 = vector.load %arg1[%swap3A, %swap3A_1155] : memref<1024x16xi32, #tpu.memory_space<vmem>>, vector<1024x16xi32>
    tpu.vector_store %arg1[%swap3A, %swap3A_1155], %concatenate3A {strides = array<i32>} : memref<1024x16xi32, #tpu.memory_space<vmem>>, vector<1024x16xi32>,
    return
  }
}

module attributes {stable_mosaic.version = 14 : i64} {
  func.func @_kth_body(%arg0: memref<1024x2048xi32, #tpu.memory_space<vmem>>, %arg1: memref<1024x128xf32, #tpu.memory_space<vmem>>, %arg2: memref<1024x1xf32, #tpu.memory_space<vmem>>) attributes {dimension_semantics = [], scalar_prefetch = 0 : i64, scratch_operands = 0 : i64, tpu.core_type = #tpu.core_type<tc>} {
    %get3A = arith.constant 0 : index
    %get3A_0 = arith.constant 0 : index
    %get3A_1 = vector.load %arg0[%get3A, %get3A_0] : memref<1024x2048xi32, #tpu.memory_space<vmem>>, vector<1024x2048xi32>
    %iota3A = tpu.iota {dimensions = array<i32: 0>} : vector<1024x1xi32>
    %jit3A = arith.constant 2 : i32
    %eq3A = arith.constant 0 : i32
    %eq3A_2 = arith.cmpi eq, %jit3A, %eq3A : i32
    %jit3A_3 = arith.constant 1 : i32
    %select_n3A = arith.select %eq3A_2, %jit3A_3, %jit3A : i32
    %rem3A = vector.broadcast %select_n3A : i32 to vector<1024x1xi32>
    %rem3A_4 = arith.remsi %iota3A, %rem3A : vector<1024x1xi32>
    %ne3A = arith.constant 0 : i32
    %ne3A_5 = vector.broadcast %ne3A : i32 to vector<1024x1xi32>
    %ne3A_6 = arith.cmpi ne, %rem3A_4, %ne3A_5 : vector<1024x1xi32>
    %lt3A = arith.constant 0 : i32
    %lt3A_7 = vector.broadcast %lt3A : i32 to vector<1024x1xi32>
    %lt3A_8 = arith.cmpi slt, %rem3A_4, %lt3A_7 : vector<1024x1xi32>
    %lt3A_9 = arith.constant 0 : i32
    %lt3A_10 = arith.cmpi slt, %select_n3A, %lt3A_9 : i32
    %ne3A_11 = vector.broadcast %lt3A_10 : i1 to vector<1024x1xi1>
    %ne3A_12 = vector.broadcast %ne3A_11 : vector<1024x1xi1> to vector<1024x1xi1>
    %ne3A_13 = arith.xori %lt3A_8, %ne3A_12 : vector<1024x1xi1>
    %and3A = arith.andi %ne3A_13, %ne3A_6 : vector<1024x1xi1>
    %add3A = vector.broadcast %select_n3A : i32 to vector<1024x1xi32>
    %add3A_14 = arith.addi %rem3A_4, %add3A : vector<1024x1xi32>
    %select_n3A_15 = arith.select %and3A, %add3A_14, %rem3A_4 : vector<1024x1xi1>, vector<1024x1xi32>
    %eq3A_16 = arith.constant 1 : i32
    %eq3A_17 = vector.broadcast %eq3A_16 : i32 to vector<1024x1xi32>
    %eq3A_18 = arith.cmpi eq, %select_n3A_15, %eq3A_17 : vector<1024x1xi32>
    %shift_right_arithmetic3A = arith.constant 16 : i32
    %shift_right_arithmetic3A_19 = vector.broadcast %shift_right_arithmetic3A : i32 to vector<1024x2048xi32>
    %shift_right_arithmetic3A_20 = arith.shrsi %get3A_1, %shift_right_arithmetic3A_19 : vector<1024x2048xi32>
    %shift_left3A = arith.constant 16 : i32
    %shift_left3A_21 = vector.broadcast %shift_left3A : i32 to vector<1024x2048xi32>
    %shift_left3A_22 = arith.shli %shift_right_arithmetic3A_20, %shift_left3A_21 : vector<1024x2048xi32>
    %shift_left3A_23 = arith.constant 16 : i32
    %shift_left3A_24 = vector.broadcast %shift_left3A_23 : i32 to vector<1024x2048xi32>
    %shift_left3A_25 = arith.shli %get3A_1, %shift_left3A_24 : vector<1024x2048xi32>
    %broadcast_in_dim3A = vector.shape_cast %eq3A_18 : vector<1024x1xi1> to vector<1024x1xi1>
    %broadcast_in_dim3A_26 = vector.broadcast %broadcast_in_dim3A : vector<1024x1xi1> to vector<1024x2048xi1>
    %select_n3A_27 = arith.select %broadcast_in_dim3A_26, %shift_left3A_22, %shift_left3A_25 : vector<1024x2048xi1>, vector<1024x2048xi32>
    %bitcast_convert_type3A = tpu.bitcast %select_n3A_27 : vector<1024x2048xi32> -> vector<1024x2048xf32>
    %broadcast_in_dim3A_28 = arith.constant 10 : i32
    %broadcast_in_dim3A_29 = vector.broadcast %broadcast_in_dim3A_28 : i32 to vector<1024x1xi32>
    %broadcast_in_dim3A_30 = arith.constant 0.000000e+00 : f32
    %broadcast_in_dim3A_31 = vector.broadcast %broadcast_in_dim3A_30 : f32 to vector<1024x1xf32>
    %reduce_min3A = arith.constant dense<0x7F800000> : vector<1024xf32>
    %reduce_min3A_32 = vector.multi_reduction <minimumf>, %bitcast_convert_type3A, %reduce_min3A [1] : vector<1024x2048xf32> to vector<1024xf32>
    %broadcast_in_dim3A_33 = vector.shape_cast %reduce_min3A_32 : vector<1024xf32> to vector<1024x1xf32>
    %eq3A_34 = vector.broadcast %broadcast_in_dim3A_33 : vector<1024x1xf32> to vector<1024x2048xf32>
    %eq3A_35 = arith.cmpf oeq, %bitcast_convert_type3A, %eq3A_34 : vector<1024x2048xf32>
    %convert_element_type3A = arith.extui %eq3A_35 : vector<1024x2048xi1> to vector<1024x2048xi32>
    %reduce_sum3A = arith.constant dense<0> : vector<1024xi32>
    %reduce_sum3A_36 = vector.multi_reduction <add>, %convert_element_type3A, %reduce_sum3A [1] : vector<1024x2048xi32> to vector<1024xi32>
    %broadcast_in_dim3A_37 = vector.shape_cast %reduce_sum3A_36 : vector<1024xi32> to vector<1024x1xi32>
    %ge3A = arith.constant 1 : i32
    %ge3A_38 = vector.broadcast %ge3A : i32 to vector<1024x1xi32>
    %ge3A_39 = arith.cmpi sge, %broadcast_in_dim3A_29, %ge3A_38 : vector<1024x1xi32>
    %le3A = arith.cmpi sle, %broadcast_in_dim3A_29, %broadcast_in_dim3A_37 : vector<1024x1xi32>
    %and3A_40 = arith.andi %ge3A_39, %le3A : vector<1024x1xi1>
    %select_n3A_41 = arith.select %and3A_40, %broadcast_in_dim3A_33, %broadcast_in_dim3A_31 : vector<1024x1xi1>, vector<1024x1xf32>
    %sub3A = arith.subi %broadcast_in_dim3A_29, %broadcast_in_dim3A_37 : vector<1024x1xi32>
    %jit3A_42 = arith.constant 3.000000e+38 : f32
    %broadcast_in_dim3A_43 = vector.broadcast %jit3A_42 : f32 to vector<1024x2048xf32>
    %select_n3A_44 = arith.select %eq3A_35, %broadcast_in_dim3A_43, %bitcast_convert_type3A : vector<1024x2048xi1>, vector<1024x2048xf32>
    %reduce_min3A_45 = arith.constant dense<0x7F800000> : vector<1024xf32>
    %reduce_min3A_46 = vector.multi_reduction <minimumf>, %select_n3A_44, %reduce_min3A_45 [1] : vector<1024x2048xf32> to vector<1024xf32>
    %broadcast_in_dim3A_47 = vector.shape_cast %reduce_min3A_46 : vector<1024xf32> to vector<1024x1xf32>
    %eq3A_48 = vector.broadcast %broadcast_in_dim3A_47 : vector<1024x1xf32> to vector<1024x2048xf32>
    %eq3A_49 = arith.cmpf oeq, %select_n3A_44, %eq3A_48 : vector<1024x2048xf32>
    %convert_element_type3A_50 = arith.extui %eq3A_49 : vector<1024x2048xi1> to vector<1024x2048xi32>
    %reduce_sum3A_51 = arith.constant dense<0> : vector<1024xi32>
    %reduce_sum3A_52 = vector.multi_reduction <add>, %convert_element_type3A_50, %reduce_sum3A_51 [1] : vector<1024x2048xi32> to vector<1024xi32>
    %broadcast_in_dim3A_53 = vector.shape_cast %reduce_sum3A_52 : vector<1024xi32> to vector<1024x1xi32>
    %ge3A_54 = arith.constant 1 : i32
    %ge3A_55 = vector.broadcast %ge3A_54 : i32 to vector<1024x1xi32>
    %ge3A_56 = arith.cmpi sge, %sub3A, %ge3A_55 : vector<1024x1xi32>
    %le3A_57 = arith.cmpi sle, %sub3A, %broadcast_in_dim3A_53 : vector<1024x1xi32>
    %and3A_58 = arith.andi %ge3A_56, %le3A_57 : vector<1024x1xi1>
    %select_n3A_59 = arith.select %and3A_58, %broadcast_in_dim3A_47, %select_n3A_41 : vector<1024x1xi1>, vector<1024x1xf32>
    %sub3A_60 = arith.subi %sub3A, %broadcast_in_dim3A_53 : vector<1024x1xi32>
    %jit3A_61 = arith.constant 3.000000e+38 : f32
    %broadcast_in_dim3A_62 = vector.broadcast %jit3A_61 : f32 to vector<1024x2048xf32>
    %select_n3A_63 = arith.select %eq3A_49, %broadcast_in_dim3A_62, %select_n3A_44 : vector<1024x2048xi1>, vector<1024x2048xf32>
    %reduce_min3A_64 = arith.constant dense<0x7F800000> : vector<1024xf32>
    %reduce_min3A_65 = vector.multi_reduction <minimumf>, %select_n3A_63, %reduce_min3A_64 [1] : vector<1024x2048xf32> to vector<1024xf32>
    %broadcast_in_dim3A_66 = vector.shape_cast %reduce_min3A_65 : vector<1024xf32> to vector<1024x1xf32>
    %eq3A_67 = vector.broadcast %broadcast_in_dim3A_66 : vector<1024x1xf32> to vector<1024x2048xf32>
    %eq3A_68 = arith.cmpf oeq, %select_n3A_63, %eq3A_67 : vector<1024x2048xf32>
    %convert_element_type3A_69 = arith.extui %eq3A_68 : vector<1024x2048xi1> to vector<1024x2048xi32>
    %reduce_sum3A_70 = arith.constant dense<0> : vector<1024xi32>
    %reduce_sum3A_71 = vector.multi_reduction <add>, %convert_element_type3A_69, %reduce_sum3A_70 [1] : vector<1024x2048xi32> to vector<1024xi32>
    %broadcast_in_dim3A_72 = vector.shape_cast %reduce_sum3A_71 : vector<1024xi32> to vector<1024x1xi32>
    %ge3A_73 = arith.constant 1 : i32
    %ge3A_74 = vector.broadcast %ge3A_73 : i32 to vector<1024x1xi32>
    %ge3A_75 = arith.cmpi sge, %sub3A_60, %ge3A_74 : vector<1024x1xi32>
    %le3A_76 = arith.cmpi sle, %sub3A_60, %broadcast_in_dim3A_72 : vector<1024x1xi32>
    %and3A_77 = arith.andi %ge3A_75, %le3A_76 : vector<1024x1xi1>
    %select_n3A_78 = arith.select %and3A_77, %broadcast_in_dim3A_66, %select_n3A_59 : vector<1024x1xi1>, vector<1024x1xf32>
    %sub3A_79 = arith.subi %sub3A_60, %broadcast_in_dim3A_72 : vector<1024x1xi32>
    %jit3A_80 = arith.constant 3.000000e+38 : f32
    %broadcast_in_dim3A_81 = vector.broadcast %jit3A_80 : f32 to vector<1024x2048xf32>
    %select_n3A_82 = arith.select %eq3A_68, %broadcast_in_dim3A_81, %select_n3A_63 : vector<1024x2048xi1>, vector<1024x2048xf32>
    %reduce_min3A_83 = arith.constant dense<0x7F800000> : vector<1024xf32>
    %reduce_min3A_84 = vector.multi_reduction <minimumf>, %select_n3A_82, %reduce_min3A_83 [1] : vector<1024x2048xf32> to vector<1024xf32>
    %broadcast_in_dim3A_85 = vector.shape_cast %reduce_min3A_84 : vector<1024xf32> to vector<1024x1xf32>
    %eq3A_86 = vector.broadcast %broadcast_in_dim3A_85 : vector<1024x1xf32> to vector<1024x2048xf32>
    %eq3A_87 = arith.cmpf oeq, %select_n3A_82, %eq3A_86 : vector<1024x2048xf32>
    %convert_element_type3A_88 = arith.extui %eq3A_87 : vector<1024x2048xi1> to vector<1024x2048xi32>
    %reduce_sum3A_89 = arith.constant dense<0> : vector<1024xi32>
    %reduce_sum3A_90 = vector.multi_reduction <add>, %convert_element_type3A_88, %reduce_sum3A_89 [1] : vector<1024x2048xi32> to vector<1024xi32>
    %broadcast_in_dim3A_91 = vector.shape_cast %reduce_sum3A_90 : vector<1024xi32> to vector<1024x1xi32>
    %ge3A_92 = arith.constant 1 : i32
    %ge3A_93 = vector.broadcast %ge3A_92 : i32 to vector<1024x1xi32>
    %ge3A_94 = arith.cmpi sge, %sub3A_79, %ge3A_93 : vector<1024x1xi32>
    %le3A_95 = arith.cmpi sle, %sub3A_79, %broadcast_in_dim3A_91 : vector<1024x1xi32>
    %and3A_96 = arith.andi %ge3A_94, %le3A_95 : vector<1024x1xi1>
    %select_n3A_97 = arith.select %and3A_96, %broadcast_in_dim3A_85, %select_n3A_78 : vector<1024x1xi1>, vector<1024x1xf32>
    %sub3A_98 = arith.subi %sub3A_79, %broadcast_in_dim3A_91 : vector<1024x1xi32>
    %jit3A_99 = arith.constant 3.000000e+38 : f32
    %broadcast_in_dim3A_100 = vector.broadcast %jit3A_99 : f32 to vector<1024x2048xf32>
    %select_n3A_101 = arith.select %eq3A_87, %broadcast_in_dim3A_100, %select_n3A_82 : vector<1024x2048xi1>, vector<1024x2048xf32>
    %reduce_min3A_102 = arith.constant dense<0x7F800000> : vector<1024xf32>
    %reduce_min3A_103 = vector.multi_reduction <minimumf>, %select_n3A_101, %reduce_min3A_102 [1] : vector<1024x2048xf32> to vector<1024xf32>
    %broadcast_in_dim3A_104 = vector.shape_cast %reduce_min3A_103 : vector<1024xf32> to vector<1024x1xf32>
    %eq3A_105 = vector.broadcast %broadcast_in_dim3A_104 : vector<1024x1xf32> to vector<1024x2048xf32>
    %eq3A_106 = arith.cmpf oeq, %select_n3A_101, %eq3A_105 : vector<1024x2048xf32>
    %convert_element_type3A_107 = arith.extui %eq3A_106 : vector<1024x2048xi1> to vector<1024x2048xi32>
    %reduce_sum3A_108 = arith.constant dense<0> : vector<1024xi32>
    %reduce_sum3A_109 = vector.multi_reduction <add>, %convert_element_type3A_107, %reduce_sum3A_108 [1] : vector<1024x2048xi32> to vector<1024xi32>
    %broadcast_in_dim3A_110 = vector.shape_cast %reduce_sum3A_109 : vector<1024xi32> to vector<1024x1xi32>
    %ge3A_111 = arith.constant 1 : i32
    %ge3A_112 = vector.broadcast %ge3A_111 : i32 to vector<1024x1xi32>
    %ge3A_113 = arith.cmpi sge, %sub3A_98, %ge3A_112 : vector<1024x1xi32>
    %le3A_114 = arith.cmpi sle, %sub3A_98, %broadcast_in_dim3A_110 : vector<1024x1xi32>
    %and3A_115 = arith.andi %ge3A_113, %le3A_114 : vector<1024x1xi1>
    %select_n3A_116 = arith.select %and3A_115, %broadcast_in_dim3A_104, %select_n3A_97 : vector<1024x1xi1>, vector<1024x1xf32>
    %sub3A_117 = arith.subi %sub3A_98, %broadcast_in_dim3A_110 : vector<1024x1xi32>
    %jit3A_118 = arith.constant 3.000000e+38 : f32
    %broadcast_in_dim3A_119 = vector.broadcast %jit3A_118 : f32 to vector<1024x2048xf32>
    %select_n3A_120 = arith.select %eq3A_106, %broadcast_in_dim3A_119, %select_n3A_101 : vector<1024x2048xi1>, vector<1024x2048xf32>
    %reduce_min3A_121 = arith.constant dense<0x7F800000> : vector<1024xf32>
    %reduce_min3A_122 = vector.multi_reduction <minimumf>, %select_n3A_120, %reduce_min3A_121 [1] : vector<1024x2048xf32> to vector<1024xf32>
    %broadcast_in_dim3A_123 = vector.shape_cast %reduce_min3A_122 : vector<1024xf32> to vector<1024x1xf32>
    %eq3A_124 = vector.broadcast %broadcast_in_dim3A_123 : vector<1024x1xf32> to vector<1024x2048xf32>
    %eq3A_125 = arith.cmpf oeq, %select_n3A_120, %eq3A_124 : vector<1024x2048xf32>
    %convert_element_type3A_126 = arith.extui %eq3A_125 : vector<1024x2048xi1> to vector<1024x2048xi32>
    %reduce_sum3A_127 = arith.constant dense<0> : vector<1024xi32>
    %reduce_sum3A_128 = vector.multi_reduction <add>, %convert_element_type3A_126, %reduce_sum3A_127 [1] : vector<1024x2048xi32> to vector<1024xi32>
    %broadcast_in_dim3A_129 = vector.shape_cast %reduce_sum3A_128 : vector<1024xi32> to vector<1024x1xi32>
    %ge3A_130 = arith.constant 1 : i32
    %ge3A_131 = vector.broadcast %ge3A_130 : i32 to vector<1024x1xi32>
    %ge3A_132 = arith.cmpi sge, %sub3A_117, %ge3A_131 : vector<1024x1xi32>
    %le3A_133 = arith.cmpi sle, %sub3A_117, %broadcast_in_dim3A_129 : vector<1024x1xi32>
    %and3A_134 = arith.andi %ge3A_132, %le3A_133 : vector<1024x1xi1>
    %select_n3A_135 = arith.select %and3A_134, %broadcast_in_dim3A_123, %select_n3A_116 : vector<1024x1xi1>, vector<1024x1xf32>
    %sub3A_136 = arith.subi %sub3A_117, %broadcast_in_dim3A_129 : vector<1024x1xi32>
    %jit3A_137 = arith.constant 3.000000e+38 : f32
    %broadcast_in_dim3A_138 = vector.broadcast %jit3A_137 : f32 to vector<1024x2048xf32>
    %select_n3A_139 = arith.select %eq3A_125, %broadcast_in_dim3A_138, %select_n3A_120 : vector<1024x2048xi1>, vector<1024x2048xf32>
    %reduce_min3A_140 = arith.constant dense<0x7F800000> : vector<1024xf32>
    %reduce_min3A_141 = vector.multi_reduction <minimumf>, %select_n3A_139, %reduce_min3A_140 [1] : vector<1024x2048xf32> to vector<1024xf32>
    %broadcast_in_dim3A_142 = vector.shape_cast %reduce_min3A_141 : vector<1024xf32> to vector<1024x1xf32>
    %eq3A_143 = vector.broadcast %broadcast_in_dim3A_142 : vector<1024x1xf32> to vector<1024x2048xf32>
    %eq3A_144 = arith.cmpf oeq, %select_n3A_139, %eq3A_143 : vector<1024x2048xf32>
    %convert_element_type3A_145 = arith.extui %eq3A_144 : vector<1024x2048xi1> to vector<1024x2048xi32>
    %reduce_sum3A_146 = arith.constant dense<0> : vector<1024xi32>
    %reduce_sum3A_147 = vector.multi_reduction <add>, %convert_element_type3A_145, %reduce_sum3A_146 [1] : vector<1024x2048xi32> to vector<1024xi32>
    %broadcast_in_dim3A_148 = vector.shape_cast %reduce_sum3A_147 : vector<1024xi32> to vector<1024x1xi32>
    %ge3A_149 = arith.constant 1 : i32
    %ge3A_150 = vector.broadcast %ge3A_149 : i32 to vector<1024x1xi32>
    %ge3A_151 = arith.cmpi sge, %sub3A_136, %ge3A_150 : vector<1024x1xi32>
    %le3A_152 = arith.cmpi sle, %sub3A_136, %broadcast_in_dim3A_148 : vector<1024x1xi32>
    %and3A_153 = arith.andi %ge3A_151, %le3A_152 : vector<1024x1xi1>
    %select_n3A_154 = arith.select %and3A_153, %broadcast_in_dim3A_142, %select_n3A_135 : vector<1024x1xi1>, vector<1024x1xf32>
    %sub3A_155 = arith.subi %sub3A_136, %broadcast_in_dim3A_148 : vector<1024x1xi32>
    %jit3A_156 = arith.constant 3.000000e+38 : f32
    %broadcast_in_dim3A_157 = vector.broadcast %jit3A_156 : f32 to vector<1024x2048xf32>
    %select_n3A_158 = arith.select %eq3A_144, %broadcast_in_dim3A_157, %select_n3A_139 : vector<1024x2048xi1>, vector<1024x2048xf32>
    %reduce_min3A_159 = arith.constant dense<0x7F800000> : vector<1024xf32>
    %reduce_min3A_160 = vector.multi_reduction <minimumf>, %select_n3A_158, %reduce_min3A_159 [1] : vector<1024x2048xf32> to vector<1024xf32>
    %broadcast_in_dim3A_161 = vector.shape_cast %reduce_min3A_160 : vector<1024xf32> to vector<1024x1xf32>
    %eq3A_162 = vector.broadcast %broadcast_in_dim3A_161 : vector<1024x1xf32> to vector<1024x2048xf32>
    %eq3A_163 = arith.cmpf oeq, %select_n3A_158, %eq3A_162 : vector<1024x2048xf32>
    %convert_element_type3A_164 = arith.extui %eq3A_163 : vector<1024x2048xi1> to vector<1024x2048xi32>
    %reduce_sum3A_165 = arith.constant dense<0> : vector<1024xi32>
    %reduce_sum3A_166 = vector.multi_reduction <add>, %convert_element_type3A_164, %reduce_sum3A_165 [1] : vector<1024x2048xi32> to vector<1024xi32>
    %broadcast_in_dim3A_167 = vector.shape_cast %reduce_sum3A_166 : vector<1024xi32> to vector<1024x1xi32>
    %ge3A_168 = arith.constant 1 : i32
    %ge3A_169 = vector.broadcast %ge3A_168 : i32 to vector<1024x1xi32>
    %ge3A_170 = arith.cmpi sge, %sub3A_155, %ge3A_169 : vector<1024x1xi32>
    %le3A_171 = arith.cmpi sle, %sub3A_155, %broadcast_in_dim3A_167 : vector<1024x1xi32>
    %and3A_172 = arith.andi %ge3A_170, %le3A_171 : vector<1024x1xi1>
    %select_n3A_173 = arith.select %and3A_172, %broadcast_in_dim3A_161, %select_n3A_154 : vector<1024x1xi1>, vector<1024x1xf32>
    %sub3A_174 = arith.subi %sub3A_155, %broadcast_in_dim3A_167 : vector<1024x1xi32>
    %jit3A_175 = arith.constant 3.000000e+38 : f32
    %broadcast_in_dim3A_176 = vector.broadcast %jit3A_175 : f32 to vector<1024x2048xf32>
    %select_n3A_177 = arith.select %eq3A_163, %broadcast_in_dim3A_176, %select_n3A_158 : vector<1024x2048xi1>, vector<1024x2048xf32>
    %reduce_min3A_178 = arith.constant dense<0x7F800000> : vector<1024xf32>
    %reduce_min3A_179 = vector.multi_reduction <minimumf>, %select_n3A_177, %reduce_min3A_178 [1] : vector<1024x2048xf32> to vector<1024xf32>
    %broadcast_in_dim3A_180 = vector.shape_cast %reduce_min3A_179 : vector<1024xf32> to vector<1024x1xf32>
    %eq3A_181 = vector.broadcast %broadcast_in_dim3A_180 : vector<1024x1xf32> to vector<1024x2048xf32>
    %eq3A_182 = arith.cmpf oeq, %select_n3A_177, %eq3A_181 : vector<1024x2048xf32>
    %convert_element_type3A_183 = arith.extui %eq3A_182 : vector<1024x2048xi1> to vector<1024x2048xi32>
    %reduce_sum3A_184 = arith.constant dense<0> : vector<1024xi32>
    %reduce_sum3A_185 = vector.multi_reduction <add>, %convert_element_type3A_183, %reduce_sum3A_184 [1] : vector<1024x2048xi32> to vector<1024xi32>
    %broadcast_in_dim3A_186 = vector.shape_cast %reduce_sum3A_185 : vector<1024xi32> to vector<1024x1xi32>
    %ge3A_187 = arith.constant 1 : i32
    %ge3A_188 = vector.broadcast %ge3A_187 : i32 to vector<1024x1xi32>
    %ge3A_189 = arith.cmpi sge, %sub3A_174, %ge3A_188 : vector<1024x1xi32>
    %le3A_190 = arith.cmpi sle, %sub3A_174, %broadcast_in_dim3A_186 : vector<1024x1xi32>
    %and3A_191 = arith.andi %ge3A_189, %le3A_190 : vector<1024x1xi1>
    %select_n3A_192 = arith.select %and3A_191, %broadcast_in_dim3A_180, %select_n3A_173 : vector<1024x1xi1>, vector<1024x1xf32>
    %sub3A_193 = arith.subi %sub3A_174, %broadcast_in_dim3A_186 : vector<1024x1xi32>
    %jit3A_194 = arith.constant 3.000000e+38 : f32
    %broadcast_in_dim3A_195 = vector.broadcast %jit3A_194 : f32 to vector<1024x2048xf32>
    %select_n3A_196 = arith.select %eq3A_182, %broadcast_in_dim3A_195, %select_n3A_177 : vector<1024x2048xi1>, vector<1024x2048xf32>
    %reduce_min3A_197 = arith.constant dense<0x7F800000> : vector<1024xf32>
    %reduce_min3A_198 = vector.multi_reduction <minimumf>, %select_n3A_196, %reduce_min3A_197 [1] : vector<1024x2048xf32> to vector<1024xf32>
    %broadcast_in_dim3A_199 = vector.shape_cast %reduce_min3A_198 : vector<1024xf32> to vector<1024x1xf32>
    %eq3A_200 = vector.broadcast %broadcast_in_dim3A_199 : vector<1024x1xf32> to vector<1024x2048xf32>
    %eq3A_201 = arith.cmpf oeq, %select_n3A_196, %eq3A_200 : vector<1024x2048xf32>
    %convert_element_type3A_202 = arith.extui %eq3A_201 : vector<1024x2048xi1> to vector<1024x2048xi32>
    %reduce_sum3A_203 = arith.constant dense<0> : vector<1024xi32>
    %reduce_sum3A_204 = vector.multi_reduction <add>, %convert_element_type3A_202, %reduce_sum3A_203 [1] : vector<1024x2048xi32> to vector<1024xi32>
    %broadcast_in_dim3A_205 = vector.shape_cast %reduce_sum3A_204 : vector<1024xi32> to vector<1024x1xi32>
    %ge3A_206 = arith.constant 1 : i32
    %ge3A_207 = vector.broadcast %ge3A_206 : i32 to vector<1024x1xi32>
    %ge3A_208 = arith.cmpi sge, %sub3A_193, %ge3A_207 : vector<1024x1xi32>
    %le3A_209 = arith.cmpi sle, %sub3A_193, %broadcast_in_dim3A_205 : vector<1024x1xi32>
    %and3A_210 = arith.andi %ge3A_208, %le3A_209 : vector<1024x1xi1>
    %select_n3A_211 = arith.select %and3A_210, %broadcast_in_dim3A_199, %select_n3A_192 : vector<1024x1xi1>, vector<1024x1xf32>
    %get3A_212 = arith.constant 0 : index
    %get3A_213 = arith.constant 0 : index
    %get3A_214 = vector.load %arg1[%get3A_212, %get3A_213] : memref<1024x128xf32, #tpu.memory_space<vmem>>, vector<1024x128xf32>
    %mul3A = arith.mulf %get3A_214, %get3A_214 : vector<1024x128xf32>
    %reduce_sum3A_215 = arith.constant dense<0.000000e+00> : vector<1024xf32>
    %reduce_sum3A_216 = vector.multi_reduction <add>, %mul3A, %reduce_sum3A_215 [1] : vector<1024x128xf32> to vector<1024xf32>
    %broadcast_in_dim3A_217 = vector.shape_cast %reduce_sum3A_216 : vector<1024xf32> to vector<1024x1xf32>
    %add3A_218 = arith.addf %select_n3A_211, %broadcast_in_dim3A_217 : vector<1024x1xf32>
    %max3A = arith.constant 9.99999996E-13 : f32
    %max3A_219 = vector.broadcast %max3A : f32 to vector<1024x1xf32>
    %max3A_220 = arith.maximumf %add3A_218, %max3A_219 : vector<1024x1xf32>
    %sqrt3A = math.sqrt %max3A_220 : vector<1024x1xf32>
    %swap3A = arith.constant 0 : index
    %swap3A_221 = arith.constant 0 : index
    %swap3A_222 = vector.load %arg2[%swap3A, %swap3A_221] : memref<1024x1xf32, #tpu.memory_space<vmem>>, vector<1024x1xf32>
    tpu.vector_store %arg2[%swap3A, %swap3A_221], %sqrt3A {strides = array<i32>} : memref<1024x1xf32, #tpu.memory_space<vmem>>, vector<1024x1xf32>,
    return
  }
}

</mosaic_0001>

<sc_bundles>
// kernel: kernel.6.cloned.1.call-start
scs
__scs_entry_jumppad:
0x0: {  	(pc) =	sbr.rel $0x88, $3  }
0x1: {  	(tag) =	ssettag $0x0;
	lr =	simm.s32 $0x1  }
0x2: {  	[smem:$0x3F9F] =	sst lr;
	_ =	strace $0xD0000000  }
0x3: {  	_ = 	snop  }
0x4: {  	_ = 	snop  }
0x5: {  	_ = 	snop  }
0x6: {  	_ = 	snop  }
0x7: {  	_ = 	snop  }
__scs_overlays_trampoline_lowered:
0x8: {  	[smem:$0x3FAE] =	sst s0  }
0x9: {  	[smem:$0x3FAF] =	sst s1  }
0xa: {  	[smem:$0x3FB0] =	sst s2  }
0xb: {  	[smem:$0x3FB1] =	sst s3  }
0xc: {  	[smem:$0x3FB2] =	sst s4  }
0xd: {  	[smem:$0x3FB3] =	sst s5  }
0xe: {  	[smem:$0x3FB4] =	sst s6  }
0xf: {  	[smem:$0x3FB5] =	sst s7  }
0x10: {  	[smem:$0x3FB6] =	sst s8  }
0x11: {  	[smem:$0x3FB7] =	sst s9;
	s0 =	simm.s32 @!p0 $0x0  }
0x12: {  	s1 =	sld [smem:$0x3F9D];
	s0 =	simm.s32 @p0 $0x1  }
0x13: {  	[smem:$0x3FB8] =	sst s0;
	s0 =	simm.s32 @!p1 $0x0  }
0x14: {  	s2 =	sld [smem:$0x3F9C];
	s0 =	simm.s32 @p1 $0x1  }
0x15: {  	[smem:$0x3FB9] =	sst s0;
	s0 =	simm.s32 @!p2 $0x0  }
0x16: {  	s3 =	sld [smem:$0x3FDB];
	s0 =	simm.s32 @p2 $0x1  }
0x17: {  	s4 =	simm.s32 $0x1BF5;
	[smem:$0x3FBB] =	sst s0  }
0x18: {  	s0 =	sld [smem:$0x3F9E];
	_ =	swait.ge [sflag:s4], $0x0  }
0x19: {  	s7 =	sld [smem:$0x3F9F]  }
0x1a: {  	s8 =	sadd.s32 $0xFFFFE003, lr  }
0x1b: {  	s9 =	sadd.s32 $0xFFFFFEF7, lr;
	s5 =	simm.s32 $0xFFFFFFFF;
	p2 =	slt.u32 s8, $0xFFFFF086  }
0x1c: {  	p1 =	slt.u32 s9, $0xF7A;
	s5 =	simm.s32 @!p2 $0x0  }
0x1d: {  	s5 =	simm.s32 @p1 $0x1;
	p0 =	seq.s32 s7, s2  }
0x1e: {  	s7 =	smul.u32 @!p0 $0xF7A, s2;
	p2 =	seq.s32 @!p0 s5, $0x0  }
0x1f: {  	s9 =	smul.u32 $0xF7A, s1;
	s8 =	simm.s32 @!p0 $0x1BF5;
	p2 =	por !p2, p0  }
0x20: {  	[sflag:s8] =	ssyncset.s32 @!p0 $0xFFFFF086;
	s6 =	sadd.s32 @!p0 s3, s7;
	s7 =	simm.s32 @!p0 $0x108  }
0x21: {  	s3 =	sadd.s32 s3, s9;
	s6 =	sadd.s32 @!p0 $0x88, s6;
	s7 =	simm.s32 @p2 $0x1082  }
0x22: {  	[simem:s7], [sflag:s8] =	dma.local @!p0 [hbm:s6], $0xF7A  }
0x23: {  	s9 =	sor.u32 $0xD0000000, s2;
	s6 =	simm.s32 $0x108;
	_ =	swait.ge @!p0 [sflag:s8], $0x0  }
0x24: {  	s3 =	sadd.s32 $0x88, s3;
	s6 =	simm.s32 @!p1 $0x1082;
	[sflag:s4] =	ssyncset.s32 $0xFFFFF086  }
0x25: {  	[simem:s6], [sflag:s4] =	dma.local [hbm:s3], $0xF7A  }
0x26: {  	[smem:$0x3F9F] =	sst s1;
	(tag) =	ssettag s2;
	_ =	strace s9  }
0x27: {  	s1 =	sld [smem:$0x3FAF]  }
0x28: {  	s2 =	sld [smem:$0x3FB0]  }
0x29: {  	s4 =	sld [smem:$0x3FB2]  }
0x2a: {  	p0 =	seq.s32 s5, $0x0;
	s5 =	sld [smem:$0x3FB3]  }
0x2b: {  	s6 =	sld [smem:$0x3FB4]  }
0x2c: {  	s7 =	sld [smem:$0x3FB5]  }
0x2d: {  	s3 =	simm.s32 $0x108;
	s8 =	sld [smem:$0x3FB6]  }
0x2e: {  	s3 =	simm.s32 @!p0 $0x1082;
	s9 =	sld [smem:$0x3FB7]  }
0x2f: {  	lr =	sadd.s32 s0, s3;
	s0 =	sld [smem:$0x3FAE]  }
0x30: {  	s3 =	sld [smem:$0x3FB1]  }
0x31: {  	[smem:$0x3FBA] =	sst s10  }
0x32: {  	s10 =	sld [smem:$0x3FB8];
	_ =	sdelay $0x3  }
0x33: {  	p0 =	seq.s32 s10, $0x1;
	s10 =	sld [smem:$0x3FBA];
	_ =	sdelay $0x3  }
0x34: {  	[smem:$0x3FBA] =	sst s10  }
0x35: {  	s10 =	sld [smem:$0x3FB9];
	_ =	sdelay $0x3  }
0x36: {  	p1 =	seq.s32 s10, $0x1;
	s10 =	sld [smem:$0x3FBA];
	_ =	sdelay $0x3  }
0x37: {  	[smem:$0x3FBA] =	sst s10  }
0x38: {  	s10 =	sld [smem:$0x3FBB]  }
0x39: {  	_ = 	snop;
	(pc) =	sbr.ind lr, $3  }
0x3a: {  	_ = 	snop  }
0x3b: {  	_ = 	snop  }
0x3c: {  	p2 =	seq.s32 s10, $0x1;
	s10 =	sld [smem:$0x3FBA]  }
0x3d: {  	_ =	shalt  }
0x3e: {  	_ =	shalt  }
0x3f: {  	_ =	shalt  }
0x40: {  	_ =	shalt  }
0x41: {  	_ =	shalt  }
0x42: {  	_ =	shalt  }
0x43: {  	_ =	shalt  }
0x44: {  	_ =	shalt  }
0x45: {  	_ =	shalt  }
0x46: {  	_ =	shalt  }
0x47: {  	_ =	shalt  }
0x48: {  	_ =	shalt  }
0x49: {  	_ =	shalt  }
0x4a: {  	_ =	shalt  }
0x4b: {  	_ =	shalt  }
0x4c: {  	_ =	shalt  }
0x4d: {  	_ =	shalt  }
0x4e: {  	_ =	shalt  }
0x4f: {  	_ =	shalt  }
0x50: {  	_ =	shalt  }
0x51: {  	_ =	shalt  }
0x52: {  	_ =	shalt  }
0x53: {  	_ =	shalt  }
0x54: {  	_ =	shalt  }
0x55: {  	_ =	shalt  }
0x56: {  	_ =	shalt  }
0x57: {  	_ =	shalt  }
0x58: {  	_ =	shalt  }
0x59: {  	_ =	shalt  }
0x5a: {  	_ =	shalt  }
0x5b: {  	_ =	shalt  }
0x5c: {  	_ =	shalt  }
0x5d: {  	_ =	shalt  }
0x5e: {  	_ =	shalt  }
0x5f: {  	_ =	shalt  }
0x60: {  	_ =	shalt  }
0x61: {  	_ =	shalt  }
0x62: {  	_ =	shalt  }
0x63: {  	_ =	shalt  }
0x64: {  	_ =	shalt  }
0x65: {  	_ =	shalt  }
0x66: {  	_ =	shalt  }
0x67: {  	_ =	shalt  }
0x68: {  	_ =	shalt  }
0x69: {  	_ =	shalt  }
0x6a: {  	_ =	shalt  }
0x6b: {  	_ =	shalt  }
0x6c: {  	_ =	shalt  }
0x6d: {  	_ =	shalt  }
0x6e: {  	_ =	shalt  }
0x6f: {  	_ =	shalt  }
0x70: {  	_ =	shalt  }
0x71: {  	_ =	shalt  }
0x72: {  	_ =	shalt  }
0x73: {  	_ =	shalt  }
0x74: {  	_ =	shalt  }
0x75: {  	_ =	shalt  }
0x76: {  	_ =	shalt  }
0x77: {  	_ =	shalt  }
0x78: {  	_ =	shalt  }
0x79: {  	_ =	shalt  }
0x7a: {  	_ =	shalt  }
0x7b: {  	_ =	shalt  }
0x7c: {  	_ =	shalt  }
0x7d: {  	_ =	shalt  }
0x7e: {  	_ =	shalt  }
0x7f: {  	_ =	shalt  }
0x80: {  	_ =	shalt  }
0x81: {  	_ =	shalt  }
0x82: {  	_ =	shalt  }
0x83: {  	_ =	shalt  }
0x84: {  	_ =	shalt  }
0x85: {  	_ =	shalt  }
0x86: {  	_ =	shalt  }
0x87: {  	_ =	shalt  }
.Lfunc_end0:
.L_simem_size_0:
called_computation_lowered:
.L_overlay_start_0:
0x88: {  	s2 =	sld [smem:$0x3FD9]  }
0x89: {  	s3 =	sld [smem:$0x3FFE];
	_ =	sdelay $0x1  }
0x8a: {  	s1 =	srdreg.scid  }
0x8b: {  	s0 =	sand.u32 $0x1, s1  }
0x8c: {  	s16 =	sshll.u32 s0, $0xA;
	s2 =	sadd.s32 s3, s2  }
0x8d: {  	s2 =	sadd.s32 s2, s16  }
0x8e: {  	[smem:$0x3FC6] =	sst s2  }
0x8f: {  	_ = 	snop  }
0x90: {  	(tm) =	ssettm $0x1  }
0x91: {  	s17 =	sld [smem:$0x3FFB];
	_ =	sdelay $0x3  }
0x92: {  	_ =	strace s17  }
0x93: {  	s2 =	sld [smem:$0x3FFC];
	_ =	sdelay $0x3  }
0x94: {  	_ =	strace s2  }
0x95: {  	s2 =	sld [smem:$0x3FFD];
	_ =	sdelay $0x3  }
0x96: {  	_ =	strace s2  }
0x97: {  	_ =	strace $0x8FFFFFFF  }
0x98: {  	s18 =	sld [smem:$0x3FDB];
	_ =	sdelay $0x1  }
0x99: {  	s19 =	simm.s32 $_scs_section_size  }
0x9a: {  	s4 =	simm.s32 $_size__tile_overlayer_lowered;
	s5 =	simm.s32 $_tile_overlayer_lowered  }
0x9b: {  	s22 =	simm.s32 $0x1BFF;
	s21 =	sshll.u32 s5, $0x1;
	s2 =	sadd.s32 s19, s18  }
0x9c: {  	s6 =	simm.s32 $0x0;
	s20 =	sshll.u32 s4, $0x1;
	s4 =	sadd.s32 s21, s2  }
0x9d: {  	[timem:s6], [sflag:s22] =	dma.local [hbm:s4], s20  }
0x9e: {  	_ =	swait.ge [sflag:s22], s20  }
0x9f: {  	s3 =	ssub.s32 $0x0, s20;
	[sflag:s22] =	ssyncset.done $0x0  }
0xa0: {  	[sflag:s22] =	ssyncadd.s32 s3;
	_ =	sdelay $0x1  }
0xa1: {  	s23 =	simm.s32 $0x1B8B  }
0xa2: {  	_ =	swait.ge [sflag:s23], $0x1  }
0xa3: {  	[sflag:s23] =	ssyncset.done $0x0  }
0xa4: {  	s25 =	simm.s32 $0x1B8E;
	s24 =	sld [smem:$0x3FFE];
	[sflag:s23] =	ssyncadd.s32 $0xFFFFFFFF  }
0xa5: {  	s26 =	simm.s32 $execute0_lowered;
	[smem:$0x3FD2] =	sst s25  }
0xa6: {  	s4 =	sshll.u32 s26, $0x1;
	_ =	strace $0x80000046;
	[dreg:$0x1] =	wrdreg $0xFFFFFFFF  }
0xa7: {  	s28 =	simm.s32 $_size_execute0_lowered;
	s2 =	sadd.s32 s2, s4;
	[dreg:$0x0] =	wrdreg $0x0  }
0xa8: {  	s4 =	sshll.u32 s28, $0x1;
	[dreg:$0x2] =	wrdreg s2  }
0xa9: {  	[dreg:$0x3] =	wrdreg s4  }
0xaa: {  	[dreg:$0x4] =	wrdreg $0xC0  }
0xab: {  	_ =	task [dreg:s6], $0x5FFFF  }
0xac: {  	[dreg:$0x1] =	wrdreg $0xFFFFFFFF  }
0xad: {  	[dreg:$0x0] =	wrdreg $0x60  }
0xae: {  	[dreg:$0x2] =	wrdreg s24  }
0xaf: {  	[dreg:$0x3] =	wrdreg $0x9  }
0xb0: {  	_ =	task.clear_ibuf [dreg:s6], $0x4FFFF;
	_ =	strace $0x90000046  }
0xb1: {  	s29 =	simm.s32 $0x9;
	_ =	strace $0x80000048  }
0xb2: {  	_ =	swait.ge [sflag:s29], $0x1  }
0xb3: {  	[sflag:s29] =	ssyncadd.s32 $0xFFFFFFFF  }
0xb4: {  	_ =	strace $0x90000048  }
0xb5: {  	_ =	sfence  }
0xb6: {  	s30 =	sld [smem:$0x0];
	_ =	sdelay $0x2  }
0xb7: {  	s31 =	sshll.u32 s1, $0xD;
	s1 =	sshrl.u32 s1, $0x2  }
0xb8: {  	s3 =	sand.u32 $0x4000, s31;
	s1 =	sadd.s32 s1, s30  }
0xb9: {  	s0 =	sor.u32 s3, s0;
	s1 =	sshll.u32 s1, $0x11  }
0xba: {  	s0 =	sor.u32 s1, s0  }
0xbb: {  	s0 =	sadd.s32 $0x8F2B, s0  }
0xbc: {  	[sflag:s0] =	ssyncadd.remote.s32 $0x1  }
0xbd: {  	_ =	sfence.sel $0xFFFF  }
0xbe: {  	[dreg:$0x0] =	wrdreg $0xFFFFFFFF;
	(pc) =	sbr.abs _section_cstart, $3  }
0xbf: {  	[dreg:$0x1] =	wrdreg $0xFFFFFFFF  }
0xc0: {  	_ =	task.clear_ibuf [dreg:s6], $0x2FFFF;
	_ =	strace $0x9FFFFFFF  }
0xc1: {  	(tm) =	ssettm $0x7FFFFFFF  }
tec
execute0_lowered:
.L_overlay_start_1:
0x0: {  	(tag) =	ssettag $0x1  }
0x1: {  	s2 =	stileid.u32  }
0x2: {  	s4 =	rddreg [dreg:$0x0];
	s6 =	sshll.u32 s2, $0x6;
	s2 =	simm.s32 $0x0  }
0x3: {  	s8 =	simm.s32 $0x80;
	[smem:$0x7FF] =	sst s2  }
0x4: {  	s9 =	simm.s32 $0x1800;
	_ =	strace $0x80000047;
	[dreg:$0x4] =	wrdreg s8  }
0x5: {  	s10 =	simm.s32 $0x100;
	[dreg:$0x5] =	wrdreg s9  }
0x6: {  	s11 =	simm.s32 $0x2000;
	[dreg:$0x6] =	wrdreg s10  }
0x7: {  	s12 =	simm.s32 $0x180;
	[dreg:$0x7] =	wrdreg s11  }
0x8: {  	s13 =	simm.s32 $0x2800;
	[dreg:$0x8] =	wrdreg s12  }
0x9: {  	s14 =	simm.s32 $0x200;
	[dreg:$0x9] =	wrdreg s13  }
0xa: {  	s15 =	simm.s32 $0x3000;
	[dreg:$0xa] =	wrdreg s14  }
0xb: {  	s16 =	simm.s32 $0x280;
	[dreg:$0xb] =	wrdreg s15  }
0xc: {  	s17 =	simm.s32 $0x3800;
	[dreg:$0xc] =	wrdreg s16  }
0xd: {  	s18 =	simm.s32 $0x300;
	[dreg:$0xd] =	wrdreg s17  }
0xe: {  	s19 =	simm.s32 $0x4000;
	[dreg:$0xe] =	wrdreg s18  }
0xf: {  	s20 =	simm.s32 $0x380;
	[dreg:$0xf] =	wrdreg s19  }
0x10: {  	s21 =	simm.s32 $0x4800;
	[dreg:$0x10] =	wrdreg s20  }
0x11: {  	s22 =	simm.s32 $0x400;
	[dreg:$0x11] =	wrdreg s21  }
0x12: {  	s23 =	simm.s32 $0x5000;
	[dreg:$0x12] =	wrdreg s22  }
0x13: {  	s24 =	simm.s32 $0x480;
	[dreg:$0x13] =	wrdreg s23  }
0x14: {  	s0 =	srdreg.scid;
	s25 =	simm.s32 $0x5800;
	[dreg:$0x14] =	wrdreg s24  }
0x15: {  	s26 =	simm.s32 $0x500;
	s1 =	sand.u32 $0x1, s0;
	[dreg:$0x15] =	wrdreg s25  }
0x16: {  	s5 =	simm.s32 $0x580;
	s7 =	sshll.u32 s1, $0x5;
	[dreg:$0x16] =	wrdreg s26  }
0x17: {  	s0 =	sor.u32 s7, s6;
	[dreg:$0x18] =	wrdreg s5;
	s6 =	simm.s32 $0x6800  }
0x18: {  	s7 =	simm.s32 $0x600;
	[dreg:$0x19] =	wrdreg s6  }
0x19: {  	s8 =	simm.s32 $0x7000;
	[dreg:$0x1a] =	wrdreg s7  }
0x1a: {  	s9 =	simm.s32 $0x680;
	[dreg:$0x1b] =	wrdreg s8  }
0x1b: {  	s10 =	simm.s32 $0x7800;
	[dreg:$0x1c] =	wrdreg s9  }
0x1c: {  	s11 =	simm.s32 $0x700;
	[dreg:$0x1d] =	wrdreg s10  }
0x1d: {  	s12 =	simm.s32 $0x8000;
	[dreg:$0x1e] =	wrdreg s11  }
0x1e: {  	s13 =	simm.s32 $0x780;
	[dreg:$0x1f] =	wrdreg s12  }
0x1f: {  	s14 =	simm.s32 $0x8800;
	[smem:$0x7F3] =	sst s13  }
0x20: {  	s15 =	simm.s32 $0x800;
	[smem:$0x7F4] =	sst s14  }
0x21: {  	s16 =	simm.s32 $0x9000;
	[smem:$0x7F7] =	sst s15  }
0x22: {  	s17 =	simm.s32 $0x880;
	[smem:$0x7F8] =	sst s16  }
0x23: {  	s18 =	simm.s32 $0x9800;
	[smem:$0x7F5] =	sst s17  }
0x24: {  	s19 =	simm.s32 $0x900;
	[smem:$0x7F6] =	sst s18  }
0x25: {  	s20 =	simm.s32 $0xA000;
	[smem:$0x7FA] =	sst s19  }
0x26: {  	s21 =	simm.s32 $0x980;
	s22 =	simm.s32 $0xA800;
	[smem:$0x7F9] =	sst s20  }
0x27: {  	s23 =	simm.s32 $0xA00;
	s3 =	sshll.u32 s0, $0x4;
	[smem:$0x7FC] =	sst s21  }
0x28: {  	s0 =	sshll.u32 s0, $0x8;
	[smem:$0x7FB] =	sst s22;
	s3 =	sadd.s32 s3, s4  }
0x29: {  	[smem:$0x7FD] =	sst s23;
	s0 =	sadd.s32 s0, s4;
	s3 =	sadd.s32 $0x800, s3  }
0x2a: {  	s0 =	sadd.s32 $0x4800, s0;
	[dreg:$0x2] =	wrdreg s3  }
0x2b: {  	[dreg:$0x3] =	wrdreg s0;
	s3 =	simm.s32 $0x6000  }
0x2c: {  	[dreg:$0x17] =	wrdreg s3  }
0x2d: {  	s5 =	rddreg [dreg:$0x2];
	s3 =	simm.s32 $0x2  }
0x2e: {  	[tilespmem:s2], [sflag:$0x2] =	stream.linear.gather [hbm4b:s5+s2], $0x1000, $0x38;
	[tilespmem:$0x11000] =	vst v63  }
0x2f: {  	_ =	swait.ge [sflag:s3], $0x1000  }
0x30: {  	s24 =	rddreg [dreg:$0xf]  }
0x31: {  	s7 =	rddreg [dreg:$0xc]  }
0x32: {  	s8 =	rddreg [dreg:$0x1d]  }
0x33: {  	s9 =	rddreg [dreg:$0xa]  }
0x34: {  	s10 =	rddreg [dreg:$0x19]  }
0x35: {  	s11 =	rddreg [dreg:$0xb]  }
0x36: {  	s12 =	rddreg [dreg:$0x15]  }
0x37: {  	s13 =	rddreg [dreg:$0x8]  }
0x38: {  	s14 =	rddreg [dreg:$0x11]  }
0x39: {  	s15 =	rddreg [dreg:$0xd]  }
0x3a: {  	s16 =	rddreg [dreg:$0x9]  }
0x3b: {  	s17 =	rddreg [dreg:$0x6]  }
0x3c: {  	s18 =	rddreg [dreg:$0x4]  }
0x3d: {  	s6 =	simm.s32 $0x10;
	s19 =	rddreg [dreg:$0x7]  }
0x3e: {  	s5 =	sadd.s32 $0xC4800, s4;
	[sflag:s3] =	ssyncset.done $0x0;
	s20 =	rddreg [dreg:$0x5]  }
0x3f: {  	s4 =	simm.s32 $0x1000;
	s21 =	rddreg [dreg:$0xe];
	[sflag:s3] =	ssyncadd.s32 $0xFFFFF000  }
0x40: {  	[tilespmem:s4], [sflag:$0x1] =	stream.indirect.gather [hbm4b:s5+s6], $0x80, s2, s6, $0xb8;
	[tilespmem:$0x11000] =	vst v63  }
0x41: {  	s22 =	rddreg [dreg:$0x10]  }
0x42: {  	[tilespmem:s20], [sflag:$0x1] =	stream.indirect.gather [hbm4b:s5+s6], $0x80, s18, s6, $0xb8;
	[tilespmem:$0x11000] =	vst v63  }
0x43: {  	s25 =	rddreg [dreg:$0x13]  }
0x44: {  	[tilespmem:s19], [sflag:$0x1] =	stream.indirect.gather [hbm4b:s5+s6], $0x80, s17, s6, $0xb8;
	[tilespmem:$0x11000] =	vst v63  }
0x45: {  	s26 =	rddreg [dreg:$0x12]  }
0x46: {  	[tilespmem:s16], [sflag:$0x1] =	stream.indirect.gather [hbm4b:s5+s6], $0x80, s13, s6, $0xb8;
	[tilespmem:$0x11000] =	vst v63  }
0x47: {  	s23 =	rddreg [dreg:$0x18]  }
0x48: {  	[tilespmem:s11], [sflag:$0x1] =	stream.indirect.gather [hbm4b:s5+s6], $0x80, s9, s6, $0xb8;
	[tilespmem:$0x11000] =	vst v63  }
0x49: {  	s20 =	rddreg [dreg:$0x16]  }
0x4a: {  	[tilespmem:s15], [sflag:$0x1] =	stream.indirect.gather [hbm4b:s5+s6], $0x80, s7, s6, $0xb8;
	[tilespmem:$0x11000] =	vst v63  }
0x4b: {  	s19 =	rddreg [dreg:$0x17]  }
0x4c: {  	[tilespmem:s24], [sflag:$0x1] =	stream.indirect.gather [hbm4b:s5+s6], $0x80, s21, s6, $0xb8;
	[tilespmem:$0x11000] =	vst v63  }
0x4d: {  	s16 =	rddreg [dreg:$0x14]  }
0x4e: {  	[tilespmem:s14], [sflag:$0x1] =	stream.indirect.gather [hbm4b:s5+s6], $0x80, s22, s6, $0xb8;
	[tilespmem:$0x11000] =	vst v63  }
0x4f: {  	s13 =	sld [smem:$0x7F3]  }
0x50: {  	[tilespmem:s25], [sflag:$0x1] =	stream.indirect.gather [hbm4b:s5+s6], $0x80, s26, s6, $0xb8;
	[tilespmem:$0x11000] =	vst v63  }
0x51: {  	s9 =	rddreg [dreg:$0x1f]  }
0x52: {  	[tilespmem:s12], [sflag:$0x1] =	stream.indirect.gather [hbm4b:s5+s6], $0x80, s16, s6, $0xb8;
	[tilespmem:$0x11000] =	vst v63  }
0x53: {  	s24 =	rddreg [dreg:$0x1b]  }
0x54: {  	[tilespmem:s19], [sflag:$0x1] =	stream.indirect.gather [hbm4b:s5+s6], $0x80, s20, s6, $0xb8;
	[tilespmem:$0x11000] =	vst v63  }
0x55: {  	s14 =	sld [smem:$0x7F4]  }
0x56: {  	[tilespmem:s10], [sflag:$0x1] =	stream.indirect.gather [hbm4b:s5+s6], $0x80, s23, s6, $0xb8;
	[tilespmem:$0x11000] =	vst v63  }
0x57: {  	s25 =	rddreg [dreg:$0x1a]  }
0x58: {  	[tilespmem:s24], [sflag:$0x1] =	stream.indirect.gather [hbm4b:s5+s6], $0x80, s25, s6, $0xb8;
	[tilespmem:$0x11000] =	vst v63  }
0x59: {  	s26 =	rddreg [dreg:$0x1c]  }
0x5a: {  	[tilespmem:s8], [sflag:$0x1] =	stream.indirect.gather [hbm4b:s5+s6], $0x80, s26, s6, $0xb8;
	[tilespmem:$0x11000] =	vst v63  }
0x5b: {  	s10 =	rddreg [dreg:$0x1e]  }
0x5c: {  	[tilespmem:s9], [sflag:$0x1] =	stream.indirect.gather [hbm4b:s5+s6], $0x80, s10, s6, $0xb8;
	[tilespmem:$0x11000] =	vst v63  }
0x5d: {  	s7 =	simm.s32 $0x1  }
0x5e: {  	[tilespmem:s14], [sflag:$0x1] =	stream.indirect.gather [hbm4b:s5+s6], $0x80, s13, s6, $0xb8;
	[tilespmem:$0x11000] =	vst v63  }
0x5f: {  	_ =	swait.ge [sflag:s7], $0x800  }
0x60: {  	[sflag:s7] =	ssyncset.done $0x0  }
0x61: {  	[sflag:s7] =	ssyncadd.s32 $0xFFFFF800  }
0x62: {  	_ =	swait.ge [sflag:s7], $0x800  }
0x63: {  	[sflag:s7] =	ssyncset.done $0x0  }
0x64: {  	[sflag:s7] =	ssyncadd.s32 $0xFFFFF800  }
0x65: {  	_ =	swait.ge [sflag:s7], $0x800  }
0x66: {  	[sflag:s7] =	ssyncset.done $0x0  }
0x67: {  	[sflag:s7] =	ssyncadd.s32 $0xFFFFF800  }
0x68: {  	_ =	swait.ge [sflag:s7], $0x800  }
0x69: {  	[sflag:s7] =	ssyncset.done $0x0  }
0x6a: {  	[sflag:s7] =	ssyncadd.s32 $0xFFFFF800  }
0x6b: {  	_ =	swait.ge [sflag:s7], $0x800  }
0x6c: {  	[sflag:s7] =	ssyncset.done $0x0  }
0x6d: {  	[sflag:s7] =	ssyncadd.s32 $0xFFFFF800  }
0x6e: {  	_ =	swait.ge [sflag:s7], $0x800  }
0x6f: {  	[sflag:s7] =	ssyncset.done $0x0  }
0x70: {  	[sflag:s7] =	ssyncadd.s32 $0xFFFFF800  }
0x71: {  	_ =	swait.ge [sflag:s7], $0x800  }
0x72: {  	[sflag:s7] =	ssyncset.done $0x0  }
0x73: {  	[sflag:s7] =	ssyncadd.s32 $0xFFFFF800  }
0x74: {  	_ =	swait.ge [sflag:s7], $0x800  }
0x75: {  	[sflag:s7] =	ssyncset.done $0x0  }
0x76: {  	[sflag:s7] =	ssyncadd.s32 $0xFFFFF800  }
0x77: {  	_ =	swait.ge [sflag:s7], $0x800  }
0x78: {  	[sflag:s7] =	ssyncset.done $0x0  }
0x79: {  	[sflag:s7] =	ssyncadd.s32 $0xFFFFF800  }
0x7a: {  	_ =	swait.ge [sflag:s7], $0x800  }
0x7b: {  	[sflag:s7] =	ssyncset.done $0x0  }
0x7c: {  	[sflag:s7] =	ssyncadd.s32 $0xFFFFF800  }
0x7d: {  	_ =	swait.ge [sflag:s7], $0x800  }
0x7e: {  	[sflag:s7] =	ssyncset.done $0x0  }
0x7f: {  	[sflag:s7] =	ssyncadd.s32 $0xFFFFF800  }
0x80: {  	_ =	swait.ge [sflag:s7], $0x800  }
0x81: {  	[sflag:s7] =	ssyncset.done $0x0  }
0x82: {  	[sflag:s7] =	ssyncadd.s32 $0xFFFFF800  }
0x83: {  	_ =	swait.ge [sflag:s7], $0x800  }
0x84: {  	[sflag:s7] =	ssyncset.done $0x0  }
0x85: {  	[sflag:s7] =	ssyncadd.s32 $0xFFFFF800  }
0x86: {  	_ =	swait.ge [sflag:s7], $0x800  }
0x87: {  	[sflag:s7] =	ssyncset.done $0x0  }
0x88: {  	[sflag:s7] =	ssyncadd.s32 $0xFFFFF800  }
0x89: {  	_ =	swait.ge [sflag:s7], $0x800  }
0x8a: {  	[sflag:s7] =	ssyncset.done $0x0  }
0x8b: {  	[sflag:s7] =	ssyncadd.s32 $0xFFFFF800  }
0x8c: {  	_ =	swait.ge [sflag:s7], $0x800  }
0x8d: {  	s15 =	sld [smem:$0x7F5]  }
0x8e: {  	s16 =	sld [smem:$0x7F6]  }
0x8f: {  	s17 =	sld [smem:$0x7F7]  }
0x90: {  	s18 =	sld [smem:$0x7F8]  }
0x91: {  	[sflag:s7] =	ssyncset.done $0x0;
	s19 =	sld [smem:$0x7F9]  }
0x92: {  	s20 =	sld [smem:$0x7FA];
	[sflag:s7] =	ssyncadd.s32 $0xFFFFF800  }
0x93: {  	[tilespmem:s18], [sflag:$0x1] =	stream.indirect.gather [hbm4b:s5+s6], $0x80, s17, s6, $0xb8;
	[tilespmem:$0x11000] =	vst v63  }
0x94: {  	s21 =	sld [smem:$0x7FB]  }
0x95: {  	[tilespmem:s16], [sflag:$0x1] =	stream.indirect.gather [hbm4b:s5+s6], $0x80, s15, s6, $0xb8;
	[tilespmem:$0x11000] =	vst v63  }
0x96: {  	s22 =	sld [smem:$0x7FC]  }
0x97: {  	[tilespmem:s19], [sflag:$0x1] =	stream.indirect.gather [hbm4b:s5+s6], $0x80, s20, s6, $0xb8;
	[tilespmem:$0x11000] =	vst v63  }
0x98: {  	s23 =	sld [smem:$0x7FD]  }
0x99: {  	[tilespmem:s21], [sflag:$0x1] =	stream.indirect.gather [hbm4b:s5+s6], $0x80, s22, s6, $0xb8;
	[tilespmem:$0x11000] =	vst v63  }
0x9a: {  	s24 =	simm.s32 $0xB000  }
0x9b: {  	[tilespmem:s24], [sflag:$0x1] =	stream.indirect.gather [hbm4b:s5+s6], $0x80, s23, s6, $0xb8;
	[tilespmem:$0x11000] =	vst v63  }
0x9c: {  	s25 =	simm.s32 $0xA80;
	s26 =	simm.s32 $0xB800  }
0x9d: {  	[tilespmem:s26], [sflag:$0x1] =	stream.indirect.gather [hbm4b:s5+s6], $0x80, s25, s6, $0xb8;
	[tilespmem:$0x11000] =	vst v63  }
0x9e: {  	s9 =	simm.s32 $0xB00;
	s10 =	simm.s32 $0xC000  }
0x9f: {  	[tilespmem:s10], [sflag:$0x1] =	stream.indirect.gather [hbm4b:s5+s6], $0x80, s9, s6, $0xb8;
	[tilespmem:$0x11000] =	vst v63  }
0xa0: {  	s11 =	simm.s32 $0xB80;
	s12 =	simm.s32 $0xC800  }
0xa1: {  	[tilespmem:s12], [sflag:$0x1] =	stream.indirect.gather [hbm4b:s5+s6], $0x80, s11, s6, $0xb8;
	[tilespmem:$0x11000] =	vst v63  }
0xa2: {  	s13 =	simm.s32 $0xC00;
	s14 =	simm.s32 $0xD000  }
0xa3: {  	[tilespmem:s14], [sflag:$0x1] =	stream.indirect.gather [hbm4b:s5+s6], $0x80, s13, s6, $0xb8;
	[tilespmem:$0x11000] =	vst v63  }
0xa4: {  	s15 =	simm.s32 $0xC80;
	s16 =	simm.s32 $0xD800  }
0xa5: {  	[tilespmem:s16], [sflag:$0x1] =	stream.indirect.gather [hbm4b:s5+s6], $0x80, s15, s6, $0xb8;
	[tilespmem:$0x11000] =	vst v63  }
0xa6: {  	s17 =	simm.s32 $0xD00;
	s18 =	simm.s32 $0xE000  }
0xa7: {  	[tilespmem:s18], [sflag:$0x1] =	stream.indirect.gather [hbm4b:s5+s6], $0x80, s17, s6, $0xb8;
	[tilespmem:$0x11000] =	vst v63  }
0xa8: {  	s19 =	simm.s32 $0xD80;
	s20 =	simm.s32 $0xE800  }
0xa9: {  	[tilespmem:s20], [sflag:$0x1] =	stream.indirect.gather [hbm4b:s5+s6], $0x80, s19, s6, $0xb8;
	[tilespmem:$0x11000] =	vst v63  }
0xaa: {  	s21 =	simm.s32 $0xE00;
	s22 =	simm.s32 $0xF000  }
0xab: {  	[tilespmem:s22], [sflag:$0x1] =	stream.indirect.gather [hbm4b:s5+s6], $0x80, s21, s6, $0xb8;
	[tilespmem:$0x11000] =	vst v63  }
0xac: {  	s25 =	simm.s32 $0xE80;
	s26 =	simm.s32 $0xF800  }
0xad: {  	[tilespmem:s26], [sflag:$0x1] =	stream.indirect.gather [hbm4b:s5+s6], $0x80, s25, s6, $0xb8;
	[tilespmem:$0x11000] =	vst v63  }
0xae: {  	s28 =	simm.s32 $0xF00;
	s29 =	simm.s32 $0x10000  }
0xaf: {  	[tilespmem:s29], [sflag:$0x1] =	stream.indirect.gather [hbm4b:s5+s6], $0x80, s28, s6, $0xb8;
	[tilespmem:$0x11000] =	vst v63  }
0xb0: {  	s30 =	simm.s32 $0xF80;
	s31 =	simm.s32 $0x10800  }
0xb1: {  	[tilespmem:s31], [sflag:$0x1] =	stream.indirect.gather [hbm4b:s5+s6], $0x80, s30, s6, $0xb8;
	[tilespmem:$0x11000] =	vst v63  }
0xb2: {  	_ =	swait.ge [sflag:s7], $0x800  }
0xb3: {  	[sflag:s7] =	ssyncset.done $0x0  }
0xb4: {  	[sflag:s7] =	ssyncadd.s32 $0xFFFFF800  }
0xb5: {  	_ =	swait.ge [sflag:s7], $0x800  }
0xb6: {  	[sflag:s7] =	ssyncset.done $0x0  }
0xb7: {  	[sflag:s7] =	ssyncadd.s32 $0xFFFFF800  }
0xb8: {  	_ =	swait.ge [sflag:s7], $0x800  }
0xb9: {  	[sflag:s7] =	ssyncset.done $0x0  }
0xba: {  	[sflag:s7] =	ssyncadd.s32 $0xFFFFF800  }
0xbb: {  	_ =	swait.ge [sflag:s7], $0x800  }
0xbc: {  	[sflag:s7] =	ssyncset.done $0x0  }
0xbd: {  	[sflag:s7] =	ssyncadd.s32 $0xFFFFF800  }
0xbe: {  	_ =	swait.ge [sflag:s7], $0x800  }
0xbf: {  	[sflag:s7] =	ssyncset.done $0x0  }
0xc0: {  	[sflag:s7] =	ssyncadd.s32 $0xFFFFF800  }
0xc1: {  	_ =	swait.ge [sflag:s7], $0x800  }
0xc2: {  	[sflag:s7] =	ssyncset.done $0x0  }
0xc3: {  	[sflag:s7] =	ssyncadd.s32 $0xFFFFF800  }
0xc4: {  	_ =	swait.ge [sflag:s7], $0x800  }
0xc5: {  	[sflag:s7] =	ssyncset.done $0x0  }
0xc6: {  	[sflag:s7] =	ssyncadd.s32 $0xFFFFF800  }
0xc7: {  	_ =	swait.ge [sflag:s7], $0x800  }
0xc8: {  	[sflag:s7] =	ssyncset.done $0x0  }
0xc9: {  	s23 =	ssub.s32 $0x2, s1;
	[sflag:s7] =	ssyncadd.s32 $0xFFFFF800  }
0xca: {  	s1 =	sshrl.u32 s23, $0x1;
	_ =	swait.ge [sflag:s7], $0x800  }
0xcb: {  	s0 =	ssub.s32 s23, s1;
	[sflag:s7] =	ssyncset.done $0x0  }
0xcc: {  	s0 =	smax.u32 s0, $0x1;
	[sflag:s7] =	ssyncadd.s32 $0xFFFFF800  }
0xcd: {  	p0 =	sne.s32 s0, $0x1;
	_ =	swait.ge [sflag:s7], $0x800  }
.Ltmp0:
0xce: {  	[sflag:s7] =	ssyncset.done $0x0;
	(pc) =	sbr.rel @!p0 .LBB2_2-.Ltmp0, $4  }
0xcf: {  	[sflag:s7] =	ssyncadd.s32 $0xFFFFF800  }
0xd0: {  	_ =	swait.ge [sflag:s7], $0x800  }
0xd1: {  	[sflag:s7] =	ssyncset.done $0x0  }
0xd2: {  	s24 =	simm.s32 $0xF000;
	s1 =	sadd.s32 $0xFFFFFFFF, s0;
	[sflag:s7] =	ssyncadd.s32 $0xFFFFF800  }
.LBB2_1:
0xd3: {  	_ =	swait.ge [sflag:s7], $0x800  }
0xd4: {  	[sflag:s7] =	ssyncset.done $0x0  }
0xd5: {  	[sflag:s7] =	ssyncadd.s32 $0xFFFFF800  }
0xd6: {  	_ =	swait.ge [sflag:s7], $0x800  }
0xd7: {  	[sflag:s7] =	ssyncset.done $0x0  }
0xd8: {  	[sflag:s7] =	ssyncadd.s32 $0xFFFFF800  }
0xd9: {  	_ =	swait.ge [sflag:s7], $0x800  }
0xda: {  	[sflag:s7] =	ssyncset.done $0x0  }
0xdb: {  	[sflag:s7] =	ssyncadd.s32 $0xFFFFF800  }
0xdc: {  	_ =	swait.ge [sflag:s7], $0x800  }
0xdd: {  	[sflag:s7] =	ssyncset.done $0x0  }
0xde: {  	[sflag:s7] =	ssyncadd.s32 $0xFFFFF800  }
0xdf: {  	_ =	swait.ge [sflag:s7], $0x800  }
0xe0: {  	[sflag:s7] =	ssyncset.done $0x0  }
0xe1: {  	s0 =	rddreg [dreg:$0x3];
	[sflag:s7] =	ssyncadd.s32 $0xFFFFF800  }
0xe2: {  	[hbm4b:s0+s2] =	stream.linear.scatter [tilespmem:s4], [sflag:$0x2], $0x10000, $0x38;
	[tilespmem:$0x11000] =	vst v63  }
0xe3: {  	_ =	swait.ge [sflag:s3], $0x10000  }
0xe4: {  	[sflag:s3] =	ssyncset.done $0x0  }
0xe5: {  	s20 =	rddreg [dreg:$0x2];
	[sflag:s3] =	ssyncadd.s32 $0xFFFF0000  }
0xe6: {  	[tilespmem:s2], [sflag:$0x2] =	stream.linear.gather [hbm4b:s20+s2], $0x1000, $0x38;
	[tilespmem:$0x11000] =	vst v63  }
0xe7: {  	_ =	swait.ge [sflag:s3], $0x1000  }
0xe8: {  	s9 =	rddreg [dreg:$0xf]  }
0xe9: {  	s10 =	rddreg [dreg:$0xc]  }
0xea: {  	s0 =	rddreg [dreg:$0x1d]  }
0xeb: {  	s11 =	rddreg [dreg:$0xa]  }
0xec: {  	s8 =	rddreg [dreg:$0x19]  }
0xed: {  	s12 =	rddreg [dreg:$0xb]  }
0xee: {  	s13 =	rddreg [dreg:$0x15]  }
0xef: {  	s14 =	rddreg [dreg:$0x8]  }
0xf0: {  	s15 =	rddreg [dreg:$0x11]  }
0xf1: {  	s16 =	rddreg [dreg:$0xd]  }
0xf2: {  	s17 =	rddreg [dreg:$0x9]  }
0xf3: {  	s18 =	rddreg [dreg:$0x6]  }
0xf4: {  	s19 =	rddreg [dreg:$0x4]  }
0xf5: {  	s20 =	rddreg [dreg:$0x7]  }
0xf6: {  	[sflag:s3] =	ssyncset.done $0x0;
	s21 =	rddreg [dreg:$0x5]  }
0xf7: {  	s22 =	rddreg [dreg:$0xe];
	[sflag:s3] =	ssyncadd.s32 $0xFFFFF000  }
0xf8: {  	[tilespmem:s4], [sflag:$0x1] =	stream.indirect.gather [hbm4b:s5+s6], $0x80, s2, s6, $0xb8;
	[tilespmem:$0x11000] =	vst v63  }
0xf9: {  	s23 =	rddreg [dreg:$0x10]  }
0xfa: {  	[tilespmem:s21], [sflag:$0x1] =	stream.indirect.gather [hbm4b:s5+s6], $0x80, s19, s6, $0xb8;
	[tilespmem:$0x11000] =	vst v63  }
0xfb: {  	s19 =	rddreg [dreg:$0x13]  }
0xfc: {  	[tilespmem:s20], [sflag:$0x1] =	stream.indirect.gather [hbm4b:s5+s6], $0x80, s18, s6, $0xb8;
	[tilespmem:$0x11000] =	vst v63  }
0xfd: {  	s21 =	rddreg [dreg:$0x12]  }
0xfe: {  	[tilespmem:s17], [sflag:$0x1] =	stream.indirect.gather [hbm4b:s5+s6], $0x80, s14, s6, $0xb8;
	[tilespmem:$0x11000] =	vst v63  }
0xff: {  	s20 =	rddreg [dreg:$0x1b]  }
0x100: {  	[tilespmem:s12], [sflag:$0x1] =	stream.indirect.gather [hbm4b:s5+s6], $0x80, s11, s6, $0xb8;
	[tilespmem:$0x11000] =	vst v63  }
0x101: {  	s14 =	rddreg [dreg:$0x14]  }
0x102: {  	[tilespmem:s16], [sflag:$0x1] =	stream.indirect.gather [hbm4b:s5+s6], $0x80, s10, s6, $0xb8;
	[tilespmem:$0x11000] =	vst v63  }
0x103: {  	s17 =	rddreg [dreg:$0x18]  }
0x104: {  	[tilespmem:s9], [sflag:$0x1] =	stream.indirect.gather [hbm4b:s5+s6], $0x80, s22, s6, $0xb8;
	[tilespmem:$0x11000] =	vst v63  }
0x105: {  	s12 =	rddreg [dreg:$0x17]  }
0x106: {  	[tilespmem:s15], [sflag:$0x1] =	stream.indirect.gather [hbm4b:s5+s6], $0x80, s23, s6, $0xb8;
	[tilespmem:$0x11000] =	vst v63  }
0x107: {  	s11 =	rddreg [dreg:$0x1e]  }
0x108: {  	[tilespmem:s19], [sflag:$0x1] =	stream.indirect.gather [hbm4b:s5+s6], $0x80, s21, s6, $0xb8;
	[tilespmem:$0x11000] =	vst v63  }
0x109: {  	s16 =	rddreg [dreg:$0x16]  }
0x10a: {  	[tilespmem:s13], [sflag:$0x1] =	stream.indirect.gather [hbm4b:s5+s6], $0x80, s14, s6, $0xb8;
	[tilespmem:$0x11000] =	vst v63  }
0x10b: {  	s22 =	rddreg [dreg:$0x1c]  }
0x10c: {  	[tilespmem:s12], [sflag:$0x1] =	stream.indirect.gather [hbm4b:s5+s6], $0x80, s16, s6, $0xb8;
	[tilespmem:$0x11000] =	vst v63  }
0x10d: {  	s23 =	rddreg [dreg:$0x1f]  }
0x10e: {  	[tilespmem:s8], [sflag:$0x1] =	stream.indirect.gather [hbm4b:s5+s6], $0x80, s17, s6, $0xb8;
	[tilespmem:$0x11000] =	vst v63  }
0x10f: {  	s21 =	rddreg [dreg:$0x1a]  }
0x110: {  	[tilespmem:s20], [sflag:$0x1] =	stream.indirect.gather [hbm4b:s5+s6], $0x80, s21, s6, $0xb8;
	[tilespmem:$0x11000] =	vst v63  }
0x111: {  	s13 =	sld [smem:$0x7F4]  }
0x112: {  	[tilespmem:s0], [sflag:$0x1] =	stream.indirect.gather [hbm4b:s5+s6], $0x80, s22, s6, $0xb8;
	[tilespmem:$0x11000] =	vst v63  }
0x113: {  	s12 =	sld [smem:$0x7F3]  }
0x114: {  	[tilespmem:s23], [sflag:$0x1] =	stream.indirect.gather [hbm4b:s5+s6], $0x80, s11, s6, $0xb8;
	[tilespmem:$0x11000] =	vst v63  }
0x115: {  	_ = 	snop  }
0x116: {  	[tilespmem:s13], [sflag:$0x1] =	stream.indirect.gather [hbm4b:s5+s6], $0x80, s12, s6, $0xb8;
	[tilespmem:$0x11000] =	vst v63  }
0x117: {  	_ =	swait.ge [sflag:s7], $0x800  }
0x118: {  	[sflag:s7] =	ssyncset.done $0x0  }
0x119: {  	[sflag:s7] =	ssyncadd.s32 $0xFFFFF800  }
0x11a: {  	_ =	swait.ge [sflag:s7], $0x800  }
0x11b: {  	[sflag:s7] =	ssyncset.done $0x0  }
0x11c: {  	[sflag:s7] =	ssyncadd.s32 $0xFFFFF800  }
0x11d: {  	_ =	swait.ge [sflag:s7], $0x800  }
0x11e: {  	[sflag:s7] =	ssyncset.done $0x0  }
0x11f: {  	[sflag:s7] =	ssyncadd.s32 $0xFFFFF800  }
0x120: {  	_ =	swait.ge [sflag:s7], $0x800  }
0x121: {  	[sflag:s7] =	ssyncset.done $0x0  }
0x122: {  	[sflag:s7] =	ssyncadd.s32 $0xFFFFF800  }
0x123: {  	_ =	swait.ge [sflag:s7], $0x800  }
0x124: {  	[sflag:s7] =	ssyncset.done $0x0  }
0x125: {  	[sflag:s7] =	ssyncadd.s32 $0xFFFFF800  }
0x126: {  	_ =	swait.ge [sflag:s7], $0x800  }
0x127: {  	[sflag:s7] =	ssyncset.done $0x0  }
0x128: {  	[sflag:s7] =	ssyncadd.s32 $0xFFFFF800  }
0x129: {  	_ =	swait.ge [sflag:s7], $0x800  }
0x12a: {  	[sflag:s7] =	ssyncset.done $0x0  }
0x12b: {  	[sflag:s7] =	ssyncadd.s32 $0xFFFFF800  }
0x12c: {  	_ =	swait.ge [sflag:s7], $0x800  }
0x12d: {  	[sflag:s7] =	ssyncset.done $0x0  }
0x12e: {  	[sflag:s7] =	ssyncadd.s32 $0xFFFFF800  }
0x12f: {  	_ =	swait.ge [sflag:s7], $0x800  }
0x130: {  	[sflag:s7] =	ssyncset.done $0x0  }
0x131: {  	[sflag:s7] =	ssyncadd.s32 $0xFFFFF800  }
0x132: {  	_ =	swait.ge [sflag:s7], $0x800  }
0x133: {  	[sflag:s7] =	ssyncset.done $0x0  }
0x134: {  	[sflag:s7] =	ssyncadd.s32 $0xFFFFF800  }
0x135: {  	_ =	swait.ge [sflag:s7], $0x800  }
0x136: {  	[sflag:s7] =	ssyncset.done $0x0  }
0x137: {  	[sflag:s7] =	ssyncadd.s32 $0xFFFFF800  }
0x138: {  	_ =	swait.ge [sflag:s7], $0x800  }
0x139: {  	[sflag:s7] =	ssyncset.done $0x0  }
0x13a: {  	[sflag:s7] =	ssyncadd.s32 $0xFFFFF800  }
0x13b: {  	_ =	swait.ge [sflag:s7], $0x800  }
0x13c: {  	[sflag:s7] =	ssyncset.done $0x0  }
0x13d: {  	[sflag:s7] =	ssyncadd.s32 $0xFFFFF800  }
0x13e: {  	_ =	swait.ge [sflag:s7], $0x800  }
0x13f: {  	[sflag:s7] =	ssyncset.done $0x0  }
0x140: {  	[sflag:s7] =	ssyncadd.s32 $0xFFFFF800  }
0x141: {  	_ =	swait.ge [sflag:s7], $0x800  }
0x142: {  	[sflag:s7] =	ssyncset.done $0x0  }
0x143: {  	[sflag:s7] =	ssyncadd.s32 $0xFFFFF800  }
0x144: {  	_ =	swait.ge [sflag:s7], $0x800  }
0x145: {  	s14 =	sld [smem:$0x7F5]  }
0x146: {  	s15 =	sld [smem:$0x7F6]  }
0x147: {  	s17 =	sld [smem:$0x7F7]  }
0x148: {  	s18 =	sld [smem:$0x7F8]  }
0x149: {  	[sflag:s7] =	ssyncset.done $0x0;
	s16 =	sld [smem:$0x7F9]  }
0x14a: {  	s19 =	sld [smem:$0x7FA];
	[sflag:s7] =	ssyncadd.s32 $0xFFFFF800  }
0x14b: {  	[tilespmem:s18], [sflag:$0x1] =	stream.indirect.gather [hbm4b:s5+s6], $0x80, s17, s6, $0xb8;
	[tilespmem:$0x11000] =	vst v63  }
0x14c: {  	s20 =	sld [smem:$0x7FB]  }
0x14d: {  	[tilespmem:s15], [sflag:$0x1] =	stream.indirect.gather [hbm4b:s5+s6], $0x80, s14, s6, $0xb8;
	[tilespmem:$0x11000] =	vst v63  }
0x14e: {  	s21 =	sld [smem:$0x7FC]  }
0x14f: {  	[tilespmem:s16], [sflag:$0x1] =	stream.indirect.gather [hbm4b:s5+s6], $0x80, s19, s6, $0xb8;
	[tilespmem:$0x11000] =	vst v63  }
0x150: {  	s22 =	sld [smem:$0x7FD]  }
0x151: {  	[tilespmem:s20], [sflag:$0x1] =	stream.indirect.gather [hbm4b:s5+s6], $0x80, s21, s6, $0xb8;
	[tilespmem:$0x11000] =	vst v63  }
0x152: {  	s23 =	simm.s32 $0xB000  }
0x153: {  	[tilespmem:s23], [sflag:$0x1] =	stream.indirect.gather [hbm4b:s5+s6], $0x80, s22, s6, $0xb8;
	[tilespmem:$0x11000] =	vst v63  }
0x154: {  	s10 =	simm.s32 $0xB800;
	s9 =	simm.s32 $0xA80  }
0x155: {  	[tilespmem:s10], [sflag:$0x1] =	stream.indirect.gather [hbm4b:s5+s6], $0x80, s9, s6, $0xb8;
	[tilespmem:$0x11000] =	vst v63  }
0x156: {  	s11 =	simm.s32 $0xB00;
	s12 =	simm.s32 $0xC000  }
0x157: {  	[tilespmem:s12], [sflag:$0x1] =	stream.indirect.gather [hbm4b:s5+s6], $0x80, s11, s6, $0xb8;
	[tilespmem:$0x11000] =	vst v63  }
0x158: {  	s13 =	simm.s32 $0xB80;
	s14 =	simm.s32 $0xC800  }
0x159: {  	[tilespmem:s14], [sflag:$0x1] =	stream.indirect.gather [hbm4b:s5+s6], $0x80, s13, s6, $0xb8;
	[tilespmem:$0x11000] =	vst v63  }
0x15a: {  	s15 =	simm.s32 $0xC00;
	s16 =	simm.s32 $0xD000  }
0x15b: {  	[tilespmem:s16], [sflag:$0x1] =	stream.indirect.gather [hbm4b:s5+s6], $0x80, s15, s6, $0xb8;
	[tilespmem:$0x11000] =	vst v63  }
0x15c: {  	s17 =	simm.s32 $0xC80;
	s18 =	simm.s32 $0xD800  }
0x15d: {  	[tilespmem:s18], [sflag:$0x1] =	stream.indirect.gather [hbm4b:s5+s6], $0x80, s17, s6, $0xb8;
	[tilespmem:$0x11000] =	vst v63  }
0x15e: {  	s19 =	simm.s32 $0xD00;
	s20 =	simm.s32 $0xE000  }
0x15f: {  	[tilespmem:s20], [sflag:$0x1] =	stream.indirect.gather [hbm4b:s5+s6], $0x80, s19, s6, $0xb8;
	[tilespmem:$0x11000] =	vst v63  }
0x160: {  	s21 =	simm.s32 $0xD80;
	s22 =	simm.s32 $0xE800  }
0x161: {  	[tilespmem:s22], [sflag:$0x1] =	stream.indirect.gather [hbm4b:s5+s6], $0x80, s21, s6, $0xb8;
	[tilespmem:$0x11000] =	vst v63  }
0x162: {  	s23 =	simm.s32 $0xE00  }
0x163: {  	[tilespmem:s24], [sflag:$0x1] =	stream.indirect.gather [hbm4b:s5+s6], $0x80, s23, s6, $0xb8;
	[tilespmem:$0x11000] =	vst v63  }
0x164: {  	_ = 	snop  }
0x165: {  	[tilespmem:s26], [sflag:$0x1] =	stream.indirect.gather [hbm4b:s5+s6], $0x80, s25, s6, $0xb8;
	[tilespmem:$0x11000] =	vst v63  }
0x166: {  	_ = 	snop  }
0x167: {  	[tilespmem:s29], [sflag:$0x1] =	stream.indirect.gather [hbm4b:s5+s6], $0x80, s28, s6, $0xb8;
	[tilespmem:$0x11000] =	vst v63  }
0x168: {  	_ = 	snop  }
0x169: {  	[tilespmem:s31], [sflag:$0x1] =	stream.indirect.gather [hbm4b:s5+s6], $0x80, s30, s6, $0xb8;
	[tilespmem:$0x11000] =	vst v63  }
0x16a: {  	_ =	swait.ge [sflag:s7], $0x800  }
0x16b: {  	[sflag:s7] =	ssyncset.done $0x0  }
0x16c: {  	[sflag:s7] =	ssyncadd.s32 $0xFFFFF800  }
0x16d: {  	_ =	swait.ge [sflag:s7], $0x800  }
0x16e: {  	[sflag:s7] =	ssyncset.done $0x0  }
0x16f: {  	[sflag:s7] =	ssyncadd.s32 $0xFFFFF800  }
0x170: {  	_ =	swait.ge [sflag:s7], $0x800  }
0x171: {  	[sflag:s7] =	ssyncset.done $0x0  }
0x172: {  	[sflag:s7] =	ssyncadd.s32 $0xFFFFF800  }
0x173: {  	_ =	swait.ge [sflag:s7], $0x800  }
0x174: {  	[sflag:s7] =	ssyncset.done $0x0  }
0x175: {  	[sflag:s7] =	ssyncadd.s32 $0xFFFFF800  }
0x176: {  	_ =	swait.ge [sflag:s7], $0x800  }
0x177: {  	[sflag:s7] =	ssyncset.done $0x0  }
0x178: {  	[sflag:s7] =	ssyncadd.s32 $0xFFFFF800  }
0x179: {  	_ =	swait.ge [sflag:s7], $0x800  }
0x17a: {  	[sflag:s7] =	ssyncset.done $0x0  }
0x17b: {  	[sflag:s7] =	ssyncadd.s32 $0xFFFFF800  }
0x17c: {  	_ =	swait.ge [sflag:s7], $0x800  }
0x17d: {  	[sflag:s7] =	ssyncset.done $0x0  }
0x17e: {  	[sflag:s7] =	ssyncadd.s32 $0xFFFFF800  }
0x17f: {  	_ =	swait.ge [sflag:s7], $0x800  }
0x180: {  	[sflag:s7] =	ssyncset.done $0x0  }
0x181: {  	[sflag:s7] =	ssyncadd.s32 $0xFFFFF800  }
0x182: {  	_ =	swait.ge [sflag:s7], $0x800  }
0x183: {  	[sflag:s7] =	ssyncset.done $0x0  }
0x184: {  	[sflag:s7] =	ssyncadd.s32 $0xFFFFF800  }
0x185: {  	p0 =	sne.s32 s1, $0x1;
	_ =	swait.ge [sflag:s7], $0x800  }
.Ltmp1:
0x186: {  	[sflag:s7] =	ssyncset.done $0x0;
	(pc) =	sbr.rel @p0 .LBB2_1-.Ltmp1, $4  }
0x187: {  	[sflag:s7] =	ssyncadd.s32 $0xFFFFF800  }
0x188: {  	_ =	swait.ge [sflag:s7], $0x800  }
0x189: {  	[sflag:s7] =	ssyncset.done $0x0  }
0x18a: {  	s1 =	sadd.s32 $0xFFFFFFFF, s1;
	[sflag:s7] =	ssyncadd.s32 $0xFFFFF800  }
.LBB2_2:
0x18b: {  	_ =	swait.ge [sflag:s7], $0x800  }
0x18c: {  	[sflag:s7] =	ssyncset.done $0x0  }
0x18d: {  	[sflag:s7] =	ssyncadd.s32 $0xFFFFF800  }
0x18e: {  	_ =	swait.ge [sflag:s7], $0x800  }
0x18f: {  	[sflag:s7] =	ssyncset.done $0x0  }
0x190: {  	[sflag:s7] =	ssyncadd.s32 $0xFFFFF800  }
0x191: {  	_ =	swait.ge [sflag:s7], $0x800  }
0x192: {  	[sflag:s7] =	ssyncset.done $0x0  }
0x193: {  	[sflag:s7] =	ssyncadd.s32 $0xFFFFF800  }
0x194: {  	_ =	swait.ge [sflag:s7], $0x800  }
0x195: {  	[sflag:s7] =	ssyncset.done $0x0  }
0x196: {  	[sflag:s7] =	ssyncadd.s32 $0xFFFFF800  }
0x197: {  	_ =	swait.ge [sflag:s7], $0x800  }
0x198: {  	[sflag:s7] =	ssyncset.done $0x0  }
0x199: {  	s0 =	rddreg [dreg:$0x3];
	[sflag:s7] =	ssyncadd.s32 $0xFFFFF800  }
0x19a: {  	[hbm4b:s0+s2] =	stream.linear.scatter [tilespmem:s4], [sflag:$0x2], $0x10000, $0x38;
	[tilespmem:$0x11000] =	vst v63  }
0x19b: {  	_ =	swait.ge [sflag:s3], $0x10000  }
0x19c: {  	[sflag:s3] =	ssyncset.done $0x0  }
0x19d: {  	[sflag:s3] =	ssyncadd.s32 $0xFFFF0000  }
0x19e: {  	_ =	sfence.sel $0x180000  }
0x19f: {  	[bflag:$0x0] =	sbarrier.arrive $0xFFFF  }
0x1a0: {  	_ =	strace $0x90000047  }
0x1a1: {  	s31 =	stileid.u32;
	[bflag:$0x2] =	sbarrier.arrive $0xFFFF  }
0x1a2: {  	p0 =	sne.s32 s31, $0x0;
	s0 =	rddreg [dreg:$0x1]  }
0x1a3: {  	s0 =	sadd.s32 @!p0 $0x100000, s0  }
0x1a4: {  	[sflag:s0] =	ssyncadd.tile.s32 @!p0 $0x1;
	_ =	shalt  }
.Lfunc_end2:
_tile_overlayer_lowered:
.L_overlay_start_2:
0x1a5: {  	(tag) =	ssettag $0x2  }
0x1a6: {  	s0 =	rddreg [dreg:$0x0];
	s2 =	stileid.u32  }
0x1a7: {  	s1 =	rddreg [dreg:$0x1];
	p0 =	sne.s32 s2, $0x0  }
0x1a8: {  	s3 =	rddreg [dreg:$0x2];
	[bflag:$0x3] =	sbarrier.arrive $0xFFFF;
	s2 =	simm.s32 @!p0 $0x1C02  }
0x1a9: {  	[timem:s3], [sflag:s2] =	dma.local @!p0 [hbm:s0], s1  }
0x1aa: {  	s0 =	simm.s32 @!p0 $0x2  }
0x1ab: {  	_ =	swait.ge @!p0 [sflag:s0], s1  }
0x1ac: {  	s1 =	ssub.s32 @!p0 $0x0, s1;
	[sflag:s0] =	ssyncset.done @!p0 $0x0  }
0x1ad: {  	[sflag:s0] =	ssyncadd.s32 @!p0 s1  }
0x1ae: {  	[bflag:$0x3] =	sbarrier.arrive $0xFFFF  }
0x1af: {  	_ =	shalt  }

</sc_bundles>
